<compile_context>
chip_gen: v7x
topology: tpu7x:2x2x1
jax: 0.10.2.dev20260603
libtpu: 0.0.44.dev20260713+nightly
codegen_flags: <defaults>
</compile_context>

<pallas_src>
import dataclasses
import functools

import jax
import jax.numpy as jnp
from jax import lax
from jax.experimental import pallas as pl
from jax.experimental.pallas import tpu as pltpu
from jax.experimental.pallas import tpu_sc as plsc

NEG = -1e30
F32 = jnp.float32

_SC_PARAMS = pltpu.CompilerParams()
if "needs_layout_passes" in pltpu.CompilerParams.__dataclass_fields__:
    _SC_PARAMS = dataclasses.replace(_SC_PARAMS, needs_layout_passes=False)


def _proj_body(x_ref, wcat_ref, fcat_ref):
    fcat_ref[...] = jnp.dot(x_ref[...], wcat_ref[...],
                            preferred_element_type=F32)


def _k2_body(e_pad, ho, fcat_hbm, src_hbm, dst_hbm, fsum_hbm,
             si_v, a_v, b_v):
    c = lax.axis_index("c")
    s = lax.axis_index("s")
    wid = s * 2 + c
    per = e_pad // 32
    base0 = wid * per

    @pl.loop(0, per // 128)
    def _chunk(j):
        base = base0 + j * 128
        pltpu.sync_copy(src_hbm.at[pl.ds(base, 128)], si_v)
        pltpu.sync_copy(fcat_hbm.at[si_v], a_v)
        pltpu.sync_copy(dst_hbm.at[pl.ds(base, 128)], si_v)
        pltpu.sync_copy(fcat_hbm.at[si_v], b_v)

        @pl.loop(0, 128)
        def _row(i):
            ar = a_v.at[i]
            br = b_v.at[i]
            for k in range(ho // 16):
                ar[pl.ds(k * 16, 16)] = (
                    ar[pl.ds(k * 16, 16)] + br[pl.ds(ho + k * 16, 16)])

        pltpu.sync_copy(a_v, fsum_hbm.at[pl.ds(base, 128)])


def _k3_body(be, e_real, fsum_ref, ef_ref, wf_ref, ablk_ref, mmean_ref,
             bias_ref, re_ref, et_ref, c_ref):
    i = pl.program_id(0)
    f = fsum_ref[...][:, :bias_ref.shape[1]] + jnp.dot(
        ef_ref[...], wf_ref[...], preferred_element_type=F32) + bias_ref[...]
    f = jnp.where(f >= 0, f, 0.01 * f)
    re_ref[...] = jnp.dot(f, mmean_ref[...], preferred_element_type=F32)
    et = lax.dot_general(ablk_ref[...], f, (((0,), (1,)), ((), ())),
                         preferred_element_type=F32)
    ids = i * be + lax.broadcasted_iota(jnp.int32, et.shape, 1)
    et = jnp.where(ids < e_real, et, NEG)
    et_ref[...] = et

    @pl.when(i == 0)
    def _():
        c_ref[...] = jnp.full_like(c_ref[...], NEG)

    c_ref[...] = jnp.maximum(c_ref[...], jnp.max(et))


def _k6_body(e_pad, n_nodes, in_n, nf_hbm, src_hbm, dst_hbm, et_hbm, c_hbm,
             g_hbm, s_hbm, si_v, di_v, x_v, e_v, p_v, c_v, z_v,
             si2_v, di2_v, x2_v, e2_v, gsem, gsem2, ssem, gsp, ssp):
    core = lax.axis_index("c")
    tid = lax.axis_index("s")
    per = e_pad // 16
    nchunks = per // 128
    sp = ssp.shape[0]
    rows_main = (n_nodes // 128) * 8
    rows_extra = n_nodes - 16 * rows_main
    zrows = rows_main // 6
    swords = sp // 16

    pltpu.sync_copy(c_hbm.at[0, pl.ds(0, 16)], c_v)

    @pl.loop(0, swords // 16)
    def _z2(i):
        z_v[pl.ds(i * 16, 16)] = jnp.zeros((16,), F32)

    for k in range(2):
        h = core * 2 + k
        @pl.loop(0, 128)
        def _zx(i):
            xr = x_v.at[i]
            for q in range(in_n // 16):
                xr[pl.ds(q * 16, 16)] = jnp.zeros((16,), F32)

        for z5 in range(6):
            pltpu.sync_copy(
                x_v.at[pl.ds(0, zrows)],
                gsp.at[pl.ds(tid * rows_main + z5 * zrows, zrows)])

        @pl.when(tid == 15)
        def _():
            pltpu.sync_copy(x_v.at[pl.ds(0, rows_extra)],
                            gsp.at[pl.ds(16 * rows_main, rows_extra)])

        pltpu.sync_copy(z_v, ssp.at[pl.ds(tid * swords, swords)])
        plsc.subcore_barrier()

        base0 = tid * per
        pltpu.sync_copy(src_hbm.at[pl.ds(base0, 128)], si_v)
        pltpu.sync_copy(dst_hbm.at[pl.ds(base0, 128)], di_v.at[0])
        pltpu.sync_copy(et_hbm.at[h, pl.ds(base0, 128)], e_v)
        pltpu.async_copy(nf_hbm.at[si_v], x_v, gsem)

        @pl.loop(0, nchunks // 2)
        def _chunk(jj):
            for (xa, sia, dia, ea, ga, xb_, sib, dib, eb, gb) in (
                    (x_v, si_v, di_v, e_v, gsem, x2_v, si2_v, di2_v, e2_v,
                     gsem2),):
                for step in range(2):
                    if step == 0:
                        xc, sic, dic, ec, gc = xa, sia, dia, ea, ga
                        xn, sin_, din, en, gn = xb_, sib, dib, eb, gb
                        j = 2 * jj
                    else:
                        xc, sic, dic, ec, gc = xb_, sib, dib, eb, gb
                        xn, sin_, din, en, gn = xa, sia, dia, ea, ga
                        j = 2 * jj + 1

                    @pl.when(j + 1 < nchunks)
                    def _():
                        basen = tid * per + (j + 1) * 128
                        pltpu.sync_copy(src_hbm.at[pl.ds(basen, 128)], sin_)
                        pltpu.sync_copy(dst_hbm.at[pl.ds(basen, 128)],
                                        din.at[0])
                        pltpu.sync_copy(et_hbm.at[h, pl.ds(basen, 128)], en)
                        pltpu.async_copy(nf_hbm.at[sin_], xn, gn)

                    pltpu.make_async_copy(nf_hbm.at[sic], xc, gc).wait()
                    cc = c_v[...]
                    for q in range(8):
                        sl = pl.ds(q * 16, 16)
                        p_v[sl] = jnp.exp(ec[sl] - cc)

                    @pl.loop(0, 128)
                    def _edge(i):
                        ps = plsc.load_gather(
                            p_v, [jnp.full((16,), i, jnp.int32)])
                        xr = xc.at[i]
                        for q in range(8):
                            sl = pl.ds(q * 16, 16)
                            xr[sl] = xr[sl] * ps

                    pltpu.async_copy(p_v, ssp.at[dic.at[0]], ssem, add=True)
                    pltpu.async_copy(xc, gsp.at[dic.at[0]], ssem, add=True)
                    pltpu.make_async_copy(p_v, ssp.at[dic.at[0]], ssem).wait()
                    pltpu.make_async_copy(xc, gsp.at[dic.at[0]], ssem).wait()

        plsc.subcore_barrier()
        pltpu.sync_copy(
            gsp.at[pl.ds(tid * rows_main, rows_main)],
            g_hbm.at[h, pl.ds(tid * rows_main, rows_main)])

        @pl.when(tid == 15)
        def _():
            pltpu.sync_copy(gsp.at[pl.ds(16 * rows_main, rows_extra)],
                            g_hbm.at[h, pl.ds(16 * rows_main, rows_extra)])

        @pl.when(tid == 0)
        def _():
            pltpu.sync_copy(ssp, s_hbm.at[pl.ds(h * sp, sp)])

        plsc.subcore_barrier()


def _k7_body(heads, out_n, g_ref, s_ref, wn_ref, rn_ref):
    g = g_ref[...]
    s = s_ref[...]
    wn = wn_ref[...]
    acc = jnp.zeros(rn_ref.shape, F32)
    for h in range(heads):
        sh = s[h]
        inv = jnp.where(sh > 0, 1.0 / sh, 0.0)[:, None]
        acc = acc + jnp.dot(g[h] * inv, wn[:, h * out_n:(h + 1) * out_n],
                            preferred_element_type=F32)
    rn_ref[...] = (1.0 / heads) * acc


def kernel(nfeats, efeats, edge_index, W_ni, W_nj, W_fij, W_node, attn, bias):
    N, IN_N = nfeats.shape
    E, IN_E = efeats.shape
    H = attn.shape[1]
    OUT_E = attn.shape[2]
    OUT_N = W_node.shape[1] // H
    HO = H * OUT_E
    E_pad = ((E + 4095) // 4096) * 4096
    pad = E_pad - E

    src_p = jnp.pad(edge_index[0], (0, pad))
    dst_p = jnp.pad(edge_index[1], (0, pad))
    ef_p = jnp.pad(efeats, ((0, pad), (0, 0)))

    Ablk = (attn[0][:, :, None] * jnp.eye(H, dtype=F32)[:, None, :])
    Ablk = Ablk.reshape(HO, H)
    Ablk = jnp.pad(Ablk, ((0, 0), (0, 8 - H)))
    Mmean = jnp.tile(jnp.eye(OUT_E, dtype=F32), (H, 1)) * (1.0 / H)
    bias2 = bias.reshape(1, HO).astype(F32)

    Wcat = jnp.concatenate([W_ni, W_nj], axis=1)
    BN1 = 2000
    fcat = pl.pallas_call(
        _proj_body,
        grid=(N // BN1,),
        in_specs=[
            pl.BlockSpec((BN1, IN_N), lambda i: (i, 0)),
            pl.BlockSpec((IN_N, 2 * HO), lambda i: (0, 0)),
        ],
        out_specs=pl.BlockSpec((BN1, 2 * HO), lambda i: (i, 0)),
        out_shape=jax.ShapeDtypeStruct((N, 2 * HO), F32),
    )(nfeats, Wcat)

    mesh = plsc.VectorSubcoreMesh(core_axis_name="c", subcore_axis_name="s")
    fsum = pl.kernel(
        functools.partial(_k2_body, E_pad, HO),
        out_type=jax.ShapeDtypeStruct((E_pad, 2 * HO), F32),
        mesh=mesh,
        scratch_types=[
            pltpu.VMEM((128,), jnp.int32),
            pltpu.VMEM((128, 2 * HO), F32),
            pltpu.VMEM((128, 2 * HO), F32),
        ],
    )(fcat, src_p, dst_p)

    BE = 2048
    re_p, et, Carr = pl.pallas_call(
        functools.partial(_k3_body, BE, E),
        grid=(E_pad // BE,),
        in_specs=[
            pl.BlockSpec((BE, 2 * HO), lambda i: (i, 0)),
            pl.BlockSpec((BE, IN_E), lambda i: (i, 0)),
            pl.BlockSpec((IN_E, HO), lambda i: (0, 0)),
            pl.BlockSpec((HO, 8), lambda i: (0, 0)),
            pl.BlockSpec((HO, OUT_E), lambda i: (0, 0)),
            pl.BlockSpec((1, HO), lambda i: (0, 0)),
        ],
        out_specs=(
            pl.BlockSpec((BE, OUT_E), lambda i: (i, 0)),
            pl.BlockSpec((8, BE), lambda i: (0, i)),
            pl.BlockSpec((8, 128), lambda i: (0, 0)),
        ),
        out_shape=(
            jax.ShapeDtypeStruct((E_pad, OUT_E), F32),
            jax.ShapeDtypeStruct((8, E_pad), F32),
            jax.ShapeDtypeStruct((8, 128), F32),
        ),
    )(fsum, ef_p, W_fij, Ablk, Mmean, bias2)

    SP = ((N + 639) // 640) * 640
    g, s = pl.kernel(
        functools.partial(_k6_body, E_pad, N, IN_N),
        out_type=(
            jax.ShapeDtypeStruct((H, N, IN_N), F32),
            jax.ShapeDtypeStruct((H * SP,), F32),
        ),
        mesh=plsc.VectorSubcoreMesh(core_axis_name="c", subcore_axis_name="s"),
        compiler_params=_SC_PARAMS,
        scratch_types=[
            pltpu.VMEM((128,), jnp.int32),
            pltpu.VMEM((1, 128), jnp.int32),
            pltpu.VMEM((128, IN_N), F32),
            pltpu.VMEM((128,), F32),
            pltpu.VMEM((128,), F32),
            pltpu.VMEM((16,), F32),
            pltpu.VMEM((SP // 16,), F32),
            pltpu.VMEM((128,), jnp.int32),
            pltpu.VMEM((1, 128), jnp.int32),
            pltpu.VMEM((128, IN_N), F32),
            pltpu.VMEM((128,), F32),
            pltpu.SemaphoreType.DMA,
            pltpu.SemaphoreType.DMA,
            pltpu.SemaphoreType.DMA,
            pltpu.VMEM_SHARED((N, IN_N), F32),
            pltpu.VMEM_SHARED((SP,), F32),
        ],
    )(nfeats, src_p, dst_p, et, Carr)

    s2 = s.reshape(H, SP)
    BN7 = 2048
    rn = pl.pallas_call(
        functools.partial(_k7_body, H, OUT_N),
        grid=((N + BN7 - 1) // BN7,),
        in_specs=[
            pl.BlockSpec((H, BN7, IN_N), lambda i: (0, i, 0)),
            pl.BlockSpec((H, BN7), lambda i: (0, i)),
            pl.BlockSpec((IN_N, H * OUT_N), lambda i: (0, 0)),
        ],
        out_specs=pl.BlockSpec((BN7, OUT_N), lambda i: (i, 0)),
        out_shape=jax.ShapeDtypeStruct((N, OUT_N), F32),
    )(g, s2, W_node)

    return rn, re_p[:E]

# --- scband reference (transcript-rebuilt; emitter-appended) ---
"""Pipeline reference for scband-aggr-egatconv-38998303047882 (READ-ONLY COPY).

The authoritative reference and input builder live on the scoring server;
editing this copy changes nothing except your own understanding.
"""

import jax, jax.numpy as jnp
import numpy as np

N = 10000
E = 320000
IN_N = 128
IN_E = 16
OUT_N = 128
OUT_E = 16
H = 4

def setup_inputs(seed: int = 0):
    key = jax.random.key(seed)
    ks = jax.random.split(key, 10)
    nfeats = jax.random.normal(ks[0], (N, IN_N), dtype=jnp.float32)
    efeats = jax.random.normal(ks[1], (E, IN_E), dtype=jnp.float32)
    edge_index = jax.random.randint(ks[2], (2, E), 0, N, dtype=jnp.int32)
    sn = 1.0 / np.sqrt(IN_N)
    se = 1.0 / np.sqrt(IN_E)
    W_ni = jax.random.uniform(ks[3], (IN_N, H * OUT_E), minval=-sn, maxval=sn, dtype=jnp.float32)
    W_nj = jax.random.uniform(ks[4], (IN_N, H * OUT_E), minval=-sn, maxval=sn, dtype=jnp.float32)
    W_fij = jax.random.uniform(ks[5], (IN_E, H * OUT_E), minval=-se, maxval=se, dtype=jnp.float32)
    W_node = jax.random.uniform(ks[6], (IN_N, H * OUT_N), minval=-sn, maxval=sn, dtype=jnp.float32)
    attn = jax.random.uniform(ks[7], (1, H, OUT_E), minval=-sn, maxval=sn, dtype=jnp.float32)
    bias = jnp.zeros((H * OUT_E,), dtype=jnp.float32)
    return {"nfeats": nfeats, "efeats": efeats, "edge_index": edge_index,
            "W_ni": W_ni, "W_nj": W_nj, "W_fij": W_fij, "W_node": W_node,
            "attn": attn, "bias": bias}

def reference(nfeats, efeats, edge_index, W_ni, W_nj, W_fij, W_node, attn, bias):
    src = edge_index[0]
    dst = edge_index[1]
    # EGATConv edge feature / attention-logit path
    f_ni = nfeats @ W_ni                      # [N, H*OUT_E]
    f_nj = nfeats @ W_nj                      # [N, H*OUT_E]
    f_fij = efeats @ W_fij                    # [E, H*OUT_E]
    f_tmp = jnp.take(f_ni, src, axis=0) + jnp.take(f_nj, dst, axis=0)
    f_out = jax.nn.leaky_relu(f_tmp + f_fij + bias)  # default slope 0.01, same as F.leaky_relu
    f_out = f_out.reshape(E, H, OUT_E)
    e = jnp.sum(f_out * attn, axis=-1)        # [E, H]
    # edge softmax over incoming edges per destination node, per head
    e_max = jax.ops.segment_max(e, dst, num_segments=N)
    e_max = jnp.where(jnp.isfinite(e_max), e_max, 0.0)
    e_exp = jnp.exp(e - jnp.take(e_max, dst, axis=0))
    e_sum = jax.ops.segment_sum(e_exp, dst, num_segments=N)
    a = e_exp / jnp.take(e_sum, dst, axis=0)  # [E, H]
    # node message passing
    h = (nfeats @ W_node).reshape(N, H, OUT_N)
    m = jnp.take(h, src, axis=0) * a[:, :, None]
    h_out = jax.ops.segment_sum(m, dst, num_segments=N)  # [N, H, OUT_N]
    # aggr='mean' over heads
    res_n = h_out.mean(axis=-2)               # [N, OUT_N]
    res_e = f_out.mean(axis=-2)               # [E, OUT_E]
    return res_n, res_e

if __name__ == "__main__":
    import jax
    _d = setup_inputs()
    print(jax.jit(kernel)(*tuple(_d.values())))

</pallas_src>

<mosaic_0001>
#map = affine_map<(d0, d1) -> (0, 0)>
#map1 = affine_map<(d0, d1) -> (0)>
#map2 = affine_map<(d0, d1) -> (0, 0, 0)>
module attributes {stable_mosaic.version = 14 : i64} {
  func.func @_k6_body(%arg0: i32, %arg1: i32, %arg2: memref<10000x128xf32, #tpu.memory_space<hbm>>, %arg3: memref<323584xi32, #tpu.memory_space<hbm>>, %arg4: memref<323584xi32, #tpu.memory_space<hbm>>, %arg5: memref<8x323584xf32, #tpu.memory_space<hbm>>, %arg6: memref<8x128xf32, #tpu.memory_space<hbm>>, %arg7: memref<4x10000x128xf32, #tpu.memory_space<hbm>>, %arg8: memref<40960xf32, #tpu.memory_space<hbm>>, %arg9: memref<128xi32, #tpu.memory_space<vmem>>, %arg10: memref<1x128xi32, #tpu.memory_space<vmem>>, %arg11: memref<128x128xf32, #tpu.memory_space<vmem>>, %arg12: memref<128xf32, #tpu.memory_space<vmem>>, %arg13: memref<128xf32, #tpu.memory_space<vmem>>, %arg14: memref<16xf32, #tpu.memory_space<vmem>>, %arg15: memref<640xf32, #tpu.memory_space<vmem>>, %arg16: memref<128xi32, #tpu.memory_space<vmem>>, %arg17: memref<1x128xi32, #tpu.memory_space<vmem>>, %arg18: memref<128x128xf32, #tpu.memory_space<vmem>>, %arg19: memref<128xf32, #tpu.memory_space<vmem>>, %arg20: memref<!tpu.dma_semaphore, #tpu.memory_space<semaphore_mem>>, %arg21: memref<!tpu.dma_semaphore, #tpu.memory_space<semaphore_mem>>, %arg22: memref<!tpu.dma_semaphore, #tpu.memory_space<semaphore_mem>>, %arg23: memref<10000x128xf32, #tpu.memory_space<vmem_shared>>, %arg24: memref<10240xf32, #tpu.memory_space<vmem_shared>>) attributes {dimension_semantics = [#tpu.dimension_semantics<core_parallel>, #tpu.dimension_semantics<subcore_parallel>], iteration_bounds = array<i64: 2, 16>, scalar_prefetch = 0 : i64, scratch_operands = 16 : i64, tpu.core_type = #tpu.core_type<sc_vector_subcore>, window_params = [{transform_indices = #map}, {transform_indices = #map1}, {transform_indices = #map1}, {transform_indices = #map}, {transform_indices = #map}, {transform_indices = #map2}, {transform_indices = #map1}]} {
    %run_scoped3A = arith.constant 0 : i32
    "tpu.region"() ({
      %run_scoped3A_133 = tpu.sem_alloc : memref<!tpu.dma_semaphore, #tpu.memory_space<semaphore_mem>>
      %dma_start3A_134 = arith.constant 0 : i32
      %dma_start3A_135 = tpu.memref_slice %arg6[%run_scoped3A, %dma_start3A_134] : memref<8x128xf32, #tpu.memory_space<hbm>> -> memref<1x16xf32, #tpu.memory_space<hbm>>
      %dma_start3A_136 = tpu.memref_squeeze %dma_start3A_135 : memref<1x16xf32, #tpu.memory_space<hbm>> -> memref<16xf32, #tpu.memory_space<hbm>>
      %dma_start3A_137 = arith.constant 0 : i32
      %dma_start3A_138 = tpu.memref_slice %arg6[%run_scoped3A, %dma_start3A_137] : memref<8x128xf32, #tpu.memory_space<hbm>> -> memref<1x16xf32, #tpu.memory_space<hbm>>
      %dma_start3A_139 = tpu.memref_squeeze %dma_start3A_138 : memref<1x16xf32, #tpu.memory_space<hbm>> -> memref<16xf32, #tpu.memory_space<hbm>>
      tpu.enqueue_dma source(%dma_start3A_139 : memref<16xf32, #tpu.memory_space<hbm>>) target(%arg14 : memref<16xf32, #tpu.memory_space<vmem>>) target_semaphore(%run_scoped3A_133 : memref<!tpu.dma_semaphore, #tpu.memory_space<semaphore_mem>>)
      %dma_wait3A = arith.constant 0 : i32
      %dma_wait3A_140 = tpu.memref_slice %arg6[%run_scoped3A, %dma_wait3A] : memref<8x128xf32, #tpu.memory_space<hbm>> -> memref<1x16xf32, #tpu.memory_space<hbm>>
      %dma_wait3A_141 = tpu.memref_squeeze %dma_wait3A_140 : memref<1x16xf32, #tpu.memory_space<hbm>> -> memref<16xf32, #tpu.memory_space<hbm>>
      %dma_wait3A_142 = arith.constant 0 : i32
      %dma_wait3A_143 = tpu.memref_slice %arg6[%run_scoped3A, %dma_wait3A_142] : memref<8x128xf32, #tpu.memory_space<hbm>> -> memref<1x16xf32, #tpu.memory_space<hbm>>
      %dma_wait3A_144 = tpu.memref_squeeze %dma_wait3A_143 : memref<1x16xf32, #tpu.memory_space<hbm>> -> memref<16xf32, #tpu.memory_space<hbm>>
      tpu.wait_dma2 semaphore(%run_scoped3A_133 : memref<!tpu.dma_semaphore, #tpu.memory_space<semaphore_mem>>) src(%dma_wait3A_144 : memref<16xf32, #tpu.memory_space<hbm>>) dst(%arg14 : memref<16xf32, #tpu.memory_space<vmem>>)
      tpu.yield
    }) : () -> ()
    %scan3A = arith.constant 0 : i32
    %scan3A_0 = arith.constant 40 : i32
    %scan3A_1 = arith.addi %scan3A, %scan3A_0 : i32
    %scan3A_2 = arith.constant 1 : i32
    scf.for %scan3A_133 = %scan3A to %scan3A_1 step %scan3A_2  : i32 {
      %mul3A_134 = arith.constant 1 : i32
      %mul3A_135 = arith.muli %scan3A_133, %mul3A_134 : i32
      %add3A_136 = arith.constant 0 : i32
      %add3A_137 = arith.addi %add3A_136, %mul3A_135 : i32
      %broadcast_in_dim3A = arith.constant 0.000000e+00 : f32
      %broadcast_in_dim3A_138 = vector.broadcast %broadcast_in_dim3A : f32 to vector<16xf32>
      %mul3A_139 = arith.constant 16 : i32
      %mul3A_140 = arith.muli %add3A_137, %mul3A_139 : i32
      %swap3A = arith.index_cast %mul3A_140 : i32 to index
      %swap3A_141 = tpu.vector_load %arg15[%swap3A] {strides = array<i32>} : memref<640xf32, #tpu.memory_space<vmem>>, vector<16xf32>,
      tpu.vector_store %arg15[%swap3A], %broadcast_in_dim3A_138 {strides = array<i32>} : memref<640xf32, #tpu.memory_space<vmem>>, vector<16xf32>,
    }
    %scan3A_3 = arith.constant 40 : i32
    %mul3A = arith.constant 2 : i32
    %mul3A_4 = arith.muli %arg0, %mul3A : i32
    %add3A = arith.constant 0 : i32
    %add3A_5 = arith.addi %mul3A_4, %add3A : i32
    %scan3A_6 = arith.constant 0 : i32
    %scan3A_7 = arith.constant 128 : i32
    %scan3A_8 = arith.addi %scan3A_6, %scan3A_7 : i32
    %scan3A_9 = arith.constant 1 : i32
    scf.for %scan3A_133 = %scan3A_6 to %scan3A_8 step %scan3A_9  : i32 {
      %mul3A_134 = arith.constant 1 : i32
      %mul3A_135 = arith.muli %scan3A_133, %mul3A_134 : i32
      %add3A_136 = arith.constant 0 : i32
      %add3A_137 = arith.addi %add3A_136, %mul3A_135 : i32
      %broadcast_in_dim3A = arith.constant 0.000000e+00 : f32
      %broadcast_in_dim3A_138 = vector.broadcast %broadcast_in_dim3A : f32 to vector<16xf32>
      %swap3A = arith.constant 0 : i32
      %swap3A_139 = tpu.memref_slice %arg11[%add3A_137, %swap3A] : memref<128x128xf32, #tpu.memory_space<vmem>> -> memref<1x128xf32, #tpu.memory_space<vmem>>
      %swap3A_140 = tpu.memref_squeeze %swap3A_139 : memref<1x128xf32, #tpu.memory_space<vmem>> -> memref<128xf32, #tpu.memory_space<vmem>>
      %swap3A_141 = arith.constant 0 : index
      %swap3A_142 = tpu.vector_load %swap3A_140[%swap3A_141] {strides = array<i32>} : memref<128xf32, #tpu.memory_space<vmem>>, vector<16xf32>,
      %swap3A_143 = vector.shape_cast %swap3A_142 : vector<16xf32> to vector<16xf32>
      %swap3A_144 = vector.shape_cast %broadcast_in_dim3A_138 : vector<16xf32> to vector<16xf32>
      tpu.vector_store %swap3A_140[%swap3A_141], %swap3A_144 {strides = array<i32>} : memref<128xf32, #tpu.memory_space<vmem>>, vector<16xf32>,
      %broadcast_in_dim3A_145 = arith.constant 0.000000e+00 : f32
      %broadcast_in_dim3A_146 = vector.broadcast %broadcast_in_dim3A_145 : f32 to vector<16xf32>
      %swap3A_147 = arith.constant 0 : i32
      %swap3A_148 = tpu.memref_slice %arg11[%add3A_137, %swap3A_147] : memref<128x128xf32, #tpu.memory_space<vmem>> -> memref<1x128xf32, #tpu.memory_space<vmem>>
      %swap3A_149 = tpu.memref_squeeze %swap3A_148 : memref<1x128xf32, #tpu.memory_space<vmem>> -> memref<128xf32, #tpu.memory_space<vmem>>
      %swap3A_150 = arith.constant 16 : index
      %swap3A_151 = tpu.vector_load %swap3A_149[%swap3A_150] {strides = array<i32>} : memref<128xf32, #tpu.memory_space<vmem>>, vector<16xf32>,
      %swap3A_152 = vector.shape_cast %swap3A_151 : vector<16xf32> to vector<16xf32>
      %swap3A_153 = vector.shape_cast %broadcast_in_dim3A_146 : vector<16xf32> to vector<16xf32>
      tpu.vector_store %swap3A_149[%swap3A_150], %swap3A_153 {strides = array<i32>} : memref<128xf32, #tpu.memory_space<vmem>>, vector<16xf32>,
      %broadcast_in_dim3A_154 = arith.constant 0.000000e+00 : f32
      %broadcast_in_dim3A_155 = vector.broadcast %broadcast_in_dim3A_154 : f32 to vector<16xf32>
      %swap3A_156 = arith.constant 0 : i32
      %swap3A_157 = tpu.memref_slice %arg11[%add3A_137, %swap3A_156] : memref<128x128xf32, #tpu.memory_space<vmem>> -> memref<1x128xf32, #tpu.memory_space<vmem>>
      %swap3A_158 = tpu.memref_squeeze %swap3A_157 : memref<1x128xf32, #tpu.memory_space<vmem>> -> memref<128xf32, #tpu.memory_space<vmem>>
      %swap3A_159 = arith.constant 32 : index
      %swap3A_160 = tpu.vector_load %swap3A_158[%swap3A_159] {strides = array<i32>} : memref<128xf32, #tpu.memory_space<vmem>>, vector<16xf32>,
      %swap3A_161 = vector.shape_cast %swap3A_160 : vector<16xf32> to vector<16xf32>
      %swap3A_162 = vector.shape_cast %broadcast_in_dim3A_155 : vector<16xf32> to vector<16xf32>
      tpu.vector_store %swap3A_158[%swap3A_159], %swap3A_162 {strides = array<i32>} : memref<128xf32, #tpu.memory_space<vmem>>, vector<16xf32>,
      %broadcast_in_dim3A_163 = arith.constant 0.000000e+00 : f32
      %broadcast_in_dim3A_164 = vector.broadcast %broadcast_in_dim3A_163 : f32 to vector<16xf32>
      %swap3A_165 = arith.constant 0 : i32
      %swap3A_166 = tpu.memref_slice %arg11[%add3A_137, %swap3A_165] : memref<128x128xf32, #tpu.memory_space<vmem>> -> memref<1x128xf32, #tpu.memory_space<vmem>>
      %swap3A_167 = tpu.memref_squeeze %swap3A_166 : memref<1x128xf32, #tpu.memory_space<vmem>> -> memref<128xf32, #tpu.memory_space<vmem>>
      %swap3A_168 = arith.constant 48 : index
      %swap3A_169 = tpu.vector_load %swap3A_167[%swap3A_168] {strides = array<i32>} : memref<128xf32, #tpu.memory_space<vmem>>, vector<16xf32>,
      %swap3A_170 = vector.shape_cast %swap3A_169 : vector<16xf32> to vector<16xf32>
      %swap3A_171 = vector.shape_cast %broadcast_in_dim3A_164 : vector<16xf32> to vector<16xf32>
      tpu.vector_store %swap3A_167[%swap3A_168], %swap3A_171 {strides = array<i32>} : memref<128xf32, #tpu.memory_space<vmem>>, vector<16xf32>,
      %broadcast_in_dim3A_172 = arith.constant 0.000000e+00 : f32
      %broadcast_in_dim3A_173 = vector.broadcast %broadcast_in_dim3A_172 : f32 to vector<16xf32>
      %swap3A_174 = arith.constant 0 : i32
      %swap3A_175 = tpu.memref_slice %arg11[%add3A_137, %swap3A_174] : memref<128x128xf32, #tpu.memory_space<vmem>> -> memref<1x128xf32, #tpu.memory_space<vmem>>
      %swap3A_176 = tpu.memref_squeeze %swap3A_175 : memref<1x128xf32, #tpu.memory_space<vmem>> -> memref<128xf32, #tpu.memory_space<vmem>>
      %swap3A_177 = arith.constant 64 : index
      %swap3A_178 = tpu.vector_load %swap3A_176[%swap3A_177] {strides = array<i32>} : memref<128xf32, #tpu.memory_space<vmem>>, vector<16xf32>,
      tpu.vector_store %swap3A_176[%swap3A_177], %broadcast_in_dim3A_173 {strides = array<i32>} : memref<128xf32, #tpu.memory_space<vmem>>, vector<16xf32>,
      %broadcast_in_dim3A_179 = arith.constant 0.000000e+00 : f32
      %broadcast_in_dim3A_180 = vector.broadcast %broadcast_in_dim3A_179 : f32 to vector<16xf32>
      %swap3A_181 = arith.constant 0 : i32
      %swap3A_182 = tpu.memref_slice %arg11[%add3A_137, %swap3A_181] : memref<128x128xf32, #tpu.memory_space<vmem>> -> memref<1x128xf32, #tpu.memory_space<vmem>>
      %swap3A_183 = tpu.memref_squeeze %swap3A_182 : memref<1x128xf32, #tpu.memory_space<vmem>> -> memref<128xf32, #tpu.memory_space<vmem>>
      %swap3A_184 = arith.constant 80 : index
      %swap3A_185 = tpu.vector_load %swap3A_183[%swap3A_184] {strides = array<i32>} : memref<128xf32, #tpu.memory_space<vmem>>, vector<16xf32>,
      tpu.vector_store %swap3A_183[%swap3A_184], %broadcast_in_dim3A_180 {strides = array<i32>} : memref<128xf32, #tpu.memory_space<vmem>>, vector<16xf32>,
      %broadcast_in_dim3A_186 = arith.constant 0.000000e+00 : f32
      %broadcast_in_dim3A_187 = vector.broadcast %broadcast_in_dim3A_186 : f32 to vector<16xf32>
      %swap3A_188 = arith.constant 0 : i32
      %swap3A_189 = tpu.memref_slice %arg11[%add3A_137, %swap3A_188] : memref<128x128xf32, #tpu.memory_space<vmem>> -> memref<1x128xf32, #tpu.memory_space<vmem>>
      %swap3A_190 = tpu.memref_squeeze %swap3A_189 : memref<1x128xf32, #tpu.memory_space<vmem>> -> memref<128xf32, #tpu.memory_space<vmem>>
      %swap3A_191 = arith.constant 96 : index
      %swap3A_192 = tpu.vector_load %swap3A_190[%swap3A_191] {strides = array<i32>} : memref<128xf32, #tpu.memory_space<vmem>>, vector<16xf32>,
      tpu.vector_store %swap3A_190[%swap3A_191], %broadcast_in_dim3A_187 {strides = array<i32>} : memref<128xf32, #tpu.memory_space<vmem>>, vector<16xf32>,
      %broadcast_in_dim3A_193 = arith.constant 0.000000e+00 : f32
      %broadcast_in_dim3A_194 = vector.broadcast %broadcast_in_dim3A_193 : f32 to vector<16xf32>
      %swap3A_195 = arith.constant 0 : i32
      %swap3A_196 = tpu.memref_slice %arg11[%add3A_137, %swap3A_195] : memref<128x128xf32, #tpu.memory_space<vmem>> -> memref<1x128xf32, #tpu.memory_space<vmem>>
      %swap3A_197 = tpu.memref_squeeze %swap3A_196 : memref<1x128xf32, #tpu.memory_space<vmem>> -> memref<128xf32, #tpu.memory_space<vmem>>
      %swap3A_198 = arith.constant 112 : index
      %swap3A_199 = tpu.vector_load %swap3A_197[%swap3A_198] {strides = array<i32>} : memref<128xf32, #tpu.memory_space<vmem>>, vector<16xf32>,
      tpu.vector_store %swap3A_197[%swap3A_198], %broadcast_in_dim3A_194 {strides = array<i32>} : memref<128xf32, #tpu.memory_space<vmem>>, vector<16xf32>,
    }
    %scan3A_10 = arith.constant 128 : i32
    %mul3A_11 = arith.constant 624 : i32
    %mul3A_12 = arith.muli %arg1, %mul3A_11 : i32
    %add3A_13 = arith.constant 0 : i32
    %add3A_14 = arith.addi %mul3A_12, %add3A_13 : i32
    "tpu.region"() ({
      %run_scoped3A_133 = tpu.sem_alloc : memref<!tpu.dma_semaphore, #tpu.memory_space<semaphore_mem>>
      %dma_start3A_134 = arith.constant 0 : i32
      %dma_start3A_135 = arith.constant 0 : i32
      %dma_start3A_136 = tpu.memref_slice %arg11[%dma_start3A_134, %dma_start3A_135] : memref<128x128xf32, #tpu.memory_space<vmem>> -> memref<104x128xf32, #tpu.memory_space<vmem>>
      %dma_start3A_137 = arith.constant 0 : i32
      %dma_start3A_138 = tpu.memref_slice %arg23[%add3A_14, %dma_start3A_137] : memref<10000x128xf32, #tpu.memory_space<vmem_shared>> -> memref<104x128xf32, #tpu.memory_space<vmem_shared>>
      %dma_start3A_139 = arith.constant 0 : i32
      %dma_start3A_140 = tpu.memref_slice %arg23[%add3A_14, %dma_start3A_139] : memref<10000x128xf32, #tpu.memory_space<vmem_shared>> -> memref<104x128xf32, #tpu.memory_space<vmem_shared>>
      %dma_start3A_141 = arith.constant 0 : i32
      %dma_start3A_142 = arith.constant 0 : i32
      %dma_start3A_143 = tpu.memref_slice %arg11[%dma_start3A_141, %dma_start3A_142] : memref<128x128xf32, #tpu.memory_space<vmem>> -> memref<104x128xf32, #tpu.memory_space<vmem>>
      tpu.enqueue_dma source(%dma_start3A_143 : memref<104x128xf32, #tpu.memory_space<vmem>>) target(%dma_start3A_140 : memref<104x128xf32, #tpu.memory_space<vmem_shared>>) target_semaphore(%run_scoped3A_133 : memref<!tpu.dma_semaphore, #tpu.memory_space<semaphore_mem>>)
      %dma_wait3A = arith.constant 0 : i32
      %dma_wait3A_144 = arith.constant 0 : i32
      %dma_wait3A_145 = tpu.memref_slice %arg11[%dma_wait3A, %dma_wait3A_144] : memref<128x128xf32, #tpu.memory_space<vmem>> -> memref<104x128xf32, #tpu.memory_space<vmem>>
      %dma_wait3A_146 = arith.constant 0 : i32
      %dma_wait3A_147 = tpu.memref_slice %arg23[%add3A_14, %dma_wait3A_146] : memref<10000x128xf32, #tpu.memory_space<vmem_shared>> -> memref<104x128xf32, #tpu.memory_space<vmem_shared>>
      %dma_wait3A_148 = arith.constant 0 : i32
      %dma_wait3A_149 = tpu.memref_slice %arg23[%add3A_14, %dma_wait3A_148] : memref<10000x128xf32, #tpu.memory_space<vmem_shared>> -> memref<104x128xf32, #tpu.memory_space<vmem_shared>>
      %dma_wait3A_150 = arith.constant 0 : i32
      %dma_wait3A_151 = arith.constant 0 : i32
      %dma_wait3A_152 = tpu.memref_slice %arg11[%dma_wait3A_150, %dma_wait3A_151] : memref<128x128xf32, #tpu.memory_space<vmem>> -> memref<104x128xf32, #tpu.memory_space<vmem>>
      tpu.wait_dma2 semaphore(%run_scoped3A_133 : memref<!tpu.dma_semaphore, #tpu.memory_space<semaphore_mem>>) src(%dma_wait3A_152 : memref<104x128xf32, #tpu.memory_space<vmem>>) dst(%dma_wait3A_149 : memref<104x128xf32, #tpu.memory_space<vmem_shared>>)
      tpu.yield
    }) : () -> ()
    %mul3A_15 = arith.constant 624 : i32
    %mul3A_16 = arith.muli %arg1, %mul3A_15 : i32
    %add3A_17 = arith.constant 104 : i32
    %add3A_18 = arith.addi %mul3A_16, %add3A_17 : i32
    "tpu.region"() ({
      %run_scoped3A_133 = tpu.sem_alloc : memref<!tpu.dma_semaphore, #tpu.memory_space<semaphore_mem>>
      %dma_start3A_134 = arith.constant 0 : i32
      %dma_start3A_135 = arith.constant 0 : i32
      %dma_start3A_136 = tpu.memref_slice %arg11[%dma_start3A_134, %dma_start3A_135] : memref<128x128xf32, #tpu.memory_space<vmem>> -> memref<104x128xf32, #tpu.memory_space<vmem>>
      %dma_start3A_137 = arith.constant 0 : i32
      %dma_start3A_138 = tpu.memref_slice %arg23[%add3A_18, %dma_start3A_137] : memref<10000x128xf32, #tpu.memory_space<vmem_shared>> -> memref<104x128xf32, #tpu.memory_space<vmem_shared>>
      %dma_start3A_139 = arith.constant 0 : i32
      %dma_start3A_140 = tpu.memref_slice %arg23[%add3A_18, %dma_start3A_139] : memref<10000x128xf32, #tpu.memory_space<vmem_shared>> -> memref<104x128xf32, #tpu.memory_space<vmem_shared>>
      %dma_start3A_141 = arith.constant 0 : i32
      %dma_start3A_142 = arith.constant 0 : i32
      %dma_start3A_143 = tpu.memref_slice %arg11[%dma_start3A_141, %dma_start3A_142] : memref<128x128xf32, #tpu.memory_space<vmem>> -> memref<104x128xf32, #tpu.memory_space<vmem>>
      tpu.enqueue_dma source(%dma_start3A_143 : memref<104x128xf32, #tpu.memory_space<vmem>>) target(%dma_start3A_140 : memref<104x128xf32, #tpu.memory_space<vmem_shared>>) target_semaphore(%run_scoped3A_133 : memref<!tpu.dma_semaphore, #tpu.memory_space<semaphore_mem>>)
      %dma_wait3A = arith.constant 0 : i32
      %dma_wait3A_144 = arith.constant 0 : i32
      %dma_wait3A_145 = tpu.memref_slice %arg11[%dma_wait3A, %dma_wait3A_144] : memref<128x128xf32, #tpu.memory_space<vmem>> -> memref<104x128xf32, #tpu.memory_space<vmem>>
      %dma_wait3A_146 = arith.constant 0 : i32
      %dma_wait3A_147 = tpu.memref_slice %arg23[%add3A_18, %dma_wait3A_146] : memref<10000x128xf32, #tpu.memory_space<vmem_shared>> -> memref<104x128xf32, #tpu.memory_space<vmem_shared>>
      %dma_wait3A_148 = arith.constant 0 : i32
      %dma_wait3A_149 = tpu.memref_slice %arg23[%add3A_18, %dma_wait3A_148] : memref<10000x128xf32, #tpu.memory_space<vmem_shared>> -> memref<104x128xf32, #tpu.memory_space<vmem_shared>>
      %dma_wait3A_150 = arith.constant 0 : i32
      %dma_wait3A_151 = arith.constant 0 : i32
      %dma_wait3A_152 = tpu.memref_slice %arg11[%dma_wait3A_150, %dma_wait3A_151] : memref<128x128xf32, #tpu.memory_space<vmem>> -> memref<104x128xf32, #tpu.memory_space<vmem>>
      tpu.wait_dma2 semaphore(%run_scoped3A_133 : memref<!tpu.dma_semaphore, #tpu.memory_space<semaphore_mem>>) src(%dma_wait3A_152 : memref<104x128xf32, #tpu.memory_space<vmem>>) dst(%dma_wait3A_149 : memref<104x128xf32, #tpu.memory_space<vmem_shared>>)
      tpu.yield
    }) : () -> ()
    %mul3A_19 = arith.constant 624 : i32
    %mul3A_20 = arith.muli %arg1, %mul3A_19 : i32
    %add3A_21 = arith.constant 208 : i32
    %add3A_22 = arith.addi %mul3A_20, %add3A_21 : i32
    "tpu.region"() ({
      %run_scoped3A_133 = tpu.sem_alloc : memref<!tpu.dma_semaphore, #tpu.memory_space<semaphore_mem>>
      %dma_start3A_134 = arith.constant 0 : i32
      %dma_start3A_135 = arith.constant 0 : i32
      %dma_start3A_136 = tpu.memref_slice %arg11[%dma_start3A_134, %dma_start3A_135] : memref<128x128xf32, #tpu.memory_space<vmem>> -> memref<104x128xf32, #tpu.memory_space<vmem>>
      %dma_start3A_137 = arith.constant 0 : i32
      %dma_start3A_138 = tpu.memref_slice %arg23[%add3A_22, %dma_start3A_137] : memref<10000x128xf32, #tpu.memory_space<vmem_shared>> -> memref<104x128xf32, #tpu.memory_space<vmem_shared>>
      %dma_start3A_139 = arith.constant 0 : i32
      %dma_start3A_140 = tpu.memref_slice %arg23[%add3A_22, %dma_start3A_139] : memref<10000x128xf32, #tpu.memory_space<vmem_shared>> -> memref<104x128xf32, #tpu.memory_space<vmem_shared>>
      %dma_start3A_141 = arith.constant 0 : i32
      %dma_start3A_142 = arith.constant 0 : i32
      %dma_start3A_143 = tpu.memref_slice %arg11[%dma_start3A_141, %dma_start3A_142] : memref<128x128xf32, #tpu.memory_space<vmem>> -> memref<104x128xf32, #tpu.memory_space<vmem>>
      tpu.enqueue_dma source(%dma_start3A_143 : memref<104x128xf32, #tpu.memory_space<vmem>>) target(%dma_start3A_140 : memref<104x128xf32, #tpu.memory_space<vmem_shared>>) target_semaphore(%run_scoped3A_133 : memref<!tpu.dma_semaphore, #tpu.memory_space<semaphore_mem>>)
      %dma_wait3A = arith.constant 0 : i32
      %dma_wait3A_144 = arith.constant 0 : i32
      %dma_wait3A_145 = tpu.memref_slice %arg11[%dma_wait3A, %dma_wait3A_144] : memref<128x128xf32, #tpu.memory_space<vmem>> -> memref<104x128xf32, #tpu.memory_space<vmem>>
      %dma_wait3A_146 = arith.constant 0 : i32
      %dma_wait3A_147 = tpu.memref_slice %arg23[%add3A_22, %dma_wait3A_146] : memref<10000x128xf32, #tpu.memory_space<vmem_shared>> -> memref<104x128xf32, #tpu.memory_space<vmem_shared>>
      %dma_wait3A_148 = arith.constant 0 : i32
      %dma_wait3A_149 = tpu.memref_slice %arg23[%add3A_22, %dma_wait3A_148] : memref<10000x128xf32, #tpu.memory_space<vmem_shared>> -> memref<104x128xf32, #tpu.memory_space<vmem_shared>>
      %dma_wait3A_150 = arith.constant 0 : i32
      %dma_wait3A_151 = arith.constant 0 : i32
      %dma_wait3A_152 = tpu.memref_slice %arg11[%dma_wait3A_150, %dma_wait3A_151] : memref<128x128xf32, #tpu.memory_space<vmem>> -> memref<104x128xf32, #tpu.memory_space<vmem>>
      tpu.wait_dma2 semaphore(%run_scoped3A_133 : memref<!tpu.dma_semaphore, #tpu.memory_space<semaphore_mem>>) src(%dma_wait3A_152 : memref<104x128xf32, #tpu.memory_space<vmem>>) dst(%dma_wait3A_149 : memref<104x128xf32, #tpu.memory_space<vmem_shared>>)
      tpu.yield
    }) : () -> ()
    %mul3A_23 = arith.constant 624 : i32
    %mul3A_24 = arith.muli %arg1, %mul3A_23 : i32
    %add3A_25 = arith.constant 312 : i32
    %add3A_26 = arith.addi %mul3A_24, %add3A_25 : i32
    "tpu.region"() ({
      %run_scoped3A_133 = tpu.sem_alloc : memref<!tpu.dma_semaphore, #tpu.memory_space<semaphore_mem>>
      %dma_start3A_134 = arith.constant 0 : i32
      %dma_start3A_135 = arith.constant 0 : i32
      %dma_start3A_136 = tpu.memref_slice %arg11[%dma_start3A_134, %dma_start3A_135] : memref<128x128xf32, #tpu.memory_space<vmem>> -> memref<104x128xf32, #tpu.memory_space<vmem>>
      %dma_start3A_137 = arith.constant 0 : i32
      %dma_start3A_138 = tpu.memref_slice %arg23[%add3A_26, %dma_start3A_137] : memref<10000x128xf32, #tpu.memory_space<vmem_shared>> -> memref<104x128xf32, #tpu.memory_space<vmem_shared>>
      %dma_start3A_139 = arith.constant 0 : i32
      %dma_start3A_140 = tpu.memref_slice %arg23[%add3A_26, %dma_start3A_139] : memref<10000x128xf32, #tpu.memory_space<vmem_shared>> -> memref<104x128xf32, #tpu.memory_space<vmem_shared>>
      %dma_start3A_141 = arith.constant 0 : i32
      %dma_start3A_142 = arith.constant 0 : i32
      %dma_start3A_143 = tpu.memref_slice %arg11[%dma_start3A_141, %dma_start3A_142] : memref<128x128xf32, #tpu.memory_space<vmem>> -> memref<104x128xf32, #tpu.memory_space<vmem>>
      tpu.enqueue_dma source(%dma_start3A_143 : memref<104x128xf32, #tpu.memory_space<vmem>>) target(%dma_start3A_140 : memref<104x128xf32, #tpu.memory_space<vmem_shared>>) target_semaphore(%run_scoped3A_133 : memref<!tpu.dma_semaphore, #tpu.memory_space<semaphore_mem>>)
      %dma_wait3A = arith.constant 0 : i32
      %dma_wait3A_144 = arith.constant 0 : i32
      %dma_wait3A_145 = tpu.memref_slice %arg11[%dma_wait3A, %dma_wait3A_144] : memref<128x128xf32, #tpu.memory_space<vmem>> -> memref<104x128xf32, #tpu.memory_space<vmem>>
      %dma_wait3A_146 = arith.constant 0 : i32
      %dma_wait3A_147 = tpu.memref_slice %arg23[%add3A_26, %dma_wait3A_146] : memref<10000x128xf32, #tpu.memory_space<vmem_shared>> -> memref<104x128xf32, #tpu.memory_space<vmem_shared>>
      %dma_wait3A_148 = arith.constant 0 : i32
      %dma_wait3A_149 = tpu.memref_slice %arg23[%add3A_26, %dma_wait3A_148] : memref<10000x128xf32, #tpu.memory_space<vmem_shared>> -> memref<104x128xf32, #tpu.memory_space<vmem_shared>>
      %dma_wait3A_150 = arith.constant 0 : i32
      %dma_wait3A_151 = arith.constant 0 : i32
      %dma_wait3A_152 = tpu.memref_slice %arg11[%dma_wait3A_150, %dma_wait3A_151] : memref<128x128xf32, #tpu.memory_space<vmem>> -> memref<104x128xf32, #tpu.memory_space<vmem>>
      tpu.wait_dma2 semaphore(%run_scoped3A_133 : memref<!tpu.dma_semaphore, #tpu.memory_space<semaphore_mem>>) src(%dma_wait3A_152 : memref<104x128xf32, #tpu.memory_space<vmem>>) dst(%dma_wait3A_149 : memref<104x128xf32, #tpu.memory_space<vmem_shared>>)
      tpu.yield
    }) : () -> ()
    %mul3A_27 = arith.constant 624 : i32
    %mul3A_28 = arith.muli %arg1, %mul3A_27 : i32
    %add3A_29 = arith.constant 416 : i32
    %add3A_30 = arith.addi %mul3A_28, %add3A_29 : i32
    "tpu.region"() ({
      %run_scoped3A_133 = tpu.sem_alloc : memref<!tpu.dma_semaphore, #tpu.memory_space<semaphore_mem>>
      %dma_start3A_134 = arith.constant 0 : i32
      %dma_start3A_135 = arith.constant 0 : i32
      %dma_start3A_136 = tpu.memref_slice %arg11[%dma_start3A_134, %dma_start3A_135] : memref<128x128xf32, #tpu.memory_space<vmem>> -> memref<104x128xf32, #tpu.memory_space<vmem>>
      %dma_start3A_137 = arith.constant 0 : i32
      %dma_start3A_138 = tpu.memref_slice %arg23[%add3A_30, %dma_start3A_137] : memref<10000x128xf32, #tpu.memory_space<vmem_shared>> -> memref<104x128xf32, #tpu.memory_space<vmem_shared>>
      %dma_start3A_139 = arith.constant 0 : i32
      %dma_start3A_140 = tpu.memref_slice %arg23[%add3A_30, %dma_start3A_139] : memref<10000x128xf32, #tpu.memory_space<vmem_shared>> -> memref<104x128xf32, #tpu.memory_space<vmem_shared>>
      %dma_start3A_141 = arith.constant 0 : i32
      %dma_start3A_142 = arith.constant 0 : i32
      %dma_start3A_143 = tpu.memref_slice %arg11[%dma_start3A_141, %dma_start3A_142] : memref<128x128xf32, #tpu.memory_space<vmem>> -> memref<104x128xf32, #tpu.memory_space<vmem>>
      tpu.enqueue_dma source(%dma_start3A_143 : memref<104x128xf32, #tpu.memory_space<vmem>>) target(%dma_start3A_140 : memref<104x128xf32, #tpu.memory_space<vmem_shared>>) target_semaphore(%run_scoped3A_133 : memref<!tpu.dma_semaphore, #tpu.memory_space<semaphore_mem>>)
      %dma_wait3A = arith.constant 0 : i32
      %dma_wait3A_144 = arith.constant 0 : i32
      %dma_wait3A_145 = tpu.memref_slice %arg11[%dma_wait3A, %dma_wait3A_144] : memref<128x128xf32, #tpu.memory_space<vmem>> -> memref<104x128xf32, #tpu.memory_space<vmem>>
      %dma_wait3A_146 = arith.constant 0 : i32
      %dma_wait3A_147 = tpu.memref_slice %arg23[%add3A_30, %dma_wait3A_146] : memref<10000x128xf32, #tpu.memory_space<vmem_shared>> -> memref<104x128xf32, #tpu.memory_space<vmem_shared>>
      %dma_wait3A_148 = arith.constant 0 : i32
      %dma_wait3A_149 = tpu.memref_slice %arg23[%add3A_30, %dma_wait3A_148] : memref<10000x128xf32, #tpu.memory_space<vmem_shared>> -> memref<104x128xf32, #tpu.memory_space<vmem_shared>>
      %dma_wait3A_150 = arith.constant 0 : i32
      %dma_wait3A_151 = arith.constant 0 : i32
      %dma_wait3A_152 = tpu.memref_slice %arg11[%dma_wait3A_150, %dma_wait3A_151] : memref<128x128xf32, #tpu.memory_space<vmem>> -> memref<104x128xf32, #tpu.memory_space<vmem>>
      tpu.wait_dma2 semaphore(%run_scoped3A_133 : memref<!tpu.dma_semaphore, #tpu.memory_space<semaphore_mem>>) src(%dma_wait3A_152 : memref<104x128xf32, #tpu.memory_space<vmem>>) dst(%dma_wait3A_149 : memref<104x128xf32, #tpu.memory_space<vmem_shared>>)
      tpu.yield
    }) : () -> ()
    %mul3A_31 = arith.constant 624 : i32
    %mul3A_32 = arith.muli %arg1, %mul3A_31 : i32
    %add3A_33 = arith.constant 520 : i32
    %add3A_34 = arith.addi %mul3A_32, %add3A_33 : i32
    "tpu.region"() ({
      %run_scoped3A_133 = tpu.sem_alloc : memref<!tpu.dma_semaphore, #tpu.memory_space<semaphore_mem>>
      %dma_start3A_134 = arith.constant 0 : i32
      %dma_start3A_135 = arith.constant 0 : i32
      %dma_start3A_136 = tpu.memref_slice %arg11[%dma_start3A_134, %dma_start3A_135] : memref<128x128xf32, #tpu.memory_space<vmem>> -> memref<104x128xf32, #tpu.memory_space<vmem>>
      %dma_start3A_137 = arith.constant 0 : i32
      %dma_start3A_138 = tpu.memref_slice %arg23[%add3A_34, %dma_start3A_137] : memref<10000x128xf32, #tpu.memory_space<vmem_shared>> -> memref<104x128xf32, #tpu.memory_space<vmem_shared>>
      %dma_start3A_139 = arith.constant 0 : i32
      %dma_start3A_140 = tpu.memref_slice %arg23[%add3A_34, %dma_start3A_139] : memref<10000x128xf32, #tpu.memory_space<vmem_shared>> -> memref<104x128xf32, #tpu.memory_space<vmem_shared>>
      %dma_start3A_141 = arith.constant 0 : i32
      %dma_start3A_142 = arith.constant 0 : i32
      %dma_start3A_143 = tpu.memref_slice %arg11[%dma_start3A_141, %dma_start3A_142] : memref<128x128xf32, #tpu.memory_space<vmem>> -> memref<104x128xf32, #tpu.memory_space<vmem>>
      tpu.enqueue_dma source(%dma_start3A_143 : memref<104x128xf32, #tpu.memory_space<vmem>>) target(%dma_start3A_140 : memref<104x128xf32, #tpu.memory_space<vmem_shared>>) target_semaphore(%run_scoped3A_133 : memref<!tpu.dma_semaphore, #tpu.memory_space<semaphore_mem>>)
      %dma_wait3A = arith.constant 0 : i32
      %dma_wait3A_144 = arith.constant 0 : i32
      %dma_wait3A_145 = tpu.memref_slice %arg11[%dma_wait3A, %dma_wait3A_144] : memref<128x128xf32, #tpu.memory_space<vmem>> -> memref<104x128xf32, #tpu.memory_space<vmem>>
      %dma_wait3A_146 = arith.constant 0 : i32
      %dma_wait3A_147 = tpu.memref_slice %arg23[%add3A_34, %dma_wait3A_146] : memref<10000x128xf32, #tpu.memory_space<vmem_shared>> -> memref<104x128xf32, #tpu.memory_space<vmem_shared>>
      %dma_wait3A_148 = arith.constant 0 : i32
      %dma_wait3A_149 = tpu.memref_slice %arg23[%add3A_34, %dma_wait3A_148] : memref<10000x128xf32, #tpu.memory_space<vmem_shared>> -> memref<104x128xf32, #tpu.memory_space<vmem_shared>>
      %dma_wait3A_150 = arith.constant 0 : i32
      %dma_wait3A_151 = arith.constant 0 : i32
      %dma_wait3A_152 = tpu.memref_slice %arg11[%dma_wait3A_150, %dma_wait3A_151] : memref<128x128xf32, #tpu.memory_space<vmem>> -> memref<104x128xf32, #tpu.memory_space<vmem>>
      tpu.wait_dma2 semaphore(%run_scoped3A_133 : memref<!tpu.dma_semaphore, #tpu.memory_space<semaphore_mem>>) src(%dma_wait3A_152 : memref<104x128xf32, #tpu.memory_space<vmem>>) dst(%dma_wait3A_149 : memref<104x128xf32, #tpu.memory_space<vmem_shared>>)
      tpu.yield
    }) : () -> ()
    %eq3A = arith.constant 15 : i32
    %eq3A_35 = arith.cmpi eq, %arg1, %eq3A : i32
    %convert_element_type3A = arith.extui %eq3A_35 : i1 to i32
    %cond3A = arith.constant 0 : i32
    %cond3A_36 = arith.cmpi ne, %convert_element_type3A, %cond3A : i32
    scf.if %cond3A_36 {
      "tpu.region"() ({
        %run_scoped3A_133 = tpu.sem_alloc : memref<!tpu.dma_semaphore, #tpu.memory_space<semaphore_mem>>
        %dma_start3A_134 = arith.constant 0 : i32
        %dma_start3A_135 = arith.constant 0 : i32
        %dma_start3A_136 = tpu.memref_slice %arg11[%dma_start3A_134, %dma_start3A_135] : memref<128x128xf32, #tpu.memory_space<vmem>> -> memref<16x128xf32, #tpu.memory_space<vmem>>
        %dma_start3A_137 = arith.constant 9984 : i32
        %dma_start3A_138 = arith.constant 0 : i32
        %dma_start3A_139 = tpu.memref_slice %arg23[%dma_start3A_137, %dma_start3A_138] : memref<10000x128xf32, #tpu.memory_space<vmem_shared>> -> memref<16x128xf32, #tpu.memory_space<vmem_shared>>
        %dma_start3A_140 = arith.constant 9984 : i32
        %dma_start3A_141 = arith.constant 0 : i32
        %dma_start3A_142 = tpu.memref_slice %arg23[%dma_start3A_140, %dma_start3A_141] : memref<10000x128xf32, #tpu.memory_space<vmem_shared>> -> memref<16x128xf32, #tpu.memory_space<vmem_shared>>
        %dma_start3A_143 = arith.constant 0 : i32
        %dma_start3A_144 = arith.constant 0 : i32
        %dma_start3A_145 = tpu.memref_slice %arg11[%dma_start3A_143, %dma_start3A_144] : memref<128x128xf32, #tpu.memory_space<vmem>> -> memref<16x128xf32, #tpu.memory_space<vmem>>
        tpu.enqueue_dma source(%dma_start3A_145 : memref<16x128xf32, #tpu.memory_space<vmem>>) target(%dma_start3A_142 : memref<16x128xf32, #tpu.memory_space<vmem_shared>>) target_semaphore(%run_scoped3A_133 : memref<!tpu.dma_semaphore, #tpu.memory_space<semaphore_mem>>)
        %dma_wait3A = arith.constant 0 : i32
        %dma_wait3A_146 = arith.constant 0 : i32
        %dma_wait3A_147 = tpu.memref_slice %arg11[%dma_wait3A, %dma_wait3A_146] : memref<128x128xf32, #tpu.memory_space<vmem>> -> memref<16x128xf32, #tpu.memory_space<vmem>>
        %dma_wait3A_148 = arith.constant 9984 : i32
        %dma_wait3A_149 = arith.constant 0 : i32
        %dma_wait3A_150 = tpu.memref_slice %arg23[%dma_wait3A_148, %dma_wait3A_149] : memref<10000x128xf32, #tpu.memory_space<vmem_shared>> -> memref<16x128xf32, #tpu.memory_space<vmem_shared>>
        %dma_wait3A_151 = arith.constant 9984 : i32
        %dma_wait3A_152 = arith.constant 0 : i32
        %dma_wait3A_153 = tpu.memref_slice %arg23[%dma_wait3A_151, %dma_wait3A_152] : memref<10000x128xf32, #tpu.memory_space<vmem_shared>> -> memref<16x128xf32, #tpu.memory_space<vmem_shared>>
        %dma_wait3A_154 = arith.constant 0 : i32
        %dma_wait3A_155 = arith.constant 0 : i32
        %dma_wait3A_156 = tpu.memref_slice %arg11[%dma_wait3A_154, %dma_wait3A_155] : memref<128x128xf32, #tpu.memory_space<vmem>> -> memref<16x128xf32, #tpu.memory_space<vmem>>
        tpu.wait_dma2 semaphore(%run_scoped3A_133 : memref<!tpu.dma_semaphore, #tpu.memory_space<semaphore_mem>>) src(%dma_wait3A_156 : memref<16x128xf32, #tpu.memory_space<vmem>>) dst(%dma_wait3A_153 : memref<16x128xf32, #tpu.memory_space<vmem_shared>>)
        tpu.yield
      }) : () -> ()
    } else {
    }
    %mul3A_37 = arith.constant 640 : i32
    %mul3A_38 = arith.muli %arg1, %mul3A_37 : i32
    "tpu.region"() ({
      %run_scoped3A_133 = tpu.sem_alloc : memref<!tpu.dma_semaphore, #tpu.memory_space<semaphore_mem>>
      %dma_start3A_134 = tpu.memref_slice %arg24[%mul3A_38] : memref<10240xf32, #tpu.memory_space<vmem_shared>> -> memref<640xf32, #tpu.memory_space<vmem_shared>>
      %dma_start3A_135 = tpu.memref_slice %arg24[%mul3A_38] : memref<10240xf32, #tpu.memory_space<vmem_shared>> -> memref<640xf32, #tpu.memory_space<vmem_shared>>
      tpu.enqueue_dma source(%arg15 : memref<640xf32, #tpu.memory_space<vmem>>) target(%dma_start3A_135 : memref<640xf32, #tpu.memory_space<vmem_shared>>) target_semaphore(%run_scoped3A_133 : memref<!tpu.dma_semaphore, #tpu.memory_space<semaphore_mem>>)
      %dma_wait3A = tpu.memref_slice %arg24[%mul3A_38] : memref<10240xf32, #tpu.memory_space<vmem_shared>> -> memref<640xf32, #tpu.memory_space<vmem_shared>>
      %dma_wait3A_136 = tpu.memref_slice %arg24[%mul3A_38] : memref<10240xf32, #tpu.memory_space<vmem_shared>> -> memref<640xf32, #tpu.memory_space<vmem_shared>>
      tpu.wait_dma2 semaphore(%run_scoped3A_133 : memref<!tpu.dma_semaphore, #tpu.memory_space<semaphore_mem>>) src(%arg15 : memref<640xf32, #tpu.memory_space<vmem>>) dst(%dma_wait3A_136 : memref<640xf32, #tpu.memory_space<vmem_shared>>)
      tpu.yield
    }) : () -> ()
    %barrier3A = arith.constant 0 : index
    tpu.barrier barrier_id(%barrier3A)
    %mul3A_39 = arith.constant 20224 : i32
    %mul3A_40 = arith.muli %arg1, %mul3A_39 : i32
    "tpu.region"() ({
      %run_scoped3A_133 = tpu.sem_alloc : memref<!tpu.dma_semaphore, #tpu.memory_space<semaphore_mem>>
      %dma_start3A_134 = tpu.memref_slice %arg3[%mul3A_40] : memref<323584xi32, #tpu.memory_space<hbm>> -> memref<128xi32, #tpu.memory_space<hbm>>
      %dma_start3A_135 = tpu.memref_slice %arg3[%mul3A_40] : memref<323584xi32, #tpu.memory_space<hbm>> -> memref<128xi32, #tpu.memory_space<hbm>>
      tpu.enqueue_dma source(%dma_start3A_135 : memref<128xi32, #tpu.memory_space<hbm>>) target(%arg9 : memref<128xi32, #tpu.memory_space<vmem>>) target_semaphore(%run_scoped3A_133 : memref<!tpu.dma_semaphore, #tpu.memory_space<semaphore_mem>>)
      %dma_wait3A = tpu.memref_slice %arg3[%mul3A_40] : memref<323584xi32, #tpu.memory_space<hbm>> -> memref<128xi32, #tpu.memory_space<hbm>>
      %dma_wait3A_136 = tpu.memref_slice %arg3[%mul3A_40] : memref<323584xi32, #tpu.memory_space<hbm>> -> memref<128xi32, #tpu.memory_space<hbm>>
      tpu.wait_dma2 semaphore(%run_scoped3A_133 : memref<!tpu.dma_semaphore, #tpu.memory_space<semaphore_mem>>) src(%dma_wait3A_136 : memref<128xi32, #tpu.memory_space<hbm>>) dst(%arg9 : memref<128xi32, #tpu.memory_space<vmem>>)
      tpu.yield
    }) : () -> ()
    %run_scoped3A_41 = arith.constant 0 : i32
    "tpu.region"() ({
      %run_scoped3A_133 = tpu.sem_alloc : memref<!tpu.dma_semaphore, #tpu.memory_space<semaphore_mem>>
      %dma_start3A_134 = arith.constant 0 : i32
      %dma_start3A_135 = tpu.memref_slice %arg10[%run_scoped3A_41, %dma_start3A_134] : memref<1x128xi32, #tpu.memory_space<vmem>> -> memref<1x128xi32, #tpu.memory_space<vmem>>
      %dma_start3A_136 = tpu.memref_squeeze %dma_start3A_135 : memref<1x128xi32, #tpu.memory_space<vmem>> -> memref<128xi32, #tpu.memory_space<vmem>>
      %dma_start3A_137 = tpu.memref_slice %arg4[%mul3A_40] : memref<323584xi32, #tpu.memory_space<hbm>> -> memref<128xi32, #tpu.memory_space<hbm>>
      %dma_start3A_138 = arith.constant 0 : i32
      %dma_start3A_139 = tpu.memref_slice %arg10[%run_scoped3A_41, %dma_start3A_138] : memref<1x128xi32, #tpu.memory_space<vmem>> -> memref<1x128xi32, #tpu.memory_space<vmem>>
      %dma_start3A_140 = tpu.memref_squeeze %dma_start3A_139 : memref<1x128xi32, #tpu.memory_space<vmem>> -> memref<128xi32, #tpu.memory_space<vmem>>
      %dma_start3A_141 = tpu.memref_slice %arg4[%mul3A_40] : memref<323584xi32, #tpu.memory_space<hbm>> -> memref<128xi32, #tpu.memory_space<hbm>>
      tpu.enqueue_dma source(%dma_start3A_141 : memref<128xi32, #tpu.memory_space<hbm>>) target(%dma_start3A_140 : memref<128xi32, #tpu.memory_space<vmem>>) target_semaphore(%run_scoped3A_133 : memref<!tpu.dma_semaphore, #tpu.memory_space<semaphore_mem>>)
      %dma_wait3A = arith.constant 0 : i32
      %dma_wait3A_142 = tpu.memref_slice %arg10[%run_scoped3A_41, %dma_wait3A] : memref<1x128xi32, #tpu.memory_space<vmem>> -> memref<1x128xi32, #tpu.memory_space<vmem>>
      %dma_wait3A_143 = tpu.memref_squeeze %dma_wait3A_142 : memref<1x128xi32, #tpu.memory_space<vmem>> -> memref<128xi32, #tpu.memory_space<vmem>>
      %dma_wait3A_144 = tpu.memref_slice %arg4[%mul3A_40] : memref<323584xi32, #tpu.memory_space<hbm>> -> memref<128xi32, #tpu.memory_space<hbm>>
      %dma_wait3A_145 = arith.constant 0 : i32
      %dma_wait3A_146 = tpu.memref_slice %arg10[%run_scoped3A_41, %dma_wait3A_145] : memref<1x128xi32, #tpu.memory_space<vmem>> -> memref<1x128xi32, #tpu.memory_space<vmem>>
      %dma_wait3A_147 = tpu.memref_squeeze %dma_wait3A_146 : memref<1x128xi32, #tpu.memory_space<vmem>> -> memref<128xi32, #tpu.memory_space<vmem>>
      %dma_wait3A_148 = tpu.memref_slice %arg4[%mul3A_40] : memref<323584xi32, #tpu.memory_space<hbm>> -> memref<128xi32, #tpu.memory_space<hbm>>
      tpu.wait_dma2 semaphore(%run_scoped3A_133 : memref<!tpu.dma_semaphore, #tpu.memory_space<semaphore_mem>>) src(%dma_wait3A_148 : memref<128xi32, #tpu.memory_space<hbm>>) dst(%dma_wait3A_147 : memref<128xi32, #tpu.memory_space<vmem>>)
      tpu.yield
    }) : () -> ()
    "tpu.region"() ({
      %run_scoped3A_133 = tpu.sem_alloc : memref<!tpu.dma_semaphore, #tpu.memory_space<semaphore_mem>>
      %dma_start3A_134 = tpu.memref_slice %arg5[%add3A_5, %mul3A_40] : memref<8x323584xf32, #tpu.memory_space<hbm>> -> memref<1x128xf32, #tpu.memory_space<hbm>>
      %dma_start3A_135 = tpu.memref_squeeze %dma_start3A_134 : memref<1x128xf32, #tpu.memory_space<hbm>> -> memref<128xf32, #tpu.memory_space<hbm>>
      %dma_start3A_136 = tpu.memref_slice %arg5[%add3A_5, %mul3A_40] : memref<8x323584xf32, #tpu.memory_space<hbm>> -> memref<1x128xf32, #tpu.memory_space<hbm>>
      %dma_start3A_137 = tpu.memref_squeeze %dma_start3A_136 : memref<1x128xf32, #tpu.memory_space<hbm>> -> memref<128xf32, #tpu.memory_space<hbm>>
      tpu.enqueue_dma source(%dma_start3A_137 : memref<128xf32, #tpu.memory_space<hbm>>) target(%arg12 : memref<128xf32, #tpu.memory_space<vmem>>) target_semaphore(%run_scoped3A_133 : memref<!tpu.dma_semaphore, #tpu.memory_space<semaphore_mem>>)
      %dma_wait3A = tpu.memref_slice %arg5[%add3A_5, %mul3A_40] : memref<8x323584xf32, #tpu.memory_space<hbm>> -> memref<1x128xf32, #tpu.memory_space<hbm>>
      %dma_wait3A_138 = tpu.memref_squeeze %dma_wait3A : memref<1x128xf32, #tpu.memory_space<hbm>> -> memref<128xf32, #tpu.memory_space<hbm>>
      %dma_wait3A_139 = tpu.memref_slice %arg5[%add3A_5, %mul3A_40] : memref<8x323584xf32, #tpu.memory_space<hbm>> -> memref<1x128xf32, #tpu.memory_space<hbm>>
      %dma_wait3A_140 = tpu.memref_squeeze %dma_wait3A_139 : memref<1x128xf32, #tpu.memory_space<hbm>> -> memref<128xf32, #tpu.memory_space<hbm>>
      tpu.wait_dma2 semaphore(%run_scoped3A_133 : memref<!tpu.dma_semaphore, #tpu.memory_space<semaphore_mem>>) src(%dma_wait3A_140 : memref<128xf32, #tpu.memory_space<hbm>>) dst(%arg12 : memref<128xf32, #tpu.memory_space<vmem>>)
      tpu.yield
    }) : () -> ()
    %dma_start3A = arith.constant 0 : i32
    %dma_start3A_42 = arith.constant 0 : i32
    %dma_start3A_43 = tpu.memref_slice %arg2[%dma_start3A, %dma_start3A_42] : memref<10000x128xf32, #tpu.memory_space<hbm>> -> memref<10000x128xf32, #tpu.memory_space<hbm>>
    tpu.enqueue_indirect_dma source(%dma_start3A_43 : memref<10000x128xf32, #tpu.memory_space<hbm>>) target(%arg11 : memref<128x128xf32, #tpu.memory_space<vmem>>) offsets(%arg9 : memref<128xi32, #tpu.memory_space<vmem>>) semaphore(%arg20 : memref<!tpu.dma_semaphore, #tpu.memory_space<semaphore_mem>>)
    %scan3A_44 = arith.constant 0 : i32
    %scan3A_45 = arith.constant 79 : i32
    %scan3A_46 = arith.addi %scan3A_44, %scan3A_45 : i32
    %scan3A_47 = arith.constant 1 : i32
    scf.for %scan3A_133 = %scan3A_44 to %scan3A_46 step %scan3A_47  : i32 {
      %mul3A_134 = arith.constant 1 : i32
      %mul3A_135 = arith.muli %scan3A_133, %mul3A_134 : i32
      %add3A_136 = arith.constant 0 : i32
      %add3A_137 = arith.addi %add3A_136, %mul3A_135 : i32
      %mul3A_138 = arith.constant 2 : i32
      %mul3A_139 = arith.muli %mul3A_138, %add3A_137 : i32
      %add3A_140 = arith.constant 1 : i32
      %add3A_141 = arith.addi %mul3A_139, %add3A_140 : i32
      %lt3A = arith.constant 158 : i32
      %lt3A_142 = arith.cmpi slt, %add3A_141, %lt3A : i32
      %convert_element_type3A_143 = arith.extui %lt3A_142 : i1 to i32
      %cond3A_144 = arith.constant 0 : i32
      %cond3A_145 = arith.cmpi ne, %convert_element_type3A_143, %cond3A_144 : i32
      scf.if %cond3A_145 {
        %mul3A_320 = arith.constant 20224 : i32
        %mul3A_321 = arith.muli %arg1, %mul3A_320 : i32
        %add3A_322 = arith.constant 1 : i32
        %add3A_323 = arith.addi %mul3A_139, %add3A_322 : i32
        %mul3A_324 = arith.constant 128 : i32
        %mul3A_325 = arith.muli %add3A_323, %mul3A_324 : i32
        %add3A_326 = arith.addi %mul3A_321, %mul3A_325 : i32
        "tpu.region"() ({
          %run_scoped3A_331 = tpu.sem_alloc : memref<!tpu.dma_semaphore, #tpu.memory_space<semaphore_mem>>
          %dma_start3A_332 = tpu.memref_slice %arg3[%add3A_326] : memref<323584xi32, #tpu.memory_space<hbm>> -> memref<128xi32, #tpu.memory_space<hbm>>
          %dma_start3A_333 = tpu.memref_slice %arg3[%add3A_326] : memref<323584xi32, #tpu.memory_space<hbm>> -> memref<128xi32, #tpu.memory_space<hbm>>
          tpu.enqueue_dma source(%dma_start3A_333 : memref<128xi32, #tpu.memory_space<hbm>>) target(%arg16 : memref<128xi32, #tpu.memory_space<vmem>>) target_semaphore(%run_scoped3A_331 : memref<!tpu.dma_semaphore, #tpu.memory_space<semaphore_mem>>)
          %dma_wait3A_334 = tpu.memref_slice %arg3[%add3A_326] : memref<323584xi32, #tpu.memory_space<hbm>> -> memref<128xi32, #tpu.memory_space<hbm>>
          %dma_wait3A_335 = tpu.memref_slice %arg3[%add3A_326] : memref<323584xi32, #tpu.memory_space<hbm>> -> memref<128xi32, #tpu.memory_space<hbm>>
          tpu.wait_dma2 semaphore(%run_scoped3A_331 : memref<!tpu.dma_semaphore, #tpu.memory_space<semaphore_mem>>) src(%dma_wait3A_335 : memref<128xi32, #tpu.memory_space<hbm>>) dst(%arg16 : memref<128xi32, #tpu.memory_space<vmem>>)
          tpu.yield
        }) : () -> ()
        %run_scoped3A_327 = arith.constant 0 : i32
        "tpu.region"() ({
          %run_scoped3A_331 = tpu.sem_alloc : memref<!tpu.dma_semaphore, #tpu.memory_space<semaphore_mem>>
          %dma_start3A_332 = arith.constant 0 : i32
          %dma_start3A_333 = tpu.memref_slice %arg17[%run_scoped3A_327, %dma_start3A_332] : memref<1x128xi32, #tpu.memory_space<vmem>> -> memref<1x128xi32, #tpu.memory_space<vmem>>
          %dma_start3A_334 = tpu.memref_squeeze %dma_start3A_333 : memref<1x128xi32, #tpu.memory_space<vmem>> -> memref<128xi32, #tpu.memory_space<vmem>>
          %dma_start3A_335 = tpu.memref_slice %arg4[%add3A_326] : memref<323584xi32, #tpu.memory_space<hbm>> -> memref<128xi32, #tpu.memory_space<hbm>>
          %dma_start3A_336 = arith.constant 0 : i32
          %dma_start3A_337 = tpu.memref_slice %arg17[%run_scoped3A_327, %dma_start3A_336] : memref<1x128xi32, #tpu.memory_space<vmem>> -> memref<1x128xi32, #tpu.memory_space<vmem>>
          %dma_start3A_338 = tpu.memref_squeeze %dma_start3A_337 : memref<1x128xi32, #tpu.memory_space<vmem>> -> memref<128xi32, #tpu.memory_space<vmem>>
          %dma_start3A_339 = tpu.memref_slice %arg4[%add3A_326] : memref<323584xi32, #tpu.memory_space<hbm>> -> memref<128xi32, #tpu.memory_space<hbm>>
          tpu.enqueue_dma source(%dma_start3A_339 : memref<128xi32, #tpu.memory_space<hbm>>) target(%dma_start3A_338 : memref<128xi32, #tpu.memory_space<vmem>>) target_semaphore(%run_scoped3A_331 : memref<!tpu.dma_semaphore, #tpu.memory_space<semaphore_mem>>)
          %dma_wait3A_340 = arith.constant 0 : i32
          %dma_wait3A_341 = tpu.memref_slice %arg17[%run_scoped3A_327, %dma_wait3A_340] : memref<1x128xi32, #tpu.memory_space<vmem>> -> memref<1x128xi32, #tpu.memory_space<vmem>>
          %dma_wait3A_342 = tpu.memref_squeeze %dma_wait3A_341 : memref<1x128xi32, #tpu.memory_space<vmem>> -> memref<128xi32, #tpu.memory_space<vmem>>
          %dma_wait3A_343 = tpu.memref_slice %arg4[%add3A_326] : memref<323584xi32, #tpu.memory_space<hbm>> -> memref<128xi32, #tpu.memory_space<hbm>>
          %dma_wait3A_344 = arith.constant 0 : i32
          %dma_wait3A_345 = tpu.memref_slice %arg17[%run_scoped3A_327, %dma_wait3A_344] : memref<1x128xi32, #tpu.memory_space<vmem>> -> memref<1x128xi32, #tpu.memory_space<vmem>>
          %dma_wait3A_346 = tpu.memref_squeeze %dma_wait3A_345 : memref<1x128xi32, #tpu.memory_space<vmem>> -> memref<128xi32, #tpu.memory_space<vmem>>
          %dma_wait3A_347 = tpu.memref_slice %arg4[%add3A_326] : memref<323584xi32, #tpu.memory_space<hbm>> -> memref<128xi32, #tpu.memory_space<hbm>>
          tpu.wait_dma2 semaphore(%run_scoped3A_331 : memref<!tpu.dma_semaphore, #tpu.memory_space<semaphore_mem>>) src(%dma_wait3A_347 : memref<128xi32, #tpu.memory_space<hbm>>) dst(%dma_wait3A_346 : memref<128xi32, #tpu.memory_space<vmem>>)
          tpu.yield
        }) : () -> ()
        "tpu.region"() ({
          %run_scoped3A_331 = tpu.sem_alloc : memref<!tpu.dma_semaphore, #tpu.memory_space<semaphore_mem>>
          %dma_start3A_332 = tpu.memref_slice %arg5[%add3A_5, %add3A_326] : memref<8x323584xf32, #tpu.memory_space<hbm>> -> memref<1x128xf32, #tpu.memory_space<hbm>>
          %dma_start3A_333 = tpu.memref_squeeze %dma_start3A_332 : memref<1x128xf32, #tpu.memory_space<hbm>> -> memref<128xf32, #tpu.memory_space<hbm>>
          %dma_start3A_334 = tpu.memref_slice %arg5[%add3A_5, %add3A_326] : memref<8x323584xf32, #tpu.memory_space<hbm>> -> memref<1x128xf32, #tpu.memory_space<hbm>>
          %dma_start3A_335 = tpu.memref_squeeze %dma_start3A_334 : memref<1x128xf32, #tpu.memory_space<hbm>> -> memref<128xf32, #tpu.memory_space<hbm>>
          tpu.enqueue_dma source(%dma_start3A_335 : memref<128xf32, #tpu.memory_space<hbm>>) target(%arg19 : memref<128xf32, #tpu.memory_space<vmem>>) target_semaphore(%run_scoped3A_331 : memref<!tpu.dma_semaphore, #tpu.memory_space<semaphore_mem>>)
          %dma_wait3A_336 = tpu.memref_slice %arg5[%add3A_5, %add3A_326] : memref<8x323584xf32, #tpu.memory_space<hbm>> -> memref<1x128xf32, #tpu.memory_space<hbm>>
          %dma_wait3A_337 = tpu.memref_squeeze %dma_wait3A_336 : memref<1x128xf32, #tpu.memory_space<hbm>> -> memref<128xf32, #tpu.memory_space<hbm>>
          %dma_wait3A_338 = tpu.memref_slice %arg5[%add3A_5, %add3A_326] : memref<8x323584xf32, #tpu.memory_space<hbm>> -> memref<1x128xf32, #tpu.memory_space<hbm>>
          %dma_wait3A_339 = tpu.memref_squeeze %dma_wait3A_338 : memref<1x128xf32, #tpu.memory_space<hbm>> -> memref<128xf32, #tpu.memory_space<hbm>>
          tpu.wait_dma2 semaphore(%run_scoped3A_331 : memref<!tpu.dma_semaphore, #tpu.memory_space<semaphore_mem>>) src(%dma_wait3A_339 : memref<128xf32, #tpu.memory_space<hbm>>) dst(%arg19 : memref<128xf32, #tpu.memory_space<vmem>>)
          tpu.yield
        }) : () -> ()
        %dma_start3A_328 = arith.constant 0 : i32
        %dma_start3A_329 = arith.constant 0 : i32
        %dma_start3A_330 = tpu.memref_slice %arg2[%dma_start3A_328, %dma_start3A_329] : memref<10000x128xf32, #tpu.memory_space<hbm>> -> memref<10000x128xf32, #tpu.memory_space<hbm>>
        tpu.enqueue_indirect_dma source(%dma_start3A_330 : memref<10000x128xf32, #tpu.memory_space<hbm>>) target(%arg18 : memref<128x128xf32, #tpu.memory_space<vmem>>) offsets(%arg16 : memref<128xi32, #tpu.memory_space<vmem>>) semaphore(%arg21 : memref<!tpu.dma_semaphore, #tpu.memory_space<semaphore_mem>>)
      } else {
      }
      %dma_wait3A = arith.constant 0 : i32
      %dma_wait3A_146 = arith.constant 0 : i32
      %dma_wait3A_147 = tpu.memref_slice %arg2[%dma_wait3A, %dma_wait3A_146] : memref<10000x128xf32, #tpu.memory_space<hbm>> -> memref<10000x128xf32, #tpu.memory_space<hbm>>
      tpu.wait_indirect_dma semaphore(%arg20 : memref<!tpu.dma_semaphore, #tpu.memory_space<semaphore_mem>>) src(%dma_wait3A_147 : memref<10000x128xf32, #tpu.memory_space<hbm>>) dst(%arg11 : memref<128x128xf32, #tpu.memory_space<vmem>>)
      %get3A = arith.constant 0 : index
      %get3A_148 = tpu.vector_load %arg14[%get3A] {strides = array<i32>} : memref<16xf32, #tpu.memory_space<vmem>>, vector<16xf32>,
      %get3A_149 = arith.constant 0 : index
      %get3A_150 = tpu.vector_load %arg12[%get3A_149] {strides = array<i32>} : memref<128xf32, #tpu.memory_space<vmem>>, vector<16xf32>,
      %sub3A = arith.subf %get3A_150, %get3A_148 : vector<16xf32>
      %exp3A = math.exp %sub3A : vector<16xf32>
      %swap3A = arith.constant 0 : index
      %swap3A_151 = tpu.vector_load %arg13[%swap3A] {strides = array<i32>} : memref<128xf32, #tpu.memory_space<vmem>>, vector<16xf32>,
      tpu.vector_store %arg13[%swap3A], %exp3A {strides = array<i32>} : memref<128xf32, #tpu.memory_space<vmem>>, vector<16xf32>,
      %get3A_152 = arith.constant 16 : index
      %get3A_153 = tpu.vector_load %arg12[%get3A_152] {strides = array<i32>} : memref<128xf32, #tpu.memory_space<vmem>>, vector<16xf32>,
      %sub3A_154 = arith.subf %get3A_153, %get3A_148 : vector<16xf32>
      %exp3A_155 = math.exp %sub3A_154 : vector<16xf32>
      %swap3A_156 = arith.constant 16 : index
      %swap3A_157 = tpu.vector_load %arg13[%swap3A_156] {strides = array<i32>} : memref<128xf32, #tpu.memory_space<vmem>>, vector<16xf32>,
      tpu.vector_store %arg13[%swap3A_156], %exp3A_155 {strides = array<i32>} : memref<128xf32, #tpu.memory_space<vmem>>, vector<16xf32>,
      %get3A_158 = arith.constant 32 : index
      %get3A_159 = tpu.vector_load %arg12[%get3A_158] {strides = array<i32>} : memref<128xf32, #tpu.memory_space<vmem>>, vector<16xf32>,
      %sub3A_160 = arith.subf %get3A_159, %get3A_148 : vector<16xf32>
      %exp3A_161 = math.exp %sub3A_160 : vector<16xf32>
      %swap3A_162 = arith.constant 32 : index
      %swap3A_163 = tpu.vector_load %arg13[%swap3A_162] {strides = array<i32>} : memref<128xf32, #tpu.memory_space<vmem>>, vector<16xf32>,
      tpu.vector_store %arg13[%swap3A_162], %exp3A_161 {strides = array<i32>} : memref<128xf32, #tpu.memory_space<vmem>>, vector<16xf32>,
      %get3A_164 = arith.constant 48 : index
      %get3A_165 = tpu.vector_load %arg12[%get3A_164] {strides = array<i32>} : memref<128xf32, #tpu.memory_space<vmem>>, vector<16xf32>,
      %sub3A_166 = arith.subf %get3A_165, %get3A_148 : vector<16xf32>
      %exp3A_167 = math.exp %sub3A_166 : vector<16xf32>
      %swap3A_168 = arith.constant 48 : index
      %swap3A_169 = tpu.vector_load %arg13[%swap3A_168] {strides = array<i32>} : memref<128xf32, #tpu.memory_space<vmem>>, vector<16xf32>,
      tpu.vector_store %arg13[%swap3A_168], %exp3A_167 {strides = array<i32>} : memref<128xf32, #tpu.memory_space<vmem>>, vector<16xf32>,
      %get3A_170 = arith.constant 64 : index
      %get3A_171 = tpu.vector_load %arg12[%get3A_170] {strides = array<i32>} : memref<128xf32, #tpu.memory_space<vmem>>, vector<16xf32>,
      %sub3A_172 = arith.subf %get3A_171, %get3A_148 : vector<16xf32>
      %exp3A_173 = math.exp %sub3A_172 : vector<16xf32>
      %swap3A_174 = arith.constant 64 : index
      %swap3A_175 = tpu.vector_load %arg13[%swap3A_174] {strides = array<i32>} : memref<128xf32, #tpu.memory_space<vmem>>, vector<16xf32>,
      tpu.vector_store %arg13[%swap3A_174], %exp3A_173 {strides = array<i32>} : memref<128xf32, #tpu.memory_space<vmem>>, vector<16xf32>,
      %get3A_176 = arith.constant 80 : index
      %get3A_177 = tpu.vector_load %arg12[%get3A_176] {strides = array<i32>} : memref<128xf32, #tpu.memory_space<vmem>>, vector<16xf32>,
      %sub3A_178 = arith.subf %get3A_177, %get3A_148 : vector<16xf32>
      %exp3A_179 = math.exp %sub3A_178 : vector<16xf32>
      %swap3A_180 = arith.constant 80 : index
      %swap3A_181 = tpu.vector_load %arg13[%swap3A_180] {strides = array<i32>} : memref<128xf32, #tpu.memory_space<vmem>>, vector<16xf32>,
      tpu.vector_store %arg13[%swap3A_180], %exp3A_179 {strides = array<i32>} : memref<128xf32, #tpu.memory_space<vmem>>, vector<16xf32>,
      %get3A_182 = arith.constant 96 : index
      %get3A_183 = tpu.vector_load %arg12[%get3A_182] {strides = array<i32>} : memref<128xf32, #tpu.memory_space<vmem>>, vector<16xf32>,
      %sub3A_184 = arith.subf %get3A_183, %get3A_148 : vector<16xf32>
      %exp3A_185 = math.exp %sub3A_184 : vector<16xf32>
      %swap3A_186 = arith.constant 96 : index
      %swap3A_187 = tpu.vector_load %arg13[%swap3A_186] {strides = array<i32>} : memref<128xf32, #tpu.memory_space<vmem>>, vector<16xf32>,
      tpu.vector_store %arg13[%swap3A_186], %exp3A_185 {strides = array<i32>} : memref<128xf32, #tpu.memory_space<vmem>>, vector<16xf32>,
      %get3A_188 = arith.constant 112 : index
      %get3A_189 = tpu.vector_load %arg12[%get3A_188] {strides = array<i32>} : memref<128xf32, #tpu.memory_space<vmem>>, vector<16xf32>,
      %sub3A_190 = arith.subf %get3A_189, %get3A_148 : vector<16xf32>
      %exp3A_191 = math.exp %sub3A_190 : vector<16xf32>
      %swap3A_192 = arith.constant 112 : index
      %swap3A_193 = tpu.vector_load %arg13[%swap3A_192] {strides = array<i32>} : memref<128xf32, #tpu.memory_space<vmem>>, vector<16xf32>,
      tpu.vector_store %arg13[%swap3A_192], %exp3A_191 {strides = array<i32>} : memref<128xf32, #tpu.memory_space<vmem>>, vector<16xf32>,
      %scan3A_194 = arith.constant 0 : i32
      %scan3A_195 = arith.constant 128 : i32
      %scan3A_196 = arith.addi %scan3A_194, %scan3A_195 : i32
      %scan3A_197 = arith.constant 1 : i32
      scf.for %scan3A_320 = %scan3A_194 to %scan3A_196 step %scan3A_197  : i32 {
        %mul3A_321 = arith.constant 1 : i32
        %mul3A_322 = arith.muli %scan3A_320, %mul3A_321 : i32
        %add3A_323 = arith.constant 0 : i32
        %add3A_324 = arith.addi %add3A_323, %mul3A_322 : i32
        %broadcast_in_dim3A = vector.broadcast %add3A_324 : i32 to vector<16xi32>
        %gather3A = tpu.vector_load_idx %arg13[%broadcast_in_dim3A] : memref<128xf32, #tpu.memory_space<vmem>>[vector<16xi32>], vector<16xf32>,
        %get3A_325 = arith.constant 0 : i32
        %get3A_326 = tpu.memref_slice %arg11[%add3A_324, %get3A_325] : memref<128x128xf32, #tpu.memory_space<vmem>> -> memref<1x128xf32, #tpu.memory_space<vmem>>
        %get3A_327 = tpu.memref_squeeze %get3A_326 : memref<1x128xf32, #tpu.memory_space<vmem>> -> memref<128xf32, #tpu.memory_space<vmem>>
        %get3A_328 = arith.constant 0 : index
        %get3A_329 = tpu.vector_load %get3A_327[%get3A_328] {strides = array<i32>} : memref<128xf32, #tpu.memory_space<vmem>>, vector<16xf32>,
        %get3A_330 = vector.shape_cast %get3A_329 : vector<16xf32> to vector<16xf32>
        %mul3A_331 = arith.mulf %get3A_330, %gather3A : vector<16xf32>
        %swap3A_332 = arith.constant 0 : i32
        %swap3A_333 = tpu.memref_slice %arg11[%add3A_324, %swap3A_332] : memref<128x128xf32, #tpu.memory_space<vmem>> -> memref<1x128xf32, #tpu.memory_space<vmem>>
        %swap3A_334 = tpu.memref_squeeze %swap3A_333 : memref<1x128xf32, #tpu.memory_space<vmem>> -> memref<128xf32, #tpu.memory_space<vmem>>
        %swap3A_335 = arith.constant 0 : index
        %swap3A_336 = tpu.vector_load %swap3A_334[%swap3A_335] {strides = array<i32>} : memref<128xf32, #tpu.memory_space<vmem>>, vector<16xf32>,
        %swap3A_337 = vector.shape_cast %swap3A_336 : vector<16xf32> to vector<16xf32>
        %swap3A_338 = vector.shape_cast %mul3A_331 : vector<16xf32> to vector<16xf32>
        tpu.vector_store %swap3A_334[%swap3A_335], %swap3A_338 {strides = array<i32>} : memref<128xf32, #tpu.memory_space<vmem>>, vector<16xf32>,
        %get3A_339 = arith.constant 0 : i32
        %get3A_340 = tpu.memref_slice %arg11[%add3A_324, %get3A_339] : memref<128x128xf32, #tpu.memory_space<vmem>> -> memref<1x128xf32, #tpu.memory_space<vmem>>
        %get3A_341 = tpu.memref_squeeze %get3A_340 : memref<1x128xf32, #tpu.memory_space<vmem>> -> memref<128xf32, #tpu.memory_space<vmem>>
        %get3A_342 = arith.constant 16 : index
        %get3A_343 = tpu.vector_load %get3A_341[%get3A_342] {strides = array<i32>} : memref<128xf32, #tpu.memory_space<vmem>>, vector<16xf32>,
        %get3A_344 = vector.shape_cast %get3A_343 : vector<16xf32> to vector<16xf32>
        %mul3A_345 = arith.mulf %get3A_344, %gather3A : vector<16xf32>
        %swap3A_346 = arith.constant 0 : i32
        %swap3A_347 = tpu.memref_slice %arg11[%add3A_324, %swap3A_346] : memref<128x128xf32, #tpu.memory_space<vmem>> -> memref<1x128xf32, #tpu.memory_space<vmem>>
        %swap3A_348 = tpu.memref_squeeze %swap3A_347 : memref<1x128xf32, #tpu.memory_space<vmem>> -> memref<128xf32, #tpu.memory_space<vmem>>
        %swap3A_349 = arith.constant 16 : index
        %swap3A_350 = tpu.vector_load %swap3A_348[%swap3A_349] {strides = array<i32>} : memref<128xf32, #tpu.memory_space<vmem>>, vector<16xf32>,
        %swap3A_351 = vector.shape_cast %swap3A_350 : vector<16xf32> to vector<16xf32>
        %swap3A_352 = vector.shape_cast %mul3A_345 : vector<16xf32> to vector<16xf32>
        tpu.vector_store %swap3A_348[%swap3A_349], %swap3A_352 {strides = array<i32>} : memref<128xf32, #tpu.memory_space<vmem>>, vector<16xf32>,
        %get3A_353 = arith.constant 0 : i32
        %get3A_354 = tpu.memref_slice %arg11[%add3A_324, %get3A_353] : memref<128x128xf32, #tpu.memory_space<vmem>> -> memref<1x128xf32, #tpu.memory_space<vmem>>
        %get3A_355 = tpu.memref_squeeze %get3A_354 : memref<1x128xf32, #tpu.memory_space<vmem>> -> memref<128xf32, #tpu.memory_space<vmem>>
        %get3A_356 = arith.constant 32 : index
        %get3A_357 = tpu.vector_load %get3A_355[%get3A_356] {strides = array<i32>} : memref<128xf32, #tpu.memory_space<vmem>>, vector<16xf32>,
        %get3A_358 = vector.shape_cast %get3A_357 : vector<16xf32> to vector<16xf32>
        %mul3A_359 = arith.mulf %get3A_358, %gather3A : vector<16xf32>
        %swap3A_360 = arith.constant 0 : i32
        %swap3A_361 = tpu.memref_slice %arg11[%add3A_324, %swap3A_360] : memref<128x128xf32, #tpu.memory_space<vmem>> -> memref<1x128xf32, #tpu.memory_space<vmem>>
        %swap3A_362 = tpu.memref_squeeze %swap3A_361 : memref<1x128xf32, #tpu.memory_space<vmem>> -> memref<128xf32, #tpu.memory_space<vmem>>
        %swap3A_363 = arith.constant 32 : index
        %swap3A_364 = tpu.vector_load %swap3A_362[%swap3A_363] {strides = array<i32>} : memref<128xf32, #tpu.memory_space<vmem>>, vector<16xf32>,
        %swap3A_365 = vector.shape_cast %swap3A_364 : vector<16xf32> to vector<16xf32>
        %swap3A_366 = vector.shape_cast %mul3A_359 : vector<16xf32> to vector<16xf32>
        tpu.vector_store %swap3A_362[%swap3A_363], %swap3A_366 {strides = array<i32>} : memref<128xf32, #tpu.memory_space<vmem>>, vector<16xf32>,
        %get3A_367 = arith.constant 0 : i32
        %get3A_368 = tpu.memref_slice %arg11[%add3A_324, %get3A_367] : memref<128x128xf32, #tpu.memory_space<vmem>> -> memref<1x128xf32, #tpu.memory_space<vmem>>
        %get3A_369 = tpu.memref_squeeze %get3A_368 : memref<1x128xf32, #tpu.memory_space<vmem>> -> memref<128xf32, #tpu.memory_space<vmem>>
        %get3A_370 = arith.constant 48 : index
        %get3A_371 = tpu.vector_load %get3A_369[%get3A_370] {strides = array<i32>} : memref<128xf32, #tpu.memory_space<vmem>>, vector<16xf32>,
        %get3A_372 = vector.shape_cast %get3A_371 : vector<16xf32> to vector<16xf32>
        %mul3A_373 = arith.mulf %get3A_372, %gather3A : vector<16xf32>
        %swap3A_374 = arith.constant 0 : i32
        %swap3A_375 = tpu.memref_slice %arg11[%add3A_324, %swap3A_374] : memref<128x128xf32, #tpu.memory_space<vmem>> -> memref<1x128xf32, #tpu.memory_space<vmem>>
        %swap3A_376 = tpu.memref_squeeze %swap3A_375 : memref<1x128xf32, #tpu.memory_space<vmem>> -> memref<128xf32, #tpu.memory_space<vmem>>
        %swap3A_377 = arith.constant 48 : index
        %swap3A_378 = tpu.vector_load %swap3A_376[%swap3A_377] {strides = array<i32>} : memref<128xf32, #tpu.memory_space<vmem>>, vector<16xf32>,
        %swap3A_379 = vector.shape_cast %swap3A_378 : vector<16xf32> to vector<16xf32>
        %swap3A_380 = vector.shape_cast %mul3A_373 : vector<16xf32> to vector<16xf32>
        tpu.vector_store %swap3A_376[%swap3A_377], %swap3A_380 {strides = array<i32>} : memref<128xf32, #tpu.memory_space<vmem>>, vector<16xf32>,
        %get3A_381 = arith.constant 0 : i32
        %get3A_382 = tpu.memref_slice %arg11[%add3A_324, %get3A_381] : memref<128x128xf32, #tpu.memory_space<vmem>> -> memref<1x128xf32, #tpu.memory_space<vmem>>
        %get3A_383 = tpu.memref_squeeze %get3A_382 : memref<1x128xf32, #tpu.memory_space<vmem>> -> memref<128xf32, #tpu.memory_space<vmem>>
        %get3A_384 = arith.constant 64 : index
        %get3A_385 = tpu.vector_load %get3A_383[%get3A_384] {strides = array<i32>} : memref<128xf32, #tpu.memory_space<vmem>>, vector<16xf32>,
        %get3A_386 = vector.shape_cast %get3A_385 : vector<16xf32> to vector<16xf32>
        %mul3A_387 = arith.mulf %get3A_386, %gather3A : vector<16xf32>
        %swap3A_388 = arith.constant 0 : i32
        %swap3A_389 = tpu.memref_slice %arg11[%add3A_324, %swap3A_388] : memref<128x128xf32, #tpu.memory_space<vmem>> -> memref<1x128xf32, #tpu.memory_space<vmem>>
        %swap3A_390 = tpu.memref_squeeze %swap3A_389 : memref<1x128xf32, #tpu.memory_space<vmem>> -> memref<128xf32, #tpu.memory_space<vmem>>
        %swap3A_391 = arith.constant 64 : index
        %swap3A_392 = tpu.vector_load %swap3A_390[%swap3A_391] {strides = array<i32>} : memref<128xf32, #tpu.memory_space<vmem>>, vector<16xf32>,
        tpu.vector_store %swap3A_390[%swap3A_391], %mul3A_387 {strides = array<i32>} : memref<128xf32, #tpu.memory_space<vmem>>, vector<16xf32>,
        %get3A_393 = arith.constant 0 : i32
        %get3A_394 = tpu.memref_slice %arg11[%add3A_324, %get3A_393] : memref<128x128xf32, #tpu.memory_space<vmem>> -> memref<1x128xf32, #tpu.memory_space<vmem>>
        %get3A_395 = tpu.memref_squeeze %get3A_394 : memref<1x128xf32, #tpu.memory_space<vmem>> -> memref<128xf32, #tpu.memory_space<vmem>>
        %get3A_396 = arith.constant 80 : index
        %get3A_397 = tpu.vector_load %get3A_395[%get3A_396] {strides = array<i32>} : memref<128xf32, #tpu.memory_space<vmem>>, vector<16xf32>,
        %get3A_398 = vector.shape_cast %get3A_397 : vector<16xf32> to vector<16xf32>
        %mul3A_399 = arith.mulf %get3A_398, %gather3A : vector<16xf32>
        %swap3A_400 = arith.constant 0 : i32
        %swap3A_401 = tpu.memref_slice %arg11[%add3A_324, %swap3A_400] : memref<128x128xf32, #tpu.memory_space<vmem>> -> memref<1x128xf32, #tpu.memory_space<vmem>>
        %swap3A_402 = tpu.memref_squeeze %swap3A_401 : memref<1x128xf32, #tpu.memory_space<vmem>> -> memref<128xf32, #tpu.memory_space<vmem>>
        %swap3A_403 = arith.constant 80 : index
        %swap3A_404 = tpu.vector_load %swap3A_402[%swap3A_403] {strides = array<i32>} : memref<128xf32, #tpu.memory_space<vmem>>, vector<16xf32>,
        tpu.vector_store %swap3A_402[%swap3A_403], %mul3A_399 {strides = array<i32>} : memref<128xf32, #tpu.memory_space<vmem>>, vector<16xf32>,
        %get3A_405 = arith.constant 0 : i32
        %get3A_406 = tpu.memref_slice %arg11[%add3A_324, %get3A_405] : memref<128x128xf32, #tpu.memory_space<vmem>> -> memref<1x128xf32, #tpu.memory_space<vmem>>
        %get3A_407 = tpu.memref_squeeze %get3A_406 : memref<1x128xf32, #tpu.memory_space<vmem>> -> memref<128xf32, #tpu.memory_space<vmem>>
        %get3A_408 = arith.constant 96 : index
        %get3A_409 = tpu.vector_load %get3A_407[%get3A_408] {strides = array<i32>} : memref<128xf32, #tpu.memory_space<vmem>>, vector<16xf32>,
        %get3A_410 = vector.shape_cast %get3A_409 : vector<16xf32> to vector<16xf32>
        %mul3A_411 = arith.mulf %get3A_410, %gather3A : vector<16xf32>
        %swap3A_412 = arith.constant 0 : i32
        %swap3A_413 = tpu.memref_slice %arg11[%add3A_324, %swap3A_412] : memref<128x128xf32, #tpu.memory_space<vmem>> -> memref<1x128xf32, #tpu.memory_space<vmem>>
        %swap3A_414 = tpu.memref_squeeze %swap3A_413 : memref<1x128xf32, #tpu.memory_space<vmem>> -> memref<128xf32, #tpu.memory_space<vmem>>
        %swap3A_415 = arith.constant 96 : index
        %swap3A_416 = tpu.vector_load %swap3A_414[%swap3A_415] {strides = array<i32>} : memref<128xf32, #tpu.memory_space<vmem>>, vector<16xf32>,
        tpu.vector_store %swap3A_414[%swap3A_415], %mul3A_411 {strides = array<i32>} : memref<128xf32, #tpu.memory_space<vmem>>, vector<16xf32>,
        %get3A_417 = arith.constant 0 : i32
        %get3A_418 = tpu.memref_slice %arg11[%add3A_324, %get3A_417] : memref<128x128xf32, #tpu.memory_space<vmem>> -> memref<1x128xf32, #tpu.memory_space<vmem>>
        %get3A_419 = tpu.memref_squeeze %get3A_418 : memref<1x128xf32, #tpu.memory_space<vmem>> -> memref<128xf32, #tpu.memory_space<vmem>>
        %get3A_420 = arith.constant 112 : index
        %get3A_421 = tpu.vector_load %get3A_419[%get3A_420] {strides = array<i32>} : memref<128xf32, #tpu.memory_space<vmem>>, vector<16xf32>,
        %get3A_422 = vector.shape_cast %get3A_421 : vector<16xf32> to vector<16xf32>
        %mul3A_423 = arith.mulf %get3A_422, %gather3A : vector<16xf32>
        %swap3A_424 = arith.constant 0 : i32
        %swap3A_425 = tpu.memref_slice %arg11[%add3A_324, %swap3A_424] : memref<128x128xf32, #tpu.memory_space<vmem>> -> memref<1x128xf32, #tpu.memory_space<vmem>>
        %swap3A_426 = tpu.memref_squeeze %swap3A_425 : memref<1x128xf32, #tpu.memory_space<vmem>> -> memref<128xf32, #tpu.memory_space<vmem>>
        %swap3A_427 = arith.constant 112 : index
        %swap3A_428 = tpu.vector_load %swap3A_426[%swap3A_427] {strides = array<i32>} : memref<128xf32, #tpu.memory_space<vmem>>, vector<16xf32>,
        tpu.vector_store %swap3A_426[%swap3A_427], %mul3A_423 {strides = array<i32>} : memref<128xf32, #tpu.memory_space<vmem>>, vector<16xf32>,
      }
      %scan3A_198 = arith.constant 128 : i32
      %dma_start3A_199 = arith.constant 0 : i32
      %dma_start3A_200 = arith.constant 0 : i32
      %dma_start3A_201 = tpu.memref_slice %arg10[%dma_start3A_199, %dma_start3A_200] : memref<1x128xi32, #tpu.memory_space<vmem>> -> memref<1x128xi32, #tpu.memory_space<vmem>>
      %dma_start3A_202 = tpu.memref_squeeze %dma_start3A_201 : memref<1x128xi32, #tpu.memory_space<vmem>> -> memref<128xi32, #tpu.memory_space<vmem>>
      %dma_start3A_203 = arith.constant 0 : i32
      %dma_start3A_204 = tpu.memref_slice %arg24[%dma_start3A_203] : memref<10240xf32, #tpu.memory_space<vmem_shared>> -> memref<10240xf32, #tpu.memory_space<vmem_shared>>
      tpu.enqueue_indirect_dma source(%arg13 : memref<128xf32, #tpu.memory_space<vmem>>) target(%dma_start3A_204 : memref<10240xf32, #tpu.memory_space<vmem_shared>>) offsets(%dma_start3A_202 : memref<128xi32, #tpu.memory_space<vmem>>) semaphore(%arg22 : memref<!tpu.dma_semaphore, #tpu.memory_space<semaphore_mem>>) {add = true}
      %dma_start3A_205 = arith.constant 0 : i32
      %dma_start3A_206 = arith.constant 0 : i32
      %dma_start3A_207 = tpu.memref_slice %arg10[%dma_start3A_205, %dma_start3A_206] : memref<1x128xi32, #tpu.memory_space<vmem>> -> memref<1x128xi32, #tpu.memory_space<vmem>>
      %dma_start3A_208 = tpu.memref_squeeze %dma_start3A_207 : memref<1x128xi32, #tpu.memory_space<vmem>> -> memref<128xi32, #tpu.memory_space<vmem>>
      %dma_start3A_209 = arith.constant 0 : i32
      %dma_start3A_210 = arith.constant 0 : i32
      %dma_start3A_211 = tpu.memref_slice %arg23[%dma_start3A_209, %dma_start3A_210] : memref<10000x128xf32, #tpu.memory_space<vmem_shared>> -> memref<10000x128xf32, #tpu.memory_space<vmem_shared>>
      tpu.enqueue_indirect_dma source(%arg11 : memref<128x128xf32, #tpu.memory_space<vmem>>) target(%dma_start3A_211 : memref<10000x128xf32, #tpu.memory_space<vmem_shared>>) offsets(%dma_start3A_208 : memref<128xi32, #tpu.memory_space<vmem>>) semaphore(%arg22 : memref<!tpu.dma_semaphore, #tpu.memory_space<semaphore_mem>>) {add = true}
      %dma_wait3A_212 = arith.constant 0 : i32
      %dma_wait3A_213 = arith.constant 0 : i32
      %dma_wait3A_214 = tpu.memref_slice %arg10[%dma_wait3A_212, %dma_wait3A_213] : memref<1x128xi32, #tpu.memory_space<vmem>> -> memref<1x128xi32, #tpu.memory_space<vmem>>
      %dma_wait3A_215 = tpu.memref_squeeze %dma_wait3A_214 : memref<1x128xi32, #tpu.memory_space<vmem>> -> memref<128xi32, #tpu.memory_space<vmem>>
      %dma_wait3A_216 = arith.constant 0 : i32
      %dma_wait3A_217 = tpu.memref_slice %arg24[%dma_wait3A_216] : memref<10240xf32, #tpu.memory_space<vmem_shared>> -> memref<10240xf32, #tpu.memory_space<vmem_shared>>
      tpu.wait_indirect_dma semaphore(%arg22 : memref<!tpu.dma_semaphore, #tpu.memory_space<semaphore_mem>>) src(%arg13 : memref<128xf32, #tpu.memory_space<vmem>>) dst(%dma_wait3A_217 : memref<10240xf32, #tpu.memory_space<vmem_shared>>)
      %dma_wait3A_218 = arith.constant 0 : i32
      %dma_wait3A_219 = arith.constant 0 : i32
      %dma_wait3A_220 = tpu.memref_slice %arg10[%dma_wait3A_218, %dma_wait3A_219] : memref<1x128xi32, #tpu.memory_space<vmem>> -> memref<1x128xi32, #tpu.memory_space<vmem>>
      %dma_wait3A_221 = tpu.memref_squeeze %dma_wait3A_220 : memref<1x128xi32, #tpu.memory_space<vmem>> -> memref<128xi32, #tpu.memory_space<vmem>>
      %dma_wait3A_222 = arith.constant 0 : i32
      %dma_wait3A_223 = arith.constant 0 : i32
      %dma_wait3A_224 = tpu.memref_slice %arg23[%dma_wait3A_222, %dma_wait3A_223] : memref<10000x128xf32, #tpu.memory_space<vmem_shared>> -> memref<10000x128xf32, #tpu.memory_space<vmem_shared>>
      tpu.wait_indirect_dma semaphore(%arg22 : memref<!tpu.dma_semaphore, #tpu.memory_space<semaphore_mem>>) src(%arg11 : memref<128x128xf32, #tpu.memory_space<vmem>>) dst(%dma_wait3A_224 : memref<10000x128xf32, #tpu.memory_space<vmem_shared>>)
      %mul3A_225 = arith.constant 2 : i32
      %mul3A_226 = arith.muli %mul3A_225, %add3A_137 : i32
      %add3A_227 = arith.constant 1 : i32
      %add3A_228 = arith.addi %mul3A_226, %add3A_227 : i32
      %add3A_229 = arith.constant 1 : i32
      %add3A_230 = arith.addi %add3A_228, %add3A_229 : i32
      %lt3A_231 = arith.constant 158 : i32
      %lt3A_232 = arith.cmpi slt, %add3A_230, %lt3A_231 : i32
      %convert_element_type3A_233 = arith.extui %lt3A_232 : i1 to i32
      %cond3A_234 = arith.constant 0 : i32
      %cond3A_235 = arith.cmpi ne, %convert_element_type3A_233, %cond3A_234 : i32
      scf.if %cond3A_235 {
        %mul3A_320 = arith.constant 20224 : i32
        %mul3A_321 = arith.muli %arg1, %mul3A_320 : i32
        %add3A_322 = arith.constant 1 : i32
        %add3A_323 = arith.addi %add3A_228, %add3A_322 : i32
        %mul3A_324 = arith.constant 128 : i32
        %mul3A_325 = arith.muli %add3A_323, %mul3A_324 : i32
        %add3A_326 = arith.addi %mul3A_321, %mul3A_325 : i32
        "tpu.region"() ({
          %run_scoped3A_331 = tpu.sem_alloc : memref<!tpu.dma_semaphore, #tpu.memory_space<semaphore_mem>>
          %dma_start3A_332 = tpu.memref_slice %arg3[%add3A_326] : memref<323584xi32, #tpu.memory_space<hbm>> -> memref<128xi32, #tpu.memory_space<hbm>>
          %dma_start3A_333 = tpu.memref_slice %arg3[%add3A_326] : memref<323584xi32, #tpu.memory_space<hbm>> -> memref<128xi32, #tpu.memory_space<hbm>>
          tpu.enqueue_dma source(%dma_start3A_333 : memref<128xi32, #tpu.memory_space<hbm>>) target(%arg9 : memref<128xi32, #tpu.memory_space<vmem>>) target_semaphore(%run_scoped3A_331 : memref<!tpu.dma_semaphore, #tpu.memory_space<semaphore_mem>>)
          %dma_wait3A_334 = tpu.memref_slice %arg3[%add3A_326] : memref<323584xi32, #tpu.memory_space<hbm>> -> memref<128xi32, #tpu.memory_space<hbm>>
          %dma_wait3A_335 = tpu.memref_slice %arg3[%add3A_326] : memref<323584xi32, #tpu.memory_space<hbm>> -> memref<128xi32, #tpu.memory_space<hbm>>
          tpu.wait_dma2 semaphore(%run_scoped3A_331 : memref<!tpu.dma_semaphore, #tpu.memory_space<semaphore_mem>>) src(%dma_wait3A_335 : memref<128xi32, #tpu.memory_space<hbm>>) dst(%arg9 : memref<128xi32, #tpu.memory_space<vmem>>)
          tpu.yield
        }) : () -> ()
        %run_scoped3A_327 = arith.constant 0 : i32
        "tpu.region"() ({
          %run_scoped3A_331 = tpu.sem_alloc : memref<!tpu.dma_semaphore, #tpu.memory_space<semaphore_mem>>
          %dma_start3A_332 = arith.constant 0 : i32
          %dma_start3A_333 = tpu.memref_slice %arg10[%run_scoped3A_327, %dma_start3A_332] : memref<1x128xi32, #tpu.memory_space<vmem>> -> memref<1x128xi32, #tpu.memory_space<vmem>>
          %dma_start3A_334 = tpu.memref_squeeze %dma_start3A_333 : memref<1x128xi32, #tpu.memory_space<vmem>> -> memref<128xi32, #tpu.memory_space<vmem>>
          %dma_start3A_335 = tpu.memref_slice %arg4[%add3A_326] : memref<323584xi32, #tpu.memory_space<hbm>> -> memref<128xi32, #tpu.memory_space<hbm>>
          %dma_start3A_336 = arith.constant 0 : i32
          %dma_start3A_337 = tpu.memref_slice %arg10[%run_scoped3A_327, %dma_start3A_336] : memref<1x128xi32, #tpu.memory_space<vmem>> -> memref<1x128xi32, #tpu.memory_space<vmem>>
          %dma_start3A_338 = tpu.memref_squeeze %dma_start3A_337 : memref<1x128xi32, #tpu.memory_space<vmem>> -> memref<128xi32, #tpu.memory_space<vmem>>
          %dma_start3A_339 = tpu.memref_slice %arg4[%add3A_326] : memref<323584xi32, #tpu.memory_space<hbm>> -> memref<128xi32, #tpu.memory_space<hbm>>
          tpu.enqueue_dma source(%dma_start3A_339 : memref<128xi32, #tpu.memory_space<hbm>>) target(%dma_start3A_338 : memref<128xi32, #tpu.memory_space<vmem>>) target_semaphore(%run_scoped3A_331 : memref<!tpu.dma_semaphore, #tpu.memory_space<semaphore_mem>>)
          %dma_wait3A_340 = arith.constant 0 : i32
          %dma_wait3A_341 = tpu.memref_slice %arg10[%run_scoped3A_327, %dma_wait3A_340] : memref<1x128xi32, #tpu.memory_space<vmem>> -> memref<1x128xi32, #tpu.memory_space<vmem>>
          %dma_wait3A_342 = tpu.memref_squeeze %dma_wait3A_341 : memref<1x128xi32, #tpu.memory_space<vmem>> -> memref<128xi32, #tpu.memory_space<vmem>>
          %dma_wait3A_343 = tpu.memref_slice %arg4[%add3A_326] : memref<323584xi32, #tpu.memory_space<hbm>> -> memref<128xi32, #tpu.memory_space<hbm>>
          %dma_wait3A_344 = arith.constant 0 : i32
          %dma_wait3A_345 = tpu.memref_slice %arg10[%run_scoped3A_327, %dma_wait3A_344] : memref<1x128xi32, #tpu.memory_space<vmem>> -> memref<1x128xi32, #tpu.memory_space<vmem>>
          %dma_wait3A_346 = tpu.memref_squeeze %dma_wait3A_345 : memref<1x128xi32, #tpu.memory_space<vmem>> -> memref<128xi32, #tpu.memory_space<vmem>>
          %dma_wait3A_347 = tpu.memref_slice %arg4[%add3A_326] : memref<323584xi32, #tpu.memory_space<hbm>> -> memref<128xi32, #tpu.memory_space<hbm>>
          tpu.wait_dma2 semaphore(%run_scoped3A_331 : memref<!tpu.dma_semaphore, #tpu.memory_space<semaphore_mem>>) src(%dma_wait3A_347 : memref<128xi32, #tpu.memory_space<hbm>>) dst(%dma_wait3A_346 : memref<128xi32, #tpu.memory_space<vmem>>)
          tpu.yield
        }) : () -> ()
        "tpu.region"() ({
          %run_scoped3A_331 = tpu.sem_alloc : memref<!tpu.dma_semaphore, #tpu.memory_space<semaphore_mem>>
          %dma_start3A_332 = tpu.memref_slice %arg5[%add3A_5, %add3A_326] : memref<8x323584xf32, #tpu.memory_space<hbm>> -> memref<1x128xf32, #tpu.memory_space<hbm>>
          %dma_start3A_333 = tpu.memref_squeeze %dma_start3A_332 : memref<1x128xf32, #tpu.memory_space<hbm>> -> memref<128xf32, #tpu.memory_space<hbm>>
          %dma_start3A_334 = tpu.memref_slice %arg5[%add3A_5, %add3A_326] : memref<8x323584xf32, #tpu.memory_space<hbm>> -> memref<1x128xf32, #tpu.memory_space<hbm>>
          %dma_start3A_335 = tpu.memref_squeeze %dma_start3A_334 : memref<1x128xf32, #tpu.memory_space<hbm>> -> memref<128xf32, #tpu.memory_space<hbm>>
          tpu.enqueue_dma source(%dma_start3A_335 : memref<128xf32, #tpu.memory_space<hbm>>) target(%arg12 : memref<128xf32, #tpu.memory_space<vmem>>) target_semaphore(%run_scoped3A_331 : memref<!tpu.dma_semaphore, #tpu.memory_space<semaphore_mem>>)
          %dma_wait3A_336 = tpu.memref_slice %arg5[%add3A_5, %add3A_326] : memref<8x323584xf32, #tpu.memory_space<hbm>> -> memref<1x128xf32, #tpu.memory_space<hbm>>
          %dma_wait3A_337 = tpu.memref_squeeze %dma_wait3A_336 : memref<1x128xf32, #tpu.memory_space<hbm>> -> memref<128xf32, #tpu.memory_space<hbm>>
          %dma_wait3A_338 = tpu.memref_slice %arg5[%add3A_5, %add3A_326] : memref<8x323584xf32, #tpu.memory_space<hbm>> -> memref<1x128xf32, #tpu.memory_space<hbm>>
          %dma_wait3A_339 = tpu.memref_squeeze %dma_wait3A_338 : memref<1x128xf32, #tpu.memory_space<hbm>> -> memref<128xf32, #tpu.memory_space<hbm>>
          tpu.wait_dma2 semaphore(%run_scoped3A_331 : memref<!tpu.dma_semaphore, #tpu.memory_space<semaphore_mem>>) src(%dma_wait3A_339 : memref<128xf32, #tpu.memory_space<hbm>>) dst(%arg12 : memref<128xf32, #tpu.memory_space<vmem>>)
          tpu.yield
        }) : () -> ()
        %dma_start3A_328 = arith.constant 0 : i32
        %dma_start3A_329 = arith.constant 0 : i32
        %dma_start3A_330 = tpu.memref_slice %arg2[%dma_start3A_328, %dma_start3A_329] : memref<10000x128xf32, #tpu.memory_space<hbm>> -> memref<10000x128xf32, #tpu.memory_space<hbm>>
        tpu.enqueue_indirect_dma source(%dma_start3A_330 : memref<10000x128xf32, #tpu.memory_space<hbm>>) target(%arg11 : memref<128x128xf32, #tpu.memory_space<vmem>>) offsets(%arg9 : memref<128xi32, #tpu.memory_space<vmem>>) semaphore(%arg20 : memref<!tpu.dma_semaphore, #tpu.memory_space<semaphore_mem>>)
      } else {
      }
      %dma_wait3A_236 = arith.constant 0 : i32
      %dma_wait3A_237 = arith.constant 0 : i32
      %dma_wait3A_238 = tpu.memref_slice %arg2[%dma_wait3A_236, %dma_wait3A_237] : memref<10000x128xf32, #tpu.memory_space<hbm>> -> memref<10000x128xf32, #tpu.memory_space<hbm>>
      tpu.wait_indirect_dma semaphore(%arg21 : memref<!tpu.dma_semaphore, #tpu.memory_space<semaphore_mem>>) src(%dma_wait3A_238 : memref<10000x128xf32, #tpu.memory_space<hbm>>) dst(%arg18 : memref<128x128xf32, #tpu.memory_space<vmem>>)
      %get3A_239 = arith.constant 0 : index
      %get3A_240 = tpu.vector_load %arg14[%get3A_239] {strides = array<i32>} : memref<16xf32, #tpu.memory_space<vmem>>, vector<16xf32>,
      %get3A_241 = arith.constant 0 : index
      %get3A_242 = tpu.vector_load %arg19[%get3A_241] {strides = array<i32>} : memref<128xf32, #tpu.memory_space<vmem>>, vector<16xf32>,
      %sub3A_243 = arith.subf %get3A_242, %get3A_240 : vector<16xf32>
      %exp3A_244 = math.exp %sub3A_243 : vector<16xf32>
      %swap3A_245 = arith.constant 0 : index
      %swap3A_246 = tpu.vector_load %arg13[%swap3A_245] {strides = array<i32>} : memref<128xf32, #tpu.memory_space<vmem>>, vector<16xf32>,
      tpu.vector_store %arg13[%swap3A_245], %exp3A_244 {strides = array<i32>} : memref<128xf32, #tpu.memory_space<vmem>>, vector<16xf32>,
      %get3A_247 = arith.constant 16 : index
      %get3A_248 = tpu.vector_load %arg19[%get3A_247] {strides = array<i32>} : memref<128xf32, #tpu.memory_space<vmem>>, vector<16xf32>,
      %sub3A_249 = arith.subf %get3A_248, %get3A_240 : vector<16xf32>
      %exp3A_250 = math.exp %sub3A_249 : vector<16xf32>
      %swap3A_251 = arith.constant 16 : index
      %swap3A_252 = tpu.vector_load %arg13[%swap3A_251] {strides = array<i32>} : memref<128xf32, #tpu.memory_space<vmem>>, vector<16xf32>,
      tpu.vector_store %arg13[%swap3A_251], %exp3A_250 {strides = array<i32>} : memref<128xf32, #tpu.memory_space<vmem>>, vector<16xf32>,
      %get3A_253 = arith.constant 32 : index
      %get3A_254 = tpu.vector_load %arg19[%get3A_253] {strides = array<i32>} : memref<128xf32, #tpu.memory_space<vmem>>, vector<16xf32>,
      %sub3A_255 = arith.subf %get3A_254, %get3A_240 : vector<16xf32>
      %exp3A_256 = math.exp %sub3A_255 : vector<16xf32>
      %swap3A_257 = arith.constant 32 : index
      %swap3A_258 = tpu.vector_load %arg13[%swap3A_257] {strides = array<i32>} : memref<128xf32, #tpu.memory_space<vmem>>, vector<16xf32>,
      tpu.vector_store %arg13[%swap3A_257], %exp3A_256 {strides = array<i32>} : memref<128xf32, #tpu.memory_space<vmem>>, vector<16xf32>,
      %get3A_259 = arith.constant 48 : index
      %get3A_260 = tpu.vector_load %arg19[%get3A_259] {strides = array<i32>} : memref<128xf32, #tpu.memory_space<vmem>>, vector<16xf32>,
      %sub3A_261 = arith.subf %get3A_260, %get3A_240 : vector<16xf32>
      %exp3A_262 = math.exp %sub3A_261 : vector<16xf32>
      %swap3A_263 = arith.constant 48 : index
      %swap3A_264 = tpu.vector_load %arg13[%swap3A_263] {strides = array<i32>} : memref<128xf32, #tpu.memory_space<vmem>>, vector<16xf32>,
      tpu.vector_store %arg13[%swap3A_263], %exp3A_262 {strides = array<i32>} : memref<128xf32, #tpu.memory_space<vmem>>, vector<16xf32>,
      %get3A_265 = arith.constant 64 : index
      %get3A_266 = tpu.vector_load %arg19[%get3A_265] {strides = array<i32>} : memref<128xf32, #tpu.memory_space<vmem>>, vector<16xf32>,
      %sub3A_267 = arith.subf %get3A_266, %get3A_240 : vector<16xf32>
      %exp3A_268 = math.exp %sub3A_267 : vector<16xf32>
      %swap3A_269 = arith.constant 64 : index
      %swap3A_270 = tpu.vector_load %arg13[%swap3A_269] {strides = array<i32>} : memref<128xf32, #tpu.memory_space<vmem>>, vector<16xf32>,
      tpu.vector_store %arg13[%swap3A_269], %exp3A_268 {strides = array<i32>} : memref<128xf32, #tpu.memory_space<vmem>>, vector<16xf32>,
      %get3A_271 = arith.constant 80 : index
      %get3A_272 = tpu.vector_load %arg19[%get3A_271] {strides = array<i32>} : memref<128xf32, #tpu.memory_space<vmem>>, vector<16xf32>,
      %sub3A_273 = arith.subf %get3A_272, %get3A_240 : vector<16xf32>
      %exp3A_274 = math.exp %sub3A_273 : vector<16xf32>
      %swap3A_275 = arith.constant 80 : index
      %swap3A_276 = tpu.vector_load %arg13[%swap3A_275] {strides = array<i32>} : memref<128xf32, #tpu.memory_space<vmem>>, vector<16xf32>,
      tpu.vector_store %arg13[%swap3A_275], %exp3A_274 {strides = array<i32>} : memref<128xf32, #tpu.memory_space<vmem>>, vector<16xf32>,
      %get3A_277 = arith.constant 96 : index
      %get3A_278 = tpu.vector_load %arg19[%get3A_277] {strides = array<i32>} : memref<128xf32, #tpu.memory_space<vmem>>, vector<16xf32>,
      %sub3A_279 = arith.subf %get3A_278, %get3A_240 : vector<16xf32>
      %exp3A_280 = math.exp %sub3A_279 : vector<16xf32>
      %swap3A_281 = arith.constant 96 : index
      %swap3A_282 = tpu.vector_load %arg13[%swap3A_281] {strides = array<i32>} : memref<128xf32, #tpu.memory_space<vmem>>, vector<16xf32>,
      tpu.vector_store %arg13[%swap3A_281], %exp3A_280 {strides = array<i32>} : memref<128xf32, #tpu.memory_space<vmem>>, vector<16xf32>,
      %get3A_283 = arith.constant 112 : index
      %get3A_284 = tpu.vector_load %arg19[%get3A_283] {strides = array<i32>} : memref<128xf32, #tpu.memory_space<vmem>>, vector<16xf32>,
      %sub3A_285 = arith.subf %get3A_284, %get3A_240 : vector<16xf32>
      %exp3A_286 = math.exp %sub3A_285 : vector<16xf32>
      %swap3A_287 = arith.constant 112 : index
      %swap3A_288 = tpu.vector_load %arg13[%swap3A_287] {strides = array<i32>} : memref<128xf32, #tpu.memory_space<vmem>>, vector<16xf32>,
      tpu.vector_store %arg13[%swap3A_287], %exp3A_286 {strides = array<i32>} : memref<128xf32, #tpu.memory_space<vmem>>, vector<16xf32>,
      %scan3A_289 = arith.constant 0 : i32
      %scan3A_290 = arith.constant 128 : i32
      %scan3A_291 = arith.addi %scan3A_289, %scan3A_290 : i32
      %scan3A_292 = arith.constant 1 : i32
      scf.for %scan3A_320 = %scan3A_289 to %scan3A_291 step %scan3A_292  : i32 {
        %mul3A_321 = arith.constant 1 : i32
        %mul3A_322 = arith.muli %scan3A_320, %mul3A_321 : i32
        %add3A_323 = arith.constant 0 : i32
        %add3A_324 = arith.addi %add3A_323, %mul3A_322 : i32
        %broadcast_in_dim3A = vector.broadcast %add3A_324 : i32 to vector<16xi32>
        %gather3A = tpu.vector_load_idx %arg13[%broadcast_in_dim3A] : memref<128xf32, #tpu.memory_space<vmem>>[vector<16xi32>], vector<16xf32>,
        %get3A_325 = arith.constant 0 : i32
        %get3A_326 = tpu.memref_slice %arg18[%add3A_324, %get3A_325] : memref<128x128xf32, #tpu.memory_space<vmem>> -> memref<1x128xf32, #tpu.memory_space<vmem>>
        %get3A_327 = tpu.memref_squeeze %get3A_326 : memref<1x128xf32, #tpu.memory_space<vmem>> -> memref<128xf32, #tpu.memory_space<vmem>>
        %get3A_328 = arith.constant 0 : index
        %get3A_329 = tpu.vector_load %get3A_327[%get3A_328] {strides = array<i32>} : memref<128xf32, #tpu.memory_space<vmem>>, vector<16xf32>,
        %get3A_330 = vector.shape_cast %get3A_329 : vector<16xf32> to vector<16xf32>
        %mul3A_331 = arith.mulf %get3A_330, %gather3A : vector<16xf32>
        %swap3A_332 = arith.constant 0 : i32
        %swap3A_333 = tpu.memref_slice %arg18[%add3A_324, %swap3A_332] : memref<128x128xf32, #tpu.memory_space<vmem>> -> memref<1x128xf32, #tpu.memory_space<vmem>>
        %swap3A_334 = tpu.memref_squeeze %swap3A_333 : memref<1x128xf32, #tpu.memory_space<vmem>> -> memref<128xf32, #tpu.memory_space<vmem>>
        %swap3A_335 = arith.constant 0 : index
        %swap3A_336 = tpu.vector_load %swap3A_334[%swap3A_335] {strides = array<i32>} : memref<128xf32, #tpu.memory_space<vmem>>, vector<16xf32>,
        %swap3A_337 = vector.shape_cast %swap3A_336 : vector<16xf32> to vector<16xf32>
        %swap3A_338 = vector.shape_cast %mul3A_331 : vector<16xf32> to vector<16xf32>
        tpu.vector_store %swap3A_334[%swap3A_335], %swap3A_338 {strides = array<i32>} : memref<128xf32, #tpu.memory_space<vmem>>, vector<16xf32>,
        %get3A_339 = arith.constant 0 : i32
        %get3A_340 = tpu.memref_slice %arg18[%add3A_324, %get3A_339] : memref<128x128xf32, #tpu.memory_space<vmem>> -> memref<1x128xf32, #tpu.memory_space<vmem>>
        %get3A_341 = tpu.memref_squeeze %get3A_340 : memref<1x128xf32, #tpu.memory_space<vmem>> -> memref<128xf32, #tpu.memory_space<vmem>>
        %get3A_342 = arith.constant 16 : index
        %get3A_343 = tpu.vector_load %get3A_341[%get3A_342] {strides = array<i32>} : memref<128xf32, #tpu.memory_space<vmem>>, vector<16xf32>,
        %get3A_344 = vector.shape_cast %get3A_343 : vector<16xf32> to vector<16xf32>
        %mul3A_345 = arith.mulf %get3A_344, %gather3A : vector<16xf32>
        %swap3A_346 = arith.constant 0 : i32
        %swap3A_347 = tpu.memref_slice %arg18[%add3A_324, %swap3A_346] : memref<128x128xf32, #tpu.memory_space<vmem>> -> memref<1x128xf32, #tpu.memory_space<vmem>>
        %swap3A_348 = tpu.memref_squeeze %swap3A_347 : memref<1x128xf32, #tpu.memory_space<vmem>> -> memref<128xf32, #tpu.memory_space<vmem>>
        %swap3A_349 = arith.constant 16 : index
        %swap3A_350 = tpu.vector_load %swap3A_348[%swap3A_349] {strides = array<i32>} : memref<128xf32, #tpu.memory_space<vmem>>, vector<16xf32>,
        %swap3A_351 = vector.shape_cast %swap3A_350 : vector<16xf32> to vector<16xf32>
        %swap3A_352 = vector.shape_cast %mul3A_345 : vector<16xf32> to vector<16xf32>
        tpu.vector_store %swap3A_348[%swap3A_349], %swap3A_352 {strides = array<i32>} : memref<128xf32, #tpu.memory_space<vmem>>, vector<16xf32>,
        %get3A_353 = arith.constant 0 : i32
        %get3A_354 = tpu.memref_slice %arg18[%add3A_324, %get3A_353] : memref<128x128xf32, #tpu.memory_space<vmem>> -> memref<1x128xf32, #tpu.memory_space<vmem>>
        %get3A_355 = tpu.memref_squeeze %get3A_354 : memref<1x128xf32, #tpu.memory_space<vmem>> -> memref<128xf32, #tpu.memory_space<vmem>>
        %get3A_356 = arith.constant 32 : index
        %get3A_357 = tpu.vector_load %get3A_355[%get3A_356] {strides = array<i32>} : memref<128xf32, #tpu.memory_space<vmem>>, vector<16xf32>,
        %get3A_358 = vector.shape_cast %get3A_357 : vector<16xf32> to vector<16xf32>
        %mul3A_359 = arith.mulf %get3A_358, %gather3A : vector<16xf32>
        %swap3A_360 = arith.constant 0 : i32
        %swap3A_361 = tpu.memref_slice %arg18[%add3A_324, %swap3A_360] : memref<128x128xf32, #tpu.memory_space<vmem>> -> memref<1x128xf32, #tpu.memory_space<vmem>>
        %swap3A_362 = tpu.memref_squeeze %swap3A_361 : memref<1x128xf32, #tpu.memory_space<vmem>> -> memref<128xf32, #tpu.memory_space<vmem>>
        %swap3A_363 = arith.constant 32 : index
        %swap3A_364 = tpu.vector_load %swap3A_362[%swap3A_363] {strides = array<i32>} : memref<128xf32, #tpu.memory_space<vmem>>, vector<16xf32>,
        %swap3A_365 = vector.shape_cast %swap3A_364 : vector<16xf32> to vector<16xf32>
        %swap3A_366 = vector.shape_cast %mul3A_359 : vector<16xf32> to vector<16xf32>
        tpu.vector_store %swap3A_362[%swap3A_363], %swap3A_366 {strides = array<i32>} : memref<128xf32, #tpu.memory_space<vmem>>, vector<16xf32>,
        %get3A_367 = arith.constant 0 : i32
        %get3A_368 = tpu.memref_slice %arg18[%add3A_324, %get3A_367] : memref<128x128xf32, #tpu.memory_space<vmem>> -> memref<1x128xf32, #tpu.memory_space<vmem>>
        %get3A_369 = tpu.memref_squeeze %get3A_368 : memref<1x128xf32, #tpu.memory_space<vmem>> -> memref<128xf32, #tpu.memory_space<vmem>>
        %get3A_370 = arith.constant 48 : index
        %get3A_371 = tpu.vector_load %get3A_369[%get3A_370] {strides = array<i32>} : memref<128xf32, #tpu.memory_space<vmem>>, vector<16xf32>,
        %get3A_372 = vector.shape_cast %get3A_371 : vector<16xf32> to vector<16xf32>
        %mul3A_373 = arith.mulf %get3A_372, %gather3A : vector<16xf32>
        %swap3A_374 = arith.constant 0 : i32
        %swap3A_375 = tpu.memref_slice %arg18[%add3A_324, %swap3A_374] : memref<128x128xf32, #tpu.memory_space<vmem>> -> memref<1x128xf32, #tpu.memory_space<vmem>>
        %swap3A_376 = tpu.memref_squeeze %swap3A_375 : memref<1x128xf32, #tpu.memory_space<vmem>> -> memref<128xf32, #tpu.memory_space<vmem>>
        %swap3A_377 = arith.constant 48 : index
        %swap3A_378 = tpu.vector_load %swap3A_376[%swap3A_377] {strides = array<i32>} : memref<128xf32, #tpu.memory_space<vmem>>, vector<16xf32>,
        %swap3A_379 = vector.shape_cast %swap3A_378 : vector<16xf32> to vector<16xf32>
        %swap3A_380 = vector.shape_cast %mul3A_373 : vector<16xf32> to vector<16xf32>
        tpu.vector_store %swap3A_376[%swap3A_377], %swap3A_380 {strides = array<i32>} : memref<128xf32, #tpu.memory_space<vmem>>, vector<16xf32>,
        %get3A_381 = arith.constant 0 : i32
        %get3A_382 = tpu.memref_slice %arg18[%add3A_324, %get3A_381] : memref<128x128xf32, #tpu.memory_space<vmem>> -> memref<1x128xf32, #tpu.memory_space<vmem>>
        %get3A_383 = tpu.memref_squeeze %get3A_382 : memref<1x128xf32, #tpu.memory_space<vmem>> -> memref<128xf32, #tpu.memory_space<vmem>>
        %get3A_384 = arith.constant 64 : index
        %get3A_385 = tpu.vector_load %get3A_383[%get3A_384] {strides = array<i32>} : memref<128xf32, #tpu.memory_space<vmem>>, vector<16xf32>,
        %get3A_386 = vector.shape_cast %get3A_385 : vector<16xf32> to vector<16xf32>
        %mul3A_387 = arith.mulf %get3A_386, %gather3A : vector<16xf32>
        %swap3A_388 = arith.constant 0 : i32
        %swap3A_389 = tpu.memref_slice %arg18[%add3A_324, %swap3A_388] : memref<128x128xf32, #tpu.memory_space<vmem>> -> memref<1x128xf32, #tpu.memory_space<vmem>>
        %swap3A_390 = tpu.memref_squeeze %swap3A_389 : memref<1x128xf32, #tpu.memory_space<vmem>> -> memref<128xf32, #tpu.memory_space<vmem>>
        %swap3A_391 = arith.constant 64 : index
        %swap3A_392 = tpu.vector_load %swap3A_390[%swap3A_391] {strides = array<i32>} : memref<128xf32, #tpu.memory_space<vmem>>, vector<16xf32>,
        tpu.vector_store %swap3A_390[%swap3A_391], %mul3A_387 {strides = array<i32>} : memref<128xf32, #tpu.memory_space<vmem>>, vector<16xf32>,
        %get3A_393 = arith.constant 0 : i32
        %get3A_394 = tpu.memref_slice %arg18[%add3A_324, %get3A_393] : memref<128x128xf32, #tpu.memory_space<vmem>> -> memref<1x128xf32, #tpu.memory_space<vmem>>
        %get3A_395 = tpu.memref_squeeze %get3A_394 : memref<1x128xf32, #tpu.memory_space<vmem>> -> memref<128xf32, #tpu.memory_space<vmem>>
        %get3A_396 = arith.constant 80 : index
        %get3A_397 = tpu.vector_load %get3A_395[%get3A_396] {strides = array<i32>} : memref<128xf32, #tpu.memory_space<vmem>>, vector<16xf32>,
        %get3A_398 = vector.shape_cast %get3A_397 : vector<16xf32> to vector<16xf32>
        %mul3A_399 = arith.mulf %get3A_398, %gather3A : vector<16xf32>
        %swap3A_400 = arith.constant 0 : i32
        %swap3A_401 = tpu.memref_slice %arg18[%add3A_324, %swap3A_400] : memref<128x128xf32, #tpu.memory_space<vmem>> -> memref<1x128xf32, #tpu.memory_space<vmem>>
        %swap3A_402 = tpu.memref_squeeze %swap3A_401 : memref<1x128xf32, #tpu.memory_space<vmem>> -> memref<128xf32, #tpu.memory_space<vmem>>
        %swap3A_403 = arith.constant 80 : index
        %swap3A_404 = tpu.vector_load %swap3A_402[%swap3A_403] {strides = array<i32>} : memref<128xf32, #tpu.memory_space<vmem>>, vector<16xf32>,
        tpu.vector_store %swap3A_402[%swap3A_403], %mul3A_399 {strides = array<i32>} : memref<128xf32, #tpu.memory_space<vmem>>, vector<16xf32>,
        %get3A_405 = arith.constant 0 : i32
        %get3A_406 = tpu.memref_slice %arg18[%add3A_324, %get3A_405] : memref<128x128xf32, #tpu.memory_space<vmem>> -> memref<1x128xf32, #tpu.memory_space<vmem>>
        %get3A_407 = tpu.memref_squeeze %get3A_406 : memref<1x128xf32, #tpu.memory_space<vmem>> -> memref<128xf32, #tpu.memory_space<vmem>>
        %get3A_408 = arith.constant 96 : index
        %get3A_409 = tpu.vector_load %get3A_407[%get3A_408] {strides = array<i32>} : memref<128xf32, #tpu.memory_space<vmem>>, vector<16xf32>,
        %get3A_410 = vector.shape_cast %get3A_409 : vector<16xf32> to vector<16xf32>
        %mul3A_411 = arith.mulf %get3A_410, %gather3A : vector<16xf32>
        %swap3A_412 = arith.constant 0 : i32
        %swap3A_413 = tpu.memref_slice %arg18[%add3A_324, %swap3A_412] : memref<128x128xf32, #tpu.memory_space<vmem>> -> memref<1x128xf32, #tpu.memory_space<vmem>>
        %swap3A_414 = tpu.memref_squeeze %swap3A_413 : memref<1x128xf32, #tpu.memory_space<vmem>> -> memref<128xf32, #tpu.memory_space<vmem>>
        %swap3A_415 = arith.constant 96 : index
        %swap3A_416 = tpu.vector_load %swap3A_414[%swap3A_415] {strides = array<i32>} : memref<128xf32, #tpu.memory_space<vmem>>, vector<16xf32>,
        tpu.vector_store %swap3A_414[%swap3A_415], %mul3A_411 {strides = array<i32>} : memref<128xf32, #tpu.memory_space<vmem>>, vector<16xf32>,
        %get3A_417 = arith.constant 0 : i32
        %get3A_418 = tpu.memref_slice %arg18[%add3A_324, %get3A_417] : memref<128x128xf32, #tpu.memory_space<vmem>> -> memref<1x128xf32, #tpu.memory_space<vmem>>
        %get3A_419 = tpu.memref_squeeze %get3A_418 : memref<1x128xf32, #tpu.memory_space<vmem>> -> memref<128xf32, #tpu.memory_space<vmem>>
        %get3A_420 = arith.constant 112 : index
        %get3A_421 = tpu.vector_load %get3A_419[%get3A_420] {strides = array<i32>} : memref<128xf32, #tpu.memory_space<vmem>>, vector<16xf32>,
        %get3A_422 = vector.shape_cast %get3A_421 : vector<16xf32> to vector<16xf32>
        %mul3A_423 = arith.mulf %get3A_422, %gather3A : vector<16xf32>
        %swap3A_424 = arith.constant 0 : i32
        %swap3A_425 = tpu.memref_slice %arg18[%add3A_324, %swap3A_424] : memref<128x128xf32, #tpu.memory_space<vmem>> -> memref<1x128xf32, #tpu.memory_space<vmem>>
        %swap3A_426 = tpu.memref_squeeze %swap3A_425 : memref<1x128xf32, #tpu.memory_space<vmem>> -> memref<128xf32, #tpu.memory_space<vmem>>
        %swap3A_427 = arith.constant 112 : index
        %swap3A_428 = tpu.vector_load %swap3A_426[%swap3A_427] {strides = array<i32>} : memref<128xf32, #tpu.memory_space<vmem>>, vector<16xf32>,
        tpu.vector_store %swap3A_426[%swap3A_427], %mul3A_423 {strides = array<i32>} : memref<128xf32, #tpu.memory_space<vmem>>, vector<16xf32>,
      }
      %scan3A_293 = arith.constant 128 : i32
      %dma_start3A_294 = arith.constant 0 : i32
      %dma_start3A_295 = arith.constant 0 : i32
      %dma_start3A_296 = tpu.memref_slice %arg17[%dma_start3A_294, %dma_start3A_295] : memref<1x128xi32, #tpu.memory_space<vmem>> -> memref<1x128xi32, #tpu.memory_space<vmem>>
      %dma_start3A_297 = tpu.memref_squeeze %dma_start3A_296 : memref<1x128xi32, #tpu.memory_space<vmem>> -> memref<128xi32, #tpu.memory_space<vmem>>
      %dma_start3A_298 = arith.constant 0 : i32
      %dma_start3A_299 = tpu.memref_slice %arg24[%dma_start3A_298] : memref<10240xf32, #tpu.memory_space<vmem_shared>> -> memref<10240xf32, #tpu.memory_space<vmem_shared>>
      tpu.enqueue_indirect_dma source(%arg13 : memref<128xf32, #tpu.memory_space<vmem>>) target(%dma_start3A_299 : memref<10240xf32, #tpu.memory_space<vmem_shared>>) offsets(%dma_start3A_297 : memref<128xi32, #tpu.memory_space<vmem>>) semaphore(%arg22 : memref<!tpu.dma_semaphore, #tpu.memory_space<semaphore_mem>>) {add = true}
      %dma_start3A_300 = arith.constant 0 : i32
      %dma_start3A_301 = arith.constant 0 : i32
      %dma_start3A_302 = tpu.memref_slice %arg17[%dma_start3A_300, %dma_start3A_301] : memref<1x128xi32, #tpu.memory_space<vmem>> -> memref<1x128xi32, #tpu.memory_space<vmem>>
      %dma_start3A_303 = tpu.memref_squeeze %dma_start3A_302 : memref<1x128xi32, #tpu.memory_space<vmem>> -> memref<128xi32, #tpu.memory_space<vmem>>
      %dma_start3A_304 = arith.constant 0 : i32
      %dma_start3A_305 = arith.constant 0 : i32
      %dma_start3A_306 = tpu.memref_slice %arg23[%dma_start3A_304, %dma_start3A_305] : memref<10000x128xf32, #tpu.memory_space<vmem_shared>> -> memref<10000x128xf32, #tpu.memory_space<vmem_shared>>
      tpu.enqueue_indirect_dma source(%arg18 : memref<128x128xf32, #tpu.memory_space<vmem>>) target(%dma_start3A_306 : memref<10000x128xf32, #tpu.memory_space<vmem_shared>>) offsets(%dma_start3A_303 : memref<128xi32, #tpu.memory_space<vmem>>) semaphore(%arg22 : memref<!tpu.dma_semaphore, #tpu.memory_space<semaphore_mem>>) {add = true}
      %dma_wait3A_307 = arith.constant 0 : i32
      %dma_wait3A_308 = arith.constant 0 : i32
      %dma_wait3A_309 = tpu.memref_slice %arg17[%dma_wait3A_307, %dma_wait3A_308] : memref<1x128xi32, #tpu.memory_space<vmem>> -> memref<1x128xi32, #tpu.memory_space<vmem>>
      %dma_wait3A_310 = tpu.memref_squeeze %dma_wait3A_309 : memref<1x128xi32, #tpu.memory_space<vmem>> -> memref<128xi32, #tpu.memory_space<vmem>>
      %dma_wait3A_311 = arith.constant 0 : i32
      %dma_wait3A_312 = tpu.memref_slice %arg24[%dma_wait3A_311] : memref<10240xf32, #tpu.memory_space<vmem_shared>> -> memref<10240xf32, #tpu.memory_space<vmem_shared>>
      tpu.wait_indirect_dma semaphore(%arg22 : memref<!tpu.dma_semaphore, #tpu.memory_space<semaphore_mem>>) src(%arg13 : memref<128xf32, #tpu.memory_space<vmem>>) dst(%dma_wait3A_312 : memref<10240xf32, #tpu.memory_space<vmem_shared>>)
      %dma_wait3A_313 = arith.constant 0 : i32
      %dma_wait3A_314 = arith.constant 0 : i32
      %dma_wait3A_315 = tpu.memref_slice %arg17[%dma_wait3A_313, %dma_wait3A_314] : memref<1x128xi32, #tpu.memory_space<vmem>> -> memref<1x128xi32, #tpu.memory_space<vmem>>
      %dma_wait3A_316 = tpu.memref_squeeze %dma_wait3A_315 : memref<1x128xi32, #tpu.memory_space<vmem>> -> memref<128xi32, #tpu.memory_space<vmem>>
      %dma_wait3A_317 = arith.constant 0 : i32
      %dma_wait3A_318 = arith.constant 0 : i32
      %dma_wait3A_319 = tpu.memref_slice %arg23[%dma_wait3A_317, %dma_wait3A_318] : memref<10000x128xf32, #tpu.memory_space<vmem_shared>> -> memref<10000x128xf32, #tpu.memory_space<vmem_shared>>
      tpu.wait_indirect_dma semaphore(%arg22 : memref<!tpu.dma_semaphore, #tpu.memory_space<semaphore_mem>>) src(%arg18 : memref<128x128xf32, #tpu.memory_space<vmem>>) dst(%dma_wait3A_319 : memref<10000x128xf32, #tpu.memory_space<vmem_shared>>)
    }
    %scan3A_48 = arith.constant 79 : i32
    %barrier3A_49 = arith.constant 0 : index
    tpu.barrier barrier_id(%barrier3A_49)
    %mul3A_50 = arith.constant 624 : i32
    %mul3A_51 = arith.muli %arg1, %mul3A_50 : i32
    %mul3A_52 = arith.constant 624 : i32
    %mul3A_53 = arith.muli %arg1, %mul3A_52 : i32
    "tpu.region"() ({
      %run_scoped3A_133 = tpu.sem_alloc : memref<!tpu.dma_semaphore, #tpu.memory_space<semaphore_mem>>
      %dma_start3A_134 = arith.constant 0 : i32
      %dma_start3A_135 = tpu.memref_slice %arg7[%add3A_5, %mul3A_53, %dma_start3A_134] : memref<4x10000x128xf32, #tpu.memory_space<hbm>> -> memref<1x624x128xf32, #tpu.memory_space<hbm>>
      %dma_start3A_136 = tpu.memref_squeeze %dma_start3A_135 : memref<1x624x128xf32, #tpu.memory_space<hbm>> -> memref<624x128xf32, #tpu.memory_space<hbm>>
      %dma_start3A_137 = arith.constant 0 : i32
      %dma_start3A_138 = tpu.memref_slice %arg23[%mul3A_51, %dma_start3A_137] : memref<10000x128xf32, #tpu.memory_space<vmem_shared>> -> memref<624x128xf32, #tpu.memory_space<vmem_shared>>
      tpu.enqueue_dma source(%dma_start3A_138 : memref<624x128xf32, #tpu.memory_space<vmem_shared>>) target(%dma_start3A_136 : memref<624x128xf32, #tpu.memory_space<hbm>>) target_semaphore(%run_scoped3A_133 : memref<!tpu.dma_semaphore, #tpu.memory_space<semaphore_mem>>)
      %dma_wait3A = arith.constant 0 : i32
      %dma_wait3A_139 = tpu.memref_slice %arg7[%add3A_5, %mul3A_53, %dma_wait3A] : memref<4x10000x128xf32, #tpu.memory_space<hbm>> -> memref<1x624x128xf32, #tpu.memory_space<hbm>>
      %dma_wait3A_140 = tpu.memref_squeeze %dma_wait3A_139 : memref<1x624x128xf32, #tpu.memory_space<hbm>> -> memref<624x128xf32, #tpu.memory_space<hbm>>
      %dma_wait3A_141 = arith.constant 0 : i32
      %dma_wait3A_142 = tpu.memref_slice %arg23[%mul3A_51, %dma_wait3A_141] : memref<10000x128xf32, #tpu.memory_space<vmem_shared>> -> memref<624x128xf32, #tpu.memory_space<vmem_shared>>
      tpu.wait_dma2 semaphore(%run_scoped3A_133 : memref<!tpu.dma_semaphore, #tpu.memory_space<semaphore_mem>>) src(%dma_wait3A_142 : memref<624x128xf32, #tpu.memory_space<vmem_shared>>) dst(%dma_wait3A_140 : memref<624x128xf32, #tpu.memory_space<hbm>>)
      tpu.yield
    }) : () -> ()
    %eq3A_54 = arith.constant 15 : i32
    %eq3A_55 = arith.cmpi eq, %arg1, %eq3A_54 : i32
    %convert_element_type3A_56 = arith.extui %eq3A_55 : i1 to i32
    %cond3A_57 = arith.constant 0 : i32
    %cond3A_58 = arith.cmpi ne, %convert_element_type3A_56, %cond3A_57 : i32
    scf.if %cond3A_58 {
      "tpu.region"() ({
        %run_scoped3A_133 = tpu.sem_alloc : memref<!tpu.dma_semaphore, #tpu.memory_space<semaphore_mem>>
        %dma_start3A_134 = arith.constant 9984 : i32
        %dma_start3A_135 = arith.constant 0 : i32
        %dma_start3A_136 = tpu.memref_slice %arg7[%add3A_5, %dma_start3A_134, %dma_start3A_135] : memref<4x10000x128xf32, #tpu.memory_space<hbm>> -> memref<1x16x128xf32, #tpu.memory_space<hbm>>
        %dma_start3A_137 = tpu.memref_squeeze %dma_start3A_136 : memref<1x16x128xf32, #tpu.memory_space<hbm>> -> memref<16x128xf32, #tpu.memory_space<hbm>>
        %dma_start3A_138 = arith.constant 9984 : i32
        %dma_start3A_139 = arith.constant 0 : i32
        %dma_start3A_140 = tpu.memref_slice %arg23[%dma_start3A_138, %dma_start3A_139] : memref<10000x128xf32, #tpu.memory_space<vmem_shared>> -> memref<16x128xf32, #tpu.memory_space<vmem_shared>>
        tpu.enqueue_dma source(%dma_start3A_140 : memref<16x128xf32, #tpu.memory_space<vmem_shared>>) target(%dma_start3A_137 : memref<16x128xf32, #tpu.memory_space<hbm>>) target_semaphore(%run_scoped3A_133 : memref<!tpu.dma_semaphore, #tpu.memory_space<semaphore_mem>>)
        %dma_wait3A = arith.constant 9984 : i32
        %dma_wait3A_141 = arith.constant 0 : i32
        %dma_wait3A_142 = tpu.memref_slice %arg7[%add3A_5, %dma_wait3A, %dma_wait3A_141] : memref<4x10000x128xf32, #tpu.memory_space<hbm>> -> memref<1x16x128xf32, #tpu.memory_space<hbm>>
        %dma_wait3A_143 = tpu.memref_squeeze %dma_wait3A_142 : memref<1x16x128xf32, #tpu.memory_space<hbm>> -> memref<16x128xf32, #tpu.memory_space<hbm>>
        %dma_wait3A_144 = arith.constant 9984 : i32
        %dma_wait3A_145 = arith.constant 0 : i32
        %dma_wait3A_146 = tpu.memref_slice %arg23[%dma_wait3A_144, %dma_wait3A_145] : memref<10000x128xf32, #tpu.memory_space<vmem_shared>> -> memref<16x128xf32, #tpu.memory_space<vmem_shared>>
        tpu.wait_dma2 semaphore(%run_scoped3A_133 : memref<!tpu.dma_semaphore, #tpu.memory_space<semaphore_mem>>) src(%dma_wait3A_146 : memref<16x128xf32, #tpu.memory_space<vmem_shared>>) dst(%dma_wait3A_143 : memref<16x128xf32, #tpu.memory_space<hbm>>)
        tpu.yield
      }) : () -> ()
    } else {
    }
    %eq3A_59 = arith.constant 0 : i32
    %eq3A_60 = arith.cmpi eq, %arg1, %eq3A_59 : i32
    %convert_element_type3A_61 = arith.extui %eq3A_60 : i1 to i32
    %cond3A_62 = arith.constant 0 : i32
    %cond3A_63 = arith.cmpi ne, %convert_element_type3A_61, %cond3A_62 : i32
    scf.if %cond3A_63 {
      %mul3A_133 = arith.constant 10240 : i32
      %mul3A_134 = arith.muli %add3A_5, %mul3A_133 : i32
      "tpu.region"() ({
        %run_scoped3A_135 = tpu.sem_alloc : memref<!tpu.dma_semaphore, #tpu.memory_space<semaphore_mem>>
        %dma_start3A_136 = tpu.memref_slice %arg8[%mul3A_134] : memref<40960xf32, #tpu.memory_space<hbm>> -> memref<10240xf32, #tpu.memory_space<hbm>>
        tpu.enqueue_dma source(%arg24 : memref<10240xf32, #tpu.memory_space<vmem_shared>>) target(%dma_start3A_136 : memref<10240xf32, #tpu.memory_space<hbm>>) target_semaphore(%run_scoped3A_135 : memref<!tpu.dma_semaphore, #tpu.memory_space<semaphore_mem>>)
        %dma_wait3A = tpu.memref_slice %arg8[%mul3A_134] : memref<40960xf32, #tpu.memory_space<hbm>> -> memref<10240xf32, #tpu.memory_space<hbm>>
        tpu.wait_dma2 semaphore(%run_scoped3A_135 : memref<!tpu.dma_semaphore, #tpu.memory_space<semaphore_mem>>) src(%arg24 : memref<10240xf32, #tpu.memory_space<vmem_shared>>) dst(%dma_wait3A : memref<10240xf32, #tpu.memory_space<hbm>>)
        tpu.yield
      }) : () -> ()
    } else {
    }
    %barrier3A_64 = arith.constant 0 : index
    tpu.barrier barrier_id(%barrier3A_64)
    %mul3A_65 = arith.constant 2 : i32
    %mul3A_66 = arith.muli %arg0, %mul3A_65 : i32
    %add3A_67 = arith.constant 1 : i32
    %add3A_68 = arith.addi %mul3A_66, %add3A_67 : i32
    %scan3A_69 = arith.constant 0 : i32
    %scan3A_70 = arith.constant 128 : i32
    %scan3A_71 = arith.addi %scan3A_69, %scan3A_70 : i32
    %scan3A_72 = arith.constant 1 : i32
    scf.for %scan3A_133 = %scan3A_69 to %scan3A_71 step %scan3A_72  : i32 {
      %mul3A_134 = arith.constant 1 : i32
      %mul3A_135 = arith.muli %scan3A_133, %mul3A_134 : i32
      %add3A_136 = arith.constant 0 : i32
      %add3A_137 = arith.addi %add3A_136, %mul3A_135 : i32
      %broadcast_in_dim3A = arith.constant 0.000000e+00 : f32
      %broadcast_in_dim3A_138 = vector.broadcast %broadcast_in_dim3A : f32 to vector<16xf32>
      %swap3A = arith.constant 0 : i32
      %swap3A_139 = tpu.memref_slice %arg11[%add3A_137, %swap3A] : memref<128x128xf32, #tpu.memory_space<vmem>> -> memref<1x128xf32, #tpu.memory_space<vmem>>
      %swap3A_140 = tpu.memref_squeeze %swap3A_139 : memref<1x128xf32, #tpu.memory_space<vmem>> -> memref<128xf32, #tpu.memory_space<vmem>>
      %swap3A_141 = arith.constant 0 : index
      %swap3A_142 = tpu.vector_load %swap3A_140[%swap3A_141] {strides = array<i32>} : memref<128xf32, #tpu.memory_space<vmem>>, vector<16xf32>,
      %swap3A_143 = vector.shape_cast %swap3A_142 : vector<16xf32> to vector<16xf32>
      %swap3A_144 = vector.shape_cast %broadcast_in_dim3A_138 : vector<16xf32> to vector<16xf32>
      tpu.vector_store %swap3A_140[%swap3A_141], %swap3A_144 {strides = array<i32>} : memref<128xf32, #tpu.memory_space<vmem>>, vector<16xf32>,
      %broadcast_in_dim3A_145 = arith.constant 0.000000e+00 : f32
      %broadcast_in_dim3A_146 = vector.broadcast %broadcast_in_dim3A_145 : f32 to vector<16xf32>
      %swap3A_147 = arith.constant 0 : i32
      %swap3A_148 = tpu.memref_slice %arg11[%add3A_137, %swap3A_147] : memref<128x128xf32, #tpu.memory_space<vmem>> -> memref<1x128xf32, #tpu.memory_space<vmem>>
      %swap3A_149 = tpu.memref_squeeze %swap3A_148 : memref<1x128xf32, #tpu.memory_space<vmem>> -> memref<128xf32, #tpu.memory_space<vmem>>
      %swap3A_150 = arith.constant 16 : index
      %swap3A_151 = tpu.vector_load %swap3A_149[%swap3A_150] {strides = array<i32>} : memref<128xf32, #tpu.memory_space<vmem>>, vector<16xf32>,
      %swap3A_152 = vector.shape_cast %swap3A_151 : vector<16xf32> to vector<16xf32>
      %swap3A_153 = vector.shape_cast %broadcast_in_dim3A_146 : vector<16xf32> to vector<16xf32>
      tpu.vector_store %swap3A_149[%swap3A_150], %swap3A_153 {strides = array<i32>} : memref<128xf32, #tpu.memory_space<vmem>>, vector<16xf32>,
      %broadcast_in_dim3A_154 = arith.constant 0.000000e+00 : f32
      %broadcast_in_dim3A_155 = vector.broadcast %broadcast_in_dim3A_154 : f32 to vector<16xf32>
      %swap3A_156 = arith.constant 0 : i32
      %swap3A_157 = tpu.memref_slice %arg11[%add3A_137, %swap3A_156] : memref<128x128xf32, #tpu.memory_space<vmem>> -> memref<1x128xf32, #tpu.memory_space<vmem>>
      %swap3A_158 = tpu.memref_squeeze %swap3A_157 : memref<1x128xf32, #tpu.memory_space<vmem>> -> memref<128xf32, #tpu.memory_space<vmem>>
      %swap3A_159 = arith.constant 32 : index
      %swap3A_160 = tpu.vector_load %swap3A_158[%swap3A_159] {strides = array<i32>} : memref<128xf32, #tpu.memory_space<vmem>>, vector<16xf32>,
      %swap3A_161 = vector.shape_cast %swap3A_160 : vector<16xf32> to vector<16xf32>
      %swap3A_162 = vector.shape_cast %broadcast_in_dim3A_155 : vector<16xf32> to vector<16xf32>
      tpu.vector_store %swap3A_158[%swap3A_159], %swap3A_162 {strides = array<i32>} : memref<128xf32, #tpu.memory_space<vmem>>, vector<16xf32>,
      %broadcast_in_dim3A_163 = arith.constant 0.000000e+00 : f32
      %broadcast_in_dim3A_164 = vector.broadcast %broadcast_in_dim3A_163 : f32 to vector<16xf32>
      %swap3A_165 = arith.constant 0 : i32
      %swap3A_166 = tpu.memref_slice %arg11[%add3A_137, %swap3A_165] : memref<128x128xf32, #tpu.memory_space<vmem>> -> memref<1x128xf32, #tpu.memory_space<vmem>>
      %swap3A_167 = tpu.memref_squeeze %swap3A_166 : memref<1x128xf32, #tpu.memory_space<vmem>> -> memref<128xf32, #tpu.memory_space<vmem>>
      %swap3A_168 = arith.constant 48 : index
      %swap3A_169 = tpu.vector_load %swap3A_167[%swap3A_168] {strides = array<i32>} : memref<128xf32, #tpu.memory_space<vmem>>, vector<16xf32>,
      %swap3A_170 = vector.shape_cast %swap3A_169 : vector<16xf32> to vector<16xf32>
      %swap3A_171 = vector.shape_cast %broadcast_in_dim3A_164 : vector<16xf32> to vector<16xf32>
      tpu.vector_store %swap3A_167[%swap3A_168], %swap3A_171 {strides = array<i32>} : memref<128xf32, #tpu.memory_space<vmem>>, vector<16xf32>,
      %broadcast_in_dim3A_172 = arith.constant 0.000000e+00 : f32
      %broadcast_in_dim3A_173 = vector.broadcast %broadcast_in_dim3A_172 : f32 to vector<16xf32>
      %swap3A_174 = arith.constant 0 : i32
      %swap3A_175 = tpu.memref_slice %arg11[%add3A_137, %swap3A_174] : memref<128x128xf32, #tpu.memory_space<vmem>> -> memref<1x128xf32, #tpu.memory_space<vmem>>
      %swap3A_176 = tpu.memref_squeeze %swap3A_175 : memref<1x128xf32, #tpu.memory_space<vmem>> -> memref<128xf32, #tpu.memory_space<vmem>>
      %swap3A_177 = arith.constant 64 : index
      %swap3A_178 = tpu.vector_load %swap3A_176[%swap3A_177] {strides = array<i32>} : memref<128xf32, #tpu.memory_space<vmem>>, vector<16xf32>,
      tpu.vector_store %swap3A_176[%swap3A_177], %broadcast_in_dim3A_173 {strides = array<i32>} : memref<128xf32, #tpu.memory_space<vmem>>, vector<16xf32>,
      %broadcast_in_dim3A_179 = arith.constant 0.000000e+00 : f32
      %broadcast_in_dim3A_180 = vector.broadcast %broadcast_in_dim3A_179 : f32 to vector<16xf32>
      %swap3A_181 = arith.constant 0 : i32
      %swap3A_182 = tpu.memref_slice %arg11[%add3A_137, %swap3A_181] : memref<128x128xf32, #tpu.memory_space<vmem>> -> memref<1x128xf32, #tpu.memory_space<vmem>>
      %swap3A_183 = tpu.memref_squeeze %swap3A_182 : memref<1x128xf32, #tpu.memory_space<vmem>> -> memref<128xf32, #tpu.memory_space<vmem>>
      %swap3A_184 = arith.constant 80 : index
      %swap3A_185 = tpu.vector_load %swap3A_183[%swap3A_184] {strides = array<i32>} : memref<128xf32, #tpu.memory_space<vmem>>, vector<16xf32>,
      tpu.vector_store %swap3A_183[%swap3A_184], %broadcast_in_dim3A_180 {strides = array<i32>} : memref<128xf32, #tpu.memory_space<vmem>>, vector<16xf32>,
      %broadcast_in_dim3A_186 = arith.constant 0.000000e+00 : f32
      %broadcast_in_dim3A_187 = vector.broadcast %broadcast_in_dim3A_186 : f32 to vector<16xf32>
      %swap3A_188 = arith.constant 0 : i32
      %swap3A_189 = tpu.memref_slice %arg11[%add3A_137, %swap3A_188] : memref<128x128xf32, #tpu.memory_space<vmem>> -> memref<1x128xf32, #tpu.memory_space<vmem>>
      %swap3A_190 = tpu.memref_squeeze %swap3A_189 : memref<1x128xf32, #tpu.memory_space<vmem>> -> memref<128xf32, #tpu.memory_space<vmem>>
      %swap3A_191 = arith.constant 96 : index
      %swap3A_192 = tpu.vector_load %swap3A_190[%swap3A_191] {strides = array<i32>} : memref<128xf32, #tpu.memory_space<vmem>>, vector<16xf32>,
      tpu.vector_store %swap3A_190[%swap3A_191], %broadcast_in_dim3A_187 {strides = array<i32>} : memref<128xf32, #tpu.memory_space<vmem>>, vector<16xf32>,
      %broadcast_in_dim3A_193 = arith.constant 0.000000e+00 : f32
      %broadcast_in_dim3A_194 = vector.broadcast %broadcast_in_dim3A_193 : f32 to vector<16xf32>
      %swap3A_195 = arith.constant 0 : i32
      %swap3A_196 = tpu.memref_slice %arg11[%add3A_137, %swap3A_195] : memref<128x128xf32, #tpu.memory_space<vmem>> -> memref<1x128xf32, #tpu.memory_space<vmem>>
      %swap3A_197 = tpu.memref_squeeze %swap3A_196 : memref<1x128xf32, #tpu.memory_space<vmem>> -> memref<128xf32, #tpu.memory_space<vmem>>
      %swap3A_198 = arith.constant 112 : index
      %swap3A_199 = tpu.vector_load %swap3A_197[%swap3A_198] {strides = array<i32>} : memref<128xf32, #tpu.memory_space<vmem>>, vector<16xf32>,
      tpu.vector_store %swap3A_197[%swap3A_198], %broadcast_in_dim3A_194 {strides = array<i32>} : memref<128xf32, #tpu.memory_space<vmem>>, vector<16xf32>,
    }
    %scan3A_73 = arith.constant 128 : i32
    %mul3A_74 = arith.constant 624 : i32
    %mul3A_75 = arith.muli %arg1, %mul3A_74 : i32
    %add3A_76 = arith.constant 0 : i32
    %add3A_77 = arith.addi %mul3A_75, %add3A_76 : i32
    "tpu.region"() ({
      %run_scoped3A_133 = tpu.sem_alloc : memref<!tpu.dma_semaphore, #tpu.memory_space<semaphore_mem>>
      %dma_start3A_134 = arith.constant 0 : i32
      %dma_start3A_135 = arith.constant 0 : i32
      %dma_start3A_136 = tpu.memref_slice %arg11[%dma_start3A_134, %dma_start3A_135] : memref<128x128xf32, #tpu.memory_space<vmem>> -> memref<104x128xf32, #tpu.memory_space<vmem>>
      %dma_start3A_137 = arith.constant 0 : i32
      %dma_start3A_138 = tpu.memref_slice %arg23[%add3A_77, %dma_start3A_137] : memref<10000x128xf32, #tpu.memory_space<vmem_shared>> -> memref<104x128xf32, #tpu.memory_space<vmem_shared>>
      %dma_start3A_139 = arith.constant 0 : i32
      %dma_start3A_140 = tpu.memref_slice %arg23[%add3A_77, %dma_start3A_139] : memref<10000x128xf32, #tpu.memory_space<vmem_shared>> -> memref<104x128xf32, #tpu.memory_space<vmem_shared>>
      %dma_start3A_141 = arith.constant 0 : i32
      %dma_start3A_142 = arith.constant 0 : i32
      %dma_start3A_143 = tpu.memref_slice %arg11[%dma_start3A_141, %dma_start3A_142] : memref<128x128xf32, #tpu.memory_space<vmem>> -> memref<104x128xf32, #tpu.memory_space<vmem>>
      tpu.enqueue_dma source(%dma_start3A_143 : memref<104x128xf32, #tpu.memory_space<vmem>>) target(%dma_start3A_140 : memref<104x128xf32, #tpu.memory_space<vmem_shared>>) target_semaphore(%run_scoped3A_133 : memref<!tpu.dma_semaphore, #tpu.memory_space<semaphore_mem>>)
      %dma_wait3A = arith.constant 0 : i32
      %dma_wait3A_144 = arith.constant 0 : i32
      %dma_wait3A_145 = tpu.memref_slice %arg11[%dma_wait3A, %dma_wait3A_144] : memref<128x128xf32, #tpu.memory_space<vmem>> -> memref<104x128xf32, #tpu.memory_space<vmem>>
      %dma_wait3A_146 = arith.constant 0 : i32
      %dma_wait3A_147 = tpu.memref_slice %arg23[%add3A_77, %dma_wait3A_146] : memref<10000x128xf32, #tpu.memory_space<vmem_shared>> -> memref<104x128xf32, #tpu.memory_space<vmem_shared>>
      %dma_wait3A_148 = arith.constant 0 : i32
      %dma_wait3A_149 = tpu.memref_slice %arg23[%add3A_77, %dma_wait3A_148] : memref<10000x128xf32, #tpu.memory_space<vmem_shared>> -> memref<104x128xf32, #tpu.memory_space<vmem_shared>>
      %dma_wait3A_150 = arith.constant 0 : i32
      %dma_wait3A_151 = arith.constant 0 : i32
      %dma_wait3A_152 = tpu.memref_slice %arg11[%dma_wait3A_150, %dma_wait3A_151] : memref<128x128xf32, #tpu.memory_space<vmem>> -> memref<104x128xf32, #tpu.memory_space<vmem>>
      tpu.wait_dma2 semaphore(%run_scoped3A_133 : memref<!tpu.dma_semaphore, #tpu.memory_space<semaphore_mem>>) src(%dma_wait3A_152 : memref<104x128xf32, #tpu.memory_space<vmem>>) dst(%dma_wait3A_149 : memref<104x128xf32, #tpu.memory_space<vmem_shared>>)
      tpu.yield
    }) : () -> ()
    %mul3A_78 = arith.constant 624 : i32
    %mul3A_79 = arith.muli %arg1, %mul3A_78 : i32
    %add3A_80 = arith.constant 104 : i32
    %add3A_81 = arith.addi %mul3A_79, %add3A_80 : i32
    "tpu.region"() ({
      %run_scoped3A_133 = tpu.sem_alloc : memref<!tpu.dma_semaphore, #tpu.memory_space<semaphore_mem>>
      %dma_start3A_134 = arith.constant 0 : i32
      %dma_start3A_135 = arith.constant 0 : i32
      %dma_start3A_136 = tpu.memref_slice %arg11[%dma_start3A_134, %dma_start3A_135] : memref<128x128xf32, #tpu.memory_space<vmem>> -> memref<104x128xf32, #tpu.memory_space<vmem>>
      %dma_start3A_137 = arith.constant 0 : i32
      %dma_start3A_138 = tpu.memref_slice %arg23[%add3A_81, %dma_start3A_137] : memref<10000x128xf32, #tpu.memory_space<vmem_shared>> -> memref<104x128xf32, #tpu.memory_space<vmem_shared>>
      %dma_start3A_139 = arith.constant 0 : i32
      %dma_start3A_140 = tpu.memref_slice %arg23[%add3A_81, %dma_start3A_139] : memref<10000x128xf32, #tpu.memory_space<vmem_shared>> -> memref<104x128xf32, #tpu.memory_space<vmem_shared>>
      %dma_start3A_141 = arith.constant 0 : i32
      %dma_start3A_142 = arith.constant 0 : i32
      %dma_start3A_143 = tpu.memref_slice %arg11[%dma_start3A_141, %dma_start3A_142] : memref<128x128xf32, #tpu.memory_space<vmem>> -> memref<104x128xf32, #tpu.memory_space<vmem>>
      tpu.enqueue_dma source(%dma_start3A_143 : memref<104x128xf32, #tpu.memory_space<vmem>>) target(%dma_start3A_140 : memref<104x128xf32, #tpu.memory_space<vmem_shared>>) target_semaphore(%run_scoped3A_133 : memref<!tpu.dma_semaphore, #tpu.memory_space<semaphore_mem>>)
      %dma_wait3A = arith.constant 0 : i32
      %dma_wait3A_144 = arith.constant 0 : i32
      %dma_wait3A_145 = tpu.memref_slice %arg11[%dma_wait3A, %dma_wait3A_144] : memref<128x128xf32, #tpu.memory_space<vmem>> -> memref<104x128xf32, #tpu.memory_space<vmem>>
      %dma_wait3A_146 = arith.constant 0 : i32
      %dma_wait3A_147 = tpu.memref_slice %arg23[%add3A_81, %dma_wait3A_146] : memref<10000x128xf32, #tpu.memory_space<vmem_shared>> -> memref<104x128xf32, #tpu.memory_space<vmem_shared>>
      %dma_wait3A_148 = arith.constant 0 : i32
      %dma_wait3A_149 = tpu.memref_slice %arg23[%add3A_81, %dma_wait3A_148] : memref<10000x128xf32, #tpu.memory_space<vmem_shared>> -> memref<104x128xf32, #tpu.memory_space<vmem_shared>>
      %dma_wait3A_150 = arith.constant 0 : i32
      %dma_wait3A_151 = arith.constant 0 : i32
      %dma_wait3A_152 = tpu.memref_slice %arg11[%dma_wait3A_150, %dma_wait3A_151] : memref<128x128xf32, #tpu.memory_space<vmem>> -> memref<104x128xf32, #tpu.memory_space<vmem>>
      tpu.wait_dma2 semaphore(%run_scoped3A_133 : memref<!tpu.dma_semaphore, #tpu.memory_space<semaphore_mem>>) src(%dma_wait3A_152 : memref<104x128xf32, #tpu.memory_space<vmem>>) dst(%dma_wait3A_149 : memref<104x128xf32, #tpu.memory_space<vmem_shared>>)
      tpu.yield
    }) : () -> ()
    %mul3A_82 = arith.constant 624 : i32
    %mul3A_83 = arith.muli %arg1, %mul3A_82 : i32
    %add3A_84 = arith.constant 208 : i32
    %add3A_85 = arith.addi %mul3A_83, %add3A_84 : i32
    "tpu.region"() ({
      %run_scoped3A_133 = tpu.sem_alloc : memref<!tpu.dma_semaphore, #tpu.memory_space<semaphore_mem>>
      %dma_start3A_134 = arith.constant 0 : i32
      %dma_start3A_135 = arith.constant 0 : i32
      %dma_start3A_136 = tpu.memref_slice %arg11[%dma_start3A_134, %dma_start3A_135] : memref<128x128xf32, #tpu.memory_space<vmem>> -> memref<104x128xf32, #tpu.memory_space<vmem>>
      %dma_start3A_137 = arith.constant 0 : i32
      %dma_start3A_138 = tpu.memref_slice %arg23[%add3A_85, %dma_start3A_137] : memref<10000x128xf32, #tpu.memory_space<vmem_shared>> -> memref<104x128xf32, #tpu.memory_space<vmem_shared>>
      %dma_start3A_139 = arith.constant 0 : i32
      %dma_start3A_140 = tpu.memref_slice %arg23[%add3A_85, %dma_start3A_139] : memref<10000x128xf32, #tpu.memory_space<vmem_shared>> -> memref<104x128xf32, #tpu.memory_space<vmem_shared>>
      %dma_start3A_141 = arith.constant 0 : i32
      %dma_start3A_142 = arith.constant 0 : i32
      %dma_start3A_143 = tpu.memref_slice %arg11[%dma_start3A_141, %dma_start3A_142] : memref<128x128xf32, #tpu.memory_space<vmem>> -> memref<104x128xf32, #tpu.memory_space<vmem>>
      tpu.enqueue_dma source(%dma_start3A_143 : memref<104x128xf32, #tpu.memory_space<vmem>>) target(%dma_start3A_140 : memref<104x128xf32, #tpu.memory_space<vmem_shared>>) target_semaphore(%run_scoped3A_133 : memref<!tpu.dma_semaphore, #tpu.memory_space<semaphore_mem>>)
      %dma_wait3A = arith.constant 0 : i32
      %dma_wait3A_144 = arith.constant 0 : i32
      %dma_wait3A_145 = tpu.memref_slice %arg11[%dma_wait3A, %dma_wait3A_144] : memref<128x128xf32, #tpu.memory_space<vmem>> -> memref<104x128xf32, #tpu.memory_space<vmem>>
      %dma_wait3A_146 = arith.constant 0 : i32
      %dma_wait3A_147 = tpu.memref_slice %arg23[%add3A_85, %dma_wait3A_146] : memref<10000x128xf32, #tpu.memory_space<vmem_shared>> -> memref<104x128xf32, #tpu.memory_space<vmem_shared>>
      %dma_wait3A_148 = arith.constant 0 : i32
      %dma_wait3A_149 = tpu.memref_slice %arg23[%add3A_85, %dma_wait3A_148] : memref<10000x128xf32, #tpu.memory_space<vmem_shared>> -> memref<104x128xf32, #tpu.memory_space<vmem_shared>>
      %dma_wait3A_150 = arith.constant 0 : i32
      %dma_wait3A_151 = arith.constant 0 : i32
      %dma_wait3A_152 = tpu.memref_slice %arg11[%dma_wait3A_150, %dma_wait3A_151] : memref<128x128xf32, #tpu.memory_space<vmem>> -> memref<104x128xf32, #tpu.memory_space<vmem>>
      tpu.wait_dma2 semaphore(%run_scoped3A_133 : memref<!tpu.dma_semaphore, #tpu.memory_space<semaphore_mem>>) src(%dma_wait3A_152 : memref<104x128xf32, #tpu.memory_space<vmem>>) dst(%dma_wait3A_149 : memref<104x128xf32, #tpu.memory_space<vmem_shared>>)
      tpu.yield
    }) : () -> ()
    %mul3A_86 = arith.constant 624 : i32
    %mul3A_87 = arith.muli %arg1, %mul3A_86 : i32
    %add3A_88 = arith.constant 312 : i32
    %add3A_89 = arith.addi %mul3A_87, %add3A_88 : i32
    "tpu.region"() ({
      %run_scoped3A_133 = tpu.sem_alloc : memref<!tpu.dma_semaphore, #tpu.memory_space<semaphore_mem>>
      %dma_start3A_134 = arith.constant 0 : i32
      %dma_start3A_135 = arith.constant 0 : i32
      %dma_start3A_136 = tpu.memref_slice %arg11[%dma_start3A_134, %dma_start3A_135] : memref<128x128xf32, #tpu.memory_space<vmem>> -> memref<104x128xf32, #tpu.memory_space<vmem>>
      %dma_start3A_137 = arith.constant 0 : i32
      %dma_start3A_138 = tpu.memref_slice %arg23[%add3A_89, %dma_start3A_137] : memref<10000x128xf32, #tpu.memory_space<vmem_shared>> -> memref<104x128xf32, #tpu.memory_space<vmem_shared>>
      %dma_start3A_139 = arith.constant 0 : i32
      %dma_start3A_140 = tpu.memref_slice %arg23[%add3A_89, %dma_start3A_139] : memref<10000x128xf32, #tpu.memory_space<vmem_shared>> -> memref<104x128xf32, #tpu.memory_space<vmem_shared>>
      %dma_start3A_141 = arith.constant 0 : i32
      %dma_start3A_142 = arith.constant 0 : i32
      %dma_start3A_143 = tpu.memref_slice %arg11[%dma_start3A_141, %dma_start3A_142] : memref<128x128xf32, #tpu.memory_space<vmem>> -> memref<104x128xf32, #tpu.memory_space<vmem>>
      tpu.enqueue_dma source(%dma_start3A_143 : memref<104x128xf32, #tpu.memory_space<vmem>>) target(%dma_start3A_140 : memref<104x128xf32, #tpu.memory_space<vmem_shared>>) target_semaphore(%run_scoped3A_133 : memref<!tpu.dma_semaphore, #tpu.memory_space<semaphore_mem>>)
      %dma_wait3A = arith.constant 0 : i32
      %dma_wait3A_144 = arith.constant 0 : i32
      %dma_wait3A_145 = tpu.memref_slice %arg11[%dma_wait3A, %dma_wait3A_144] : memref<128x128xf32, #tpu.memory_space<vmem>> -> memref<104x128xf32, #tpu.memory_space<vmem>>
      %dma_wait3A_146 = arith.constant 0 : i32
      %dma_wait3A_147 = tpu.memref_slice %arg23[%add3A_89, %dma_wait3A_146] : memref<10000x128xf32, #tpu.memory_space<vmem_shared>> -> memref<104x128xf32, #tpu.memory_space<vmem_shared>>
      %dma_wait3A_148 = arith.constant 0 : i32
      %dma_wait3A_149 = tpu.memref_slice %arg23[%add3A_89, %dma_wait3A_148] : memref<10000x128xf32, #tpu.memory_space<vmem_shared>> -> memref<104x128xf32, #tpu.memory_space<vmem_shared>>
      %dma_wait3A_150 = arith.constant 0 : i32
      %dma_wait3A_151 = arith.constant 0 : i32
      %dma_wait3A_152 = tpu.memref_slice %arg11[%dma_wait3A_150, %dma_wait3A_151] : memref<128x128xf32, #tpu.memory_space<vmem>> -> memref<104x128xf32, #tpu.memory_space<vmem>>
      tpu.wait_dma2 semaphore(%run_scoped3A_133 : memref<!tpu.dma_semaphore, #tpu.memory_space<semaphore_mem>>) src(%dma_wait3A_152 : memref<104x128xf32, #tpu.memory_space<vmem>>) dst(%dma_wait3A_149 : memref<104x128xf32, #tpu.memory_space<vmem_shared>>)
      tpu.yield
    }) : () -> ()
    %mul3A_90 = arith.constant 624 : i32
    %mul3A_91 = arith.muli %arg1, %mul3A_90 : i32
    %add3A_92 = arith.constant 416 : i32
    %add3A_93 = arith.addi %mul3A_91, %add3A_92 : i32
    "tpu.region"() ({
      %run_scoped3A_133 = tpu.sem_alloc : memref<!tpu.dma_semaphore, #tpu.memory_space<semaphore_mem>>
      %dma_start3A_134 = arith.constant 0 : i32
      %dma_start3A_135 = arith.constant 0 : i32
      %dma_start3A_136 = tpu.memref_slice %arg11[%dma_start3A_134, %dma_start3A_135] : memref<128x128xf32, #tpu.memory_space<vmem>> -> memref<104x128xf32, #tpu.memory_space<vmem>>
      %dma_start3A_137 = arith.constant 0 : i32
      %dma_start3A_138 = tpu.memref_slice %arg23[%add3A_93, %dma_start3A_137] : memref<10000x128xf32, #tpu.memory_space<vmem_shared>> -> memref<104x128xf32, #tpu.memory_space<vmem_shared>>
      %dma_start3A_139 = arith.constant 0 : i32
      %dma_start3A_140 = tpu.memref_slice %arg23[%add3A_93, %dma_start3A_139] : memref<10000x128xf32, #tpu.memory_space<vmem_shared>> -> memref<104x128xf32, #tpu.memory_space<vmem_shared>>
      %dma_start3A_141 = arith.constant 0 : i32
      %dma_start3A_142 = arith.constant 0 : i32
      %dma_start3A_143 = tpu.memref_slice %arg11[%dma_start3A_141, %dma_start3A_142] : memref<128x128xf32, #tpu.memory_space<vmem>> -> memref<104x128xf32, #tpu.memory_space<vmem>>
      tpu.enqueue_dma source(%dma_start3A_143 : memref<104x128xf32, #tpu.memory_space<vmem>>) target(%dma_start3A_140 : memref<104x128xf32, #tpu.memory_space<vmem_shared>>) target_semaphore(%run_scoped3A_133 : memref<!tpu.dma_semaphore, #tpu.memory_space<semaphore_mem>>)
      %dma_wait3A = arith.constant 0 : i32
      %dma_wait3A_144 = arith.constant 0 : i32
      %dma_wait3A_145 = tpu.memref_slice %arg11[%dma_wait3A, %dma_wait3A_144] : memref<128x128xf32, #tpu.memory_space<vmem>> -> memref<104x128xf32, #tpu.memory_space<vmem>>
      %dma_wait3A_146 = arith.constant 0 : i32
      %dma_wait3A_147 = tpu.memref_slice %arg23[%add3A_93, %dma_wait3A_146] : memref<10000x128xf32, #tpu.memory_space<vmem_shared>> -> memref<104x128xf32, #tpu.memory_space<vmem_shared>>
      %dma_wait3A_148 = arith.constant 0 : i32
      %dma_wait3A_149 = tpu.memref_slice %arg23[%add3A_93, %dma_wait3A_148] : memref<10000x128xf32, #tpu.memory_space<vmem_shared>> -> memref<104x128xf32, #tpu.memory_space<vmem_shared>>
      %dma_wait3A_150 = arith.constant 0 : i32
      %dma_wait3A_151 = arith.constant 0 : i32
      %dma_wait3A_152 = tpu.memref_slice %arg11[%dma_wait3A_150, %dma_wait3A_151] : memref<128x128xf32, #tpu.memory_space<vmem>> -> memref<104x128xf32, #tpu.memory_space<vmem>>
      tpu.wait_dma2 semaphore(%run_scoped3A_133 : memref<!tpu.dma_semaphore, #tpu.memory_space<semaphore_mem>>) src(%dma_wait3A_152 : memref<104x128xf32, #tpu.memory_space<vmem>>) dst(%dma_wait3A_149 : memref<104x128xf32, #tpu.memory_space<vmem_shared>>)
      tpu.yield
    }) : () -> ()
    %mul3A_94 = arith.constant 624 : i32
    %mul3A_95 = arith.muli %arg1, %mul3A_94 : i32
    %add3A_96 = arith.constant 520 : i32
    %add3A_97 = arith.addi %mul3A_95, %add3A_96 : i32
    "tpu.region"() ({
      %run_scoped3A_133 = tpu.sem_alloc : memref<!tpu.dma_semaphore, #tpu.memory_space<semaphore_mem>>
      %dma_start3A_134 = arith.constant 0 : i32
      %dma_start3A_135 = arith.constant 0 : i32
      %dma_start3A_136 = tpu.memref_slice %arg11[%dma_start3A_134, %dma_start3A_135] : memref<128x128xf32, #tpu.memory_space<vmem>> -> memref<104x128xf32, #tpu.memory_space<vmem>>
      %dma_start3A_137 = arith.constant 0 : i32
      %dma_start3A_138 = tpu.memref_slice %arg23[%add3A_97, %dma_start3A_137] : memref<10000x128xf32, #tpu.memory_space<vmem_shared>> -> memref<104x128xf32, #tpu.memory_space<vmem_shared>>
      %dma_start3A_139 = arith.constant 0 : i32
      %dma_start3A_140 = tpu.memref_slice %arg23[%add3A_97, %dma_start3A_139] : memref<10000x128xf32, #tpu.memory_space<vmem_shared>> -> memref<104x128xf32, #tpu.memory_space<vmem_shared>>
      %dma_start3A_141 = arith.constant 0 : i32
      %dma_start3A_142 = arith.constant 0 : i32
      %dma_start3A_143 = tpu.memref_slice %arg11[%dma_start3A_141, %dma_start3A_142] : memref<128x128xf32, #tpu.memory_space<vmem>> -> memref<104x128xf32, #tpu.memory_space<vmem>>
      tpu.enqueue_dma source(%dma_start3A_143 : memref<104x128xf32, #tpu.memory_space<vmem>>) target(%dma_start3A_140 : memref<104x128xf32, #tpu.memory_space<vmem_shared>>) target_semaphore(%run_scoped3A_133 : memref<!tpu.dma_semaphore, #tpu.memory_space<semaphore_mem>>)
      %dma_wait3A = arith.constant 0 : i32
      %dma_wait3A_144 = arith.constant 0 : i32
      %dma_wait3A_145 = tpu.memref_slice %arg11[%dma_wait3A, %dma_wait3A_144] : memref<128x128xf32, #tpu.memory_space<vmem>> -> memref<104x128xf32, #tpu.memory_space<vmem>>
      %dma_wait3A_146 = arith.constant 0 : i32
      %dma_wait3A_147 = tpu.memref_slice %arg23[%add3A_97, %dma_wait3A_146] : memref<10000x128xf32, #tpu.memory_space<vmem_shared>> -> memref<104x128xf32, #tpu.memory_space<vmem_shared>>
      %dma_wait3A_148 = arith.constant 0 : i32
      %dma_wait3A_149 = tpu.memref_slice %arg23[%add3A_97, %dma_wait3A_148] : memref<10000x128xf32, #tpu.memory_space<vmem_shared>> -> memref<104x128xf32, #tpu.memory_space<vmem_shared>>
      %dma_wait3A_150 = arith.constant 0 : i32
      %dma_wait3A_151 = arith.constant 0 : i32
      %dma_wait3A_152 = tpu.memref_slice %arg11[%dma_wait3A_150, %dma_wait3A_151] : memref<128x128xf32, #tpu.memory_space<vmem>> -> memref<104x128xf32, #tpu.memory_space<vmem>>
      tpu.wait_dma2 semaphore(%run_scoped3A_133 : memref<!tpu.dma_semaphore, #tpu.memory_space<semaphore_mem>>) src(%dma_wait3A_152 : memref<104x128xf32, #tpu.memory_space<vmem>>) dst(%dma_wait3A_149 : memref<104x128xf32, #tpu.memory_space<vmem_shared>>)
      tpu.yield
    }) : () -> ()
    %eq3A_98 = arith.constant 15 : i32
    %eq3A_99 = arith.cmpi eq, %arg1, %eq3A_98 : i32
    %convert_element_type3A_100 = arith.extui %eq3A_99 : i1 to i32
    %cond3A_101 = arith.constant 0 : i32
    %cond3A_102 = arith.cmpi ne, %convert_element_type3A_100, %cond3A_101 : i32
    scf.if %cond3A_102 {
      "tpu.region"() ({
        %run_scoped3A_133 = tpu.sem_alloc : memref<!tpu.dma_semaphore, #tpu.memory_space<semaphore_mem>>
        %dma_start3A_134 = arith.constant 0 : i32
        %dma_start3A_135 = arith.constant 0 : i32
        %dma_start3A_136 = tpu.memref_slice %arg11[%dma_start3A_134, %dma_start3A_135] : memref<128x128xf32, #tpu.memory_space<vmem>> -> memref<16x128xf32, #tpu.memory_space<vmem>>
        %dma_start3A_137 = arith.constant 9984 : i32
        %dma_start3A_138 = arith.constant 0 : i32
        %dma_start3A_139 = tpu.memref_slice %arg23[%dma_start3A_137, %dma_start3A_138] : memref<10000x128xf32, #tpu.memory_space<vmem_shared>> -> memref<16x128xf32, #tpu.memory_space<vmem_shared>>
        %dma_start3A_140 = arith.constant 9984 : i32
        %dma_start3A_141 = arith.constant 0 : i32
        %dma_start3A_142 = tpu.memref_slice %arg23[%dma_start3A_140, %dma_start3A_141] : memref<10000x128xf32, #tpu.memory_space<vmem_shared>> -> memref<16x128xf32, #tpu.memory_space<vmem_shared>>
        %dma_start3A_143 = arith.constant 0 : i32
        %dma_start3A_144 = arith.constant 0 : i32
        %dma_start3A_145 = tpu.memref_slice %arg11[%dma_start3A_143, %dma_start3A_144] : memref<128x128xf32, #tpu.memory_space<vmem>> -> memref<16x128xf32, #tpu.memory_space<vmem>>
        tpu.enqueue_dma source(%dma_start3A_145 : memref<16x128xf32, #tpu.memory_space<vmem>>) target(%dma_start3A_142 : memref<16x128xf32, #tpu.memory_space<vmem_shared>>) target_semaphore(%run_scoped3A_133 : memref<!tpu.dma_semaphore, #tpu.memory_space<semaphore_mem>>)
        %dma_wait3A = arith.constant 0 : i32
        %dma_wait3A_146 = arith.constant 0 : i32
        %dma_wait3A_147 = tpu.memref_slice %arg11[%dma_wait3A, %dma_wait3A_146] : memref<128x128xf32, #tpu.memory_space<vmem>> -> memref<16x128xf32, #tpu.memory_space<vmem>>
        %dma_wait3A_148 = arith.constant 9984 : i32
        %dma_wait3A_149 = arith.constant 0 : i32
        %dma_wait3A_150 = tpu.memref_slice %arg23[%dma_wait3A_148, %dma_wait3A_149] : memref<10000x128xf32, #tpu.memory_space<vmem_shared>> -> memref<16x128xf32, #tpu.memory_space<vmem_shared>>
        %dma_wait3A_151 = arith.constant 9984 : i32
        %dma_wait3A_152 = arith.constant 0 : i32
        %dma_wait3A_153 = tpu.memref_slice %arg23[%dma_wait3A_151, %dma_wait3A_152] : memref<10000x128xf32, #tpu.memory_space<vmem_shared>> -> memref<16x128xf32, #tpu.memory_space<vmem_shared>>
        %dma_wait3A_154 = arith.constant 0 : i32
        %dma_wait3A_155 = arith.constant 0 : i32
        %dma_wait3A_156 = tpu.memref_slice %arg11[%dma_wait3A_154, %dma_wait3A_155] : memref<128x128xf32, #tpu.memory_space<vmem>> -> memref<16x128xf32, #tpu.memory_space<vmem>>
        tpu.wait_dma2 semaphore(%run_scoped3A_133 : memref<!tpu.dma_semaphore, #tpu.memory_space<semaphore_mem>>) src(%dma_wait3A_156 : memref<16x128xf32, #tpu.memory_space<vmem>>) dst(%dma_wait3A_153 : memref<16x128xf32, #tpu.memory_space<vmem_shared>>)
        tpu.yield
      }) : () -> ()
    } else {
    }
    %mul3A_103 = arith.constant 640 : i32
    %mul3A_104 = arith.muli %arg1, %mul3A_103 : i32
    "tpu.region"() ({
      %run_scoped3A_133 = tpu.sem_alloc : memref<!tpu.dma_semaphore, #tpu.memory_space<semaphore_mem>>
      %dma_start3A_134 = tpu.memref_slice %arg24[%mul3A_104] : memref<10240xf32, #tpu.memory_space<vmem_shared>> -> memref<640xf32, #tpu.memory_space<vmem_shared>>
      %dma_start3A_135 = tpu.memref_slice %arg24[%mul3A_104] : memref<10240xf32, #tpu.memory_space<vmem_shared>> -> memref<640xf32, #tpu.memory_space<vmem_shared>>
      tpu.enqueue_dma source(%arg15 : memref<640xf32, #tpu.memory_space<vmem>>) target(%dma_start3A_135 : memref<640xf32, #tpu.memory_space<vmem_shared>>) target_semaphore(%run_scoped3A_133 : memref<!tpu.dma_semaphore, #tpu.memory_space<semaphore_mem>>)
      %dma_wait3A = tpu.memref_slice %arg24[%mul3A_104] : memref<10240xf32, #tpu.memory_space<vmem_shared>> -> memref<640xf32, #tpu.memory_space<vmem_shared>>
      %dma_wait3A_136 = tpu.memref_slice %arg24[%mul3A_104] : memref<10240xf32, #tpu.memory_space<vmem_shared>> -> memref<640xf32, #tpu.memory_space<vmem_shared>>
      tpu.wait_dma2 semaphore(%run_scoped3A_133 : memref<!tpu.dma_semaphore, #tpu.memory_space<semaphore_mem>>) src(%arg15 : memref<640xf32, #tpu.memory_space<vmem>>) dst(%dma_wait3A_136 : memref<640xf32, #tpu.memory_space<vmem_shared>>)
      tpu.yield
    }) : () -> ()
    %barrier3A_105 = arith.constant 0 : index
    tpu.barrier barrier_id(%barrier3A_105)
    %mul3A_106 = arith.constant 20224 : i32
    %mul3A_107 = arith.muli %arg1, %mul3A_106 : i32
    "tpu.region"() ({
      %run_scoped3A_133 = tpu.sem_alloc : memref<!tpu.dma_semaphore, #tpu.memory_space<semaphore_mem>>
      %dma_start3A_134 = tpu.memref_slice %arg3[%mul3A_107] : memref<323584xi32, #tpu.memory_space<hbm>> -> memref<128xi32, #tpu.memory_space<hbm>>
      %dma_start3A_135 = tpu.memref_slice %arg3[%mul3A_107] : memref<323584xi32, #tpu.memory_space<hbm>> -> memref<128xi32, #tpu.memory_space<hbm>>
      tpu.enqueue_dma source(%dma_start3A_135 : memref<128xi32, #tpu.memory_space<hbm>>) target(%arg9 : memref<128xi32, #tpu.memory_space<vmem>>) target_semaphore(%run_scoped3A_133 : memref<!tpu.dma_semaphore, #tpu.memory_space<semaphore_mem>>)
      %dma_wait3A = tpu.memref_slice %arg3[%mul3A_107] : memref<323584xi32, #tpu.memory_space<hbm>> -> memref<128xi32, #tpu.memory_space<hbm>>
      %dma_wait3A_136 = tpu.memref_slice %arg3[%mul3A_107] : memref<323584xi32, #tpu.memory_space<hbm>> -> memref<128xi32, #tpu.memory_space<hbm>>
      tpu.wait_dma2 semaphore(%run_scoped3A_133 : memref<!tpu.dma_semaphore, #tpu.memory_space<semaphore_mem>>) src(%dma_wait3A_136 : memref<128xi32, #tpu.memory_space<hbm>>) dst(%arg9 : memref<128xi32, #tpu.memory_space<vmem>>)
      tpu.yield
    }) : () -> ()
    %run_scoped3A_108 = arith.constant 0 : i32
    "tpu.region"() ({
      %run_scoped3A_133 = tpu.sem_alloc : memref<!tpu.dma_semaphore, #tpu.memory_space<semaphore_mem>>
      %dma_start3A_134 = arith.constant 0 : i32
      %dma_start3A_135 = tpu.memref_slice %arg10[%run_scoped3A_108, %dma_start3A_134] : memref<1x128xi32, #tpu.memory_space<vmem>> -> memref<1x128xi32, #tpu.memory_space<vmem>>
      %dma_start3A_136 = tpu.memref_squeeze %dma_start3A_135 : memref<1x128xi32, #tpu.memory_space<vmem>> -> memref<128xi32, #tpu.memory_space<vmem>>
      %dma_start3A_137 = tpu.memref_slice %arg4[%mul3A_107] : memref<323584xi32, #tpu.memory_space<hbm>> -> memref<128xi32, #tpu.memory_space<hbm>>
      %dma_start3A_138 = arith.constant 0 : i32
      %dma_start3A_139 = tpu.memref_slice %arg10[%run_scoped3A_108, %dma_start3A_138] : memref<1x128xi32, #tpu.memory_space<vmem>> -> memref<1x128xi32, #tpu.memory_space<vmem>>
      %dma_start3A_140 = tpu.memref_squeeze %dma_start3A_139 : memref<1x128xi32, #tpu.memory_space<vmem>> -> memref<128xi32, #tpu.memory_space<vmem>>
      %dma_start3A_141 = tpu.memref_slice %arg4[%mul3A_107] : memref<323584xi32, #tpu.memory_space<hbm>> -> memref<128xi32, #tpu.memory_space<hbm>>
      tpu.enqueue_dma source(%dma_start3A_141 : memref<128xi32, #tpu.memory_space<hbm>>) target(%dma_start3A_140 : memref<128xi32, #tpu.memory_space<vmem>>) target_semaphore(%run_scoped3A_133 : memref<!tpu.dma_semaphore, #tpu.memory_space<semaphore_mem>>)
      %dma_wait3A = arith.constant 0 : i32
      %dma_wait3A_142 = tpu.memref_slice %arg10[%run_scoped3A_108, %dma_wait3A] : memref<1x128xi32, #tpu.memory_space<vmem>> -> memref<1x128xi32, #tpu.memory_space<vmem>>
      %dma_wait3A_143 = tpu.memref_squeeze %dma_wait3A_142 : memref<1x128xi32, #tpu.memory_space<vmem>> -> memref<128xi32, #tpu.memory_space<vmem>>
      %dma_wait3A_144 = tpu.memref_slice %arg4[%mul3A_107] : memref<323584xi32, #tpu.memory_space<hbm>> -> memref<128xi32, #tpu.memory_space<hbm>>
      %dma_wait3A_145 = arith.constant 0 : i32
      %dma_wait3A_146 = tpu.memref_slice %arg10[%run_scoped3A_108, %dma_wait3A_145] : memref<1x128xi32, #tpu.memory_space<vmem>> -> memref<1x128xi32, #tpu.memory_space<vmem>>
      %dma_wait3A_147 = tpu.memref_squeeze %dma_wait3A_146 : memref<1x128xi32, #tpu.memory_space<vmem>> -> memref<128xi32, #tpu.memory_space<vmem>>
      %dma_wait3A_148 = tpu.memref_slice %arg4[%mul3A_107] : memref<323584xi32, #tpu.memory_space<hbm>> -> memref<128xi32, #tpu.memory_space<hbm>>
      tpu.wait_dma2 semaphore(%run_scoped3A_133 : memref<!tpu.dma_semaphore, #tpu.memory_space<semaphore_mem>>) src(%dma_wait3A_148 : memref<128xi32, #tpu.memory_space<hbm>>) dst(%dma_wait3A_147 : memref<128xi32, #tpu.memory_space<vmem>>)
      tpu.yield
    }) : () -> ()
    "tpu.region"() ({
      %run_scoped3A_133 = tpu.sem_alloc : memref<!tpu.dma_semaphore, #tpu.memory_space<semaphore_mem>>
      %dma_start3A_134 = tpu.memref_slice %arg5[%add3A_68, %mul3A_107] : memref<8x323584xf32, #tpu.memory_space<hbm>> -> memref<1x128xf32, #tpu.memory_space<hbm>>
      %dma_start3A_135 = tpu.memref_squeeze %dma_start3A_134 : memref<1x128xf32, #tpu.memory_space<hbm>> -> memref<128xf32, #tpu.memory_space<hbm>>
      %dma_start3A_136 = tpu.memref_slice %arg5[%add3A_68, %mul3A_107] : memref<8x323584xf32, #tpu.memory_space<hbm>> -> memref<1x128xf32, #tpu.memory_space<hbm>>
      %dma_start3A_137 = tpu.memref_squeeze %dma_start3A_136 : memref<1x128xf32, #tpu.memory_space<hbm>> -> memref<128xf32, #tpu.memory_space<hbm>>
      tpu.enqueue_dma source(%dma_start3A_137 : memref<128xf32, #tpu.memory_space<hbm>>) target(%arg12 : memref<128xf32, #tpu.memory_space<vmem>>) target_semaphore(%run_scoped3A_133 : memref<!tpu.dma_semaphore, #tpu.memory_space<semaphore_mem>>)
      %dma_wait3A = tpu.memref_slice %arg5[%add3A_68, %mul3A_107] : memref<8x323584xf32, #tpu.memory_space<hbm>> -> memref<1x128xf32, #tpu.memory_space<hbm>>
      %dma_wait3A_138 = tpu.memref_squeeze %dma_wait3A : memref<1x128xf32, #tpu.memory_space<hbm>> -> memref<128xf32, #tpu.memory_space<hbm>>
      %dma_wait3A_139 = tpu.memref_slice %arg5[%add3A_68, %mul3A_107] : memref<8x323584xf32, #tpu.memory_space<hbm>> -> memref<1x128xf32, #tpu.memory_space<hbm>>
      %dma_wait3A_140 = tpu.memref_squeeze %dma_wait3A_139 : memref<1x128xf32, #tpu.memory_space<hbm>> -> memref<128xf32, #tpu.memory_space<hbm>>
      tpu.wait_dma2 semaphore(%run_scoped3A_133 : memref<!tpu.dma_semaphore, #tpu.memory_space<semaphore_mem>>) src(%dma_wait3A_140 : memref<128xf32, #tpu.memory_space<hbm>>) dst(%arg12 : memref<128xf32, #tpu.memory_space<vmem>>)
      tpu.yield
    }) : () -> ()
    %dma_start3A_109 = arith.constant 0 : i32
    %dma_start3A_110 = arith.constant 0 : i32
    %dma_start3A_111 = tpu.memref_slice %arg2[%dma_start3A_109, %dma_start3A_110] : memref<10000x128xf32, #tpu.memory_space<hbm>> -> memref<10000x128xf32, #tpu.memory_space<hbm>>
    tpu.enqueue_indirect_dma source(%dma_start3A_111 : memref<10000x128xf32, #tpu.memory_space<hbm>>) target(%arg11 : memref<128x128xf32, #tpu.memory_space<vmem>>) offsets(%arg9 : memref<128xi32, #tpu.memory_space<vmem>>) semaphore(%arg20 : memref<!tpu.dma_semaphore, #tpu.memory_space<semaphore_mem>>)
    %scan3A_112 = arith.constant 0 : i32
    %scan3A_113 = arith.constant 79 : i32
    %scan3A_114 = arith.addi %scan3A_112, %scan3A_113 : i32
    %scan3A_115 = arith.constant 1 : i32
    scf.for %scan3A_133 = %scan3A_112 to %scan3A_114 step %scan3A_115  : i32 {
      %mul3A_134 = arith.constant 1 : i32
      %mul3A_135 = arith.muli %scan3A_133, %mul3A_134 : i32
      %add3A_136 = arith.constant 0 : i32
      %add3A_137 = arith.addi %add3A_136, %mul3A_135 : i32
      %mul3A_138 = arith.constant 2 : i32
      %mul3A_139 = arith.muli %mul3A_138, %add3A_137 : i32
      %add3A_140 = arith.constant 1 : i32
      %add3A_141 = arith.addi %mul3A_139, %add3A_140 : i32
      %lt3A = arith.constant 158 : i32
      %lt3A_142 = arith.cmpi slt, %add3A_141, %lt3A : i32
      %convert_element_type3A_143 = arith.extui %lt3A_142 : i1 to i32
      %cond3A_144 = arith.constant 0 : i32
      %cond3A_145 = arith.cmpi ne, %convert_element_type3A_143, %cond3A_144 : i32
      scf.if %cond3A_145 {
        %mul3A_320 = arith.constant 20224 : i32
        %mul3A_321 = arith.muli %arg1, %mul3A_320 : i32
        %add3A_322 = arith.constant 1 : i32
        %add3A_323 = arith.addi %mul3A_139, %add3A_322 : i32
        %mul3A_324 = arith.constant 128 : i32
        %mul3A_325 = arith.muli %add3A_323, %mul3A_324 : i32
        %add3A_326 = arith.addi %mul3A_321, %mul3A_325 : i32
        "tpu.region"() ({
          %run_scoped3A_331 = tpu.sem_alloc : memref<!tpu.dma_semaphore, #tpu.memory_space<semaphore_mem>>
          %dma_start3A_332 = tpu.memref_slice %arg3[%add3A_326] : memref<323584xi32, #tpu.memory_space<hbm>> -> memref<128xi32, #tpu.memory_space<hbm>>
          %dma_start3A_333 = tpu.memref_slice %arg3[%add3A_326] : memref<323584xi32, #tpu.memory_space<hbm>> -> memref<128xi32, #tpu.memory_space<hbm>>
          tpu.enqueue_dma source(%dma_start3A_333 : memref<128xi32, #tpu.memory_space<hbm>>) target(%arg16 : memref<128xi32, #tpu.memory_space<vmem>>) target_semaphore(%run_scoped3A_331 : memref<!tpu.dma_semaphore, #tpu.memory_space<semaphore_mem>>)
          %dma_wait3A_334 = tpu.memref_slice %arg3[%add3A_326] : memref<323584xi32, #tpu.memory_space<hbm>> -> memref<128xi32, #tpu.memory_space<hbm>>
          %dma_wait3A_335 = tpu.memref_slice %arg3[%add3A_326] : memref<323584xi32, #tpu.memory_space<hbm>> -> memref<128xi32, #tpu.memory_space<hbm>>
          tpu.wait_dma2 semaphore(%run_scoped3A_331 : memref<!tpu.dma_semaphore, #tpu.memory_space<semaphore_mem>>) src(%dma_wait3A_335 : memref<128xi32, #tpu.memory_space<hbm>>) dst(%arg16 : memref<128xi32, #tpu.memory_space<vmem>>)
          tpu.yield
        }) : () -> ()
        %run_scoped3A_327 = arith.constant 0 : i32
        "tpu.region"() ({
          %run_scoped3A_331 = tpu.sem_alloc : memref<!tpu.dma_semaphore, #tpu.memory_space<semaphore_mem>>
          %dma_start3A_332 = arith.constant 0 : i32
          %dma_start3A_333 = tpu.memref_slice %arg17[%run_scoped3A_327, %dma_start3A_332] : memref<1x128xi32, #tpu.memory_space<vmem>> -> memref<1x128xi32, #tpu.memory_space<vmem>>
          %dma_start3A_334 = tpu.memref_squeeze %dma_start3A_333 : memref<1x128xi32, #tpu.memory_space<vmem>> -> memref<128xi32, #tpu.memory_space<vmem>>
          %dma_start3A_335 = tpu.memref_slice %arg4[%add3A_326] : memref<323584xi32, #tpu.memory_space<hbm>> -> memref<128xi32, #tpu.memory_space<hbm>>
          %dma_start3A_336 = arith.constant 0 : i32
          %dma_start3A_337 = tpu.memref_slice %arg17[%run_scoped3A_327, %dma_start3A_336] : memref<1x128xi32, #tpu.memory_space<vmem>> -> memref<1x128xi32, #tpu.memory_space<vmem>>
          %dma_start3A_338 = tpu.memref_squeeze %dma_start3A_337 : memref<1x128xi32, #tpu.memory_space<vmem>> -> memref<128xi32, #tpu.memory_space<vmem>>
          %dma_start3A_339 = tpu.memref_slice %arg4[%add3A_326] : memref<323584xi32, #tpu.memory_space<hbm>> -> memref<128xi32, #tpu.memory_space<hbm>>
          tpu.enqueue_dma source(%dma_start3A_339 : memref<128xi32, #tpu.memory_space<hbm>>) target(%dma_start3A_338 : memref<128xi32, #tpu.memory_space<vmem>>) target_semaphore(%run_scoped3A_331 : memref<!tpu.dma_semaphore, #tpu.memory_space<semaphore_mem>>)
          %dma_wait3A_340 = arith.constant 0 : i32
          %dma_wait3A_341 = tpu.memref_slice %arg17[%run_scoped3A_327, %dma_wait3A_340] : memref<1x128xi32, #tpu.memory_space<vmem>> -> memref<1x128xi32, #tpu.memory_space<vmem>>
          %dma_wait3A_342 = tpu.memref_squeeze %dma_wait3A_341 : memref<1x128xi32, #tpu.memory_space<vmem>> -> memref<128xi32, #tpu.memory_space<vmem>>
          %dma_wait3A_343 = tpu.memref_slice %arg4[%add3A_326] : memref<323584xi32, #tpu.memory_space<hbm>> -> memref<128xi32, #tpu.memory_space<hbm>>
          %dma_wait3A_344 = arith.constant 0 : i32
          %dma_wait3A_345 = tpu.memref_slice %arg17[%run_scoped3A_327, %dma_wait3A_344] : memref<1x128xi32, #tpu.memory_space<vmem>> -> memref<1x128xi32, #tpu.memory_space<vmem>>
          %dma_wait3A_346 = tpu.memref_squeeze %dma_wait3A_345 : memref<1x128xi32, #tpu.memory_space<vmem>> -> memref<128xi32, #tpu.memory_space<vmem>>
          %dma_wait3A_347 = tpu.memref_slice %arg4[%add3A_326] : memref<323584xi32, #tpu.memory_space<hbm>> -> memref<128xi32, #tpu.memory_space<hbm>>
          tpu.wait_dma2 semaphore(%run_scoped3A_331 : memref<!tpu.dma_semaphore, #tpu.memory_space<semaphore_mem>>) src(%dma_wait3A_347 : memref<128xi32, #tpu.memory_space<hbm>>) dst(%dma_wait3A_346 : memref<128xi32, #tpu.memory_space<vmem>>)
          tpu.yield
        }) : () -> ()
        "tpu.region"() ({
          %run_scoped3A_331 = tpu.sem_alloc : memref<!tpu.dma_semaphore, #tpu.memory_space<semaphore_mem>>
          %dma_start3A_332 = tpu.memref_slice %arg5[%add3A_68, %add3A_326] : memref<8x323584xf32, #tpu.memory_space<hbm>> -> memref<1x128xf32, #tpu.memory_space<hbm>>
          %dma_start3A_333 = tpu.memref_squeeze %dma_start3A_332 : memref<1x128xf32, #tpu.memory_space<hbm>> -> memref<128xf32, #tpu.memory_space<hbm>>
          %dma_start3A_334 = tpu.memref_slice %arg5[%add3A_68, %add3A_326] : memref<8x323584xf32, #tpu.memory_space<hbm>> -> memref<1x128xf32, #tpu.memory_space<hbm>>
          %dma_start3A_335 = tpu.memref_squeeze %dma_start3A_334 : memref<1x128xf32, #tpu.memory_space<hbm>> -> memref<128xf32, #tpu.memory_space<hbm>>
          tpu.enqueue_dma source(%dma_start3A_335 : memref<128xf32, #tpu.memory_space<hbm>>) target(%arg19 : memref<128xf32, #tpu.memory_space<vmem>>) target_semaphore(%run_scoped3A_331 : memref<!tpu.dma_semaphore, #tpu.memory_space<semaphore_mem>>)
          %dma_wait3A_336 = tpu.memref_slice %arg5[%add3A_68, %add3A_326] : memref<8x323584xf32, #tpu.memory_space<hbm>> -> memref<1x128xf32, #tpu.memory_space<hbm>>
          %dma_wait3A_337 = tpu.memref_squeeze %dma_wait3A_336 : memref<1x128xf32, #tpu.memory_space<hbm>> -> memref<128xf32, #tpu.memory_space<hbm>>
          %dma_wait3A_338 = tpu.memref_slice %arg5[%add3A_68, %add3A_326] : memref<8x323584xf32, #tpu.memory_space<hbm>> -> memref<1x128xf32, #tpu.memory_space<hbm>>
          %dma_wait3A_339 = tpu.memref_squeeze %dma_wait3A_338 : memref<1x128xf32, #tpu.memory_space<hbm>> -> memref<128xf32, #tpu.memory_space<hbm>>
          tpu.wait_dma2 semaphore(%run_scoped3A_331 : memref<!tpu.dma_semaphore, #tpu.memory_space<semaphore_mem>>) src(%dma_wait3A_339 : memref<128xf32, #tpu.memory_space<hbm>>) dst(%arg19 : memref<128xf32, #tpu.memory_space<vmem>>)
          tpu.yield
        }) : () -> ()
        %dma_start3A_328 = arith.constant 0 : i32
        %dma_start3A_329 = arith.constant 0 : i32
        %dma_start3A_330 = tpu.memref_slice %arg2[%dma_start3A_328, %dma_start3A_329] : memref<10000x128xf32, #tpu.memory_space<hbm>> -> memref<10000x128xf32, #tpu.memory_space<hbm>>
        tpu.enqueue_indirect_dma source(%dma_start3A_330 : memref<10000x128xf32, #tpu.memory_space<hbm>>) target(%arg18 : memref<128x128xf32, #tpu.memory_space<vmem>>) offsets(%arg16 : memref<128xi32, #tpu.memory_space<vmem>>) semaphore(%arg21 : memref<!tpu.dma_semaphore, #tpu.memory_space<semaphore_mem>>)
      } else {
      }
      %dma_wait3A = arith.constant 0 : i32
      %dma_wait3A_146 = arith.constant 0 : i32
      %dma_wait3A_147 = tpu.memref_slice %arg2[%dma_wait3A, %dma_wait3A_146] : memref<10000x128xf32, #tpu.memory_space<hbm>> -> memref<10000x128xf32, #tpu.memory_space<hbm>>
      tpu.wait_indirect_dma semaphore(%arg20 : memref<!tpu.dma_semaphore, #tpu.memory_space<semaphore_mem>>) src(%dma_wait3A_147 : memref<10000x128xf32, #tpu.memory_space<hbm>>) dst(%arg11 : memref<128x128xf32, #tpu.memory_space<vmem>>)
      %get3A = arith.constant 0 : index
      %get3A_148 = tpu.vector_load %arg14[%get3A] {strides = array<i32>} : memref<16xf32, #tpu.memory_space<vmem>>, vector<16xf32>,
      %get3A_149 = arith.constant 0 : index
      %get3A_150 = tpu.vector_load %arg12[%get3A_149] {strides = array<i32>} : memref<128xf32, #tpu.memory_space<vmem>>, vector<16xf32>,
      %sub3A = arith.subf %get3A_150, %get3A_148 : vector<16xf32>
      %exp3A = math.exp %sub3A : vector<16xf32>
      %swap3A = arith.constant 0 : index
      %swap3A_151 = tpu.vector_load %arg13[%swap3A] {strides = array<i32>} : memref<128xf32, #tpu.memory_space<vmem>>, vector<16xf32>,
      tpu.vector_store %arg13[%swap3A], %exp3A {strides = array<i32>} : memref<128xf32, #tpu.memory_space<vmem>>, vector<16xf32>,
      %get3A_152 = arith.constant 16 : index
      %get3A_153 = tpu.vector_load %arg12[%get3A_152] {strides = array<i32>} : memref<128xf32, #tpu.memory_space<vmem>>, vector<16xf32>,
      %sub3A_154 = arith.subf %get3A_153, %get3A_148 : vector<16xf32>
      %exp3A_155 = math.exp %sub3A_154 : vector<16xf32>
      %swap3A_156 = arith.constant 16 : index
      %swap3A_157 = tpu.vector_load %arg13[%swap3A_156] {strides = array<i32>} : memref<128xf32, #tpu.memory_space<vmem>>, vector<16xf32>,
      tpu.vector_store %arg13[%swap3A_156], %exp3A_155 {strides = array<i32>} : memref<128xf32, #tpu.memory_space<vmem>>, vector<16xf32>,
      %get3A_158 = arith.constant 32 : index
      %get3A_159 = tpu.vector_load %arg12[%get3A_158] {strides = array<i32>} : memref<128xf32, #tpu.memory_space<vmem>>, vector<16xf32>,
      %sub3A_160 = arith.subf %get3A_159, %get3A_148 : vector<16xf32>
      %exp3A_161 = math.exp %sub3A_160 : vector<16xf32>
      %swap3A_162 = arith.constant 32 : index
      %swap3A_163 = tpu.vector_load %arg13[%swap3A_162] {strides = array<i32>} : memref<128xf32, #tpu.memory_space<vmem>>, vector<16xf32>,
      tpu.vector_store %arg13[%swap3A_162], %exp3A_161 {strides = array<i32>} : memref<128xf32, #tpu.memory_space<vmem>>, vector<16xf32>,
      %get3A_164 = arith.constant 48 : index
      %get3A_165 = tpu.vector_load %arg12[%get3A_164] {strides = array<i32>} : memref<128xf32, #tpu.memory_space<vmem>>, vector<16xf32>,
      %sub3A_166 = arith.subf %get3A_165, %get3A_148 : vector<16xf32>
      %exp3A_167 = math.exp %sub3A_166 : vector<16xf32>
      %swap3A_168 = arith.constant 48 : index
      %swap3A_169 = tpu.vector_load %arg13[%swap3A_168] {strides = array<i32>} : memref<128xf32, #tpu.memory_space<vmem>>, vector<16xf32>,
      tpu.vector_store %arg13[%swap3A_168], %exp3A_167 {strides = array<i32>} : memref<128xf32, #tpu.memory_space<vmem>>, vector<16xf32>,
      %get3A_170 = arith.constant 64 : index
      %get3A_171 = tpu.vector_load %arg12[%get3A_170] {strides = array<i32>} : memref<128xf32, #tpu.memory_space<vmem>>, vector<16xf32>,
      %sub3A_172 = arith.subf %get3A_171, %get3A_148 : vector<16xf32>
      %exp3A_173 = math.exp %sub3A_172 : vector<16xf32>
      %swap3A_174 = arith.constant 64 : index
      %swap3A_175 = tpu.vector_load %arg13[%swap3A_174] {strides = array<i32>} : memref<128xf32, #tpu.memory_space<vmem>>, vector<16xf32>,
      tpu.vector_store %arg13[%swap3A_174], %exp3A_173 {strides = array<i32>} : memref<128xf32, #tpu.memory_space<vmem>>, vector<16xf32>,
      %get3A_176 = arith.constant 80 : index
      %get3A_177 = tpu.vector_load %arg12[%get3A_176] {strides = array<i32>} : memref<128xf32, #tpu.memory_space<vmem>>, vector<16xf32>,
      %sub3A_178 = arith.subf %get3A_177, %get3A_148 : vector<16xf32>
      %exp3A_179 = math.exp %sub3A_178 : vector<16xf32>
      %swap3A_180 = arith.constant 80 : index
      %swap3A_181 = tpu.vector_load %arg13[%swap3A_180] {strides = array<i32>} : memref<128xf32, #tpu.memory_space<vmem>>, vector<16xf32>,
      tpu.vector_store %arg13[%swap3A_180], %exp3A_179 {strides = array<i32>} : memref<128xf32, #tpu.memory_space<vmem>>, vector<16xf32>,
      %get3A_182 = arith.constant 96 : index
      %get3A_183 = tpu.vector_load %arg12[%get3A_182] {strides = array<i32>} : memref<128xf32, #tpu.memory_space<vmem>>, vector<16xf32>,
      %sub3A_184 = arith.subf %get3A_183, %get3A_148 : vector<16xf32>
      %exp3A_185 = math.exp %sub3A_184 : vector<16xf32>
      %swap3A_186 = arith.constant 96 : index
      %swap3A_187 = tpu.vector_load %arg13[%swap3A_186] {strides = array<i32>} : memref<128xf32, #tpu.memory_space<vmem>>, vector<16xf32>,
      tpu.vector_store %arg13[%swap3A_186], %exp3A_185 {strides = array<i32>} : memref<128xf32, #tpu.memory_space<vmem>>, vector<16xf32>,
      %get3A_188 = arith.constant 112 : index
      %get3A_189 = tpu.vector_load %arg12[%get3A_188] {strides = array<i32>} : memref<128xf32, #tpu.memory_space<vmem>>, vector<16xf32>,
      %sub3A_190 = arith.subf %get3A_189, %get3A_148 : vector<16xf32>
      %exp3A_191 = math.exp %sub3A_190 : vector<16xf32>
      %swap3A_192 = arith.constant 112 : index
      %swap3A_193 = tpu.vector_load %arg13[%swap3A_192] {strides = array<i32>} : memref<128xf32, #tpu.memory_space<vmem>>, vector<16xf32>,
      tpu.vector_store %arg13[%swap3A_192], %exp3A_191 {strides = array<i32>} : memref<128xf32, #tpu.memory_space<vmem>>, vector<16xf32>,
      %scan3A_194 = arith.constant 0 : i32
      %scan3A_195 = arith.constant 128 : i32
      %scan3A_196 = arith.addi %scan3A_194, %scan3A_195 : i32
      %scan3A_197 = arith.constant 1 : i32
      scf.for %scan3A_320 = %scan3A_194 to %scan3A_196 step %scan3A_197  : i32 {
        %mul3A_321 = arith.constant 1 : i32
        %mul3A_322 = arith.muli %scan3A_320, %mul3A_321 : i32
        %add3A_323 = arith.constant 0 : i32
        %add3A_324 = arith.addi %add3A_323, %mul3A_322 : i32
        %broadcast_in_dim3A = vector.broadcast %add3A_324 : i32 to vector<16xi32>
        %gather3A = tpu.vector_load_idx %arg13[%broadcast_in_dim3A] : memref<128xf32, #tpu.memory_space<vmem>>[vector<16xi32>], vector<16xf32>,
        %get3A_325 = arith.constant 0 : i32
        %get3A_326 = tpu.memref_slice %arg11[%add3A_324, %get3A_325] : memref<128x128xf32, #tpu.memory_space<vmem>> -> memref<1x128xf32, #tpu.memory_space<vmem>>
        %get3A_327 = tpu.memref_squeeze %get3A_326 : memref<1x128xf32, #tpu.memory_space<vmem>> -> memref<128xf32, #tpu.memory_space<vmem>>
        %get3A_328 = arith.constant 0 : index
        %get3A_329 = tpu.vector_load %get3A_327[%get3A_328] {strides = array<i32>} : memref<128xf32, #tpu.memory_space<vmem>>, vector<16xf32>,
        %get3A_330 = vector.shape_cast %get3A_329 : vector<16xf32> to vector<16xf32>
        %mul3A_331 = arith.mulf %get3A_330, %gather3A : vector<16xf32>
        %swap3A_332 = arith.constant 0 : i32
        %swap3A_333 = tpu.memref_slice %arg11[%add3A_324, %swap3A_332] : memref<128x128xf32, #tpu.memory_space<vmem>> -> memref<1x128xf32, #tpu.memory_space<vmem>>
        %swap3A_334 = tpu.memref_squeeze %swap3A_333 : memref<1x128xf32, #tpu.memory_space<vmem>> -> memref<128xf32, #tpu.memory_space<vmem>>
        %swap3A_335 = arith.constant 0 : index
        %swap3A_336 = tpu.vector_load %swap3A_334[%swap3A_335] {strides = array<i32>} : memref<128xf32, #tpu.memory_space<vmem>>, vector<16xf32>,
        %swap3A_337 = vector.shape_cast %swap3A_336 : vector<16xf32> to vector<16xf32>
        %swap3A_338 = vector.shape_cast %mul3A_331 : vector<16xf32> to vector<16xf32>
        tpu.vector_store %swap3A_334[%swap3A_335], %swap3A_338 {strides = array<i32>} : memref<128xf32, #tpu.memory_space<vmem>>, vector<16xf32>,
        %get3A_339 = arith.constant 0 : i32
        %get3A_340 = tpu.memref_slice %arg11[%add3A_324, %get3A_339] : memref<128x128xf32, #tpu.memory_space<vmem>> -> memref<1x128xf32, #tpu.memory_space<vmem>>
        %get3A_341 = tpu.memref_squeeze %get3A_340 : memref<1x128xf32, #tpu.memory_space<vmem>> -> memref<128xf32, #tpu.memory_space<vmem>>
        %get3A_342 = arith.constant 16 : index
        %get3A_343 = tpu.vector_load %get3A_341[%get3A_342] {strides = array<i32>} : memref<128xf32, #tpu.memory_space<vmem>>, vector<16xf32>,
        %get3A_344 = vector.shape_cast %get3A_343 : vector<16xf32> to vector<16xf32>
        %mul3A_345 = arith.mulf %get3A_344, %gather3A : vector<16xf32>
        %swap3A_346 = arith.constant 0 : i32
        %swap3A_347 = tpu.memref_slice %arg11[%add3A_324, %swap3A_346] : memref<128x128xf32, #tpu.memory_space<vmem>> -> memref<1x128xf32, #tpu.memory_space<vmem>>
        %swap3A_348 = tpu.memref_squeeze %swap3A_347 : memref<1x128xf32, #tpu.memory_space<vmem>> -> memref<128xf32, #tpu.memory_space<vmem>>
        %swap3A_349 = arith.constant 16 : index
        %swap3A_350 = tpu.vector_load %swap3A_348[%swap3A_349] {strides = array<i32>} : memref<128xf32, #tpu.memory_space<vmem>>, vector<16xf32>,
        %swap3A_351 = vector.shape_cast %swap3A_350 : vector<16xf32> to vector<16xf32>
        %swap3A_352 = vector.shape_cast %mul3A_345 : vector<16xf32> to vector<16xf32>
        tpu.vector_store %swap3A_348[%swap3A_349], %swap3A_352 {strides = array<i32>} : memref<128xf32, #tpu.memory_space<vmem>>, vector<16xf32>,
        %get3A_353 = arith.constant 0 : i32
        %get3A_354 = tpu.memref_slice %arg11[%add3A_324, %get3A_353] : memref<128x128xf32, #tpu.memory_space<vmem>> -> memref<1x128xf32, #tpu.memory_space<vmem>>
        %get3A_355 = tpu.memref_squeeze %get3A_354 : memref<1x128xf32, #tpu.memory_space<vmem>> -> memref<128xf32, #tpu.memory_space<vmem>>
        %get3A_356 = arith.constant 32 : index
        %get3A_357 = tpu.vector_load %get3A_355[%get3A_356] {strides = array<i32>} : memref<128xf32, #tpu.memory_space<vmem>>, vector<16xf32>,
        %get3A_358 = vector.shape_cast %get3A_357 : vector<16xf32> to vector<16xf32>
        %mul3A_359 = arith.mulf %get3A_358, %gather3A : vector<16xf32>
        %swap3A_360 = arith.constant 0 : i32
        %swap3A_361 = tpu.memref_slice %arg11[%add3A_324, %swap3A_360] : memref<128x128xf32, #tpu.memory_space<vmem>> -> memref<1x128xf32, #tpu.memory_space<vmem>>
        %swap3A_362 = tpu.memref_squeeze %swap3A_361 : memref<1x128xf32, #tpu.memory_space<vmem>> -> memref<128xf32, #tpu.memory_space<vmem>>
        %swap3A_363 = arith.constant 32 : index
        %swap3A_364 = tpu.vector_load %swap3A_362[%swap3A_363] {strides = array<i32>} : memref<128xf32, #tpu.memory_space<vmem>>, vector<16xf32>,
        %swap3A_365 = vector.shape_cast %swap3A_364 : vector<16xf32> to vector<16xf32>
        %swap3A_366 = vector.shape_cast %mul3A_359 : vector<16xf32> to vector<16xf32>
        tpu.vector_store %swap3A_362[%swap3A_363], %swap3A_366 {strides = array<i32>} : memref<128xf32, #tpu.memory_space<vmem>>, vector<16xf32>,
        %get3A_367 = arith.constant 0 : i32
        %get3A_368 = tpu.memref_slice %arg11[%add3A_324, %get3A_367] : memref<128x128xf32, #tpu.memory_space<vmem>> -> memref<1x128xf32, #tpu.memory_space<vmem>>
        %get3A_369 = tpu.memref_squeeze %get3A_368 : memref<1x128xf32, #tpu.memory_space<vmem>> -> memref<128xf32, #tpu.memory_space<vmem>>
        %get3A_370 = arith.constant 48 : index
        %get3A_371 = tpu.vector_load %get3A_369[%get3A_370] {strides = array<i32>} : memref<128xf32, #tpu.memory_space<vmem>>, vector<16xf32>,
        %get3A_372 = vector.shape_cast %get3A_371 : vector<16xf32> to vector<16xf32>
        %mul3A_373 = arith.mulf %get3A_372, %gather3A : vector<16xf32>
        %swap3A_374 = arith.constant 0 : i32
        %swap3A_375 = tpu.memref_slice %arg11[%add3A_324, %swap3A_374] : memref<128x128xf32, #tpu.memory_space<vmem>> -> memref<1x128xf32, #tpu.memory_space<vmem>>
        %swap3A_376 = tpu.memref_squeeze %swap3A_375 : memref<1x128xf32, #tpu.memory_space<vmem>> -> memref<128xf32, #tpu.memory_space<vmem>>
        %swap3A_377 = arith.constant 48 : index
        %swap3A_378 = tpu.vector_load %swap3A_376[%swap3A_377] {strides = array<i32>} : memref<128xf32, #tpu.memory_space<vmem>>, vector<16xf32>,
        %swap3A_379 = vector.shape_cast %swap3A_378 : vector<16xf32> to vector<16xf32>
        %swap3A_380 = vector.shape_cast %mul3A_373 : vector<16xf32> to vector<16xf32>
        tpu.vector_store %swap3A_376[%swap3A_377], %swap3A_380 {strides = array<i32>} : memref<128xf32, #tpu.memory_space<vmem>>, vector<16xf32>,
        %get3A_381 = arith.constant 0 : i32
        %get3A_382 = tpu.memref_slice %arg11[%add3A_324, %get3A_381] : memref<128x128xf32, #tpu.memory_space<vmem>> -> memref<1x128xf32, #tpu.memory_space<vmem>>
        %get3A_383 = tpu.memref_squeeze %get3A_382 : memref<1x128xf32, #tpu.memory_space<vmem>> -> memref<128xf32, #tpu.memory_space<vmem>>
        %get3A_384 = arith.constant 64 : index
        %get3A_385 = tpu.vector_load %get3A_383[%get3A_384] {strides = array<i32>} : memref<128xf32, #tpu.memory_space<vmem>>, vector<16xf32>,
        %get3A_386 = vector.shape_cast %get3A_385 : vector<16xf32> to vector<16xf32>
        %mul3A_387 = arith.mulf %get3A_386, %gather3A : vector<16xf32>
        %swap3A_388 = arith.constant 0 : i32
        %swap3A_389 = tpu.memref_slice %arg11[%add3A_324, %swap3A_388] : memref<128x128xf32, #tpu.memory_space<vmem>> -> memref<1x128xf32, #tpu.memory_space<vmem>>
        %swap3A_390 = tpu.memref_squeeze %swap3A_389 : memref<1x128xf32, #tpu.memory_space<vmem>> -> memref<128xf32, #tpu.memory_space<vmem>>
        %swap3A_391 = arith.constant 64 : index
        %swap3A_392 = tpu.vector_load %swap3A_390[%swap3A_391] {strides = array<i32>} : memref<128xf32, #tpu.memory_space<vmem>>, vector<16xf32>,
        tpu.vector_store %swap3A_390[%swap3A_391], %mul3A_387 {strides = array<i32>} : memref<128xf32, #tpu.memory_space<vmem>>, vector<16xf32>,
        %get3A_393 = arith.constant 0 : i32
        %get3A_394 = tpu.memref_slice %arg11[%add3A_324, %get3A_393] : memref<128x128xf32, #tpu.memory_space<vmem>> -> memref<1x128xf32, #tpu.memory_space<vmem>>
        %get3A_395 = tpu.memref_squeeze %get3A_394 : memref<1x128xf32, #tpu.memory_space<vmem>> -> memref<128xf32, #tpu.memory_space<vmem>>
        %get3A_396 = arith.constant 80 : index
        %get3A_397 = tpu.vector_load %get3A_395[%get3A_396] {strides = array<i32>} : memref<128xf32, #tpu.memory_space<vmem>>, vector<16xf32>,
        %get3A_398 = vector.shape_cast %get3A_397 : vector<16xf32> to vector<16xf32>
        %mul3A_399 = arith.mulf %get3A_398, %gather3A : vector<16xf32>
        %swap3A_400 = arith.constant 0 : i32
        %swap3A_401 = tpu.memref_slice %arg11[%add3A_324, %swap3A_400] : memref<128x128xf32, #tpu.memory_space<vmem>> -> memref<1x128xf32, #tpu.memory_space<vmem>>
        %swap3A_402 = tpu.memref_squeeze %swap3A_401 : memref<1x128xf32, #tpu.memory_space<vmem>> -> memref<128xf32, #tpu.memory_space<vmem>>
        %swap3A_403 = arith.constant 80 : index
        %swap3A_404 = tpu.vector_load %swap3A_402[%swap3A_403] {strides = array<i32>} : memref<128xf32, #tpu.memory_space<vmem>>, vector<16xf32>,
        tpu.vector_store %swap3A_402[%swap3A_403], %mul3A_399 {strides = array<i32>} : memref<128xf32, #tpu.memory_space<vmem>>, vector<16xf32>,
        %get3A_405 = arith.constant 0 : i32
        %get3A_406 = tpu.memref_slice %arg11[%add3A_324, %get3A_405] : memref<128x128xf32, #tpu.memory_space<vmem>> -> memref<1x128xf32, #tpu.memory_space<vmem>>
        %get3A_407 = tpu.memref_squeeze %get3A_406 : memref<1x128xf32, #tpu.memory_space<vmem>> -> memref<128xf32, #tpu.memory_space<vmem>>
        %get3A_408 = arith.constant 96 : index
        %get3A_409 = tpu.vector_load %get3A_407[%get3A_408] {strides = array<i32>} : memref<128xf32, #tpu.memory_space<vmem>>, vector<16xf32>,
        %get3A_410 = vector.shape_cast %get3A_409 : vector<16xf32> to vector<16xf32>
        %mul3A_411 = arith.mulf %get3A_410, %gather3A : vector<16xf32>
        %swap3A_412 = arith.constant 0 : i32
        %swap3A_413 = tpu.memref_slice %arg11[%add3A_324, %swap3A_412] : memref<128x128xf32, #tpu.memory_space<vmem>> -> memref<1x128xf32, #tpu.memory_space<vmem>>
        %swap3A_414 = tpu.memref_squeeze %swap3A_413 : memref<1x128xf32, #tpu.memory_space<vmem>> -> memref<128xf32, #tpu.memory_space<vmem>>
        %swap3A_415 = arith.constant 96 : index
        %swap3A_416 = tpu.vector_load %swap3A_414[%swap3A_415] {strides = array<i32>} : memref<128xf32, #tpu.memory_space<vmem>>, vector<16xf32>,
        tpu.vector_store %swap3A_414[%swap3A_415], %mul3A_411 {strides = array<i32>} : memref<128xf32, #tpu.memory_space<vmem>>, vector<16xf32>,
        %get3A_417 = arith.constant 0 : i32
        %get3A_418 = tpu.memref_slice %arg11[%add3A_324, %get3A_417] : memref<128x128xf32, #tpu.memory_space<vmem>> -> memref<1x128xf32, #tpu.memory_space<vmem>>
        %get3A_419 = tpu.memref_squeeze %get3A_418 : memref<1x128xf32, #tpu.memory_space<vmem>> -> memref<128xf32, #tpu.memory_space<vmem>>
        %get3A_420 = arith.constant 112 : index
        %get3A_421 = tpu.vector_load %get3A_419[%get3A_420] {strides = array<i32>} : memref<128xf32, #tpu.memory_space<vmem>>, vector<16xf32>,
        %get3A_422 = vector.shape_cast %get3A_421 : vector<16xf32> to vector<16xf32>
        %mul3A_423 = arith.mulf %get3A_422, %gather3A : vector<16xf32>
        %swap3A_424 = arith.constant 0 : i32
        %swap3A_425 = tpu.memref_slice %arg11[%add3A_324, %swap3A_424] : memref<128x128xf32, #tpu.memory_space<vmem>> -> memref<1x128xf32, #tpu.memory_space<vmem>>
        %swap3A_426 = tpu.memref_squeeze %swap3A_425 : memref<1x128xf32, #tpu.memory_space<vmem>> -> memref<128xf32, #tpu.memory_space<vmem>>
        %swap3A_427 = arith.constant 112 : index
        %swap3A_428 = tpu.vector_load %swap3A_426[%swap3A_427] {strides = array<i32>} : memref<128xf32, #tpu.memory_space<vmem>>, vector<16xf32>,
        tpu.vector_store %swap3A_426[%swap3A_427], %mul3A_423 {strides = array<i32>} : memref<128xf32, #tpu.memory_space<vmem>>, vector<16xf32>,
      }
      %scan3A_198 = arith.constant 128 : i32
      %dma_start3A_199 = arith.constant 0 : i32
      %dma_start3A_200 = arith.constant 0 : i32
      %dma_start3A_201 = tpu.memref_slice %arg10[%dma_start3A_199, %dma_start3A_200] : memref<1x128xi32, #tpu.memory_space<vmem>> -> memref<1x128xi32, #tpu.memory_space<vmem>>
      %dma_start3A_202 = tpu.memref_squeeze %dma_start3A_201 : memref<1x128xi32, #tpu.memory_space<vmem>> -> memref<128xi32, #tpu.memory_space<vmem>>
      %dma_start3A_203 = arith.constant 0 : i32
      %dma_start3A_204 = tpu.memref_slice %arg24[%dma_start3A_203] : memref<10240xf32, #tpu.memory_space<vmem_shared>> -> memref<10240xf32, #tpu.memory_space<vmem_shared>>
      tpu.enqueue_indirect_dma source(%arg13 : memref<128xf32, #tpu.memory_space<vmem>>) target(%dma_start3A_204 : memref<10240xf32, #tpu.memory_space<vmem_shared>>) offsets(%dma_start3A_202 : memref<128xi32, #tpu.memory_space<vmem>>) semaphore(%arg22 : memref<!tpu.dma_semaphore, #tpu.memory_space<semaphore_mem>>) {add = true}
      %dma_start3A_205 = arith.constant 0 : i32
      %dma_start3A_206 = arith.constant 0 : i32
      %dma_start3A_207 = tpu.memref_slice %arg10[%dma_start3A_205, %dma_start3A_206] : memref<1x128xi32, #tpu.memory_space<vmem>> -> memref<1x128xi32, #tpu.memory_space<vmem>>
      %dma_start3A_208 = tpu.memref_squeeze %dma_start3A_207 : memref<1x128xi32, #tpu.memory_space<vmem>> -> memref<128xi32, #tpu.memory_space<vmem>>
      %dma_start3A_209 = arith.constant 0 : i32
      %dma_start3A_210 = arith.constant 0 : i32
      %dma_start3A_211 = tpu.memref_slice %arg23[%dma_start3A_209, %dma_start3A_210] : memref<10000x128xf32, #tpu.memory_space<vmem_shared>> -> memref<10000x128xf32, #tpu.memory_space<vmem_shared>>
      tpu.enqueue_indirect_dma source(%arg11 : memref<128x128xf32, #tpu.memory_space<vmem>>) target(%dma_start3A_211 : memref<10000x128xf32, #tpu.memory_space<vmem_shared>>) offsets(%dma_start3A_208 : memref<128xi32, #tpu.memory_space<vmem>>) semaphore(%arg22 : memref<!tpu.dma_semaphore, #tpu.memory_space<semaphore_mem>>) {add = true}
      %dma_wait3A_212 = arith.constant 0 : i32
      %dma_wait3A_213 = arith.constant 0 : i32
      %dma_wait3A_214 = tpu.memref_slice %arg10[%dma_wait3A_212, %dma_wait3A_213] : memref<1x128xi32, #tpu.memory_space<vmem>> -> memref<1x128xi32, #tpu.memory_space<vmem>>
      %dma_wait3A_215 = tpu.memref_squeeze %dma_wait3A_214 : memref<1x128xi32, #tpu.memory_space<vmem>> -> memref<128xi32, #tpu.memory_space<vmem>>
      %dma_wait3A_216 = arith.constant 0 : i32
      %dma_wait3A_217 = tpu.memref_slice %arg24[%dma_wait3A_216] : memref<10240xf32, #tpu.memory_space<vmem_shared>> -> memref<10240xf32, #tpu.memory_space<vmem_shared>>
      tpu.wait_indirect_dma semaphore(%arg22 : memref<!tpu.dma_semaphore, #tpu.memory_space<semaphore_mem>>) src(%arg13 : memref<128xf32, #tpu.memory_space<vmem>>) dst(%dma_wait3A_217 : memref<10240xf32, #tpu.memory_space<vmem_shared>>)
      %dma_wait3A_218 = arith.constant 0 : i32
      %dma_wait3A_219 = arith.constant 0 : i32
      %dma_wait3A_220 = tpu.memref_slice %arg10[%dma_wait3A_218, %dma_wait3A_219] : memref<1x128xi32, #tpu.memory_space<vmem>> -> memref<1x128xi32, #tpu.memory_space<vmem>>
      %dma_wait3A_221 = tpu.memref_squeeze %dma_wait3A_220 : memref<1x128xi32, #tpu.memory_space<vmem>> -> memref<128xi32, #tpu.memory_space<vmem>>
      %dma_wait3A_222 = arith.constant 0 : i32
      %dma_wait3A_223 = arith.constant 0 : i32
      %dma_wait3A_224 = tpu.memref_slice %arg23[%dma_wait3A_222, %dma_wait3A_223] : memref<10000x128xf32, #tpu.memory_space<vmem_shared>> -> memref<10000x128xf32, #tpu.memory_space<vmem_shared>>
      tpu.wait_indirect_dma semaphore(%arg22 : memref<!tpu.dma_semaphore, #tpu.memory_space<semaphore_mem>>) src(%arg11 : memref<128x128xf32, #tpu.memory_space<vmem>>) dst(%dma_wait3A_224 : memref<10000x128xf32, #tpu.memory_space<vmem_shared>>)
      %mul3A_225 = arith.constant 2 : i32
      %mul3A_226 = arith.muli %mul3A_225, %add3A_137 : i32
      %add3A_227 = arith.constant 1 : i32
      %add3A_228 = arith.addi %mul3A_226, %add3A_227 : i32
      %add3A_229 = arith.constant 1 : i32
      %add3A_230 = arith.addi %add3A_228, %add3A_229 : i32
      %lt3A_231 = arith.constant 158 : i32
      %lt3A_232 = arith.cmpi slt, %add3A_230, %lt3A_231 : i32
      %convert_element_type3A_233 = arith.extui %lt3A_232 : i1 to i32
      %cond3A_234 = arith.constant 0 : i32
      %cond3A_235 = arith.cmpi ne, %convert_element_type3A_233, %cond3A_234 : i32
      scf.if %cond3A_235 {
        %mul3A_320 = arith.constant 20224 : i32
        %mul3A_321 = arith.muli %arg1, %mul3A_320 : i32
        %add3A_322 = arith.constant 1 : i32
        %add3A_323 = arith.addi %add3A_228, %add3A_322 : i32
        %mul3A_324 = arith.constant 128 : i32
        %mul3A_325 = arith.muli %add3A_323, %mul3A_324 : i32
        %add3A_326 = arith.addi %mul3A_321, %mul3A_325 : i32
        "tpu.region"() ({
          %run_scoped3A_331 = tpu.sem_alloc : memref<!tpu.dma_semaphore, #tpu.memory_space<semaphore_mem>>
          %dma_start3A_332 = tpu.memref_slice %arg3[%add3A_326] : memref<323584xi32, #tpu.memory_space<hbm>> -> memref<128xi32, #tpu.memory_space<hbm>>
          %dma_start3A_333 = tpu.memref_slice %arg3[%add3A_326] : memref<323584xi32, #tpu.memory_space<hbm>> -> memref<128xi32, #tpu.memory_space<hbm>>
          tpu.enqueue_dma source(%dma_start3A_333 : memref<128xi32, #tpu.memory_space<hbm>>) target(%arg9 : memref<128xi32, #tpu.memory_space<vmem>>) target_semaphore(%run_scoped3A_331 : memref<!tpu.dma_semaphore, #tpu.memory_space<semaphore_mem>>)
          %dma_wait3A_334 = tpu.memref_slice %arg3[%add3A_326] : memref<323584xi32, #tpu.memory_space<hbm>> -> memref<128xi32, #tpu.memory_space<hbm>>
          %dma_wait3A_335 = tpu.memref_slice %arg3[%add3A_326] : memref<323584xi32, #tpu.memory_space<hbm>> -> memref<128xi32, #tpu.memory_space<hbm>>
          tpu.wait_dma2 semaphore(%run_scoped3A_331 : memref<!tpu.dma_semaphore, #tpu.memory_space<semaphore_mem>>) src(%dma_wait3A_335 : memref<128xi32, #tpu.memory_space<hbm>>) dst(%arg9 : memref<128xi32, #tpu.memory_space<vmem>>)
          tpu.yield
        }) : () -> ()
        %run_scoped3A_327 = arith.constant 0 : i32
        "tpu.region"() ({
          %run_scoped3A_331 = tpu.sem_alloc : memref<!tpu.dma_semaphore, #tpu.memory_space<semaphore_mem>>
          %dma_start3A_332 = arith.constant 0 : i32
          %dma_start3A_333 = tpu.memref_slice %arg10[%run_scoped3A_327, %dma_start3A_332] : memref<1x128xi32, #tpu.memory_space<vmem>> -> memref<1x128xi32, #tpu.memory_space<vmem>>
          %dma_start3A_334 = tpu.memref_squeeze %dma_start3A_333 : memref<1x128xi32, #tpu.memory_space<vmem>> -> memref<128xi32, #tpu.memory_space<vmem>>
          %dma_start3A_335 = tpu.memref_slice %arg4[%add3A_326] : memref<323584xi32, #tpu.memory_space<hbm>> -> memref<128xi32, #tpu.memory_space<hbm>>
          %dma_start3A_336 = arith.constant 0 : i32
          %dma_start3A_337 = tpu.memref_slice %arg10[%run_scoped3A_327, %dma_start3A_336] : memref<1x128xi32, #tpu.memory_space<vmem>> -> memref<1x128xi32, #tpu.memory_space<vmem>>
          %dma_start3A_338 = tpu.memref_squeeze %dma_start3A_337 : memref<1x128xi32, #tpu.memory_space<vmem>> -> memref<128xi32, #tpu.memory_space<vmem>>
          %dma_start3A_339 = tpu.memref_slice %arg4[%add3A_326] : memref<323584xi32, #tpu.memory_space<hbm>> -> memref<128xi32, #tpu.memory_space<hbm>>
          tpu.enqueue_dma source(%dma_start3A_339 : memref<128xi32, #tpu.memory_space<hbm>>) target(%dma_start3A_338 : memref<128xi32, #tpu.memory_space<vmem>>) target_semaphore(%run_scoped3A_331 : memref<!tpu.dma_semaphore, #tpu.memory_space<semaphore_mem>>)
          %dma_wait3A_340 = arith.constant 0 : i32
          %dma_wait3A_341 = tpu.memref_slice %arg10[%run_scoped3A_327, %dma_wait3A_340] : memref<1x128xi32, #tpu.memory_space<vmem>> -> memref<1x128xi32, #tpu.memory_space<vmem>>
          %dma_wait3A_342 = tpu.memref_squeeze %dma_wait3A_341 : memref<1x128xi32, #tpu.memory_space<vmem>> -> memref<128xi32, #tpu.memory_space<vmem>>
          %dma_wait3A_343 = tpu.memref_slice %arg4[%add3A_326] : memref<323584xi32, #tpu.memory_space<hbm>> -> memref<128xi32, #tpu.memory_space<hbm>>
          %dma_wait3A_344 = arith.constant 0 : i32
          %dma_wait3A_345 = tpu.memref_slice %arg10[%run_scoped3A_327, %dma_wait3A_344] : memref<1x128xi32, #tpu.memory_space<vmem>> -> memref<1x128xi32, #tpu.memory_space<vmem>>
          %dma_wait3A_346 = tpu.memref_squeeze %dma_wait3A_345 : memref<1x128xi32, #tpu.memory_space<vmem>> -> memref<128xi32, #tpu.memory_space<vmem>>
          %dma_wait3A_347 = tpu.memref_slice %arg4[%add3A_326] : memref<323584xi32, #tpu.memory_space<hbm>> -> memref<128xi32, #tpu.memory_space<hbm>>
          tpu.wait_dma2 semaphore(%run_scoped3A_331 : memref<!tpu.dma_semaphore, #tpu.memory_space<semaphore_mem>>) src(%dma_wait3A_347 : memref<128xi32, #tpu.memory_space<hbm>>) dst(%dma_wait3A_346 : memref<128xi32, #tpu.memory_space<vmem>>)
          tpu.yield
        }) : () -> ()
        "tpu.region"() ({
          %run_scoped3A_331 = tpu.sem_alloc : memref<!tpu.dma_semaphore, #tpu.memory_space<semaphore_mem>>
          %dma_start3A_332 = tpu.memref_slice %arg5[%add3A_68, %add3A_326] : memref<8x323584xf32, #tpu.memory_space<hbm>> -> memref<1x128xf32, #tpu.memory_space<hbm>>
          %dma_start3A_333 = tpu.memref_squeeze %dma_start3A_332 : memref<1x128xf32, #tpu.memory_space<hbm>> -> memref<128xf32, #tpu.memory_space<hbm>>
          %dma_start3A_334 = tpu.memref_slice %arg5[%add3A_68, %add3A_326] : memref<8x323584xf32, #tpu.memory_space<hbm>> -> memref<1x128xf32, #tpu.memory_space<hbm>>
          %dma_start3A_335 = tpu.memref_squeeze %dma_start3A_334 : memref<1x128xf32, #tpu.memory_space<hbm>> -> memref<128xf32, #tpu.memory_space<hbm>>
          tpu.enqueue_dma source(%dma_start3A_335 : memref<128xf32, #tpu.memory_space<hbm>>) target(%arg12 : memref<128xf32, #tpu.memory_space<vmem>>) target_semaphore(%run_scoped3A_331 : memref<!tpu.dma_semaphore, #tpu.memory_space<semaphore_mem>>)
          %dma_wait3A_336 = tpu.memref_slice %arg5[%add3A_68, %add3A_326] : memref<8x323584xf32, #tpu.memory_space<hbm>> -> memref<1x128xf32, #tpu.memory_space<hbm>>
          %dma_wait3A_337 = tpu.memref_squeeze %dma_wait3A_336 : memref<1x128xf32, #tpu.memory_space<hbm>> -> memref<128xf32, #tpu.memory_space<hbm>>
          %dma_wait3A_338 = tpu.memref_slice %arg5[%add3A_68, %add3A_326] : memref<8x323584xf32, #tpu.memory_space<hbm>> -> memref<1x128xf32, #tpu.memory_space<hbm>>
          %dma_wait3A_339 = tpu.memref_squeeze %dma_wait3A_338 : memref<1x128xf32, #tpu.memory_space<hbm>> -> memref<128xf32, #tpu.memory_space<hbm>>
          tpu.wait_dma2 semaphore(%run_scoped3A_331 : memref<!tpu.dma_semaphore, #tpu.memory_space<semaphore_mem>>) src(%dma_wait3A_339 : memref<128xf32, #tpu.memory_space<hbm>>) dst(%arg12 : memref<128xf32, #tpu.memory_space<vmem>>)
          tpu.yield
        }) : () -> ()
        %dma_start3A_328 = arith.constant 0 : i32
        %dma_start3A_329 = arith.constant 0 : i32
        %dma_start3A_330 = tpu.memref_slice %arg2[%dma_start3A_328, %dma_start3A_329] : memref<10000x128xf32, #tpu.memory_space<hbm>> -> memref<10000x128xf32, #tpu.memory_space<hbm>>
        tpu.enqueue_indirect_dma source(%dma_start3A_330 : memref<10000x128xf32, #tpu.memory_space<hbm>>) target(%arg11 : memref<128x128xf32, #tpu.memory_space<vmem>>) offsets(%arg9 : memref<128xi32, #tpu.memory_space<vmem>>) semaphore(%arg20 : memref<!tpu.dma_semaphore, #tpu.memory_space<semaphore_mem>>)
      } else {
      }
      %dma_wait3A_236 = arith.constant 0 : i32
      %dma_wait3A_237 = arith.constant 0 : i32
      %dma_wait3A_238 = tpu.memref_slice %arg2[%dma_wait3A_236, %dma_wait3A_237] : memref<10000x128xf32, #tpu.memory_space<hbm>> -> memref<10000x128xf32, #tpu.memory_space<hbm>>
      tpu.wait_indirect_dma semaphore(%arg21 : memref<!tpu.dma_semaphore, #tpu.memory_space<semaphore_mem>>) src(%dma_wait3A_238 : memref<10000x128xf32, #tpu.memory_space<hbm>>) dst(%arg18 : memref<128x128xf32, #tpu.memory_space<vmem>>)
      %get3A_239 = arith.constant 0 : index
      %get3A_240 = tpu.vector_load %arg14[%get3A_239] {strides = array<i32>} : memref<16xf32, #tpu.memory_space<vmem>>, vector<16xf32>,
      %get3A_241 = arith.constant 0 : index
      %get3A_242 = tpu.vector_load %arg19[%get3A_241] {strides = array<i32>} : memref<128xf32, #tpu.memory_space<vmem>>, vector<16xf32>,
      %sub3A_243 = arith.subf %get3A_242, %get3A_240 : vector<16xf32>
      %exp3A_244 = math.exp %sub3A_243 : vector<16xf32>
      %swap3A_245 = arith.constant 0 : index
      %swap3A_246 = tpu.vector_load %arg13[%swap3A_245] {strides = array<i32>} : memref<128xf32, #tpu.memory_space<vmem>>, vector<16xf32>,
      tpu.vector_store %arg13[%swap3A_245], %exp3A_244 {strides = array<i32>} : memref<128xf32, #tpu.memory_space<vmem>>, vector<16xf32>,
      %get3A_247 = arith.constant 16 : index
      %get3A_248 = tpu.vector_load %arg19[%get3A_247] {strides = array<i32>} : memref<128xf32, #tpu.memory_space<vmem>>, vector<16xf32>,
      %sub3A_249 = arith.subf %get3A_248, %get3A_240 : vector<16xf32>
      %exp3A_250 = math.exp %sub3A_249 : vector<16xf32>
      %swap3A_251 = arith.constant 16 : index
      %swap3A_252 = tpu.vector_load %arg13[%swap3A_251] {strides = array<i32>} : memref<128xf32, #tpu.memory_space<vmem>>, vector<16xf32>,
      tpu.vector_store %arg13[%swap3A_251], %exp3A_250 {strides = array<i32>} : memref<128xf32, #tpu.memory_space<vmem>>, vector<16xf32>,
      %get3A_253 = arith.constant 32 : index
      %get3A_254 = tpu.vector_load %arg19[%get3A_253] {strides = array<i32>} : memref<128xf32, #tpu.memory_space<vmem>>, vector<16xf32>,
      %sub3A_255 = arith.subf %get3A_254, %get3A_240 : vector<16xf32>
      %exp3A_256 = math.exp %sub3A_255 : vector<16xf32>
      %swap3A_257 = arith.constant 32 : index
      %swap3A_258 = tpu.vector_load %arg13[%swap3A_257] {strides = array<i32>} : memref<128xf32, #tpu.memory_space<vmem>>, vector<16xf32>,
      tpu.vector_store %arg13[%swap3A_257], %exp3A_256 {strides = array<i32>} : memref<128xf32, #tpu.memory_space<vmem>>, vector<16xf32>,
      %get3A_259 = arith.constant 48 : index
      %get3A_260 = tpu.vector_load %arg19[%get3A_259] {strides = array<i32>} : memref<128xf32, #tpu.memory_space<vmem>>, vector<16xf32>,
      %sub3A_261 = arith.subf %get3A_260, %get3A_240 : vector<16xf32>
      %exp3A_262 = math.exp %sub3A_261 : vector<16xf32>
      %swap3A_263 = arith.constant 48 : index
      %swap3A_264 = tpu.vector_load %arg13[%swap3A_263] {strides = array<i32>} : memref<128xf32, #tpu.memory_space<vmem>>, vector<16xf32>,
      tpu.vector_store %arg13[%swap3A_263], %exp3A_262 {strides = array<i32>} : memref<128xf32, #tpu.memory_space<vmem>>, vector<16xf32>,
      %get3A_265 = arith.constant 64 : index
      %get3A_266 = tpu.vector_load %arg19[%get3A_265] {strides = array<i32>} : memref<128xf32, #tpu.memory_space<vmem>>, vector<16xf32>,
      %sub3A_267 = arith.subf %get3A_266, %get3A_240 : vector<16xf32>
      %exp3A_268 = math.exp %sub3A_267 : vector<16xf32>
      %swap3A_269 = arith.constant 64 : index
      %swap3A_270 = tpu.vector_load %arg13[%swap3A_269] {strides = array<i32>} : memref<128xf32, #tpu.memory_space<vmem>>, vector<16xf32>,
      tpu.vector_store %arg13[%swap3A_269], %exp3A_268 {strides = array<i32>} : memref<128xf32, #tpu.memory_space<vmem>>, vector<16xf32>,
      %get3A_271 = arith.constant 80 : index
      %get3A_272 = tpu.vector_load %arg19[%get3A_271] {strides = array<i32>} : memref<128xf32, #tpu.memory_space<vmem>>, vector<16xf32>,
      %sub3A_273 = arith.subf %get3A_272, %get3A_240 : vector<16xf32>
      %exp3A_274 = math.exp %sub3A_273 : vector<16xf32>
      %swap3A_275 = arith.constant 80 : index
      %swap3A_276 = tpu.vector_load %arg13[%swap3A_275] {strides = array<i32>} : memref<128xf32, #tpu.memory_space<vmem>>, vector<16xf32>,
      tpu.vector_store %arg13[%swap3A_275], %exp3A_274 {strides = array<i32>} : memref<128xf32, #tpu.memory_space<vmem>>, vector<16xf32>,
      %get3A_277 = arith.constant 96 : index
      %get3A_278 = tpu.vector_load %arg19[%get3A_277] {strides = array<i32>} : memref<128xf32, #tpu.memory_space<vmem>>, vector<16xf32>,
      %sub3A_279 = arith.subf %get3A_278, %get3A_240 : vector<16xf32>
      %exp3A_280 = math.exp %sub3A_279 : vector<16xf32>
      %swap3A_281 = arith.constant 96 : index
      %swap3A_282 = tpu.vector_load %arg13[%swap3A_281] {strides = array<i32>} : memref<128xf32, #tpu.memory_space<vmem>>, vector<16xf32>,
      tpu.vector_store %arg13[%swap3A_281], %exp3A_280 {strides = array<i32>} : memref<128xf32, #tpu.memory_space<vmem>>, vector<16xf32>,
      %get3A_283 = arith.constant 112 : index
      %get3A_284 = tpu.vector_load %arg19[%get3A_283] {strides = array<i32>} : memref<128xf32, #tpu.memory_space<vmem>>, vector<16xf32>,
      %sub3A_285 = arith.subf %get3A_284, %get3A_240 : vector<16xf32>
      %exp3A_286 = math.exp %sub3A_285 : vector<16xf32>
      %swap3A_287 = arith.constant 112 : index
      %swap3A_288 = tpu.vector_load %arg13[%swap3A_287] {strides = array<i32>} : memref<128xf32, #tpu.memory_space<vmem>>, vector<16xf32>,
      tpu.vector_store %arg13[%swap3A_287], %exp3A_286 {strides = array<i32>} : memref<128xf32, #tpu.memory_space<vmem>>, vector<16xf32>,
      %scan3A_289 = arith.constant 0 : i32
      %scan3A_290 = arith.constant 128 : i32
      %scan3A_291 = arith.addi %scan3A_289, %scan3A_290 : i32
      %scan3A_292 = arith.constant 1 : i32
      scf.for %scan3A_320 = %scan3A_289 to %scan3A_291 step %scan3A_292  : i32 {
        %mul3A_321 = arith.constant 1 : i32
        %mul3A_322 = arith.muli %scan3A_320, %mul3A_321 : i32
        %add3A_323 = arith.constant 0 : i32
        %add3A_324 = arith.addi %add3A_323, %mul3A_322 : i32
        %broadcast_in_dim3A = vector.broadcast %add3A_324 : i32 to vector<16xi32>
        %gather3A = tpu.vector_load_idx %arg13[%broadcast_in_dim3A] : memref<128xf32, #tpu.memory_space<vmem>>[vector<16xi32>], vector<16xf32>,
        %get3A_325 = arith.constant 0 : i32
        %get3A_326 = tpu.memref_slice %arg18[%add3A_324, %get3A_325] : memref<128x128xf32, #tpu.memory_space<vmem>> -> memref<1x128xf32, #tpu.memory_space<vmem>>
        %get3A_327 = tpu.memref_squeeze %get3A_326 : memref<1x128xf32, #tpu.memory_space<vmem>> -> memref<128xf32, #tpu.memory_space<vmem>>
        %get3A_328 = arith.constant 0 : index
        %get3A_329 = tpu.vector_load %get3A_327[%get3A_328] {strides = array<i32>} : memref<128xf32, #tpu.memory_space<vmem>>, vector<16xf32>,
        %get3A_330 = vector.shape_cast %get3A_329 : vector<16xf32> to vector<16xf32>
        %mul3A_331 = arith.mulf %get3A_330, %gather3A : vector<16xf32>
        %swap3A_332 = arith.constant 0 : i32
        %swap3A_333 = tpu.memref_slice %arg18[%add3A_324, %swap3A_332] : memref<128x128xf32, #tpu.memory_space<vmem>> -> memref<1x128xf32, #tpu.memory_space<vmem>>
        %swap3A_334 = tpu.memref_squeeze %swap3A_333 : memref<1x128xf32, #tpu.memory_space<vmem>> -> memref<128xf32, #tpu.memory_space<vmem>>
        %swap3A_335 = arith.constant 0 : index
        %swap3A_336 = tpu.vector_load %swap3A_334[%swap3A_335] {strides = array<i32>} : memref<128xf32, #tpu.memory_space<vmem>>, vector<16xf32>,
        %swap3A_337 = vector.shape_cast %swap3A_336 : vector<16xf32> to vector<16xf32>
        %swap3A_338 = vector.shape_cast %mul3A_331 : vector<16xf32> to vector<16xf32>
        tpu.vector_store %swap3A_334[%swap3A_335], %swap3A_338 {strides = array<i32>} : memref<128xf32, #tpu.memory_space<vmem>>, vector<16xf32>,
        %get3A_339 = arith.constant 0 : i32
        %get3A_340 = tpu.memref_slice %arg18[%add3A_324, %get3A_339] : memref<128x128xf32, #tpu.memory_space<vmem>> -> memref<1x128xf32, #tpu.memory_space<vmem>>
        %get3A_341 = tpu.memref_squeeze %get3A_340 : memref<1x128xf32, #tpu.memory_space<vmem>> -> memref<128xf32, #tpu.memory_space<vmem>>
        %get3A_342 = arith.constant 16 : index
        %get3A_343 = tpu.vector_load %get3A_341[%get3A_342] {strides = array<i32>} : memref<128xf32, #tpu.memory_space<vmem>>, vector<16xf32>,
        %get3A_344 = vector.shape_cast %get3A_343 : vector<16xf32> to vector<16xf32>
        %mul3A_345 = arith.mulf %get3A_344, %gather3A : vector<16xf32>
        %swap3A_346 = arith.constant 0 : i32
        %swap3A_347 = tpu.memref_slice %arg18[%add3A_324, %swap3A_346] : memref<128x128xf32, #tpu.memory_space<vmem>> -> memref<1x128xf32, #tpu.memory_space<vmem>>
        %swap3A_348 = tpu.memref_squeeze %swap3A_347 : memref<1x128xf32, #tpu.memory_space<vmem>> -> memref<128xf32, #tpu.memory_space<vmem>>
        %swap3A_349 = arith.constant 16 : index
        %swap3A_350 = tpu.vector_load %swap3A_348[%swap3A_349] {strides = array<i32>} : memref<128xf32, #tpu.memory_space<vmem>>, vector<16xf32>,
        %swap3A_351 = vector.shape_cast %swap3A_350 : vector<16xf32> to vector<16xf32>
        %swap3A_352 = vector.shape_cast %mul3A_345 : vector<16xf32> to vector<16xf32>
        tpu.vector_store %swap3A_348[%swap3A_349], %swap3A_352 {strides = array<i32>} : memref<128xf32, #tpu.memory_space<vmem>>, vector<16xf32>,
        %get3A_353 = arith.constant 0 : i32
        %get3A_354 = tpu.memref_slice %arg18[%add3A_324, %get3A_353] : memref<128x128xf32, #tpu.memory_space<vmem>> -> memref<1x128xf32, #tpu.memory_space<vmem>>
        %get3A_355 = tpu.memref_squeeze %get3A_354 : memref<1x128xf32, #tpu.memory_space<vmem>> -> memref<128xf32, #tpu.memory_space<vmem>>
        %get3A_356 = arith.constant 32 : index
        %get3A_357 = tpu.vector_load %get3A_355[%get3A_356] {strides = array<i32>} : memref<128xf32, #tpu.memory_space<vmem>>, vector<16xf32>,
        %get3A_358 = vector.shape_cast %get3A_357 : vector<16xf32> to vector<16xf32>
        %mul3A_359 = arith.mulf %get3A_358, %gather3A : vector<16xf32>
        %swap3A_360 = arith.constant 0 : i32
        %swap3A_361 = tpu.memref_slice %arg18[%add3A_324, %swap3A_360] : memref<128x128xf32, #tpu.memory_space<vmem>> -> memref<1x128xf32, #tpu.memory_space<vmem>>
        %swap3A_362 = tpu.memref_squeeze %swap3A_361 : memref<1x128xf32, #tpu.memory_space<vmem>> -> memref<128xf32, #tpu.memory_space<vmem>>
        %swap3A_363 = arith.constant 32 : index
        %swap3A_364 = tpu.vector_load %swap3A_362[%swap3A_363] {strides = array<i32>} : memref<128xf32, #tpu.memory_space<vmem>>, vector<16xf32>,
        %swap3A_365 = vector.shape_cast %swap3A_364 : vector<16xf32> to vector<16xf32>
        %swap3A_366 = vector.shape_cast %mul3A_359 : vector<16xf32> to vector<16xf32>
        tpu.vector_store %swap3A_362[%swap3A_363], %swap3A_366 {strides = array<i32>} : memref<128xf32, #tpu.memory_space<vmem>>, vector<16xf32>,
        %get3A_367 = arith.constant 0 : i32
        %get3A_368 = tpu.memref_slice %arg18[%add3A_324, %get3A_367] : memref<128x128xf32, #tpu.memory_space<vmem>> -> memref<1x128xf32, #tpu.memory_space<vmem>>
        %get3A_369 = tpu.memref_squeeze %get3A_368 : memref<1x128xf32, #tpu.memory_space<vmem>> -> memref<128xf32, #tpu.memory_space<vmem>>
        %get3A_370 = arith.constant 48 : index
        %get3A_371 = tpu.vector_load %get3A_369[%get3A_370] {strides = array<i32>} : memref<128xf32, #tpu.memory_space<vmem>>, vector<16xf32>,
        %get3A_372 = vector.shape_cast %get3A_371 : vector<16xf32> to vector<16xf32>
        %mul3A_373 = arith.mulf %get3A_372, %gather3A : vector<16xf32>
        %swap3A_374 = arith.constant 0 : i32
        %swap3A_375 = tpu.memref_slice %arg18[%add3A_324, %swap3A_374] : memref<128x128xf32, #tpu.memory_space<vmem>> -> memref<1x128xf32, #tpu.memory_space<vmem>>
        %swap3A_376 = tpu.memref_squeeze %swap3A_375 : memref<1x128xf32, #tpu.memory_space<vmem>> -> memref<128xf32, #tpu.memory_space<vmem>>
        %swap3A_377 = arith.constant 48 : index
        %swap3A_378 = tpu.vector_load %swap3A_376[%swap3A_377] {strides = array<i32>} : memref<128xf32, #tpu.memory_space<vmem>>, vector<16xf32>,
        %swap3A_379 = vector.shape_cast %swap3A_378 : vector<16xf32> to vector<16xf32>
        %swap3A_380 = vector.shape_cast %mul3A_373 : vector<16xf32> to vector<16xf32>
        tpu.vector_store %swap3A_376[%swap3A_377], %swap3A_380 {strides = array<i32>} : memref<128xf32, #tpu.memory_space<vmem>>, vector<16xf32>,
        %get3A_381 = arith.constant 0 : i32
        %get3A_382 = tpu.memref_slice %arg18[%add3A_324, %get3A_381] : memref<128x128xf32, #tpu.memory_space<vmem>> -> memref<1x128xf32, #tpu.memory_space<vmem>>
        %get3A_383 = tpu.memref_squeeze %get3A_382 : memref<1x128xf32, #tpu.memory_space<vmem>> -> memref<128xf32, #tpu.memory_space<vmem>>
        %get3A_384 = arith.constant 64 : index
        %get3A_385 = tpu.vector_load %get3A_383[%get3A_384] {strides = array<i32>} : memref<128xf32, #tpu.memory_space<vmem>>, vector<16xf32>,
        %get3A_386 = vector.shape_cast %get3A_385 : vector<16xf32> to vector<16xf32>
        %mul3A_387 = arith.mulf %get3A_386, %gather3A : vector<16xf32>
        %swap3A_388 = arith.constant 0 : i32
        %swap3A_389 = tpu.memref_slice %arg18[%add3A_324, %swap3A_388] : memref<128x128xf32, #tpu.memory_space<vmem>> -> memref<1x128xf32, #tpu.memory_space<vmem>>
        %swap3A_390 = tpu.memref_squeeze %swap3A_389 : memref<1x128xf32, #tpu.memory_space<vmem>> -> memref<128xf32, #tpu.memory_space<vmem>>
        %swap3A_391 = arith.constant 64 : index
        %swap3A_392 = tpu.vector_load %swap3A_390[%swap3A_391] {strides = array<i32>} : memref<128xf32, #tpu.memory_space<vmem>>, vector<16xf32>,
        tpu.vector_store %swap3A_390[%swap3A_391], %mul3A_387 {strides = array<i32>} : memref<128xf32, #tpu.memory_space<vmem>>, vector<16xf32>,
        %get3A_393 = arith.constant 0 : i32
        %get3A_394 = tpu.memref_slice %arg18[%add3A_324, %get3A_393] : memref<128x128xf32, #tpu.memory_space<vmem>> -> memref<1x128xf32, #tpu.memory_space<vmem>>
        %get3A_395 = tpu.memref_squeeze %get3A_394 : memref<1x128xf32, #tpu.memory_space<vmem>> -> memref<128xf32, #tpu.memory_space<vmem>>
        %get3A_396 = arith.constant 80 : index
        %get3A_397 = tpu.vector_load %get3A_395[%get3A_396] {strides = array<i32>} : memref<128xf32, #tpu.memory_space<vmem>>, vector<16xf32>,
        %get3A_398 = vector.shape_cast %get3A_397 : vector<16xf32> to vector<16xf32>
        %mul3A_399 = arith.mulf %get3A_398, %gather3A : vector<16xf32>
        %swap3A_400 = arith.constant 0 : i32
        %swap3A_401 = tpu.memref_slice %arg18[%add3A_324, %swap3A_400] : memref<128x128xf32, #tpu.memory_space<vmem>> -> memref<1x128xf32, #tpu.memory_space<vmem>>
        %swap3A_402 = tpu.memref_squeeze %swap3A_401 : memref<1x128xf32, #tpu.memory_space<vmem>> -> memref<128xf32, #tpu.memory_space<vmem>>
        %swap3A_403 = arith.constant 80 : index
        %swap3A_404 = tpu.vector_load %swap3A_402[%swap3A_403] {strides = array<i32>} : memref<128xf32, #tpu.memory_space<vmem>>, vector<16xf32>,
        tpu.vector_store %swap3A_402[%swap3A_403], %mul3A_399 {strides = array<i32>} : memref<128xf32, #tpu.memory_space<vmem>>, vector<16xf32>,
        %get3A_405 = arith.constant 0 : i32
        %get3A_406 = tpu.memref_slice %arg18[%add3A_324, %get3A_405] : memref<128x128xf32, #tpu.memory_space<vmem>> -> memref<1x128xf32, #tpu.memory_space<vmem>>
        %get3A_407 = tpu.memref_squeeze %get3A_406 : memref<1x128xf32, #tpu.memory_space<vmem>> -> memref<128xf32, #tpu.memory_space<vmem>>
        %get3A_408 = arith.constant 96 : index
        %get3A_409 = tpu.vector_load %get3A_407[%get3A_408] {strides = array<i32>} : memref<128xf32, #tpu.memory_space<vmem>>, vector<16xf32>,
        %get3A_410 = vector.shape_cast %get3A_409 : vector<16xf32> to vector<16xf32>
        %mul3A_411 = arith.mulf %get3A_410, %gather3A : vector<16xf32>
        %swap3A_412 = arith.constant 0 : i32
        %swap3A_413 = tpu.memref_slice %arg18[%add3A_324, %swap3A_412] : memref<128x128xf32, #tpu.memory_space<vmem>> -> memref<1x128xf32, #tpu.memory_space<vmem>>
        %swap3A_414 = tpu.memref_squeeze %swap3A_413 : memref<1x128xf32, #tpu.memory_space<vmem>> -> memref<128xf32, #tpu.memory_space<vmem>>
        %swap3A_415 = arith.constant 96 : index
        %swap3A_416 = tpu.vector_load %swap3A_414[%swap3A_415] {strides = array<i32>} : memref<128xf32, #tpu.memory_space<vmem>>, vector<16xf32>,
        tpu.vector_store %swap3A_414[%swap3A_415], %mul3A_411 {strides = array<i32>} : memref<128xf32, #tpu.memory_space<vmem>>, vector<16xf32>,
        %get3A_417 = arith.constant 0 : i32
        %get3A_418 = tpu.memref_slice %arg18[%add3A_324, %get3A_417] : memref<128x128xf32, #tpu.memory_space<vmem>> -> memref<1x128xf32, #tpu.memory_space<vmem>>
        %get3A_419 = tpu.memref_squeeze %get3A_418 : memref<1x128xf32, #tpu.memory_space<vmem>> -> memref<128xf32, #tpu.memory_space<vmem>>
        %get3A_420 = arith.constant 112 : index
        %get3A_421 = tpu.vector_load %get3A_419[%get3A_420] {strides = array<i32>} : memref<128xf32, #tpu.memory_space<vmem>>, vector<16xf32>,
        %get3A_422 = vector.shape_cast %get3A_421 : vector<16xf32> to vector<16xf32>
        %mul3A_423 = arith.mulf %get3A_422, %gather3A : vector<16xf32>
        %swap3A_424 = arith.constant 0 : i32
        %swap3A_425 = tpu.memref_slice %arg18[%add3A_324, %swap3A_424] : memref<128x128xf32, #tpu.memory_space<vmem>> -> memref<1x128xf32, #tpu.memory_space<vmem>>
        %swap3A_426 = tpu.memref_squeeze %swap3A_425 : memref<1x128xf32, #tpu.memory_space<vmem>> -> memref<128xf32, #tpu.memory_space<vmem>>
        %swap3A_427 = arith.constant 112 : index
        %swap3A_428 = tpu.vector_load %swap3A_426[%swap3A_427] {strides = array<i32>} : memref<128xf32, #tpu.memory_space<vmem>>, vector<16xf32>,
        tpu.vector_store %swap3A_426[%swap3A_427], %mul3A_423 {strides = array<i32>} : memref<128xf32, #tpu.memory_space<vmem>>, vector<16xf32>,
      }
      %scan3A_293 = arith.constant 128 : i32
      %dma_start3A_294 = arith.constant 0 : i32
      %dma_start3A_295 = arith.constant 0 : i32
      %dma_start3A_296 = tpu.memref_slice %arg17[%dma_start3A_294, %dma_start3A_295] : memref<1x128xi32, #tpu.memory_space<vmem>> -> memref<1x128xi32, #tpu.memory_space<vmem>>
      %dma_start3A_297 = tpu.memref_squeeze %dma_start3A_296 : memref<1x128xi32, #tpu.memory_space<vmem>> -> memref<128xi32, #tpu.memory_space<vmem>>
      %dma_start3A_298 = arith.constant 0 : i32
      %dma_start3A_299 = tpu.memref_slice %arg24[%dma_start3A_298] : memref<10240xf32, #tpu.memory_space<vmem_shared>> -> memref<10240xf32, #tpu.memory_space<vmem_shared>>
      tpu.enqueue_indirect_dma source(%arg13 : memref<128xf32, #tpu.memory_space<vmem>>) target(%dma_start3A_299 : memref<10240xf32, #tpu.memory_space<vmem_shared>>) offsets(%dma_start3A_297 : memref<128xi32, #tpu.memory_space<vmem>>) semaphore(%arg22 : memref<!tpu.dma_semaphore, #tpu.memory_space<semaphore_mem>>) {add = true}
      %dma_start3A_300 = arith.constant 0 : i32
      %dma_start3A_301 = arith.constant 0 : i32
      %dma_start3A_302 = tpu.memref_slice %arg17[%dma_start3A_300, %dma_start3A_301] : memref<1x128xi32, #tpu.memory_space<vmem>> -> memref<1x128xi32, #tpu.memory_space<vmem>>
      %dma_start3A_303 = tpu.memref_squeeze %dma_start3A_302 : memref<1x128xi32, #tpu.memory_space<vmem>> -> memref<128xi32, #tpu.memory_space<vmem>>
      %dma_start3A_304 = arith.constant 0 : i32
      %dma_start3A_305 = arith.constant 0 : i32
      %dma_start3A_306 = tpu.memref_slice %arg23[%dma_start3A_304, %dma_start3A_305] : memref<10000x128xf32, #tpu.memory_space<vmem_shared>> -> memref<10000x128xf32, #tpu.memory_space<vmem_shared>>
      tpu.enqueue_indirect_dma source(%arg18 : memref<128x128xf32, #tpu.memory_space<vmem>>) target(%dma_start3A_306 : memref<10000x128xf32, #tpu.memory_space<vmem_shared>>) offsets(%dma_start3A_303 : memref<128xi32, #tpu.memory_space<vmem>>) semaphore(%arg22 : memref<!tpu.dma_semaphore, #tpu.memory_space<semaphore_mem>>) {add = true}
      %dma_wait3A_307 = arith.constant 0 : i32
      %dma_wait3A_308 = arith.constant 0 : i32
      %dma_wait3A_309 = tpu.memref_slice %arg17[%dma_wait3A_307, %dma_wait3A_308] : memref<1x128xi32, #tpu.memory_space<vmem>> -> memref<1x128xi32, #tpu.memory_space<vmem>>
      %dma_wait3A_310 = tpu.memref_squeeze %dma_wait3A_309 : memref<1x128xi32, #tpu.memory_space<vmem>> -> memref<128xi32, #tpu.memory_space<vmem>>
      %dma_wait3A_311 = arith.constant 0 : i32
      %dma_wait3A_312 = tpu.memref_slice %arg24[%dma_wait3A_311] : memref<10240xf32, #tpu.memory_space<vmem_shared>> -> memref<10240xf32, #tpu.memory_space<vmem_shared>>
      tpu.wait_indirect_dma semaphore(%arg22 : memref<!tpu.dma_semaphore, #tpu.memory_space<semaphore_mem>>) src(%arg13 : memref<128xf32, #tpu.memory_space<vmem>>) dst(%dma_wait3A_312 : memref<10240xf32, #tpu.memory_space<vmem_shared>>)
      %dma_wait3A_313 = arith.constant 0 : i32
      %dma_wait3A_314 = arith.constant 0 : i32
      %dma_wait3A_315 = tpu.memref_slice %arg17[%dma_wait3A_313, %dma_wait3A_314] : memref<1x128xi32, #tpu.memory_space<vmem>> -> memref<1x128xi32, #tpu.memory_space<vmem>>
      %dma_wait3A_316 = tpu.memref_squeeze %dma_wait3A_315 : memref<1x128xi32, #tpu.memory_space<vmem>> -> memref<128xi32, #tpu.memory_space<vmem>>
      %dma_wait3A_317 = arith.constant 0 : i32
      %dma_wait3A_318 = arith.constant 0 : i32
      %dma_wait3A_319 = tpu.memref_slice %arg23[%dma_wait3A_317, %dma_wait3A_318] : memref<10000x128xf32, #tpu.memory_space<vmem_shared>> -> memref<10000x128xf32, #tpu.memory_space<vmem_shared>>
      tpu.wait_indirect_dma semaphore(%arg22 : memref<!tpu.dma_semaphore, #tpu.memory_space<semaphore_mem>>) src(%arg18 : memref<128x128xf32, #tpu.memory_space<vmem>>) dst(%dma_wait3A_319 : memref<10000x128xf32, #tpu.memory_space<vmem_shared>>)
    }
    %scan3A_116 = arith.constant 79 : i32
    %barrier3A_117 = arith.constant 0 : index
    tpu.barrier barrier_id(%barrier3A_117)
    %mul3A_118 = arith.constant 624 : i32
    %mul3A_119 = arith.muli %arg1, %mul3A_118 : i32
    %mul3A_120 = arith.constant 624 : i32
    %mul3A_121 = arith.muli %arg1, %mul3A_120 : i32
    "tpu.region"() ({
      %run_scoped3A_133 = tpu.sem_alloc : memref<!tpu.dma_semaphore, #tpu.memory_space<semaphore_mem>>
      %dma_start3A_134 = arith.constant 0 : i32
      %dma_start3A_135 = tpu.memref_slice %arg7[%add3A_68, %mul3A_121, %dma_start3A_134] : memref<4x10000x128xf32, #tpu.memory_space<hbm>> -> memref<1x624x128xf32, #tpu.memory_space<hbm>>
      %dma_start3A_136 = tpu.memref_squeeze %dma_start3A_135 : memref<1x624x128xf32, #tpu.memory_space<hbm>> -> memref<624x128xf32, #tpu.memory_space<hbm>>
      %dma_start3A_137 = arith.constant 0 : i32
      %dma_start3A_138 = tpu.memref_slice %arg23[%mul3A_119, %dma_start3A_137] : memref<10000x128xf32, #tpu.memory_space<vmem_shared>> -> memref<624x128xf32, #tpu.memory_space<vmem_shared>>
      tpu.enqueue_dma source(%dma_start3A_138 : memref<624x128xf32, #tpu.memory_space<vmem_shared>>) target(%dma_start3A_136 : memref<624x128xf32, #tpu.memory_space<hbm>>) target_semaphore(%run_scoped3A_133 : memref<!tpu.dma_semaphore, #tpu.memory_space<semaphore_mem>>)
      %dma_wait3A = arith.constant 0 : i32
      %dma_wait3A_139 = tpu.memref_slice %arg7[%add3A_68, %mul3A_121, %dma_wait3A] : memref<4x10000x128xf32, #tpu.memory_space<hbm>> -> memref<1x624x128xf32, #tpu.memory_space<hbm>>
      %dma_wait3A_140 = tpu.memref_squeeze %dma_wait3A_139 : memref<1x624x128xf32, #tpu.memory_space<hbm>> -> memref<624x128xf32, #tpu.memory_space<hbm>>
      %dma_wait3A_141 = arith.constant 0 : i32
      %dma_wait3A_142 = tpu.memref_slice %arg23[%mul3A_119, %dma_wait3A_141] : memref<10000x128xf32, #tpu.memory_space<vmem_shared>> -> memref<624x128xf32, #tpu.memory_space<vmem_shared>>
      tpu.wait_dma2 semaphore(%run_scoped3A_133 : memref<!tpu.dma_semaphore, #tpu.memory_space<semaphore_mem>>) src(%dma_wait3A_142 : memref<624x128xf32, #tpu.memory_space<vmem_shared>>) dst(%dma_wait3A_140 : memref<624x128xf32, #tpu.memory_space<hbm>>)
      tpu.yield
    }) : () -> ()
    %eq3A_122 = arith.constant 15 : i32
    %eq3A_123 = arith.cmpi eq, %arg1, %eq3A_122 : i32
    %convert_element_type3A_124 = arith.extui %eq3A_123 : i1 to i32
    %cond3A_125 = arith.constant 0 : i32
    %cond3A_126 = arith.cmpi ne, %convert_element_type3A_124, %cond3A_125 : i32
    scf.if %cond3A_126 {
      "tpu.region"() ({
        %run_scoped3A_133 = tpu.sem_alloc : memref<!tpu.dma_semaphore, #tpu.memory_space<semaphore_mem>>
        %dma_start3A_134 = arith.constant 9984 : i32
        %dma_start3A_135 = arith.constant 0 : i32
        %dma_start3A_136 = tpu.memref_slice %arg7[%add3A_68, %dma_start3A_134, %dma_start3A_135] : memref<4x10000x128xf32, #tpu.memory_space<hbm>> -> memref<1x16x128xf32, #tpu.memory_space<hbm>>
        %dma_start3A_137 = tpu.memref_squeeze %dma_start3A_136 : memref<1x16x128xf32, #tpu.memory_space<hbm>> -> memref<16x128xf32, #tpu.memory_space<hbm>>
        %dma_start3A_138 = arith.constant 9984 : i32
        %dma_start3A_139 = arith.constant 0 : i32
        %dma_start3A_140 = tpu.memref_slice %arg23[%dma_start3A_138, %dma_start3A_139] : memref<10000x128xf32, #tpu.memory_space<vmem_shared>> -> memref<16x128xf32, #tpu.memory_space<vmem_shared>>
        tpu.enqueue_dma source(%dma_start3A_140 : memref<16x128xf32, #tpu.memory_space<vmem_shared>>) target(%dma_start3A_137 : memref<16x128xf32, #tpu.memory_space<hbm>>) target_semaphore(%run_scoped3A_133 : memref<!tpu.dma_semaphore, #tpu.memory_space<semaphore_mem>>)
        %dma_wait3A = arith.constant 9984 : i32
        %dma_wait3A_141 = arith.constant 0 : i32
        %dma_wait3A_142 = tpu.memref_slice %arg7[%add3A_68, %dma_wait3A, %dma_wait3A_141] : memref<4x10000x128xf32, #tpu.memory_space<hbm>> -> memref<1x16x128xf32, #tpu.memory_space<hbm>>
        %dma_wait3A_143 = tpu.memref_squeeze %dma_wait3A_142 : memref<1x16x128xf32, #tpu.memory_space<hbm>> -> memref<16x128xf32, #tpu.memory_space<hbm>>
        %dma_wait3A_144 = arith.constant 9984 : i32
        %dma_wait3A_145 = arith.constant 0 : i32
        %dma_wait3A_146 = tpu.memref_slice %arg23[%dma_wait3A_144, %dma_wait3A_145] : memref<10000x128xf32, #tpu.memory_space<vmem_shared>> -> memref<16x128xf32, #tpu.memory_space<vmem_shared>>
        tpu.wait_dma2 semaphore(%run_scoped3A_133 : memref<!tpu.dma_semaphore, #tpu.memory_space<semaphore_mem>>) src(%dma_wait3A_146 : memref<16x128xf32, #tpu.memory_space<vmem_shared>>) dst(%dma_wait3A_143 : memref<16x128xf32, #tpu.memory_space<hbm>>)
        tpu.yield
      }) : () -> ()
    } else {
    }
    %eq3A_127 = arith.constant 0 : i32
    %eq3A_128 = arith.cmpi eq, %arg1, %eq3A_127 : i32
    %convert_element_type3A_129 = arith.extui %eq3A_128 : i1 to i32
    %cond3A_130 = arith.constant 0 : i32
    %cond3A_131 = arith.cmpi ne, %convert_element_type3A_129, %cond3A_130 : i32
    scf.if %cond3A_131 {
      %mul3A_133 = arith.constant 10240 : i32
      %mul3A_134 = arith.muli %add3A_68, %mul3A_133 : i32
      "tpu.region"() ({
        %run_scoped3A_135 = tpu.sem_alloc : memref<!tpu.dma_semaphore, #tpu.memory_space<semaphore_mem>>
        %dma_start3A_136 = tpu.memref_slice %arg8[%mul3A_134] : memref<40960xf32, #tpu.memory_space<hbm>> -> memref<10240xf32, #tpu.memory_space<hbm>>
        tpu.enqueue_dma source(%arg24 : memref<10240xf32, #tpu.memory_space<vmem_shared>>) target(%dma_start3A_136 : memref<10240xf32, #tpu.memory_space<hbm>>) target_semaphore(%run_scoped3A_135 : memref<!tpu.dma_semaphore, #tpu.memory_space<semaphore_mem>>)
        %dma_wait3A = tpu.memref_slice %arg8[%mul3A_134] : memref<40960xf32, #tpu.memory_space<hbm>> -> memref<10240xf32, #tpu.memory_space<hbm>>
        tpu.wait_dma2 semaphore(%run_scoped3A_135 : memref<!tpu.dma_semaphore, #tpu.memory_space<semaphore_mem>>) src(%arg24 : memref<10240xf32, #tpu.memory_space<vmem_shared>>) dst(%dma_wait3A : memref<10240xf32, #tpu.memory_space<hbm>>)
        tpu.yield
      }) : () -> ()
    } else {
    }
    %barrier3A_132 = arith.constant 0 : index
    tpu.barrier barrier_id(%barrier3A_132)
    return
  }
}

#map = affine_map<(d0, d1) -> (0, 0)>
#map1 = affine_map<(d0, d1) -> (0)>
module attributes {stable_mosaic.version = 14 : i64} {
  func.func @_k2_body(%arg0: i32, %arg1: i32, %arg2: memref<10000x128xf32, #tpu.memory_space<hbm>>, %arg3: memref<323584xi32, #tpu.memory_space<hbm>>, %arg4: memref<323584xi32, #tpu.memory_space<hbm>>, %arg5: memref<323584x128xf32, #tpu.memory_space<hbm>>, %arg6: memref<128xi32, #tpu.memory_space<vmem>>, %arg7: memref<128x128xf32, #tpu.memory_space<vmem>>, %arg8: memref<128x128xf32, #tpu.memory_space<vmem>>) attributes {dimension_semantics = [#tpu.dimension_semantics<core_parallel>, #tpu.dimension_semantics<subcore_parallel>], iteration_bounds = array<i64: 2, 16>, scalar_prefetch = 0 : i64, scratch_operands = 3 : i64, tpu.core_type = #tpu.core_type<sc_vector_subcore>, window_params = [{transform_indices = #map}, {transform_indices = #map1}, {transform_indices = #map1}, {transform_indices = #map}]} {
    %mul3A = arith.constant 2 : i32
    %mul3A_0 = arith.muli %arg1, %mul3A : i32
    %add3A = arith.addi %mul3A_0, %arg0 : i32
    %mul3A_1 = arith.constant 10112 : i32
    %mul3A_2 = arith.muli %add3A, %mul3A_1 : i32
    %scan3A = arith.constant 0 : i32
    %scan3A_3 = arith.constant 79 : i32
    %scan3A_4 = arith.addi %scan3A, %scan3A_3 : i32
    %scan3A_5 = arith.constant 1 : i32
    scf.for %scan3A_7 = %scan3A to %scan3A_4 step %scan3A_5  : i32 {
      %mul3A_8 = arith.constant 1 : i32
      %mul3A_9 = arith.muli %scan3A_7, %mul3A_8 : i32
      %add3A_10 = arith.constant 0 : i32
      %add3A_11 = arith.addi %add3A_10, %mul3A_9 : i32
      %mul3A_12 = arith.constant 128 : i32
      %mul3A_13 = arith.muli %add3A_11, %mul3A_12 : i32
      %add3A_14 = arith.addi %mul3A_2, %mul3A_13 : i32
      "tpu.region"() ({
        %run_scoped3A = tpu.sem_alloc : memref<!tpu.dma_semaphore, #tpu.memory_space<semaphore_mem>>
        %dma_start3A = tpu.memref_slice %arg3[%add3A_14] : memref<323584xi32, #tpu.memory_space<hbm>> -> memref<128xi32, #tpu.memory_space<hbm>>
        %dma_start3A_20 = tpu.memref_slice %arg3[%add3A_14] : memref<323584xi32, #tpu.memory_space<hbm>> -> memref<128xi32, #tpu.memory_space<hbm>>
        tpu.enqueue_dma source(%dma_start3A_20 : memref<128xi32, #tpu.memory_space<hbm>>) target(%arg6 : memref<128xi32, #tpu.memory_space<vmem>>) target_semaphore(%run_scoped3A : memref<!tpu.dma_semaphore, #tpu.memory_space<semaphore_mem>>)
        %dma_wait3A = tpu.memref_slice %arg3[%add3A_14] : memref<323584xi32, #tpu.memory_space<hbm>> -> memref<128xi32, #tpu.memory_space<hbm>>
        %dma_wait3A_21 = tpu.memref_slice %arg3[%add3A_14] : memref<323584xi32, #tpu.memory_space<hbm>> -> memref<128xi32, #tpu.memory_space<hbm>>
        tpu.wait_dma2 semaphore(%run_scoped3A : memref<!tpu.dma_semaphore, #tpu.memory_space<semaphore_mem>>) src(%dma_wait3A_21 : memref<128xi32, #tpu.memory_space<hbm>>) dst(%arg6 : memref<128xi32, #tpu.memory_space<vmem>>)
        tpu.yield
      }) : () -> ()
      "tpu.region"() ({
        %run_scoped3A = tpu.sem_alloc : memref<!tpu.dma_semaphore, #tpu.memory_space<semaphore_mem>>
        %dma_start3A = arith.constant 0 : i32
        %dma_start3A_20 = arith.constant 0 : i32
        %dma_start3A_21 = tpu.memref_slice %arg2[%dma_start3A, %dma_start3A_20] : memref<10000x128xf32, #tpu.memory_space<hbm>> -> memref<10000x128xf32, #tpu.memory_space<hbm>>
        tpu.enqueue_indirect_dma source(%dma_start3A_21 : memref<10000x128xf32, #tpu.memory_space<hbm>>) target(%arg7 : memref<128x128xf32, #tpu.memory_space<vmem>>) offsets(%arg6 : memref<128xi32, #tpu.memory_space<vmem>>) semaphore(%run_scoped3A : memref<!tpu.dma_semaphore, #tpu.memory_space<semaphore_mem>>)
        %dma_wait3A = arith.constant 0 : i32
        %dma_wait3A_22 = arith.constant 0 : i32
        %dma_wait3A_23 = tpu.memref_slice %arg2[%dma_wait3A, %dma_wait3A_22] : memref<10000x128xf32, #tpu.memory_space<hbm>> -> memref<10000x128xf32, #tpu.memory_space<hbm>>
        tpu.wait_indirect_dma semaphore(%run_scoped3A : memref<!tpu.dma_semaphore, #tpu.memory_space<semaphore_mem>>) src(%dma_wait3A_23 : memref<10000x128xf32, #tpu.memory_space<hbm>>) dst(%arg7 : memref<128x128xf32, #tpu.memory_space<vmem>>)
        tpu.yield
      }) : () -> ()
      "tpu.region"() ({
        %run_scoped3A = tpu.sem_alloc : memref<!tpu.dma_semaphore, #tpu.memory_space<semaphore_mem>>
        %dma_start3A = tpu.memref_slice %arg4[%add3A_14] : memref<323584xi32, #tpu.memory_space<hbm>> -> memref<128xi32, #tpu.memory_space<hbm>>
        %dma_start3A_20 = tpu.memref_slice %arg4[%add3A_14] : memref<323584xi32, #tpu.memory_space<hbm>> -> memref<128xi32, #tpu.memory_space<hbm>>
        tpu.enqueue_dma source(%dma_start3A_20 : memref<128xi32, #tpu.memory_space<hbm>>) target(%arg6 : memref<128xi32, #tpu.memory_space<vmem>>) target_semaphore(%run_scoped3A : memref<!tpu.dma_semaphore, #tpu.memory_space<semaphore_mem>>)
        %dma_wait3A = tpu.memref_slice %arg4[%add3A_14] : memref<323584xi32, #tpu.memory_space<hbm>> -> memref<128xi32, #tpu.memory_space<hbm>>
        %dma_wait3A_21 = tpu.memref_slice %arg4[%add3A_14] : memref<323584xi32, #tpu.memory_space<hbm>> -> memref<128xi32, #tpu.memory_space<hbm>>
        tpu.wait_dma2 semaphore(%run_scoped3A : memref<!tpu.dma_semaphore, #tpu.memory_space<semaphore_mem>>) src(%dma_wait3A_21 : memref<128xi32, #tpu.memory_space<hbm>>) dst(%arg6 : memref<128xi32, #tpu.memory_space<vmem>>)
        tpu.yield
      }) : () -> ()
      "tpu.region"() ({
        %run_scoped3A = tpu.sem_alloc : memref<!tpu.dma_semaphore, #tpu.memory_space<semaphore_mem>>
        %dma_start3A = arith.constant 0 : i32
        %dma_start3A_20 = arith.constant 0 : i32
        %dma_start3A_21 = tpu.memref_slice %arg2[%dma_start3A, %dma_start3A_20] : memref<10000x128xf32, #tpu.memory_space<hbm>> -> memref<10000x128xf32, #tpu.memory_space<hbm>>
        tpu.enqueue_indirect_dma source(%dma_start3A_21 : memref<10000x128xf32, #tpu.memory_space<hbm>>) target(%arg8 : memref<128x128xf32, #tpu.memory_space<vmem>>) offsets(%arg6 : memref<128xi32, #tpu.memory_space<vmem>>) semaphore(%run_scoped3A : memref<!tpu.dma_semaphore, #tpu.memory_space<semaphore_mem>>)
        %dma_wait3A = arith.constant 0 : i32
        %dma_wait3A_22 = arith.constant 0 : i32
        %dma_wait3A_23 = tpu.memref_slice %arg2[%dma_wait3A, %dma_wait3A_22] : memref<10000x128xf32, #tpu.memory_space<hbm>> -> memref<10000x128xf32, #tpu.memory_space<hbm>>
        tpu.wait_indirect_dma semaphore(%run_scoped3A : memref<!tpu.dma_semaphore, #tpu.memory_space<semaphore_mem>>) src(%dma_wait3A_23 : memref<10000x128xf32, #tpu.memory_space<hbm>>) dst(%arg8 : memref<128x128xf32, #tpu.memory_space<vmem>>)
        tpu.yield
      }) : () -> ()
      %scan3A_15 = arith.constant 0 : i32
      %scan3A_16 = arith.constant 128 : i32
      %scan3A_17 = arith.addi %scan3A_15, %scan3A_16 : i32
      %scan3A_18 = arith.constant 1 : i32
      scf.for %scan3A_20 = %scan3A_15 to %scan3A_17 step %scan3A_18  : i32 {
        %mul3A_21 = arith.constant 1 : i32
        %mul3A_22 = arith.muli %scan3A_20, %mul3A_21 : i32
        %add3A_23 = arith.constant 0 : i32
        %add3A_24 = arith.addi %add3A_23, %mul3A_22 : i32
        %get3A = arith.constant 0 : i32
        %get3A_25 = tpu.memref_slice %arg7[%add3A_24, %get3A] : memref<128x128xf32, #tpu.memory_space<vmem>> -> memref<1x128xf32, #tpu.memory_space<vmem>>
        %get3A_26 = tpu.memref_squeeze %get3A_25 : memref<1x128xf32, #tpu.memory_space<vmem>> -> memref<128xf32, #tpu.memory_space<vmem>>
        %get3A_27 = arith.constant 0 : index
        %get3A_28 = tpu.vector_load %get3A_26[%get3A_27] {strides = array<i32>} : memref<128xf32, #tpu.memory_space<vmem>>, vector<16xf32>,
        %get3A_29 = vector.shape_cast %get3A_28 : vector<16xf32> to vector<16xf32>
        %get3A_30 = arith.constant 0 : i32
        %get3A_31 = tpu.memref_slice %arg8[%add3A_24, %get3A_30] : memref<128x128xf32, #tpu.memory_space<vmem>> -> memref<1x128xf32, #tpu.memory_space<vmem>>
        %get3A_32 = tpu.memref_squeeze %get3A_31 : memref<1x128xf32, #tpu.memory_space<vmem>> -> memref<128xf32, #tpu.memory_space<vmem>>
        %get3A_33 = arith.constant 64 : index
        %get3A_34 = tpu.vector_load %get3A_32[%get3A_33] {strides = array<i32>} : memref<128xf32, #tpu.memory_space<vmem>>, vector<16xf32>,
        %get3A_35 = vector.shape_cast %get3A_34 : vector<16xf32> to vector<16xf32>
        %add3A_36 = arith.addf %get3A_29, %get3A_35 : vector<16xf32>
        %swap3A = arith.constant 0 : i32
        %swap3A_37 = tpu.memref_slice %arg7[%add3A_24, %swap3A] : memref<128x128xf32, #tpu.memory_space<vmem>> -> memref<1x128xf32, #tpu.memory_space<vmem>>
        %swap3A_38 = tpu.memref_squeeze %swap3A_37 : memref<1x128xf32, #tpu.memory_space<vmem>> -> memref<128xf32, #tpu.memory_space<vmem>>
        %swap3A_39 = arith.constant 0 : index
        %swap3A_40 = tpu.vector_load %swap3A_38[%swap3A_39] {strides = array<i32>} : memref<128xf32, #tpu.memory_space<vmem>>, vector<16xf32>,
        %swap3A_41 = vector.shape_cast %swap3A_40 : vector<16xf32> to vector<16xf32>
        %swap3A_42 = vector.shape_cast %add3A_36 : vector<16xf32> to vector<16xf32>
        tpu.vector_store %swap3A_38[%swap3A_39], %swap3A_42 {strides = array<i32>} : memref<128xf32, #tpu.memory_space<vmem>>, vector<16xf32>,
        %get3A_43 = arith.constant 0 : i32
        %get3A_44 = tpu.memref_slice %arg7[%add3A_24, %get3A_43] : memref<128x128xf32, #tpu.memory_space<vmem>> -> memref<1x128xf32, #tpu.memory_space<vmem>>
        %get3A_45 = tpu.memref_squeeze %get3A_44 : memref<1x128xf32, #tpu.memory_space<vmem>> -> memref<128xf32, #tpu.memory_space<vmem>>
        %get3A_46 = arith.constant 16 : index
        %get3A_47 = tpu.vector_load %get3A_45[%get3A_46] {strides = array<i32>} : memref<128xf32, #tpu.memory_space<vmem>>, vector<16xf32>,
        %get3A_48 = vector.shape_cast %get3A_47 : vector<16xf32> to vector<16xf32>
        %get3A_49 = arith.constant 0 : i32
        %get3A_50 = tpu.memref_slice %arg8[%add3A_24, %get3A_49] : memref<128x128xf32, #tpu.memory_space<vmem>> -> memref<1x128xf32, #tpu.memory_space<vmem>>
        %get3A_51 = tpu.memref_squeeze %get3A_50 : memref<1x128xf32, #tpu.memory_space<vmem>> -> memref<128xf32, #tpu.memory_space<vmem>>
        %get3A_52 = arith.constant 80 : index
        %get3A_53 = tpu.vector_load %get3A_51[%get3A_52] {strides = array<i32>} : memref<128xf32, #tpu.memory_space<vmem>>, vector<16xf32>,
        %get3A_54 = vector.shape_cast %get3A_53 : vector<16xf32> to vector<16xf32>
        %add3A_55 = arith.addf %get3A_48, %get3A_54 : vector<16xf32>
        %swap3A_56 = arith.constant 0 : i32
        %swap3A_57 = tpu.memref_slice %arg7[%add3A_24, %swap3A_56] : memref<128x128xf32, #tpu.memory_space<vmem>> -> memref<1x128xf32, #tpu.memory_space<vmem>>
        %swap3A_58 = tpu.memref_squeeze %swap3A_57 : memref<1x128xf32, #tpu.memory_space<vmem>> -> memref<128xf32, #tpu.memory_space<vmem>>
        %swap3A_59 = arith.constant 16 : index
        %swap3A_60 = tpu.vector_load %swap3A_58[%swap3A_59] {strides = array<i32>} : memref<128xf32, #tpu.memory_space<vmem>>, vector<16xf32>,
        %swap3A_61 = vector.shape_cast %swap3A_60 : vector<16xf32> to vector<16xf32>
        %swap3A_62 = vector.shape_cast %add3A_55 : vector<16xf32> to vector<16xf32>
        tpu.vector_store %swap3A_58[%swap3A_59], %swap3A_62 {strides = array<i32>} : memref<128xf32, #tpu.memory_space<vmem>>, vector<16xf32>,
        %get3A_63 = arith.constant 0 : i32
        %get3A_64 = tpu.memref_slice %arg7[%add3A_24, %get3A_63] : memref<128x128xf32, #tpu.memory_space<vmem>> -> memref<1x128xf32, #tpu.memory_space<vmem>>
        %get3A_65 = tpu.memref_squeeze %get3A_64 : memref<1x128xf32, #tpu.memory_space<vmem>> -> memref<128xf32, #tpu.memory_space<vmem>>
        %get3A_66 = arith.constant 32 : index
        %get3A_67 = tpu.vector_load %get3A_65[%get3A_66] {strides = array<i32>} : memref<128xf32, #tpu.memory_space<vmem>>, vector<16xf32>,
        %get3A_68 = vector.shape_cast %get3A_67 : vector<16xf32> to vector<16xf32>
        %get3A_69 = arith.constant 0 : i32
        %get3A_70 = tpu.memref_slice %arg8[%add3A_24, %get3A_69] : memref<128x128xf32, #tpu.memory_space<vmem>> -> memref<1x128xf32, #tpu.memory_space<vmem>>
        %get3A_71 = tpu.memref_squeeze %get3A_70 : memref<1x128xf32, #tpu.memory_space<vmem>> -> memref<128xf32, #tpu.memory_space<vmem>>
        %get3A_72 = arith.constant 96 : index
        %get3A_73 = tpu.vector_load %get3A_71[%get3A_72] {strides = array<i32>} : memref<128xf32, #tpu.memory_space<vmem>>, vector<16xf32>,
        %get3A_74 = vector.shape_cast %get3A_73 : vector<16xf32> to vector<16xf32>
        %add3A_75 = arith.addf %get3A_68, %get3A_74 : vector<16xf32>
        %swap3A_76 = arith.constant 0 : i32
        %swap3A_77 = tpu.memref_slice %arg7[%add3A_24, %swap3A_76] : memref<128x128xf32, #tpu.memory_space<vmem>> -> memref<1x128xf32, #tpu.memory_space<vmem>>
        %swap3A_78 = tpu.memref_squeeze %swap3A_77 : memref<1x128xf32, #tpu.memory_space<vmem>> -> memref<128xf32, #tpu.memory_space<vmem>>
        %swap3A_79 = arith.constant 32 : index
        %swap3A_80 = tpu.vector_load %swap3A_78[%swap3A_79] {strides = array<i32>} : memref<128xf32, #tpu.memory_space<vmem>>, vector<16xf32>,
        %swap3A_81 = vector.shape_cast %swap3A_80 : vector<16xf32> to vector<16xf32>
        %swap3A_82 = vector.shape_cast %add3A_75 : vector<16xf32> to vector<16xf32>
        tpu.vector_store %swap3A_78[%swap3A_79], %swap3A_82 {strides = array<i32>} : memref<128xf32, #tpu.memory_space<vmem>>, vector<16xf32>,
        %get3A_83 = arith.constant 0 : i32
        %get3A_84 = tpu.memref_slice %arg7[%add3A_24, %get3A_83] : memref<128x128xf32, #tpu.memory_space<vmem>> -> memref<1x128xf32, #tpu.memory_space<vmem>>
        %get3A_85 = tpu.memref_squeeze %get3A_84 : memref<1x128xf32, #tpu.memory_space<vmem>> -> memref<128xf32, #tpu.memory_space<vmem>>
        %get3A_86 = arith.constant 48 : index
        %get3A_87 = tpu.vector_load %get3A_85[%get3A_86] {strides = array<i32>} : memref<128xf32, #tpu.memory_space<vmem>>, vector<16xf32>,
        %get3A_88 = vector.shape_cast %get3A_87 : vector<16xf32> to vector<16xf32>
        %get3A_89 = arith.constant 0 : i32
        %get3A_90 = tpu.memref_slice %arg8[%add3A_24, %get3A_89] : memref<128x128xf32, #tpu.memory_space<vmem>> -> memref<1x128xf32, #tpu.memory_space<vmem>>
        %get3A_91 = tpu.memref_squeeze %get3A_90 : memref<1x128xf32, #tpu.memory_space<vmem>> -> memref<128xf32, #tpu.memory_space<vmem>>
        %get3A_92 = arith.constant 112 : index
        %get3A_93 = tpu.vector_load %get3A_91[%get3A_92] {strides = array<i32>} : memref<128xf32, #tpu.memory_space<vmem>>, vector<16xf32>,
        %get3A_94 = vector.shape_cast %get3A_93 : vector<16xf32> to vector<16xf32>
        %add3A_95 = arith.addf %get3A_88, %get3A_94 : vector<16xf32>
        %swap3A_96 = arith.constant 0 : i32
        %swap3A_97 = tpu.memref_slice %arg7[%add3A_24, %swap3A_96] : memref<128x128xf32, #tpu.memory_space<vmem>> -> memref<1x128xf32, #tpu.memory_space<vmem>>
        %swap3A_98 = tpu.memref_squeeze %swap3A_97 : memref<1x128xf32, #tpu.memory_space<vmem>> -> memref<128xf32, #tpu.memory_space<vmem>>
        %swap3A_99 = arith.constant 48 : index
        %swap3A_100 = tpu.vector_load %swap3A_98[%swap3A_99] {strides = array<i32>} : memref<128xf32, #tpu.memory_space<vmem>>, vector<16xf32>,
        %swap3A_101 = vector.shape_cast %swap3A_100 : vector<16xf32> to vector<16xf32>
        %swap3A_102 = vector.shape_cast %add3A_95 : vector<16xf32> to vector<16xf32>
        tpu.vector_store %swap3A_98[%swap3A_99], %swap3A_102 {strides = array<i32>} : memref<128xf32, #tpu.memory_space<vmem>>, vector<16xf32>,
      }
      %scan3A_19 = arith.constant 128 : i32
      "tpu.region"() ({
        %run_scoped3A = tpu.sem_alloc : memref<!tpu.dma_semaphore, #tpu.memory_space<semaphore_mem>>
        %dma_start3A = arith.constant 0 : i32
        %dma_start3A_20 = tpu.memref_slice %arg5[%add3A_14, %dma_start3A] : memref<323584x128xf32, #tpu.memory_space<hbm>> -> memref<128x128xf32, #tpu.memory_space<hbm>>
        %dma_start3A_21 = arith.constant 0 : i32
        %dma_start3A_22 = tpu.memref_slice %arg5[%add3A_14, %dma_start3A_21] : memref<323584x128xf32, #tpu.memory_space<hbm>> -> memref<128x128xf32, #tpu.memory_space<hbm>>
        tpu.enqueue_dma source(%arg7 : memref<128x128xf32, #tpu.memory_space<vmem>>) target(%dma_start3A_22 : memref<128x128xf32, #tpu.memory_space<hbm>>) target_semaphore(%run_scoped3A : memref<!tpu.dma_semaphore, #tpu.memory_space<semaphore_mem>>)
        %dma_wait3A = arith.constant 0 : i32
        %dma_wait3A_23 = tpu.memref_slice %arg5[%add3A_14, %dma_wait3A] : memref<323584x128xf32, #tpu.memory_space<hbm>> -> memref<128x128xf32, #tpu.memory_space<hbm>>
        %dma_wait3A_24 = arith.constant 0 : i32
        %dma_wait3A_25 = tpu.memref_slice %arg5[%add3A_14, %dma_wait3A_24] : memref<323584x128xf32, #tpu.memory_space<hbm>> -> memref<128x128xf32, #tpu.memory_space<hbm>>
        tpu.wait_dma2 semaphore(%run_scoped3A : memref<!tpu.dma_semaphore, #tpu.memory_space<semaphore_mem>>) src(%arg7 : memref<128x128xf32, #tpu.memory_space<vmem>>) dst(%dma_wait3A_25 : memref<128x128xf32, #tpu.memory_space<hbm>>)
        tpu.yield
      }) : () -> ()
    }
    %scan3A_6 = arith.constant 79 : i32
    return
  }
}

module attributes {stable_mosaic.version = 14 : i64} {
  func.func @_proj_body(%arg0: i32, %arg1: memref<2000x128xf32, #tpu.memory_space<vmem>>, %arg2: memref<128x128xf32, #tpu.memory_space<vmem>>, %arg3: memref<2000x128xf32, #tpu.memory_space<vmem>>) attributes {dimension_semantics = [#tpu.dimension_semantics<arbitrary>], iteration_bounds = array<i64: 5>, scalar_prefetch = 0 : i64, scratch_operands = 0 : i64, tpu.core_type = #tpu.core_type<tc>, window_params = [{transform_indices = @transform_0, window_bounds = array<i64: 2000, 128>}, {pipeline_mode = #tpu.pipeline_mode<synchronous>, transform_indices = @transform_1, window_bounds = array<i64: 128, 128>}, {transform_indices = @transform_2, window_bounds = array<i64: 2000, 128>}]} {
    %get3A = arith.constant 0 : index
    %get3A_0 = arith.constant 0 : index
    %get3A_1 = vector.load %arg1[%get3A, %get3A_0] : memref<2000x128xf32, #tpu.memory_space<vmem>>, vector<2000x128xf32>
    %get3A_2 = arith.constant 0 : index
    %get3A_3 = arith.constant 0 : index
    %get3A_4 = vector.load %arg2[%get3A_2, %get3A_3] : memref<128x128xf32, #tpu.memory_space<vmem>>, vector<128x128xf32>
    %dot_general3A = arith.constant dense<0.000000e+00> : vector<2000x128xf32>
    %dot_general3A_5 = tpu.matmul %get3A_1, %get3A_4, %dot_general3A {dimension_numbers = #tpu.dot_dimension_numbers<[1], [0], [0], [1], [0, 0, 1, 1], [], []>, transpose_lhs_hint = false} : vector<2000x128xf32>, vector<128x128xf32>, vector<2000x128xf32> -> vector<2000x128xf32>
    %swap3A = arith.constant 0 : index
    %swap3A_6 = arith.constant 0 : index
    %swap3A_7 = vector.load %arg3[%swap3A, %swap3A_6] : memref<2000x128xf32, #tpu.memory_space<vmem>>, vector<2000x128xf32>
    tpu.vector_store %arg3[%swap3A, %swap3A_6], %dot_general3A_5 {strides = array<i32>} : memref<2000x128xf32, #tpu.memory_space<vmem>>, vector<2000x128xf32>,
    return
  }
  func.func @transform_0(%arg0: i32) -> (i32, i32) {
    %c0_i32 = arith.constant 0 : i32
    %c0_i32_0 = arith.constant 0 : i32
    return %arg0, %c0_i32 : i32, i32
  }
  func.func @transform_1(%arg0: i32) -> (i32, i32) {
    %c0_i32 = arith.constant 0 : i32
    %c0_i32_0 = arith.constant 0 : i32
    %c0_i32_1 = arith.constant 0 : i32
    return %c0_i32, %c0_i32_0 : i32, i32
  }
  func.func @transform_2(%arg0: i32) -> (i32, i32) {
    %c0_i32 = arith.constant 0 : i32
    %c0_i32_0 = arith.constant 0 : i32
    return %arg0, %c0_i32 : i32, i32
  }
}

module attributes {stable_mosaic.version = 14 : i64} {
  func.func @_k3_body(%arg0: i32, %arg1: memref<2048x128xf32, #tpu.memory_space<vmem>>, %arg2: memref<2048x16xf32, #tpu.memory_space<vmem>>, %arg3: memref<16x64xf32, #tpu.memory_space<vmem>>, %arg4: memref<64x8xf32, #tpu.memory_space<vmem>>, %arg5: memref<64x16xf32, #tpu.memory_space<vmem>>, %arg6: memref<1x64xf32, #tpu.memory_space<vmem>>, %arg7: memref<2048x16xf32, #tpu.memory_space<vmem>>, %arg8: memref<8x2048xf32, #tpu.memory_space<vmem>>, %arg9: memref<8x128xf32, #tpu.memory_space<vmem>>) attributes {dimension_semantics = [#tpu.dimension_semantics<arbitrary>], iteration_bounds = array<i64: 158>, scalar_prefetch = 0 : i64, scratch_operands = 0 : i64, tpu.core_type = #tpu.core_type<tc>, window_params = [{transform_indices = @transform_0, window_bounds = array<i64: 2048, 128>}, {transform_indices = @transform_1, window_bounds = array<i64: 2048, 16>}, {pipeline_mode = #tpu.pipeline_mode<synchronous>, transform_indices = @transform_2, window_bounds = array<i64: 16, 64>}, {pipeline_mode = #tpu.pipeline_mode<synchronous>, transform_indices = @transform_3, window_bounds = array<i64: 64, 8>}, {pipeline_mode = #tpu.pipeline_mode<synchronous>, transform_indices = @transform_4, window_bounds = array<i64: 64, 16>}, {pipeline_mode = #tpu.pipeline_mode<synchronous>, transform_indices = @transform_5, window_bounds = array<i64: 1, 64>}, {transform_indices = @transform_6, window_bounds = array<i64: 2048, 16>}, {transform_indices = @transform_7, window_bounds = array<i64: 8, 2048>}, {pipeline_mode = #tpu.pipeline_mode<synchronous>, transform_indices = @transform_8, window_bounds = array<i64: 8, 128>}]} {
    %get3A = arith.constant 0 : index
    %get3A_0 = arith.constant 0 : index
    %get3A_1 = vector.load %arg1[%get3A, %get3A_0] : memref<2048x128xf32, #tpu.memory_space<vmem>>, vector<2048x128xf32>
    %slice3A = vector.extract_strided_slice %get3A_1 {offsets = [0, 0], sizes = [2048, 64], strides = [1, 1]} : vector<2048x128xf32> to vector<2048x64xf32>
    %get3A_2 = arith.constant 0 : index
    %get3A_3 = arith.constant 0 : index
    %get3A_4 = vector.load %arg2[%get3A_2, %get3A_3] : memref<2048x16xf32, #tpu.memory_space<vmem>>, vector<2048x16xf32>
    %get3A_5 = arith.constant 0 : index
    %get3A_6 = arith.constant 0 : index
    %get3A_7 = vector.load %arg3[%get3A_5, %get3A_6] : memref<16x64xf32, #tpu.memory_space<vmem>>, vector<16x64xf32>
    %dot_general3A = arith.constant dense<0.000000e+00> : vector<2048x64xf32>
    %dot_general3A_8 = tpu.matmul %get3A_4, %get3A_7, %dot_general3A {dimension_numbers = #tpu.dot_dimension_numbers<[1], [0], [0], [1], [0, 0, 1, 1], [], []>, transpose_lhs_hint = false} : vector<2048x16xf32>, vector<16x64xf32>, vector<2048x64xf32> -> vector<2048x64xf32>
    %add3A = arith.addf %slice3A, %dot_general3A_8 : vector<2048x64xf32>
    %get3A_9 = arith.constant 0 : index
    %get3A_10 = arith.constant 0 : index
    %get3A_11 = vector.load %arg6[%get3A_9, %get3A_10] : memref<1x64xf32, #tpu.memory_space<vmem>>, vector<1x64xf32>
    %add3A_12 = vector.broadcast %get3A_11 : vector<1x64xf32> to vector<2048x64xf32>
    %add3A_13 = arith.addf %add3A, %add3A_12 : vector<2048x64xf32>
    %ge3A = arith.constant 0.000000e+00 : f32
    %ge3A_14 = vector.broadcast %ge3A : f32 to vector<2048x64xf32>
    %ge3A_15 = arith.cmpf oge, %add3A_13, %ge3A_14 : vector<2048x64xf32>
    %mul3A = arith.constant 0.00999999977 : f32
    %mul3A_16 = vector.broadcast %mul3A : f32 to vector<2048x64xf32>
    %mul3A_17 = arith.mulf %mul3A_16, %add3A_13 : vector<2048x64xf32>
    %select_n3A = arith.select %ge3A_15, %add3A_13, %mul3A_17 : vector<2048x64xi1>, vector<2048x64xf32>
    %get3A_18 = arith.constant 0 : index
    %get3A_19 = arith.constant 0 : index
    %get3A_20 = vector.load %arg5[%get3A_18, %get3A_19] : memref<64x16xf32, #tpu.memory_space<vmem>>, vector<64x16xf32>
    %dot_general3A_21 = arith.constant dense<0.000000e+00> : vector<2048x16xf32>
    %dot_general3A_22 = tpu.matmul %select_n3A, %get3A_20, %dot_general3A_21 {dimension_numbers = #tpu.dot_dimension_numbers<[1], [0], [0], [1], [0, 0, 1, 1], [], []>, transpose_lhs_hint = false} : vector<2048x64xf32>, vector<64x16xf32>, vector<2048x16xf32> -> vector<2048x16xf32>
    %swap3A = arith.constant 0 : index
    %swap3A_23 = arith.constant 0 : index
    %swap3A_24 = vector.load %arg7[%swap3A, %swap3A_23] : memref<2048x16xf32, #tpu.memory_space<vmem>>, vector<2048x16xf32>
    tpu.vector_store %arg7[%swap3A, %swap3A_23], %dot_general3A_22 {strides = array<i32>} : memref<2048x16xf32, #tpu.memory_space<vmem>>, vector<2048x16xf32>,
    %get3A_25 = arith.constant 0 : index
    %get3A_26 = arith.constant 0 : index
    %get3A_27 = vector.load %arg4[%get3A_25, %get3A_26] : memref<64x8xf32, #tpu.memory_space<vmem>>, vector<64x8xf32>
    %dot_general3A_28 = arith.constant dense<0.000000e+00> : vector<8x2048xf32>
    %dot_general3A_29 = tpu.matmul %get3A_27, %select_n3A, %dot_general3A_28 {dimension_numbers = #tpu.dot_dimension_numbers<[0], [1], [1], [0], [0, 1, 1, 0], [], []>, transpose_lhs_hint = false} : vector<64x8xf32>, vector<2048x64xf32>, vector<8x2048xf32> -> vector<8x2048xf32>
    %mul3A_30 = arith.constant 2048 : i32
    %mul3A_31 = arith.muli %arg0, %mul3A_30 : i32
    %iota3A = tpu.iota {dimensions = array<i32: 1>} : vector<8x2048xi32>
    %add3A_32 = vector.broadcast %mul3A_31 : i32 to vector<8x2048xi32>
    %add3A_33 = arith.addi %add3A_32, %iota3A : vector<8x2048xi32>
    %lt3A = arith.constant 320000 : i32
    %lt3A_34 = vector.broadcast %lt3A : i32 to vector<8x2048xi32>
    %lt3A_35 = arith.cmpi slt, %add3A_33, %lt3A_34 : vector<8x2048xi32>
    %jit3A = arith.constant -1.000000e+30 : f32
    %broadcast_in_dim3A = vector.broadcast %jit3A : f32 to vector<8x2048xf32>
    %select_n3A_36 = arith.select %lt3A_35, %dot_general3A_29, %broadcast_in_dim3A : vector<8x2048xi1>, vector<8x2048xf32>
    %swap3A_37 = arith.constant 0 : index
    %swap3A_38 = arith.constant 0 : index
    %swap3A_39 = vector.load %arg8[%swap3A_37, %swap3A_38] : memref<8x2048xf32, #tpu.memory_space<vmem>>, vector<8x2048xf32>
    tpu.vector_store %arg8[%swap3A_37, %swap3A_38], %select_n3A_36 {strides = array<i32>} : memref<8x2048xf32, #tpu.memory_space<vmem>>, vector<8x2048xf32>,
    %eq3A = arith.constant 0 : i32
    %eq3A_40 = arith.cmpi eq, %arg0, %eq3A : i32
    %convert_element_type3A = arith.extui %eq3A_40 : i1 to i32
    %cond3A = arith.constant 0 : i32
    %cond3A_41 = arith.cmpi ne, %convert_element_type3A, %cond3A : i32
    scf.if %cond3A_41 {
      %broadcast_in_dim3A_53 = arith.constant -1.000000e+30 : f32
      %broadcast_in_dim3A_54 = vector.broadcast %broadcast_in_dim3A_53 : f32 to vector<8x128xf32>
      %swap3A_55 = arith.constant 0 : index
      %swap3A_56 = arith.constant 0 : index
      %swap3A_57 = vector.load %arg9[%swap3A_55, %swap3A_56] : memref<8x128xf32, #tpu.memory_space<vmem>>, vector<8x128xf32>
      tpu.vector_store %arg9[%swap3A_55, %swap3A_56], %broadcast_in_dim3A_54 {strides = array<i32>} : memref<8x128xf32, #tpu.memory_space<vmem>>, vector<8x128xf32>,
    } else {
    }
    %get3A_42 = arith.constant 0 : index
    %get3A_43 = arith.constant 0 : index
    %get3A_44 = vector.load %arg9[%get3A_42, %get3A_43] : memref<8x128xf32, #tpu.memory_space<vmem>>, vector<8x128xf32>
    %reduce_max3A = vector.shape_cast %select_n3A_36 : vector<8x2048xf32> to vector<1x8x2048xf32>
    %reduce_max3A_45 = arith.constant dense<0xFF800000> : vector<1xf32>
    %reduce_max3A_46 = vector.multi_reduction <maximumf>, %reduce_max3A, %reduce_max3A_45 [1, 2] : vector<1x8x2048xf32> to vector<1xf32>
    %reduce_max3A_47 = vector.shape_cast %reduce_max3A_46 : vector<1xf32> to vector<1x1x1xf32>
    %reduce_max3A_48 = vector.extract %reduce_max3A_47[0, 0, 0] : f32 from vector<1x1x1xf32>
    %max3A = vector.broadcast %reduce_max3A_48 : f32 to vector<8x128xf32>
    %max3A_49 = arith.maximumf %get3A_44, %max3A : vector<8x128xf32>
    %swap3A_50 = arith.constant 0 : index
    %swap3A_51 = arith.constant 0 : index
    %swap3A_52 = vector.load %arg9[%swap3A_50, %swap3A_51] : memref<8x128xf32, #tpu.memory_space<vmem>>, vector<8x128xf32>
    tpu.vector_store %arg9[%swap3A_50, %swap3A_51], %max3A_49 {strides = array<i32>} : memref<8x128xf32, #tpu.memory_space<vmem>>, vector<8x128xf32>,
    return
  }
  func.func @transform_0(%arg0: i32) -> (i32, i32) {
    %c0_i32 = arith.constant 0 : i32
    %c0_i32_0 = arith.constant 0 : i32
    return %arg0, %c0_i32 : i32, i32
  }
  func.func @transform_1(%arg0: i32) -> (i32, i32) {
    %c0_i32 = arith.constant 0 : i32
    %c0_i32_0 = arith.constant 0 : i32
    return %arg0, %c0_i32 : i32, i32
  }
  func.func @transform_2(%arg0: i32) -> (i32, i32) {
    %c0_i32 = arith.constant 0 : i32
    %c0_i32_0 = arith.constant 0 : i32
    %c0_i32_1 = arith.constant 0 : i32
    return %c0_i32, %c0_i32_0 : i32, i32
  }
  func.func @transform_3(%arg0: i32) -> (i32, i32) {
    %c0_i32 = arith.constant 0 : i32
    %c0_i32_0 = arith.constant 0 : i32
    %c0_i32_1 = arith.constant 0 : i32
    return %c0_i32, %c0_i32_0 : i32, i32
  }
  func.func @transform_4(%arg0: i32) -> (i32, i32) {
    %c0_i32 = arith.constant 0 : i32
    %c0_i32_0 = arith.constant 0 : i32
    %c0_i32_1 = arith.constant 0 : i32
    return %c0_i32, %c0_i32_0 : i32, i32
  }
  func.func @transform_5(%arg0: i32) -> (i32, i32) {
    %c0_i32 = arith.constant 0 : i32
    %c0_i32_0 = arith.constant 0 : i32
    %c0_i32_1 = arith.constant 0 : i32
    return %c0_i32, %c0_i32_0 : i32, i32
  }
  func.func @transform_6(%arg0: i32) -> (i32, i32) {
    %c0_i32 = arith.constant 0 : i32
    %c0_i32_0 = arith.constant 0 : i32
    return %arg0, %c0_i32 : i32, i32
  }
  func.func @transform_7(%arg0: i32) -> (i32, i32) {
    %c0_i32 = arith.constant 0 : i32
    %c0_i32_0 = arith.constant 0 : i32
    return %c0_i32, %arg0 : i32, i32
  }
  func.func @transform_8(%arg0: i32) -> (i32, i32) {
    %c0_i32 = arith.constant 0 : i32
    %c0_i32_0 = arith.constant 0 : i32
    %c0_i32_1 = arith.constant 0 : i32
    return %c0_i32, %c0_i32_0 : i32, i32
  }
}

module attributes {stable_mosaic.version = 14 : i64} {
  func.func @_k7_body(%arg0: i32, %arg1: memref<4x2048x128xf32, #tpu.memory_space<vmem>>, %arg2: memref<4x2048xf32, #tpu.memory_space<vmem>>, %arg3: memref<128x512xf32, #tpu.memory_space<vmem>>, %arg4: memref<2048x128xf32, #tpu.memory_space<vmem>>) attributes {dimension_semantics = [#tpu.dimension_semantics<arbitrary>], iteration_bounds = array<i64: 5>, scalar_prefetch = 0 : i64, scratch_operands = 0 : i64, tpu.core_type = #tpu.core_type<tc>, window_params = [{transform_indices = @transform_0, window_bounds = array<i64: 4, 2048, 128>}, {transform_indices = @transform_1, window_bounds = array<i64: 4, 2048>}, {pipeline_mode = #tpu.pipeline_mode<synchronous>, transform_indices = @transform_2, window_bounds = array<i64: 128, 512>}, {transform_indices = @transform_3, window_bounds = array<i64: 2048, 128>}]} {
    %get3A = arith.constant 0 : index
    %get3A_0 = arith.constant 0 : index
    %get3A_1 = arith.constant 0 : index
    %get3A_2 = vector.load %arg1[%get3A, %get3A_0, %get3A_1] : memref<4x2048x128xf32, #tpu.memory_space<vmem>>, vector<4x2048x128xf32>
    %get3A_3 = arith.constant 0 : index
    %get3A_4 = arith.constant 0 : index
    %get3A_5 = vector.load %arg2[%get3A_3, %get3A_4] : memref<4x2048xf32, #tpu.memory_space<vmem>>, vector<4x2048xf32>
    %get3A_6 = arith.constant 0 : index
    %get3A_7 = arith.constant 0 : index
    %get3A_8 = vector.load %arg3[%get3A_6, %get3A_7] : memref<128x512xf32, #tpu.memory_space<vmem>>, vector<128x512xf32>
    %broadcast_in_dim3A = arith.constant 0.000000e+00 : f32
    %broadcast_in_dim3A_9 = vector.broadcast %broadcast_in_dim3A : f32 to vector<2048x128xf32>
    %slice3A = vector.extract_strided_slice %get3A_5 {offsets = [0, 0], sizes = [1, 2048], strides = [1, 1]} : vector<4x2048xf32> to vector<1x2048xf32>
    %squeeze3A = vector.shape_cast %slice3A : vector<1x2048xf32> to vector<2048xf32>
    %gt3A = arith.constant 0.000000e+00 : f32
    %gt3A_10 = vector.broadcast %gt3A : f32 to vector<2048xf32>
    %gt3A_11 = arith.cmpf ogt, %squeeze3A, %gt3A_10 : vector<2048xf32>
    %div3A = arith.constant 1.000000e+00 : f32
    %div3A_12 = vector.broadcast %div3A : f32 to vector<2048xf32>
    %div3A_13 = arith.divf %div3A_12, %squeeze3A : vector<2048xf32>
    %jit3A = arith.constant 0.000000e+00 : f32
    %broadcast_in_dim3A_14 = vector.broadcast %jit3A : f32 to vector<2048xf32>
    %select_n3A = arith.select %gt3A_11, %div3A_13, %broadcast_in_dim3A_14 : vector<2048xi1>, vector<2048xf32>
    %broadcast_in_dim3A_15 = vector.shape_cast %select_n3A : vector<2048xf32> to vector<2048x1xf32>
    %slice3A_16 = vector.extract_strided_slice %get3A_2 {offsets = [0, 0, 0], sizes = [1, 2048, 128], strides = [1, 1, 1]} : vector<4x2048x128xf32> to vector<1x2048x128xf32>
    %squeeze3A_17 = vector.shape_cast %slice3A_16 : vector<1x2048x128xf32> to vector<2048x128xf32>
    %mul3A = vector.broadcast %broadcast_in_dim3A_15 : vector<2048x1xf32> to vector<2048x128xf32>
    %mul3A_18 = arith.mulf %squeeze3A_17, %mul3A : vector<2048x128xf32>
    %slice3A_19 = vector.extract_strided_slice %get3A_8 {offsets = [0, 0], sizes = [128, 128], strides = [1, 1]} : vector<128x512xf32> to vector<128x128xf32>
    %dot_general3A = arith.constant dense<0.000000e+00> : vector<2048x128xf32>
    %dot_general3A_20 = tpu.matmul %mul3A_18, %slice3A_19, %dot_general3A {dimension_numbers = #tpu.dot_dimension_numbers<[1], [0], [0], [1], [0, 0, 1, 1], [], []>, transpose_lhs_hint = false} : vector<2048x128xf32>, vector<128x128xf32>, vector<2048x128xf32> -> vector<2048x128xf32>
    %add3A = arith.addf %broadcast_in_dim3A_9, %dot_general3A_20 : vector<2048x128xf32>
    %slice3A_21 = vector.extract_strided_slice %get3A_5 {offsets = [1, 0], sizes = [1, 2048], strides = [1, 1]} : vector<4x2048xf32> to vector<1x2048xf32>
    %squeeze3A_22 = vector.shape_cast %slice3A_21 : vector<1x2048xf32> to vector<2048xf32>
    %gt3A_23 = arith.constant 0.000000e+00 : f32
    %gt3A_24 = vector.broadcast %gt3A_23 : f32 to vector<2048xf32>
    %gt3A_25 = arith.cmpf ogt, %squeeze3A_22, %gt3A_24 : vector<2048xf32>
    %div3A_26 = arith.constant 1.000000e+00 : f32
    %div3A_27 = vector.broadcast %div3A_26 : f32 to vector<2048xf32>
    %div3A_28 = arith.divf %div3A_27, %squeeze3A_22 : vector<2048xf32>
    %jit3A_29 = arith.constant 0.000000e+00 : f32
    %broadcast_in_dim3A_30 = vector.broadcast %jit3A_29 : f32 to vector<2048xf32>
    %select_n3A_31 = arith.select %gt3A_25, %div3A_28, %broadcast_in_dim3A_30 : vector<2048xi1>, vector<2048xf32>
    %broadcast_in_dim3A_32 = vector.shape_cast %select_n3A_31 : vector<2048xf32> to vector<2048x1xf32>
    %slice3A_33 = vector.extract_strided_slice %get3A_2 {offsets = [1, 0, 0], sizes = [1, 2048, 128], strides = [1, 1, 1]} : vector<4x2048x128xf32> to vector<1x2048x128xf32>
    %squeeze3A_34 = vector.shape_cast %slice3A_33 : vector<1x2048x128xf32> to vector<2048x128xf32>
    %mul3A_35 = vector.broadcast %broadcast_in_dim3A_32 : vector<2048x1xf32> to vector<2048x128xf32>
    %mul3A_36 = arith.mulf %squeeze3A_34, %mul3A_35 : vector<2048x128xf32>
    %slice3A_37 = vector.extract_strided_slice %get3A_8 {offsets = [0, 128], sizes = [128, 128], strides = [1, 1]} : vector<128x512xf32> to vector<128x128xf32>
    %dot_general3A_38 = arith.constant dense<0.000000e+00> : vector<2048x128xf32>
    %dot_general3A_39 = tpu.matmul %mul3A_36, %slice3A_37, %dot_general3A_38 {dimension_numbers = #tpu.dot_dimension_numbers<[1], [0], [0], [1], [0, 0, 1, 1], [], []>, transpose_lhs_hint = false} : vector<2048x128xf32>, vector<128x128xf32>, vector<2048x128xf32> -> vector<2048x128xf32>
    %add3A_40 = arith.addf %add3A, %dot_general3A_39 : vector<2048x128xf32>
    %slice3A_41 = vector.extract_strided_slice %get3A_5 {offsets = [2, 0], sizes = [1, 2048], strides = [1, 1]} : vector<4x2048xf32> to vector<1x2048xf32>
    %squeeze3A_42 = vector.shape_cast %slice3A_41 : vector<1x2048xf32> to vector<2048xf32>
    %gt3A_43 = arith.constant 0.000000e+00 : f32
    %gt3A_44 = vector.broadcast %gt3A_43 : f32 to vector<2048xf32>
    %gt3A_45 = arith.cmpf ogt, %squeeze3A_42, %gt3A_44 : vector<2048xf32>
    %div3A_46 = arith.constant 1.000000e+00 : f32
    %div3A_47 = vector.broadcast %div3A_46 : f32 to vector<2048xf32>
    %div3A_48 = arith.divf %div3A_47, %squeeze3A_42 : vector<2048xf32>
    %jit3A_49 = arith.constant 0.000000e+00 : f32
    %broadcast_in_dim3A_50 = vector.broadcast %jit3A_49 : f32 to vector<2048xf32>
    %select_n3A_51 = arith.select %gt3A_45, %div3A_48, %broadcast_in_dim3A_50 : vector<2048xi1>, vector<2048xf32>
    %broadcast_in_dim3A_52 = vector.shape_cast %select_n3A_51 : vector<2048xf32> to vector<2048x1xf32>
    %slice3A_53 = vector.extract_strided_slice %get3A_2 {offsets = [2, 0, 0], sizes = [1, 2048, 128], strides = [1, 1, 1]} : vector<4x2048x128xf32> to vector<1x2048x128xf32>
    %squeeze3A_54 = vector.shape_cast %slice3A_53 : vector<1x2048x128xf32> to vector<2048x128xf32>
    %mul3A_55 = vector.broadcast %broadcast_in_dim3A_52 : vector<2048x1xf32> to vector<2048x128xf32>
    %mul3A_56 = arith.mulf %squeeze3A_54, %mul3A_55 : vector<2048x128xf32>
    %slice3A_57 = vector.extract_strided_slice %get3A_8 {offsets = [0, 256], sizes = [128, 128], strides = [1, 1]} : vector<128x512xf32> to vector<128x128xf32>
    %dot_general3A_58 = arith.constant dense<0.000000e+00> : vector<2048x128xf32>
    %dot_general3A_59 = tpu.matmul %mul3A_56, %slice3A_57, %dot_general3A_58 {dimension_numbers = #tpu.dot_dimension_numbers<[1], [0], [0], [1], [0, 0, 1, 1], [], []>, transpose_lhs_hint = false} : vector<2048x128xf32>, vector<128x128xf32>, vector<2048x128xf32> -> vector<2048x128xf32>
    %add3A_60 = arith.addf %add3A_40, %dot_general3A_59 : vector<2048x128xf32>
    %slice3A_61 = vector.extract_strided_slice %get3A_5 {offsets = [3, 0], sizes = [1, 2048], strides = [1, 1]} : vector<4x2048xf32> to vector<1x2048xf32>
    %squeeze3A_62 = vector.shape_cast %slice3A_61 : vector<1x2048xf32> to vector<2048xf32>
    %gt3A_63 = arith.constant 0.000000e+00 : f32
    %gt3A_64 = vector.broadcast %gt3A_63 : f32 to vector<2048xf32>
    %gt3A_65 = arith.cmpf ogt, %squeeze3A_62, %gt3A_64 : vector<2048xf32>
    %div3A_66 = arith.constant 1.000000e+00 : f32
    %div3A_67 = vector.broadcast %div3A_66 : f32 to vector<2048xf32>
    %div3A_68 = arith.divf %div3A_67, %squeeze3A_62 : vector<2048xf32>
    %jit3A_69 = arith.constant 0.000000e+00 : f32
    %broadcast_in_dim3A_70 = vector.broadcast %jit3A_69 : f32 to vector<2048xf32>
    %select_n3A_71 = arith.select %gt3A_65, %div3A_68, %broadcast_in_dim3A_70 : vector<2048xi1>, vector<2048xf32>
    %broadcast_in_dim3A_72 = vector.shape_cast %select_n3A_71 : vector<2048xf32> to vector<2048x1xf32>
    %slice3A_73 = vector.extract_strided_slice %get3A_2 {offsets = [3, 0, 0], sizes = [1, 2048, 128], strides = [1, 1, 1]} : vector<4x2048x128xf32> to vector<1x2048x128xf32>
    %squeeze3A_74 = vector.shape_cast %slice3A_73 : vector<1x2048x128xf32> to vector<2048x128xf32>
    %mul3A_75 = vector.broadcast %broadcast_in_dim3A_72 : vector<2048x1xf32> to vector<2048x128xf32>
    %mul3A_76 = arith.mulf %squeeze3A_74, %mul3A_75 : vector<2048x128xf32>
    %slice3A_77 = vector.extract_strided_slice %get3A_8 {offsets = [0, 384], sizes = [128, 128], strides = [1, 1]} : vector<128x512xf32> to vector<128x128xf32>
    %dot_general3A_78 = arith.constant dense<0.000000e+00> : vector<2048x128xf32>
    %dot_general3A_79 = tpu.matmul %mul3A_76, %slice3A_77, %dot_general3A_78 {dimension_numbers = #tpu.dot_dimension_numbers<[1], [0], [0], [1], [0, 0, 1, 1], [], []>, transpose_lhs_hint = false} : vector<2048x128xf32>, vector<128x128xf32>, vector<2048x128xf32> -> vector<2048x128xf32>
    %add3A_80 = arith.addf %add3A_60, %dot_general3A_79 : vector<2048x128xf32>
    %mul3A_81 = arith.constant 2.500000e-01 : f32
    %mul3A_82 = vector.broadcast %mul3A_81 : f32 to vector<2048x128xf32>
    %mul3A_83 = arith.mulf %mul3A_82, %add3A_80 : vector<2048x128xf32>
    %swap3A = arith.constant 0 : index
    %swap3A_84 = arith.constant 0 : index
    %swap3A_85 = vector.load %arg4[%swap3A, %swap3A_84] : memref<2048x128xf32, #tpu.memory_space<vmem>>, vector<2048x128xf32>
    tpu.vector_store %arg4[%swap3A, %swap3A_84], %mul3A_83 {strides = array<i32>} : memref<2048x128xf32, #tpu.memory_space<vmem>>, vector<2048x128xf32>,
    return
  }
  func.func @transform_0(%arg0: i32) -> (i32, i32, i32) {
    %c0_i32 = arith.constant 0 : i32
    %c0_i32_0 = arith.constant 0 : i32
    %c0_i32_1 = arith.constant 0 : i32
    return %c0_i32, %arg0, %c0_i32_0 : i32, i32, i32
  }
  func.func @transform_1(%arg0: i32) -> (i32, i32) {
    %c0_i32 = arith.constant 0 : i32
    %c0_i32_0 = arith.constant 0 : i32
    return %c0_i32, %arg0 : i32, i32
  }
  func.func @transform_2(%arg0: i32) -> (i32, i32) {
    %c0_i32 = arith.constant 0 : i32
    %c0_i32_0 = arith.constant 0 : i32
    %c0_i32_1 = arith.constant 0 : i32
    return %c0_i32, %c0_i32_0 : i32, i32
  }
  func.func @transform_3(%arg0: i32) -> (i32, i32) {
    %c0_i32 = arith.constant 0 : i32
    %c0_i32_0 = arith.constant 0 : i32
    return %arg0, %c0_i32 : i32, i32
  }
}

</mosaic_0001>

<sc_bundles>
// kernel: kernel.10.cloned.1.call-start
scs
__scs_entry_jumppad:
0x0: {  	(pc) =	sbr.rel $0x88, $3  }
0x1: {  	(tag) =	ssettag $0x0;
	lr =	simm.s32 $0x1  }
0x2: {  	[smem:$0x3F98] =	sst lr;
	_ =	strace $0xD0000000  }
0x3: {  	_ = 	snop  }
0x4: {  	_ = 	snop  }
0x5: {  	_ = 	snop  }
0x6: {  	_ = 	snop  }
0x7: {  	_ = 	snop  }
__scs_overlays_trampoline_lowered:
0x8: {  	[smem:$0x3FA7] =	sst s0  }
0x9: {  	[smem:$0x3FA8] =	sst s1  }
0xa: {  	[smem:$0x3FA9] =	sst s2  }
0xb: {  	[smem:$0x3FAA] =	sst s3  }
0xc: {  	[smem:$0x3FAB] =	sst s4  }
0xd: {  	[smem:$0x3FAC] =	sst s5  }
0xe: {  	[smem:$0x3FAD] =	sst s6  }
0xf: {  	[smem:$0x3FAE] =	sst s7  }
0x10: {  	[smem:$0x3FAF] =	sst s8  }
0x11: {  	[smem:$0x3FB0] =	sst s9;
	s0 =	simm.s32 @!p0 $0x0  }
0x12: {  	s1 =	sld [smem:$0x3F96];
	s0 =	simm.s32 @p0 $0x1  }
0x13: {  	[smem:$0x3FB1] =	sst s0;
	s0 =	simm.s32 @!p1 $0x0  }
0x14: {  	s2 =	sld [smem:$0x3F95];
	s0 =	simm.s32 @p1 $0x1  }
0x15: {  	[smem:$0x3FB2] =	sst s0;
	s0 =	simm.s32 @!p2 $0x0  }
0x16: {  	s3 =	sld [smem:$0x3FDB];
	s0 =	simm.s32 @p2 $0x1  }
0x17: {  	s4 =	simm.s32 $0x1BF5;
	[smem:$0x3FB4] =	sst s0  }
0x18: {  	s0 =	sld [smem:$0x3F97];
	_ =	swait.ge [sflag:s4], $0x0  }
0x19: {  	s7 =	sld [smem:$0x3F98]  }
0x1a: {  	s8 =	sadd.s32 $0xFFFFE003, lr  }
0x1b: {  	s9 =	sadd.s32 $0xFFFFFEF7, lr;
	s5 =	simm.s32 $0xFFFFFFFF;
	p2 =	slt.u32 s8, $0xFFFFF086  }
0x1c: {  	p1 =	slt.u32 s9, $0xF7A;
	s5 =	simm.s32 @!p2 $0x0  }
0x1d: {  	s5 =	simm.s32 @p1 $0x1;
	p0 =	seq.s32 s7, s2  }
0x1e: {  	s7 =	smul.u32 @!p0 $0xF7A, s2;
	p2 =	seq.s32 @!p0 s5, $0x0  }
0x1f: {  	s9 =	smul.u32 $0xF7A, s1;
	s8 =	simm.s32 @!p0 $0x1BF5;
	p2 =	por !p2, p0  }
0x20: {  	[sflag:s8] =	ssyncset.s32 @!p0 $0xFFFFF086;
	s6 =	sadd.s32 @!p0 s3, s7;
	s7 =	simm.s32 @!p0 $0x108  }
0x21: {  	s3 =	sadd.s32 s3, s9;
	s6 =	sadd.s32 @!p0 $0x88, s6;
	s7 =	simm.s32 @p2 $0x1082  }
0x22: {  	[simem:s7], [sflag:s8] =	dma.local @!p0 [hbm:s6], $0xF7A  }
0x23: {  	s9 =	sor.u32 $0xD0000000, s2;
	s6 =	simm.s32 $0x108;
	_ =	swait.ge @!p0 [sflag:s8], $0x0  }
0x24: {  	s3 =	sadd.s32 $0x88, s3;
	s6 =	simm.s32 @!p1 $0x1082;
	[sflag:s4] =	ssyncset.s32 $0xFFFFF086  }
0x25: {  	[simem:s6], [sflag:s4] =	dma.local [hbm:s3], $0xF7A  }
0x26: {  	[smem:$0x3F98] =	sst s1;
	(tag) =	ssettag s2;
	_ =	strace s9  }
0x27: {  	s1 =	sld [smem:$0x3FA8]  }
0x28: {  	s2 =	sld [smem:$0x3FA9]  }
0x29: {  	s4 =	sld [smem:$0x3FAB]  }
0x2a: {  	p0 =	seq.s32 s5, $0x0;
	s5 =	sld [smem:$0x3FAC]  }
0x2b: {  	s6 =	sld [smem:$0x3FAD]  }
0x2c: {  	s7 =	sld [smem:$0x3FAE]  }
0x2d: {  	s3 =	simm.s32 $0x108;
	s8 =	sld [smem:$0x3FAF]  }
0x2e: {  	s3 =	simm.s32 @!p0 $0x1082;
	s9 =	sld [smem:$0x3FB0]  }
0x2f: {  	lr =	sadd.s32 s0, s3;
	s0 =	sld [smem:$0x3FA7]  }
0x30: {  	s3 =	sld [smem:$0x3FAA]  }
0x31: {  	[smem:$0x3FB3] =	sst s10  }
0x32: {  	s10 =	sld [smem:$0x3FB1];
	_ =	sdelay $0x3  }
0x33: {  	p0 =	seq.s32 s10, $0x1;
	s10 =	sld [smem:$0x3FB3];
	_ =	sdelay $0x3  }
0x34: {  	[smem:$0x3FB3] =	sst s10  }
0x35: {  	s10 =	sld [smem:$0x3FB2];
	_ =	sdelay $0x3  }
0x36: {  	p1 =	seq.s32 s10, $0x1;
	s10 =	sld [smem:$0x3FB3];
	_ =	sdelay $0x3  }
0x37: {  	[smem:$0x3FB3] =	sst s10  }
0x38: {  	s10 =	sld [smem:$0x3FB4]  }
0x39: {  	_ = 	snop;
	(pc) =	sbr.ind lr, $3  }
0x3a: {  	_ = 	snop  }
0x3b: {  	_ = 	snop  }
0x3c: {  	p2 =	seq.s32 s10, $0x1;
	s10 =	sld [smem:$0x3FB3]  }
0x3d: {  	_ =	shalt  }
0x3e: {  	_ =	shalt  }
0x3f: {  	_ =	shalt  }
0x40: {  	_ =	shalt  }
0x41: {  	_ =	shalt  }
0x42: {  	_ =	shalt  }
0x43: {  	_ =	shalt  }
0x44: {  	_ =	shalt  }
0x45: {  	_ =	shalt  }
0x46: {  	_ =	shalt  }
0x47: {  	_ =	shalt  }
0x48: {  	_ =	shalt  }
0x49: {  	_ =	shalt  }
0x4a: {  	_ =	shalt  }
0x4b: {  	_ =	shalt  }
0x4c: {  	_ =	shalt  }
0x4d: {  	_ =	shalt  }
0x4e: {  	_ =	shalt  }
0x4f: {  	_ =	shalt  }
0x50: {  	_ =	shalt  }
0x51: {  	_ =	shalt  }
0x52: {  	_ =	shalt  }
0x53: {  	_ =	shalt  }
0x54: {  	_ =	shalt  }
0x55: {  	_ =	shalt  }
0x56: {  	_ =	shalt  }
0x57: {  	_ =	shalt  }
0x58: {  	_ =	shalt  }
0x59: {  	_ =	shalt  }
0x5a: {  	_ =	shalt  }
0x5b: {  	_ =	shalt  }
0x5c: {  	_ =	shalt  }
0x5d: {  	_ =	shalt  }
0x5e: {  	_ =	shalt  }
0x5f: {  	_ =	shalt  }
0x60: {  	_ =	shalt  }
0x61: {  	_ =	shalt  }
0x62: {  	_ =	shalt  }
0x63: {  	_ =	shalt  }
0x64: {  	_ =	shalt  }
0x65: {  	_ =	shalt  }
0x66: {  	_ =	shalt  }
0x67: {  	_ =	shalt  }
0x68: {  	_ =	shalt  }
0x69: {  	_ =	shalt  }
0x6a: {  	_ =	shalt  }
0x6b: {  	_ =	shalt  }
0x6c: {  	_ =	shalt  }
0x6d: {  	_ =	shalt  }
0x6e: {  	_ =	shalt  }
0x6f: {  	_ =	shalt  }
0x70: {  	_ =	shalt  }
0x71: {  	_ =	shalt  }
0x72: {  	_ =	shalt  }
0x73: {  	_ =	shalt  }
0x74: {  	_ =	shalt  }
0x75: {  	_ =	shalt  }
0x76: {  	_ =	shalt  }
0x77: {  	_ =	shalt  }
0x78: {  	_ =	shalt  }
0x79: {  	_ =	shalt  }
0x7a: {  	_ =	shalt  }
0x7b: {  	_ =	shalt  }
0x7c: {  	_ =	shalt  }
0x7d: {  	_ =	shalt  }
0x7e: {  	_ =	shalt  }
0x7f: {  	_ =	shalt  }
0x80: {  	_ =	shalt  }
0x81: {  	_ =	shalt  }
0x82: {  	_ =	shalt  }
0x83: {  	_ =	shalt  }
0x84: {  	_ =	shalt  }
0x85: {  	_ =	shalt  }
0x86: {  	_ =	shalt  }
0x87: {  	_ =	shalt  }
.Lfunc_end0:
.L_simem_size_0:
called_computation.1_lowered:
.L_overlay_start_0:
0x88: {  	s2 =	sld [smem:$0x3FD9]  }
0x89: {  	s3 =	sld [smem:$0x3FFE];
	_ =	sdelay $0x1  }
0x8a: {  	s1 =	srdreg.scid  }
0x8b: {  	s0 =	sand.u32 $0x1, s1  }
0x8c: {  	s14 =	sshll.u32 s0, $0xA;
	s2 =	sadd.s32 s3, s2  }
0x8d: {  	s2 =	sadd.s32 s2, s14  }
0x8e: {  	[smem:$0x3FBF] =	sst s2  }
0x8f: {  	_ = 	snop  }
0x90: {  	s2 =	sld [smem:$0x3FD0];
	_ =	sdelay $0x2  }
0x91: {  	s4 =	simm.s32 $0xA;
	s5 =	simm.s32 $0x10;
	s15 =	sld [smem:$0x3FC9]  }
0x92: {  	[smem:s5], [sflag:s4] =	dma.local [hbm:s2], $0x1  }
0x93: {  	_ =	swait.eq [sflag:s4], $0x1  }
0x94: {  	[sflag:s4] =	ssyncset.done $0x0  }
0x95: {  	[sflag:s4] =	ssyncadd.s32 $0xFFFFFFFF  }
0x96: {  	s16 =	sld [smem:$0x10];
	(tm) =	ssettm $0x1  }
0x97: {  	s17 =	sld [smem:$0x3FFB];
	_ =	sdelay $0x3  }
0x98: {  	_ =	strace s17  }
0x99: {  	s4 =	sld [smem:$0x3FFC];
	_ =	sdelay $0x3  }
0x9a: {  	_ =	strace s4  }
0x9b: {  	s4 =	sld [smem:$0x3FFD];
	_ =	sdelay $0x3  }
0x9c: {  	_ =	strace s4  }
0x9d: {  	_ =	strace $0x8FFFFFFF  }
0x9e: {  	s18 =	sld [smem:$0x3FDB];
	_ =	sdelay $0x1  }
0x9f: {  	s19 =	simm.s32 $_scs_section_size  }
0xa0: {  	s6 =	simm.s32 $_size__tile_overlayer_lowered;
	s7 =	simm.s32 $_tile_overlayer_lowered  }
0xa1: {  	s22 =	simm.s32 $0x1BFF;
	s21 =	sshll.u32 s7, $0x1;
	s4 =	sadd.s32 s19, s18  }
0xa2: {  	s8 =	simm.s32 $0x0;
	s20 =	sshll.u32 s6, $0x1;
	s6 =	sadd.s32 s21, s4  }
0xa3: {  	[timem:s8], [sflag:s22] =	dma.local [hbm:s6], s20  }
0xa4: {  	_ =	swait.ge [sflag:s22], s20  }
0xa5: {  	s5 =	ssub.s32 $0x0, s20;
	[sflag:s22] =	ssyncset.done $0x0  }
0xa6: {  	[sflag:s22] =	ssyncadd.s32 s5;
	_ =	sdelay $0x1  }
0xa7: {  	s23 =	simm.s32 $0x1B8B  }
0xa8: {  	_ =	swait.ge [sflag:s23], $0x1  }
0xa9: {  	[sflag:s23] =	ssyncset.done $0x0  }
0xaa: {  	s25 =	simm.s32 $0x1B8E;
	s24 =	sld [smem:$0x3FFE];
	[sflag:s23] =	ssyncadd.s32 $0xFFFFFFFF  }
0xab: {  	s26 =	simm.s32 $execute0_lowered;
	[smem:$0x3FD2] =	sst s25  }
0xac: {  	s6 =	sshll.u32 s26, $0x1;
	_ =	strace $0x80000049;
	[dreg:$0x1] =	wrdreg $0xFFFFFFFF  }
0xad: {  	s28 =	simm.s32 $_size_execute0_lowered;
	s4 =	sadd.s32 s4, s6;
	[dreg:$0x0] =	wrdreg $0x0  }
0xae: {  	s6 =	sshll.u32 s28, $0x1;
	[dreg:$0x2] =	wrdreg s4  }
0xaf: {  	[dreg:$0x3] =	wrdreg s6  }
0xb0: {  	[dreg:$0x4] =	wrdreg $0xC0  }
0xb1: {  	_ =	task [dreg:s8], $0x5FFFF  }
0xb2: {  	[dreg:$0x1] =	wrdreg $0xFFFFFFFF  }
0xb3: {  	[dreg:$0x0] =	wrdreg $0x60  }
0xb4: {  	[dreg:$0x2] =	wrdreg s15  }
0xb5: {  	[dreg:$0x3] =	wrdreg s24  }
0xb6: {  	[dreg:$0x4] =	wrdreg s16  }
0xb7: {  	[dreg:$0x5] =	wrdreg $0x86800  }
0xb8: {  	[dreg:$0x6] =	wrdreg $0x1BF000  }
0xb9: {  	[dreg:$0x7] =	wrdreg $0x9  }
0xba: {  	_ =	task.clear_ibuf [dreg:s8], $0x8FFFF;
	_ =	strace $0x90000049  }
0xbb: {  	s29 =	simm.s32 $0x9;
	_ =	strace $0x8000004B  }
0xbc: {  	_ =	swait.ge [sflag:s29], $0x1  }
0xbd: {  	[sflag:s29] =	ssyncadd.s32 $0xFFFFFFFF  }
0xbe: {  	_ =	strace $0x9000004B  }
0xbf: {  	_ =	sfence  }
0xc0: {  	s30 =	sld [smem:$0x0];
	_ =	sdelay $0x2  }
0xc1: {  	s31 =	sshll.u32 s1, $0xD;
	s1 =	sshrl.u32 s1, $0x2  }
0xc2: {  	s3 =	sand.u32 $0x4000, s31;
	s1 =	sadd.s32 s1, s30  }
0xc3: {  	s0 =	sor.u32 s3, s0;
	s1 =	sshll.u32 s1, $0x11  }
0xc4: {  	s0 =	sor.u32 s1, s0  }
0xc5: {  	s0 =	sadd.s32 $0x8F2B, s0  }
0xc6: {  	[sflag:s0] =	ssyncadd.remote.s32 $0x1  }
0xc7: {  	_ =	sfence.sel $0xFFFF  }
0xc8: {  	[dreg:$0x0] =	wrdreg $0xFFFFFFFF;
	(pc) =	sbr.abs _section_cstart, $3  }
0xc9: {  	[dreg:$0x1] =	wrdreg $0xFFFFFFFF  }
0xca: {  	_ =	task.clear_ibuf [dreg:s8], $0x2FFFF;
	_ =	strace $0x9FFFFFFF  }
0xcb: {  	(tm) =	ssettm $0x7FFFFFFF  }
tec
execute0_lowered:
.L_overlay_start_1:
0x0: {  	(tag) =	ssettag $0x1  }
0x1: {  	s1 =	rddreg [dreg:$0x0]  }
0x2: {  	s0 =	rddreg [dreg:$0x1]  }
0x3: {  	s4 =	rddreg [dreg:$0x2]  }
0x4: {  	s2 =	rddreg [dreg:$0x3]  }
0x5: {  	s3 =	rddreg [dreg:$0x4];
	s19 =	stileid.u32  }
0x6: {  	s5 =	simm.s32 $0x0;
	s21 =	srdreg.scid;
	s10 =	smul.u32 $0x4E000, s19  }
0x7: {  	p2 =	por $0x0, $0x0;
	[smem:$0x7FF] =	sst s5;
	s12 =	smul.u32 $0xA00, s19  }
0x8: {  	s6 =	sadd.s32 $0xB600, s0;
	s7 =	sadd.s32 $0x1800, s0;
	s13 =	smul.u32 $0x13800, s19  }
0x9: {  	s5 =	sand.u32 $0x1, s21;
	s8 =	sadd.s32 $0x15400, s0;
	s25 =	smul.u32 $0x4F00, s19  }
0xa: {  	s11 =	sadd.s32 $0x64400, s0;
	s0 =	sadd.s32 $0x64600, s0;
	s14 =	smul.u32 $0x27800, s19  }
0xb: {  	p0 =	seq.s32 s19, $0x0;
	p1 =	sne.s32 s19, $0xF;
	_ =	strace $0x8000004A  }
0xc: {  	s9 =	ssub.s32 $0x2, s5;
	[dreg:$0x6] =	wrdreg s11;
	s23 =	smul.u32 $0x271000, s5  }
0xd: {  	s15 =	sshllo.u32 s5, $0x1;
	p4 =	sne.s32 @!p0 s19, $0xF;
	s19 =	sadd.s32 $0x138000, s2  }
0xe: {  	s22 =	sshrl.u32 s9, $0x1;
	s10 =	sshrl.u32 s10, $0x2;
	s18 =	smul.u32 $0x138800, s15  }
0xf: {  	s12 =	sshrl.u32 s12, $0x2;
	s17 =	sshrl.u32 s25, $0x3;
	s29 =	smul.u32 $0x500, s15  }
0x10: {  	p3 =	por p4, p0;
	p4 =	por !p4, p0;
	[dreg:$0x19] =	wrdreg s19  }
0x11: {  	s9 =	ssub.s32 s9, s22;
	s31 =	sadd.s32 s10, s2;
	s24 =	sadd.s32 s12, s3  }
0x12: {  	s26 =	sadd.s32 s13, s23;
	s12 =	sshll.u32 s5, $0x8;
	s11 =	sshrl.u32 s23, $0x3  }
0x13: {  	s5 =	smul.u32 $0xA00, s5;
	s21 =	sadd.s32 s7, s17;
	[dreg:$0x8] =	wrdreg s24  }
0x14: {  	s16 =	sshrl.u32 s26, $0x3;
	s11 =	sadd.s32 s0, s11;
	s13 =	sadd.s32 s13, s18  }
0x15: {  	s28 =	sshrl.u32 s18, $0x3;
	s30 =	sor.u32 s12, s14;
	[dreg:$0xe] =	wrdreg s21  }
0x16: {  	s21 =	sshrl.u32 s25, $0x7;
	s24 =	smax.u32 s9, $0x1;
	[dreg:$0x7] =	wrdreg s31  }
0x17: {  	s25 =	sadd.s32 $0x3400, s31;
	s26 =	sadd.s32 $0x6800, s31;
	[dreg:$0x13] =	wrdreg s24  }
0x18: {  	s9 =	simm.s32 $0x100;
	s16 =	sadd.s32 s0, s16;
	[dreg:$0x14] =	wrdreg s25  }
0x19: {  	s13 =	sshrl.u32 s13, $0x3;
	s5 =	sadd.s32 s4, s5;
	[dreg:$0x15] =	wrdreg s26  }
0x1a: {  	s4 =	sadd.s32 s4, s29;
	s18 =	sshrl.u32 s30, $0x3;
	[dreg:$0x9] =	wrdreg s16  }
0x1b: {  	s23 =	sadd.s32 $0x27000, s11;
	s29 =	sadd.s32 $0xD000, s31;
	[dreg:$0xb] =	wrdreg s5  }
0x1c: {  	s30 =	sadd.s32 $0x10400, s31;
	s24 =	simm.s32 $0x1;
	[dreg:$0xc] =	wrdreg s4  }
0x1d: {  	s25 =	simm.s32 $0x4180;
	s11 =	simm.s32 $0x0;
	[dreg:$0x10] =	wrdreg s23  }
0x1e: {  	s13 =	sadd.s32 s0, s13;
	s0 =	sadd.s32 s0, s28;
	[dreg:$0x17] =	wrdreg s29  }
0x1f: {  	s16 =	sshll.u32 s15, $0x7;
	s15 =	sadd.s32 s6, s17;
	[dreg:$0x18] =	wrdreg s30  }
0x20: {  	s4 =	sadd.s32 s8, s18;
	s28 =	sadd.s32 $0x9C00, s31;
	[dreg:$0xa] =	wrdreg s13  }
0x21: {  	s5 =	simm.s32 $0x4;
	s17 =	simm.s32 $0x4500;
	[dreg:$0xd] =	wrdreg s15  }
0x22: {  	s23 =	simm.s32 $0x4600;
	s20 =	sor.u32 s14, s16;
	[dreg:$0xf] =	wrdreg s4  }
0x23: {  	s0 =	sadd.s32 $0x27000, s0;
	[dreg:$0x16] =	wrdreg s28;
	s14 =	simm.s32 $0x80  }
0x24: {  	s13 =	simm.s32 $0x3;
	s15 =	simm.s32 $0x2;
	s22 =	sshrl.u32 s20, $0x3  }
0x25: {  	[dreg:$0x12] =	wrdreg s0;
	s20 =	simm.s32 $0x4580;
	s4 =	sadd.s32 s8, s22  }
0x26: {  	v0 =	vimm.f32 $0.0e+00;
	s22 =	simm.s32 $0x8600;
	[dreg:$0x11] =	wrdreg s4;
	s4 =	sadd.s32 $0x2, s21  }
.LBB2_1:
0x27: {  	s0 =	simm.s32 $0x0;
	s10 =	rddreg [dreg:$0x6];
	s18 =	simm.s32 $0x4200  }
0x28: {  	[tilespmem:s18], [sflag:$0x4] =	stream.linear.gather [hbm4b:s10+s0], $0x10, $0x38;
	[tilespmem:$0x1C180] =	vst v63  }
0x29: {  	_ =	swait.ge [sflag:s5], $0x10  }
0x2a: {  	[sflag:s5] =	ssyncset.done $0x0  }
0x2b: {  	[sflag:s5] =	ssyncadd.s32 $0xFFFFFFF0  }
0x2c: {  	[tilespmem:$0x4280] =	vst v0  }
0x2d: {  	[tilespmem:$0x4290] =	vst v0  }
0x2e: {  	[tilespmem:$0x42A0] =	vst v0  }
0x2f: {  	[tilespmem:$0x42B0] =	vst v0  }
0x30: {  	[tilespmem:$0x42C0] =	vst v0  }
0x31: {  	[tilespmem:$0x42D0] =	vst v0  }
0x32: {  	[tilespmem:$0x42E0] =	vst v0  }
0x33: {  	[tilespmem:$0x42F0] =	vst v0  }
0x34: {  	[tilespmem:$0x4300] =	vst v0  }
0x35: {  	[tilespmem:$0x4310] =	vst v0  }
0x36: {  	[tilespmem:$0x4320] =	vst v0  }
0x37: {  	[tilespmem:$0x4330] =	vst v0  }
0x38: {  	[tilespmem:$0x4340] =	vst v0  }
0x39: {  	[tilespmem:$0x4350] =	vst v0  }
0x3a: {  	[tilespmem:$0x4360] =	vst v0  }
0x3b: {  	[tilespmem:$0x4370] =	vst v0  }
0x3c: {  	[tilespmem:$0x4380] =	vst v0  }
0x3d: {  	[tilespmem:$0x4390] =	vst v0  }
0x3e: {  	[tilespmem:$0x43A0] =	vst v0  }
0x3f: {  	[tilespmem:$0x43B0] =	vst v0  }
0x40: {  	[tilespmem:$0x43C0] =	vst v0  }
0x41: {  	[tilespmem:$0x43D0] =	vst v0  }
0x42: {  	[tilespmem:$0x43E0] =	vst v0  }
0x43: {  	[tilespmem:$0x43F0] =	vst v0  }
0x44: {  	[tilespmem:$0x4400] =	vst v0  }
0x45: {  	[tilespmem:$0x4410] =	vst v0  }
0x46: {  	[tilespmem:$0x4420] =	vst v0  }
0x47: {  	[tilespmem:$0x4430] =	vst v0  }
0x48: {  	[tilespmem:$0x4440] =	vst v0  }
0x49: {  	[tilespmem:$0x4450] =	vst v0  }
0x4a: {  	[tilespmem:$0x4460] =	vst v0  }
0x4b: {  	[tilespmem:$0x4470] =	vst v0  }
0x4c: {  	[tilespmem:$0x4480] =	vst v0  }
0x4d: {  	[tilespmem:$0x4490] =	vst v0  }
0x4e: {  	[tilespmem:$0x44A0] =	vst v0  }
0x4f: {  	[tilespmem:$0x44B0] =	vst v0  }
0x50: {  	[tilespmem:$0x44C0] =	vst v0  }
0x51: {  	[tilespmem:$0x44D0] =	vst v0  }
0x52: {  	[tilespmem:$0x44E0] =	vst v0  }
0x53: {  	s10 =	simm.s32 $0x0;
	s18 =	simm.s32 $0x200;
	[tilespmem:$0x44F0] =	vst v0  }
.LBB2_2:
0x54: {  	p5 =	sne.s32 s18, $0xFE00;
	[tilespmem:s10+$0x170] =	vst v0  }
0x55: {  	[tilespmem:s10+$0x100] =	vst v0  }
0x56: {  	[tilespmem:s10+$0x110] =	vst v0  }
.Ltmp0:
0x57: {  	[tilespmem:s10+$0x120] =	vst v0;
	(pc) =	sbr.rel @p5 .LBB2_2-.Ltmp0, $4  }
0x58: {  	[tilespmem:s10+$0x130] =	vst v0  }
0x59: {  	[tilespmem:s10+$0x140] =	vst v0  }
0x5a: {  	[tilespmem:s10+$0x150] =	vst v0  }
0x5b: {  	[tilespmem:s10+$0x160] =	vst v0;
	s10 =	sshra.s32 s18, $0x2;
	s18 =	sadd.s32 $0x200, s18  }
0x5c: {  	[tilespmem:s10+$0x170] =	vst v0  }
0x5d: {  	[tilespmem:s10+$0x100] =	vst v0  }
0x5e: {  	[tilespmem:s10+$0x110] =	vst v0  }
0x5f: {  	[tilespmem:s10+$0x120] =	vst v0  }
0x60: {  	[tilespmem:s10+$0x130] =	vst v0  }
0x61: {  	[tilespmem:s10+$0x140] =	vst v0  }
0x62: {  	[tilespmem:s10+$0x150] =	vst v0  }
0x63: {  	[tilespmem:s10+$0x160] =	vst v0  }
0x64: {  	[spmem:s31] =	stream.linear.scatter [tilespmem:s9], [sflag:$0x4], $0x3400, $0x38;
	[tilespmem:$0x1C180] =	vst v63  }
0x65: {  	_ =	swait.ge [sflag:s5], $0x3400  }
0x66: {  	[sflag:s5] =	ssyncset.done $0x0  }
0x67: {  	s0 =	rddreg [dreg:$0x14];
	[sflag:s5] =	ssyncadd.s32 $0xFFFFCC00  }
0x68: {  	[spmem:s0] =	stream.linear.scatter [tilespmem:s9], [sflag:$0x4], $0x3400, $0x38;
	[tilespmem:$0x1C180] =	vst v63  }
0x69: {  	_ =	swait.ge [sflag:s5], $0x3400  }
0x6a: {  	[sflag:s5] =	ssyncset.done $0x0  }
0x6b: {  	s28 =	rddreg [dreg:$0x15];
	[sflag:s5] =	ssyncadd.s32 $0xFFFFCC00  }
0x6c: {  	[spmem:s28] =	stream.linear.scatter [tilespmem:s9], [sflag:$0x4], $0x3400, $0x38;
	[tilespmem:$0x1C180] =	vst v63  }
0x6d: {  	_ =	swait.ge [sflag:s5], $0x3400  }
0x6e: {  	[sflag:s5] =	ssyncset.done $0x0  }
0x6f: {  	s29 =	rddreg [dreg:$0x16];
	[sflag:s5] =	ssyncadd.s32 $0xFFFFCC00  }
0x70: {  	[spmem:s29] =	stream.linear.scatter [tilespmem:s9], [sflag:$0x4], $0x3400, $0x38;
	[tilespmem:$0x1C180] =	vst v63  }
0x71: {  	_ =	swait.ge [sflag:s5], $0x3400  }
0x72: {  	[sflag:s5] =	ssyncset.done $0x0  }
0x73: {  	s30 =	rddreg [dreg:$0x17];
	[sflag:s5] =	ssyncadd.s32 $0xFFFFCC00  }
0x74: {  	[spmem:s30] =	stream.linear.scatter [tilespmem:s9], [sflag:$0x4], $0x3400, $0x38;
	[tilespmem:$0x1C180] =	vst v63  }
0x75: {  	_ =	swait.ge [sflag:s5], $0x3400  }
0x76: {  	[sflag:s5] =	ssyncset.done $0x0  }
0x77: {  	s10 =	rddreg [dreg:$0x18];
	[sflag:s5] =	ssyncadd.s32 $0xFFFFCC00  }
0x78: {  	[spmem:s10] =	stream.linear.scatter [tilespmem:s9], [sflag:$0x4], $0x3400, $0x38;
	[tilespmem:$0x1C180] =	vst v63  }
0x79: {  	_ =	swait.ge [sflag:s5], $0x3400  }
0x7a: {  	[sflag:s5] =	ssyncset.done $0x0  }
0x7b: {  	s10 =	simm.s32 @!p1 $0x100;
	[sflag:s5] =	ssyncadd.s32 $0xFFFFCC00  }
0x7c: {  	[spmem:s19] =	stream.linear.scatter @!p1 [tilespmem:s10], [sflag:$0x4], $0x800, $0x38;
	[tilespmem:$0x1C180] =	vst v63  }
0x7d: {  	s10 =	simm.s32 @!p1 $0x4  }
0x7e: {  	_ =	swait.ge @!p1 [sflag:s10], $0x800  }
0x7f: {  	[sflag:s10] =	ssyncset.done @!p1 $0x0  }
0x80: {  	s19 =	simm.s32 $0x4280;
	s18 =	rddreg [dreg:$0x8];
	[sflag:s10] =	ssyncadd.s32 @!p1 $0xFFFFF800  }
0x81: {  	[spmem:s18] =	stream.linear.scatter [tilespmem:s19], [sflag:$0x4], $0x280, $0x38;
	[tilespmem:$0x1C180] =	vst v63  }
0x82: {  	_ =	swait.ge [sflag:s5], $0x280  }
0x83: {  	[sflag:s5] =	ssyncset.done $0x0  }
0x84: {  	[sflag:s5] =	ssyncadd.s32 $0xFFFFFD80  }
0x85: {  	[bflag:$0x0] =	sbarrier.arrive $0xFFFF  }
0x86: {  	s18 =	simm.s32 $0x0;
	s26 =	rddreg [dreg:$0xd]  }
0x87: {  	[tilespmem:s18], [sflag:$0x4] =	stream.linear.gather [hbm4b:s26+s18], $0x80, $0x38;
	[tilespmem:$0x1C180] =	vst v63  }
0x88: {  	_ =	swait.ge [sflag:s5], $0x80  }
0x89: {  	[sflag:s5] =	ssyncset.done $0x0  }
0x8a: {  	s28 =	rddreg [dreg:$0xe];
	[sflag:s5] =	ssyncadd.s32 $0xFFFFFF80  }
0x8b: {  	[tilespmem:s14], [sflag:$0x4] =	stream.linear.gather [hbm4b:s28+s18], $0x80, $0x38;
	[tilespmem:$0x1C180] =	vst v63  }
0x8c: {  	_ =	swait.ge [sflag:s5], $0x80  }
0x8d: {  	[sflag:s5] =	ssyncset.done $0x0  }
0x8e: {  	s30 =	simm.s32 $0x4100;
	s29 =	rddreg [dreg:$0xf];
	[sflag:s5] =	ssyncadd.s32 $0xFFFFFF80  }
0x8f: {  	[tilespmem:s30], [sflag:$0x4] =	stream.linear.gather [hbm4b:s29+s18], $0x80, $0x38;
	[tilespmem:$0x1C180] =	vst v63  }
0x90: {  	_ =	swait.ge [sflag:s5], $0x80  }
0x91: {  	[sflag:s5] =	ssyncset.done $0x0  }
0x92: {  	s19 =	simm.s32 $0x0;
	[sflag:s5] =	ssyncadd.s32 $0xFFFFFF80  }
0x93: {  	[tilespmem:s9], [sflag:$0x1] =	stream.indirect.gather [hbm4b:s1+s14], $0x80, s18, s14, $0xb8;
	[tilespmem:$0x1C180] =	vst v63  }
.LBB2_4:
0x94: {  	s26 =	sshll.u32 s19, $0x1  }
0x95: {  	s10 =	sadd.s32 s26, s21  }
0x96: {  	s10 =	sadd.s32 $0x1, s10  }
0x97: {  	s28 =	sshll.u32 s10, $0x4  }
0x98: {  	s29 =	sadd.s32 s6, s28  }
0x99: {  	[tilespmem:s17], [sflag:$0x4] =	stream.linear.gather [hbm4b:s29+s18], $0x80, $0x38;
	[tilespmem:$0x1C180] =	vst v63  }
0x9a: {  	_ =	swait.ge [sflag:s5], $0x80  }
0x9b: {  	[sflag:s5] =	ssyncset.done $0x0  }
0x9c: {  	s10 =	sshll.u32 s10, $0xA;
	s28 =	sadd.s32 s7, s28;
	[sflag:s5] =	ssyncadd.s32 $0xFFFFFF80  }
0x9d: {  	[tilespmem:s20], [sflag:$0x4] =	stream.linear.gather [hbm4b:s28+s18], $0x80, $0x38;
	[tilespmem:$0x1C180] =	vst v63  }
0x9e: {  	s10 =	sor.u32 s12, s10;
	_ =	swait.ge [sflag:s5], $0x80  }
0x9f: {  	s10 =	sshrl.u32 s10, $0x3;
	[sflag:s5] =	ssyncset.done $0x0  }
0xa0: {  	s10 =	sadd.s32 s8, s10;
	[sflag:s5] =	ssyncadd.s32 $0xFFFFFF80  }
0xa1: {  	[tilespmem:s22], [sflag:$0x4] =	stream.linear.gather [hbm4b:s10+s18], $0x80, $0x38;
	[tilespmem:$0x1C180] =	vst v63  }
0xa2: {  	_ =	swait.ge [sflag:s5], $0x80  }
0xa3: {  	[sflag:s5] =	ssyncset.done $0x0  }
0xa4: {  	[sflag:s5] =	ssyncadd.s32 $0xFFFFFF80  }
0xa5: {  	[tilespmem:s23], [sflag:$0x2] =	stream.indirect.gather [hbm4b:s1+s14], $0x80, s17, s14, $0xb8;
	[tilespmem:$0x1C180] =	vst v63  }
0xa6: {  	_ =	swait.ge [sflag:s24], $0x4000  }
0xa7: {  	[sflag:s24] =	ssyncset.done $0x0  }
0xa8: {  	[sflag:s24] =	ssyncadd.s32 $0xFFFFC000  }
0xa9: {  	v1 =	vld [tilespmem:$0x4200]  }
0xaa: {  	v2 =	vld [tilespmem:$0x4100]  }
0xab: {  	v3 =	vld [tilespmem:$0x4110]  }
0xac: {  	v4 =	vld [tilespmem:$0x4120]  }
0xad: {  	v5 =	vld [tilespmem:$0x4130]  }
0xae: {  	v6 =	vld [tilespmem:$0x4140]  }
0xaf: {  	v7 =	vld [tilespmem:$0x4150];
	v2 =	vsub.f32 v2, v1  }
0xb0: {  	v8 =	vld [tilespmem:$0x4160];
	v3 =	vsub.f32 v3, v1  }
0xb1: {  	v9 =	vld [tilespmem:$0x4170];
	v4 =	vsub.f32 v4, v1;
	v2 =	vmul.f32 $1.442695020e+00, v2  }
0xb2: {  	v5 =	vsub.f32 v5, v1;
	v3 =	vmul.f32 $1.442695020e+00, v3  }
0xb3: {  	(erf) = vpow2.f32 v2;
	v2 =	vmul.f32 $1.442695020e+00, v4;
	v4 =	vsub.f32 v6, v1  }
0xb4: {  	(erf) = vpow2.f32 v3;
	v3 =	vmul.f32 $1.442695020e+00, v5;
	v5 =	vsub.f32 v7, v1  }
0xb5: {  	(erf) = vpow2.f32 v2;
	v2 =	vmul.f32 $1.442695020e+00, v4;
	v4 =	vsub.f32 v8, v1  }
0xb6: {  	v1 =	vsub.f32 v9, v1;
	(erf) = vpow2.f32 v3;
	v3 =	vmul.f32 $1.442695020e+00, v5  }
0xb7: {  	(erf) = vpow2.f32 v2;
	v2 =	vmul.f32 $1.442695020e+00, v4  }
0xb8: {  	v1 =	vmul.f32 $1.442695020e+00, v1;
	(erf) = vpow2.f32 v3  }
0xb9: {  	(erf) = vpow2.f32 v2  }
0xba: {  	(erf) = vpow2.f32 v1;
	_ =	sdelay $0x1  }
0xbb: {  	v1 =	vpop (erf)  }
0xbc: {  	v2 =	vpop (erf);
	[tilespmem:$0x4180] =	vst v1  }
0xbd: {  	v1 =	vpop (erf);
	[tilespmem:$0x4190] =	vst v2  }
0xbe: {  	v2 =	vpop (erf);
	[tilespmem:$0x41A0] =	vst v1  }
0xbf: {  	v1 =	vpop (erf);
	[tilespmem:$0x41B0] =	vst v2  }
0xc0: {  	v2 =	vpop (erf);
	[tilespmem:$0x41C0] =	vst v1  }
0xc1: {  	v1 =	vpop (erf);
	[tilespmem:$0x41D0] =	vst v2  }
0xc2: {  	v2 =	vmov s18;
	[tilespmem:$0x41E0] =	vst v1;
	v1 =	vpop (erf)  }
0xc3: {  	s28 =	simm.s32 $0x140;
	[tilespmem:$0x41F0] =	vst v1  }
0xc4: {  	v5 =	vld [tilespmem:s28+$0x30]  }
0xc5: {  	v8 =	vld [tilespmem:s28+$0x10]  }
0xc6: {  	v6 =	vld [tilespmem:s28+$0xFFFFFFC0]  }
0xc7: {  	v2 =	vld.idx.msk [tilespmem:v2+s25+$0x0], $0xffff  }
0xc8: {  	v10 =	vld [tilespmem:s28+$0xFFFFFFE0]  }
0xc9: {  	v1 =	vld [tilespmem:s28+$0xFFFFFFF0]  }
0xca: {  	v3 =	vld [tilespmem:s28+$0x20]  }
0xcb: {  	v4 =	vld [tilespmem:s28+$0xFFFFFFD0]  }
0xcc: {  	v9 =	vmul.f32 v5, v2;
	v5 =	vld [tilespmem:s28+$0x0]  }
0xcd: {  	v7 =	vmul.f32 v6, v2  }
0xce: {  	s30 =	simm.s32 $0x140;
	s29 =	simm.s32 $0x1;
	v6 =	vmul.f32 v10, v2;
	v8 =	vmul.f32 v8, v2  }
.LBB2_5:
0xcf: {  	p5 =	sne.s32 s29, $0x7F  }
0xd0: {  	v4 =	vmul.f32 v4, v2;
	v3 =	vmul.f32 v3, v2;
	[tilespmem:s28+$0x30] =	vst v9;
	s30 =	sadd.s32 $0x80, s30;
	s10 =	smov.u32 s29;
	s29 =	sadd.s32 $0x1, s29  }
0xd1: {  	[tilespmem:s28+$0xFFFFFFC0] =	vst v7;
	v7 =	vmul.f32 v1, v2;
	v2 =	vmul.f32 v5, v2  }
0xd2: {  	[tilespmem:s28+$0x10] =	vst v8  }
0xd3: {  	v5 =	vmov s10;
	[tilespmem:s28+$0xFFFFFFE0] =	vst v6  }
0xd4: {  	v1 =	vld [tilespmem:s30+$0xFFFFFFF0];
	[tilespmem:s28+$0xFFFFFFF0] =	vst v7  }
0xd5: {  	v6 =	vld [tilespmem:s30+$0x30];
	[tilespmem:s28+$0x0] =	vst v2  }
0xd6: {  	v8 =	vld [tilespmem:s30+$0x10];
	[tilespmem:s28+$0x20] =	vst v3  }
0xd7: {  	v7 =	vld [tilespmem:s30+$0xFFFFFFC0];
	[tilespmem:s28+$0xFFFFFFD0] =	vst v4;
	s28 =	smov.u32 s30  }
0xd8: {  	v2 =	vld.idx.msk [tilespmem:v5+s25+$0x0], $0xffff  }
0xd9: {  	v10 =	vld [tilespmem:s30+$0xFFFFFFE0]  }
0xda: {  	v3 =	vld [tilespmem:s30+$0x20]  }
.Ltmp1:
0xdb: {  	v4 =	vld [tilespmem:s30+$0xFFFFFFD0];
	(pc) =	sbr.rel @p5 .LBB2_5-.Ltmp1, $3  }
0xdc: {  	v5 =	vld [tilespmem:s30+$0x0];
	_ =	sdelay $0x1  }
0xdd: {  	v7 =	vmul.f32 v7, v2;
	v9 =	vmul.f32 v6, v2  }
0xde: {  	v8 =	vmul.f32 v8, v2;
	v6 =	vmul.f32 v10, v2  }
0xdf: {  	[tilespmem:s28+$0x30] =	vst v9  }
0xe0: {  	[tilespmem:s28+$0xFFFFFFC0] =	vst v7  }
0xe1: {  	v1 =	vmul.f32 v1, v2;
	[tilespmem:s28+$0x10] =	vst v8  }
0xe2: {  	v3 =	vmul.f32 v3, v2;
	[tilespmem:s28+$0xFFFFFFE0] =	vst v6  }
0xe3: {  	v5 =	vmul.f32 v5, v2;
	[tilespmem:s28+$0xFFFFFFF0] =	vst v1  }
0xe4: {  	v1 =	vmul.f32 v4, v2;
	[tilespmem:s28+$0x20] =	vst v3  }
0xe5: {  	[tilespmem:s28+$0x0] =	vst v5  }
0xe6: {  	[tilespmem:s28+$0xFFFFFFD0] =	vst v1  }
0xe7: {  	[spmem:s3] =	stream.indirect.scatter.add.f32 [tilespmem:s25], [sflag:$0x3], $0x1, s14, s14, $0xb8;
	[tilespmem:$0x1C180] =	vst v63  }
0xe8: {  	_ = 	snop  }
0xe9: {  	[spmem:s2] =	stream.indirect.scatter.add.f32 [tilespmem:s9], [sflag:$0x3], $0x80, s14, s14, $0xb8;
	[tilespmem:$0x1C180] =	vst v63  }
0xea: {  	_ =	swait.ge [sflag:s13], $0x80  }
0xeb: {  	[sflag:s13] =	ssyncset.done $0x0  }
0xec: {  	p5 =	seq.s32 s19, $0x4E;
	[sflag:s13] =	ssyncadd.s32 $0xFFFFFF80  }
0xed: {  	s10 =	sadd.s32 @!p5 s26, s4;
	_ =	swait.ge [sflag:s13], $0x4000  }
0xee: {  	s26 =	sshll.u32 @!p5 s10, $0x4;
	[sflag:s13] =	ssyncset.done $0x0  }
0xef: {  	s29 =	simm.s32 @!p5 $0x0;
	s28 =	sadd.s32 @!p5 s6, s26;
	[sflag:s13] =	ssyncadd.s32 $0xFFFFC000  }
0xf0: {  	[tilespmem:s29], [sflag:$0x4] =	stream.linear.gather @!p5 [hbm4b:s28+s29], $0x80, $0x38;
	[tilespmem:$0x1C180] =	vst v63  }
0xf1: {  	s28 =	simm.s32 @!p5 $0x4  }
0xf2: {  	_ =	swait.ge @!p5 [sflag:s28], $0x80  }
0xf3: {  	s30 =	simm.s32 @!p5 $0x80;
	[sflag:s28] =	ssyncset.done @!p5 $0x0  }
0xf4: {  	s10 =	sshll.u32 @!p5 s10, $0xA;
	s26 =	sadd.s32 @!p5 s7, s26;
	[sflag:s28] =	ssyncadd.s32 @!p5 $0xFFFFFF80  }
0xf5: {  	[tilespmem:s30], [sflag:$0x4] =	stream.linear.gather @!p5 [hbm4b:s26+s29], $0x80, $0x38;
	[tilespmem:$0x1C180] =	vst v63  }
0xf6: {  	s10 =	sor.u32 @!p5 s12, s10;
	_ =	swait.ge @!p5 [sflag:s28], $0x80  }
0xf7: {  	s10 =	sshrl.u32 @!p5 s10, $0x3;
	[sflag:s28] =	ssyncset.done @!p5 $0x0  }
0xf8: {  	s10 =	sadd.s32 @!p5 s8, s10;
	s26 =	simm.s32 @!p5 $0x4100;
	[sflag:s28] =	ssyncadd.s32 @!p5 $0xFFFFFF80  }
0xf9: {  	[tilespmem:s26], [sflag:$0x4] =	stream.linear.gather @!p5 [hbm4b:s10+s29], $0x80, $0x38;
	[tilespmem:$0x1C180] =	vst v63  }
0xfa: {  	_ =	swait.ge @!p5 [sflag:s28], $0x80  }
0xfb: {  	[sflag:s28] =	ssyncset.done @!p5 $0x0  }
0xfc: {  	s10 =	simm.s32 @!p5 $0x100;
	[sflag:s28] =	ssyncadd.s32 @!p5 $0xFFFFFF80  }
0xfd: {  	[tilespmem:s10], [sflag:$0x1] =	stream.indirect.gather @!p5 [hbm4b:s1+s30], $0x80, s29, s30, $0xb8;
	[tilespmem:$0x1C180] =	vst v63  }
0xfe: {  	_ =	swait.ge [sflag:s15], $0x4000  }
0xff: {  	[sflag:s15] =	ssyncset.done $0x0  }
0x100: {  	[sflag:s15] =	ssyncadd.s32 $0xFFFFC000  }
0x101: {  	v1 =	vld [tilespmem:$0x4200]  }
0x102: {  	v2 =	vld [tilespmem:$0x8600]  }
0x103: {  	v3 =	vld [tilespmem:$0x8610]  }
0x104: {  	v4 =	vld [tilespmem:$0x8620]  }
0x105: {  	v5 =	vld [tilespmem:$0x8630]  }
0x106: {  	v6 =	vld [tilespmem:$0x8640]  }
0x107: {  	v7 =	vld [tilespmem:$0x8650];
	v2 =	vsub.f32 v2, v1  }
0x108: {  	v8 =	vld [tilespmem:$0x8660];
	v3 =	vsub.f32 v3, v1  }
0x109: {  	v9 =	vld [tilespmem:$0x8670];
	v4 =	vsub.f32 v4, v1;
	v2 =	vmul.f32 $1.442695020e+00, v2  }
0x10a: {  	v5 =	vsub.f32 v5, v1;
	v3 =	vmul.f32 $1.442695020e+00, v3  }
0x10b: {  	(erf) = vpow2.f32 v2;
	v2 =	vmul.f32 $1.442695020e+00, v4;
	v4 =	vsub.f32 v6, v1  }
0x10c: {  	(erf) = vpow2.f32 v3;
	v3 =	vmul.f32 $1.442695020e+00, v5;
	v5 =	vsub.f32 v7, v1  }
0x10d: {  	(erf) = vpow2.f32 v2;
	v2 =	vmul.f32 $1.442695020e+00, v4;
	v4 =	vsub.f32 v8, v1  }
0x10e: {  	v1 =	vsub.f32 v9, v1;
	(erf) = vpow2.f32 v3;
	v3 =	vmul.f32 $1.442695020e+00, v5  }
0x10f: {  	(erf) = vpow2.f32 v2;
	v2 =	vmul.f32 $1.442695020e+00, v4  }
0x110: {  	v1 =	vmul.f32 $1.442695020e+00, v1;
	(erf) = vpow2.f32 v3  }
0x111: {  	(erf) = vpow2.f32 v2  }
0x112: {  	(erf) = vpow2.f32 v1;
	_ =	sdelay $0x1  }
0x113: {  	v1 =	vpop (erf)  }
0x114: {  	v2 =	vpop (erf);
	[tilespmem:$0x4180] =	vst v1  }
0x115: {  	v1 =	vpop (erf);
	[tilespmem:$0x4190] =	vst v2  }
0x116: {  	v2 =	vpop (erf);
	[tilespmem:$0x41A0] =	vst v1  }
0x117: {  	v1 =	vpop (erf);
	[tilespmem:$0x41B0] =	vst v2  }
0x118: {  	v2 =	vpop (erf);
	[tilespmem:$0x41C0] =	vst v1  }
0x119: {  	s30 =	simm.s32 $0x0;
	v1 =	vpop (erf);
	[tilespmem:$0x41D0] =	vst v2  }
0x11a: {  	v2 =	vmov s30;
	[tilespmem:$0x41E0] =	vst v1;
	v1 =	vpop (erf)  }
0x11b: {  	s26 =	simm.s32 $0x4640;
	[tilespmem:$0x41F0] =	vst v1  }
0x11c: {  	v5 =	vld [tilespmem:s26+$0x30]  }
0x11d: {  	v8 =	vld [tilespmem:s26+$0x10]  }
0x11e: {  	v6 =	vld [tilespmem:s26+$0xFFFFFFC0]  }
0x11f: {  	v2 =	vld.idx.msk [tilespmem:v2+s25+$0x0], $0xffff  }
0x120: {  	v10 =	vld [tilespmem:s26+$0xFFFFFFE0]  }
0x121: {  	v1 =	vld [tilespmem:s26+$0xFFFFFFF0]  }
0x122: {  	v3 =	vld [tilespmem:s26+$0x20]  }
0x123: {  	v4 =	vld [tilespmem:s26+$0xFFFFFFD0]  }
0x124: {  	v9 =	vmul.f32 v5, v2;
	v5 =	vld [tilespmem:s26+$0x0]  }
0x125: {  	v7 =	vmul.f32 v6, v2  }
0x126: {  	s28 =	simm.s32 $0x1;
	s29 =	simm.s32 $0x4640;
	v6 =	vmul.f32 v10, v2;
	v8 =	vmul.f32 v8, v2  }
.LBB2_7:
0x127: {  	p5 =	sne.s32 s28, $0x7F  }
0x128: {  	v4 =	vmul.f32 v4, v2;
	v3 =	vmul.f32 v3, v2;
	[tilespmem:s26+$0x30] =	vst v9;
	s29 =	sadd.s32 $0x80, s29;
	s10 =	smov.u32 s28;
	s28 =	sadd.s32 $0x1, s28  }
0x129: {  	[tilespmem:s26+$0xFFFFFFC0] =	vst v7;
	v7 =	vmul.f32 v1, v2;
	v2 =	vmul.f32 v5, v2  }
0x12a: {  	[tilespmem:s26+$0x10] =	vst v8  }
0x12b: {  	v5 =	vmov s10;
	[tilespmem:s26+$0xFFFFFFE0] =	vst v6  }
0x12c: {  	v1 =	vld [tilespmem:s29+$0xFFFFFFF0];
	[tilespmem:s26+$0xFFFFFFF0] =	vst v7  }
0x12d: {  	v6 =	vld [tilespmem:s29+$0x30];
	[tilespmem:s26+$0x0] =	vst v2  }
0x12e: {  	v8 =	vld [tilespmem:s29+$0x10];
	[tilespmem:s26+$0x20] =	vst v3  }
0x12f: {  	v7 =	vld [tilespmem:s29+$0xFFFFFFC0];
	[tilespmem:s26+$0xFFFFFFD0] =	vst v4;
	s26 =	smov.u32 s29  }
0x130: {  	v2 =	vld.idx.msk [tilespmem:v5+s25+$0x0], $0xffff  }
0x131: {  	v10 =	vld [tilespmem:s29+$0xFFFFFFE0]  }
0x132: {  	v3 =	vld [tilespmem:s29+$0x20]  }
.Ltmp2:
0x133: {  	v4 =	vld [tilespmem:s29+$0xFFFFFFD0];
	(pc) =	sbr.rel @p5 .LBB2_7-.Ltmp2, $3  }
0x134: {  	v5 =	vld [tilespmem:s29+$0x0];
	_ =	sdelay $0x1  }
0x135: {  	v7 =	vmul.f32 v7, v2;
	v9 =	vmul.f32 v6, v2  }
0x136: {  	v8 =	vmul.f32 v8, v2;
	v6 =	vmul.f32 v10, v2  }
0x137: {  	[tilespmem:s26+$0x30] =	vst v9  }
0x138: {  	[tilespmem:s26+$0xFFFFFFC0] =	vst v7  }
0x139: {  	v1 =	vmul.f32 v1, v2;
	[tilespmem:s26+$0x10] =	vst v8  }
0x13a: {  	v3 =	vmul.f32 v3, v2;
	[tilespmem:s26+$0xFFFFFFE0] =	vst v6  }
0x13b: {  	v5 =	vmul.f32 v5, v2;
	[tilespmem:s26+$0xFFFFFFF0] =	vst v1  }
0x13c: {  	v1 =	vmul.f32 v4, v2;
	[tilespmem:s26+$0x20] =	vst v3  }
0x13d: {  	[tilespmem:s26+$0x0] =	vst v5  }
0x13e: {  	[tilespmem:s26+$0xFFFFFFD0] =	vst v1  }
0x13f: {  	[spmem:s3] =	stream.indirect.scatter.add.f32 [tilespmem:s25], [sflag:$0x3], $0x1, s20, s14, $0xb8;
	[tilespmem:$0x1C180] =	vst v63  }
0x140: {  	s19 =	sadd.s32 $0x1, s19  }
0x141: {  	[spmem:s2] =	stream.indirect.scatter.add.f32 [tilespmem:s23], [sflag:$0x3], $0x80, s20, s14, $0xb8;
	[tilespmem:$0x1C180] =	vst v63  }
0x142: {  	p5 =	sne.s32 s19, $0x4F;
	_ =	swait.ge [sflag:s13], $0x80  }
.Ltmp3:
0x143: {  	[sflag:s13] =	ssyncset.done $0x0;
	(pc) =	sbr.rel @p5 .LBB2_4-.Ltmp3, $4  }
0x144: {  	[sflag:s13] =	ssyncadd.s32 $0xFFFFFF80  }
0x145: {  	_ =	swait.ge [sflag:s13], $0x4000  }
0x146: {  	[sflag:s13] =	ssyncset.done $0x0  }
0x147: {  	[sflag:s13] =	ssyncadd.s32 $0xFFFFC000  }
0x148: {  	s0 =	stileid.u32  }
0x149: {  	[bflag:$0x0] =	sbarrier.arrive $0xFFFF;
	s10 =	sshll.u32 s0, $0x6  }
0x14a: {  	s19 =	sshrl.u32 s31, $0x3;
	s30 =	rddreg [dreg:$0x9];
	s18 =	sor.u32 $0x1C04, s10  }
0x14b: {  	[hbm:s30], [sflag:s18] =	dma.local [spmem:s19], $0x2700  }
0x14c: {  	_ =	swait.ge [sflag:s5], $0x2700  }
0x14d: {  	[sflag:s5] =	ssyncset.done $0x0  }
0x14e: {  	s10 =	sshrl.u32 @p0 s3, $0x3;
	s0 =	rddreg [dreg:$0xb];
	[sflag:s5] =	ssyncadd.s32 $0xFFFFD900  }
0x14f: {  	[hbm:s0], [sflag:s18] =	dma.local @p0 [spmem:s10], $0x500  }
0x150: {  	s10 =	simm.s32 @p0 $0x4  }
0x151: {  	_ =	swait.ge @p0 [sflag:s10], $0x500  }
0x152: {  	[sflag:s10] =	ssyncset.done @p0 $0x0;
	s28 =	rddreg [dreg:$0x19]  }
0x153: {  	s0 =	rddreg [dreg:$0x10];
	[sflag:s10] =	ssyncadd.s32 @p0 $0xFFFFFB00;
	s10 =	sshrl.u32 @!p3 s28, $0x3  }
0x154: {  	[hbm:s0], [sflag:s18] =	dma.local @!p3 [spmem:s10], $0x100  }
0x155: {  	s10 =	simm.s32 @!p3 $0x4  }
0x156: {  	_ =	swait.ge @!p3 [sflag:s10], $0x100  }
0x157: {  	p6 =	por @!p3 $0x0, $0x0;
	p5 =	por @p0 $0x1, $0x1;
	[sflag:s10] =	ssyncset.done @!p3 $0x0  }
0x158: {  	s26 =	simm.s32 $0x200;
	p6 =	por @!p4 p2, p2;
	[sflag:s10] =	ssyncadd.s32 @!p3 $0xFFFFFF00  }
0x159: {  	p5 =	por @!p0 p6, p6;
	s10 =	simm.s32 $0x0;
	[bflag:$0x0] =	sbarrier.arrive $0xFFFF  }
.LBB2_10:
0x15a: {  	p6 =	sne.s32 s26, $0xFE00;
	[tilespmem:s10+$0x170] =	vst v0  }
0x15b: {  	[tilespmem:s10+$0x100] =	vst v0  }
0x15c: {  	[tilespmem:s10+$0x110] =	vst v0  }
.Ltmp4:
0x15d: {  	[tilespmem:s10+$0x120] =	vst v0;
	(pc) =	sbr.rel @p6 .LBB2_10-.Ltmp4, $4  }
0x15e: {  	[tilespmem:s10+$0x130] =	vst v0  }
0x15f: {  	[tilespmem:s10+$0x140] =	vst v0  }
0x160: {  	[tilespmem:s10+$0x150] =	vst v0  }
0x161: {  	[tilespmem:s10+$0x160] =	vst v0;
	s10 =	sshra.s32 s26, $0x2;
	s26 =	sadd.s32 $0x200, s26  }
0x162: {  	[tilespmem:s10+$0x170] =	vst v0  }
0x163: {  	[tilespmem:s10+$0x100] =	vst v0  }
0x164: {  	[tilespmem:s10+$0x110] =	vst v0  }
0x165: {  	[tilespmem:s10+$0x120] =	vst v0  }
0x166: {  	[tilespmem:s10+$0x130] =	vst v0  }
0x167: {  	[tilespmem:s10+$0x140] =	vst v0  }
0x168: {  	[tilespmem:s10+$0x150] =	vst v0  }
0x169: {  	[tilespmem:s10+$0x160] =	vst v0  }
0x16a: {  	[spmem:s31] =	stream.linear.scatter [tilespmem:s9], [sflag:$0x4], $0x3400, $0x38;
	[tilespmem:$0x1C180] =	vst v63  }
0x16b: {  	_ =	swait.ge [sflag:s5], $0x3400  }
0x16c: {  	[sflag:s5] =	ssyncset.done $0x0  }
0x16d: {  	s0 =	rddreg [dreg:$0x14];
	[sflag:s5] =	ssyncadd.s32 $0xFFFFCC00  }
0x16e: {  	[spmem:s0] =	stream.linear.scatter [tilespmem:s9], [sflag:$0x4], $0x3400, $0x38;
	[tilespmem:$0x1C180] =	vst v63  }
0x16f: {  	_ =	swait.ge [sflag:s5], $0x3400  }
0x170: {  	[sflag:s5] =	ssyncset.done $0x0  }
0x171: {  	s31 =	rddreg [dreg:$0x15];
	[sflag:s5] =	ssyncadd.s32 $0xFFFFCC00  }
0x172: {  	[spmem:s31] =	stream.linear.scatter [tilespmem:s9], [sflag:$0x4], $0x3400, $0x38;
	[tilespmem:$0x1C180] =	vst v63  }
0x173: {  	_ =	swait.ge [sflag:s5], $0x3400  }
0x174: {  	[sflag:s5] =	ssyncset.done $0x0  }
0x175: {  	s10 =	rddreg [dreg:$0x16];
	[sflag:s5] =	ssyncadd.s32 $0xFFFFCC00  }
0x176: {  	[spmem:s10] =	stream.linear.scatter [tilespmem:s9], [sflag:$0x4], $0x3400, $0x38;
	[tilespmem:$0x1C180] =	vst v63  }
0x177: {  	_ =	swait.ge [sflag:s5], $0x3400  }
0x178: {  	[sflag:s5] =	ssyncset.done $0x0  }
0x179: {  	s26 =	rddreg [dreg:$0x17];
	[sflag:s5] =	ssyncadd.s32 $0xFFFFCC00  }
0x17a: {  	[spmem:s26] =	stream.linear.scatter [tilespmem:s9], [sflag:$0x4], $0x3400, $0x38;
	[tilespmem:$0x1C180] =	vst v63  }
0x17b: {  	_ =	swait.ge [sflag:s5], $0x3400  }
0x17c: {  	[sflag:s5] =	ssyncset.done $0x0  }
0x17d: {  	s29 =	rddreg [dreg:$0x18];
	[sflag:s5] =	ssyncadd.s32 $0xFFFFCC00  }
0x17e: {  	[spmem:s29] =	stream.linear.scatter [tilespmem:s9], [sflag:$0x4], $0x3400, $0x38;
	[tilespmem:$0x1C180] =	vst v63  }
0x17f: {  	_ =	swait.ge [sflag:s5], $0x3400  }
0x180: {  	[sflag:s5] =	ssyncset.done $0x0  }
0x181: {  	s10 =	simm.s32 @!p1 $0x100;
	[sflag:s5] =	ssyncadd.s32 $0xFFFFCC00  }
0x182: {  	[spmem:s28] =	stream.linear.scatter @!p1 [tilespmem:s10], [sflag:$0x4], $0x800, $0x38;
	[tilespmem:$0x1C180] =	vst v63  }
0x183: {  	s10 =	simm.s32 @!p1 $0x4  }
0x184: {  	_ =	swait.ge @!p1 [sflag:s10], $0x800  }
0x185: {  	[sflag:s10] =	ssyncset.done @!p1 $0x0  }
0x186: {  	s31 =	simm.s32 $0x4280;
	s30 =	rddreg [dreg:$0x8];
	[sflag:s10] =	ssyncadd.s32 @!p1 $0xFFFFF800  }
0x187: {  	[spmem:s30] =	stream.linear.scatter [tilespmem:s31], [sflag:$0x4], $0x280, $0x38;
	[tilespmem:$0x1C180] =	vst v63  }
0x188: {  	_ =	swait.ge [sflag:s5], $0x280  }
0x189: {  	[sflag:s5] =	ssyncset.done $0x0  }
0x18a: {  	[sflag:s5] =	ssyncadd.s32 $0xFFFFFD80  }
0x18b: {  	[bflag:$0x0] =	sbarrier.arrive $0xFFFF  }
0x18c: {  	s26 =	simm.s32 $0x0;
	s10 =	rddreg [dreg:$0xd]  }
0x18d: {  	[tilespmem:s26], [sflag:$0x4] =	stream.linear.gather [hbm4b:s10+s26], $0x80, $0x38;
	[tilespmem:$0x1C180] =	vst v63  }
0x18e: {  	_ =	swait.ge [sflag:s5], $0x80  }
0x18f: {  	[sflag:s5] =	ssyncset.done $0x0  }
0x190: {  	s29 =	rddreg [dreg:$0xe];
	[sflag:s5] =	ssyncadd.s32 $0xFFFFFF80  }
0x191: {  	[tilespmem:s14], [sflag:$0x4] =	stream.linear.gather [hbm4b:s29+s26], $0x80, $0x38;
	[tilespmem:$0x1C180] =	vst v63  }
0x192: {  	_ =	swait.ge [sflag:s5], $0x80  }
0x193: {  	[sflag:s5] =	ssyncset.done $0x0  }
0x194: {  	s31 =	simm.s32 $0x4100;
	s30 =	rddreg [dreg:$0x11];
	[sflag:s5] =	ssyncadd.s32 $0xFFFFFF80  }
0x195: {  	[tilespmem:s31], [sflag:$0x4] =	stream.linear.gather [hbm4b:s30+s26], $0x80, $0x38;
	[tilespmem:$0x1C180] =	vst v63  }
0x196: {  	_ =	swait.ge [sflag:s5], $0x80  }
0x197: {  	[sflag:s5] =	ssyncset.done $0x0  }
0x198: {  	s28 =	simm.s32 $0x0;
	[sflag:s5] =	ssyncadd.s32 $0xFFFFFF80  }
0x199: {  	[tilespmem:s9], [sflag:$0x1] =	stream.indirect.gather [hbm4b:s1+s14], $0x80, s26, s14, $0xb8;
	[tilespmem:$0x1C180] =	vst v63  }
.LBB2_12:
0x19a: {  	s29 =	sshll.u32 s28, $0x1  }
0x19b: {  	s10 =	sadd.s32 s29, s21  }
0x19c: {  	s10 =	sadd.s32 $0x1, s10  }
0x19d: {  	s30 =	sshll.u32 s10, $0x4  }
0x19e: {  	s31 =	sadd.s32 s6, s30  }
0x19f: {  	[tilespmem:s17], [sflag:$0x4] =	stream.linear.gather [hbm4b:s31+s26], $0x80, $0x38;
	[tilespmem:$0x1C180] =	vst v63  }
0x1a0: {  	_ =	swait.ge [sflag:s5], $0x80  }
0x1a1: {  	[sflag:s5] =	ssyncset.done $0x0  }
0x1a2: {  	s10 =	sshll.u32 s10, $0xA;
	s30 =	sadd.s32 s7, s30;
	[sflag:s5] =	ssyncadd.s32 $0xFFFFFF80  }
0x1a3: {  	[tilespmem:s20], [sflag:$0x4] =	stream.linear.gather [hbm4b:s30+s26], $0x80, $0x38;
	[tilespmem:$0x1C180] =	vst v63  }
0x1a4: {  	s10 =	sor.u32 s16, s10;
	_ =	swait.ge [sflag:s5], $0x80  }
0x1a5: {  	s10 =	sshrl.u32 s10, $0x3;
	[sflag:s5] =	ssyncset.done $0x0  }
0x1a6: {  	s10 =	sadd.s32 s8, s10;
	[sflag:s5] =	ssyncadd.s32 $0xFFFFFF80  }
0x1a7: {  	[tilespmem:s22], [sflag:$0x4] =	stream.linear.gather [hbm4b:s10+s26], $0x80, $0x38;
	[tilespmem:$0x1C180] =	vst v63  }
0x1a8: {  	_ =	swait.ge [sflag:s5], $0x80  }
0x1a9: {  	[sflag:s5] =	ssyncset.done $0x0  }
0x1aa: {  	[sflag:s5] =	ssyncadd.s32 $0xFFFFFF80  }
0x1ab: {  	[tilespmem:s23], [sflag:$0x2] =	stream.indirect.gather [hbm4b:s1+s14], $0x80, s17, s14, $0xb8;
	[tilespmem:$0x1C180] =	vst v63  }
0x1ac: {  	_ =	swait.ge [sflag:s24], $0x4000  }
0x1ad: {  	[sflag:s24] =	ssyncset.done $0x0  }
0x1ae: {  	[sflag:s24] =	ssyncadd.s32 $0xFFFFC000  }
0x1af: {  	v1 =	vld [tilespmem:$0x4200]  }
0x1b0: {  	v2 =	vld [tilespmem:$0x4100]  }
0x1b1: {  	v3 =	vld [tilespmem:$0x4110]  }
0x1b2: {  	v4 =	vld [tilespmem:$0x4120]  }
0x1b3: {  	v5 =	vld [tilespmem:$0x4130]  }
0x1b4: {  	v6 =	vld [tilespmem:$0x4140]  }
0x1b5: {  	v7 =	vld [tilespmem:$0x4150];
	v2 =	vsub.f32 v2, v1  }
0x1b6: {  	v8 =	vld [tilespmem:$0x4160];
	v3 =	vsub.f32 v3, v1  }
0x1b7: {  	v9 =	vld [tilespmem:$0x4170];
	v4 =	vsub.f32 v4, v1;
	v2 =	vmul.f32 $1.442695020e+00, v2  }
0x1b8: {  	v5 =	vsub.f32 v5, v1;
	v3 =	vmul.f32 $1.442695020e+00, v3  }
0x1b9: {  	(erf) = vpow2.f32 v2;
	v2 =	vmul.f32 $1.442695020e+00, v4;
	v4 =	vsub.f32 v6, v1  }
0x1ba: {  	(erf) = vpow2.f32 v3;
	v3 =	vmul.f32 $1.442695020e+00, v5;
	v5 =	vsub.f32 v7, v1  }
0x1bb: {  	(erf) = vpow2.f32 v2;
	v2 =	vmul.f32 $1.442695020e+00, v4;
	v4 =	vsub.f32 v8, v1  }
0x1bc: {  	v1 =	vsub.f32 v9, v1;
	(erf) = vpow2.f32 v3;
	v3 =	vmul.f32 $1.442695020e+00, v5  }
0x1bd: {  	(erf) = vpow2.f32 v2;
	v2 =	vmul.f32 $1.442695020e+00, v4  }
0x1be: {  	v1 =	vmul.f32 $1.442695020e+00, v1;
	(erf) = vpow2.f32 v3  }
0x1bf: {  	(erf) = vpow2.f32 v2  }
0x1c0: {  	(erf) = vpow2.f32 v1;
	_ =	sdelay $0x1  }
0x1c1: {  	v1 =	vpop (erf)  }
0x1c2: {  	v2 =	vpop (erf);
	[tilespmem:$0x4180] =	vst v1  }
0x1c3: {  	v1 =	vpop (erf);
	[tilespmem:$0x4190] =	vst v2  }
0x1c4: {  	v2 =	vpop (erf);
	[tilespmem:$0x41A0] =	vst v1  }
0x1c5: {  	v1 =	vpop (erf);
	[tilespmem:$0x41B0] =	vst v2  }
0x1c6: {  	v2 =	vpop (erf);
	[tilespmem:$0x41C0] =	vst v1  }
0x1c7: {  	v1 =	vpop (erf);
	[tilespmem:$0x41D0] =	vst v2  }
0x1c8: {  	v2 =	vmov s26;
	[tilespmem:$0x41E0] =	vst v1;
	v1 =	vpop (erf)  }
0x1c9: {  	s30 =	simm.s32 $0x140;
	[tilespmem:$0x41F0] =	vst v1  }
0x1ca: {  	v5 =	vld [tilespmem:s30+$0x30]  }
0x1cb: {  	v8 =	vld [tilespmem:s30+$0x10]  }
0x1cc: {  	v6 =	vld [tilespmem:s30+$0xFFFFFFC0]  }
0x1cd: {  	v2 =	vld.idx.msk [tilespmem:v2+s25+$0x0], $0xffff  }
0x1ce: {  	v10 =	vld [tilespmem:s30+$0xFFFFFFE0]  }
0x1cf: {  	v1 =	vld [tilespmem:s30+$0xFFFFFFF0]  }
0x1d0: {  	v3 =	vld [tilespmem:s30+$0x20]  }
0x1d1: {  	v4 =	vld [tilespmem:s30+$0xFFFFFFD0]  }
0x1d2: {  	v9 =	vmul.f32 v5, v2;
	v5 =	vld [tilespmem:s30+$0x0]  }
0x1d3: {  	v7 =	vmul.f32 v6, v2  }
0x1d4: {  	s31 =	simm.s32 $0x1;
	s10 =	simm.s32 $0x140;
	v6 =	vmul.f32 v10, v2;
	v8 =	vmul.f32 v8, v2  }
.LBB2_13:
0x1d5: {  	p6 =	sne.s32 s31, $0x7F  }
0x1d6: {  	v4 =	vmul.f32 v4, v2;
	v3 =	vmul.f32 v3, v2;
	[tilespmem:s30+$0x30] =	vst v9;
	s10 =	sadd.s32 $0x80, s10;
	s0 =	smov.u32 s31;
	s31 =	sadd.s32 $0x1, s31  }
0x1d7: {  	[tilespmem:s30+$0xFFFFFFC0] =	vst v7;
	v7 =	vmul.f32 v1, v2;
	v2 =	vmul.f32 v5, v2  }
0x1d8: {  	[tilespmem:s30+$0x10] =	vst v8  }
0x1d9: {  	v5 =	vmov s0;
	[tilespmem:s30+$0xFFFFFFE0] =	vst v6  }
0x1da: {  	v1 =	vld [tilespmem:s10+$0xFFFFFFF0];
	[tilespmem:s30+$0xFFFFFFF0] =	vst v7  }
0x1db: {  	v6 =	vld [tilespmem:s10+$0x30];
	[tilespmem:s30+$0x0] =	vst v2  }
0x1dc: {  	v8 =	vld [tilespmem:s10+$0x10];
	[tilespmem:s30+$0x20] =	vst v3  }
0x1dd: {  	v7 =	vld [tilespmem:s10+$0xFFFFFFC0];
	[tilespmem:s30+$0xFFFFFFD0] =	vst v4;
	s30 =	smov.u32 s10  }
0x1de: {  	v2 =	vld.idx.msk [tilespmem:v5+s25+$0x0], $0xffff  }
0x1df: {  	v10 =	vld [tilespmem:s10+$0xFFFFFFE0]  }
0x1e0: {  	v3 =	vld [tilespmem:s10+$0x20]  }
.Ltmp5:
0x1e1: {  	v4 =	vld [tilespmem:s10+$0xFFFFFFD0];
	(pc) =	sbr.rel @p6 .LBB2_13-.Ltmp5, $3  }
0x1e2: {  	v5 =	vld [tilespmem:s10+$0x0];
	_ =	sdelay $0x1  }
0x1e3: {  	v7 =	vmul.f32 v7, v2;
	v9 =	vmul.f32 v6, v2  }
0x1e4: {  	v8 =	vmul.f32 v8, v2;
	v6 =	vmul.f32 v10, v2  }
0x1e5: {  	[tilespmem:s30+$0x30] =	vst v9  }
0x1e6: {  	[tilespmem:s30+$0xFFFFFFC0] =	vst v7  }
0x1e7: {  	v1 =	vmul.f32 v1, v2;
	[tilespmem:s30+$0x10] =	vst v8  }
0x1e8: {  	v3 =	vmul.f32 v3, v2;
	[tilespmem:s30+$0xFFFFFFE0] =	vst v6  }
0x1e9: {  	v5 =	vmul.f32 v5, v2;
	[tilespmem:s30+$0xFFFFFFF0] =	vst v1  }
0x1ea: {  	v1 =	vmul.f32 v4, v2;
	[tilespmem:s30+$0x20] =	vst v3  }
0x1eb: {  	[tilespmem:s30+$0x0] =	vst v5  }
0x1ec: {  	[tilespmem:s30+$0xFFFFFFD0] =	vst v1  }
0x1ed: {  	[spmem:s3] =	stream.indirect.scatter.add.f32 [tilespmem:s25], [sflag:$0x3], $0x1, s14, s14, $0xb8;
	[tilespmem:$0x1C180] =	vst v63  }
0x1ee: {  	_ = 	snop  }
0x1ef: {  	[spmem:s2] =	stream.indirect.scatter.add.f32 [tilespmem:s9], [sflag:$0x3], $0x80, s14, s14, $0xb8;
	[tilespmem:$0x1C180] =	vst v63  }
0x1f0: {  	_ =	swait.ge [sflag:s13], $0x80  }
0x1f1: {  	[sflag:s13] =	ssyncset.done $0x0  }
0x1f2: {  	p6 =	seq.s32 s28, $0x4E;
	[sflag:s13] =	ssyncadd.s32 $0xFFFFFF80  }
0x1f3: {  	s0 =	sadd.s32 @!p6 s29, s4;
	_ =	swait.ge [sflag:s13], $0x4000  }
0x1f4: {  	s10 =	sshll.u32 @!p6 s0, $0x4;
	[sflag:s13] =	ssyncset.done $0x0  }
0x1f5: {  	s29 =	sadd.s32 @!p6 s6, s10;
	s30 =	simm.s32 @!p6 $0x0;
	[sflag:s13] =	ssyncadd.s32 $0xFFFFC000  }
0x1f6: {  	[tilespmem:s30], [sflag:$0x4] =	stream.linear.gather @!p6 [hbm4b:s29+s30], $0x80, $0x38;
	[tilespmem:$0x1C180] =	vst v63  }
0x1f7: {  	s29 =	simm.s32 @!p6 $0x4  }
0x1f8: {  	_ =	swait.ge @!p6 [sflag:s29], $0x80  }
0x1f9: {  	s31 =	simm.s32 @!p6 $0x80;
	[sflag:s29] =	ssyncset.done @!p6 $0x0  }
0x1fa: {  	s0 =	sshll.u32 @!p6 s0, $0xA;
	s10 =	sadd.s32 @!p6 s7, s10;
	[sflag:s29] =	ssyncadd.s32 @!p6 $0xFFFFFF80  }
0x1fb: {  	[tilespmem:s31], [sflag:$0x4] =	stream.linear.gather @!p6 [hbm4b:s10+s30], $0x80, $0x38;
	[tilespmem:$0x1C180] =	vst v63  }
0x1fc: {  	s0 =	sor.u32 @!p6 s16, s0;
	_ =	swait.ge @!p6 [sflag:s29], $0x80  }
0x1fd: {  	s0 =	sshrl.u32 @!p6 s0, $0x3;
	[sflag:s29] =	ssyncset.done @!p6 $0x0  }
0x1fe: {  	s0 =	sadd.s32 @!p6 s8, s0;
	s10 =	simm.s32 @!p6 $0x4100;
	[sflag:s29] =	ssyncadd.s32 @!p6 $0xFFFFFF80  }
0x1ff: {  	[tilespmem:s10], [sflag:$0x4] =	stream.linear.gather @!p6 [hbm4b:s0+s30], $0x80, $0x38;
	[tilespmem:$0x1C180] =	vst v63  }
0x200: {  	_ =	swait.ge @!p6 [sflag:s29], $0x80  }
0x201: {  	[sflag:s29] =	ssyncset.done @!p6 $0x0  }
0x202: {  	s0 =	simm.s32 @!p6 $0x100;
	[sflag:s29] =	ssyncadd.s32 @!p6 $0xFFFFFF80  }
0x203: {  	[tilespmem:s0], [sflag:$0x1] =	stream.indirect.gather @!p6 [hbm4b:s1+s31], $0x80, s30, s31, $0xb8;
	[tilespmem:$0x1C180] =	vst v63  }
0x204: {  	_ =	swait.ge [sflag:s15], $0x4000  }
0x205: {  	[sflag:s15] =	ssyncset.done $0x0  }
0x206: {  	[sflag:s15] =	ssyncadd.s32 $0xFFFFC000  }
0x207: {  	v1 =	vld [tilespmem:$0x4200]  }
0x208: {  	v2 =	vld [tilespmem:$0x8600]  }
0x209: {  	v3 =	vld [tilespmem:$0x8610]  }
0x20a: {  	v4 =	vld [tilespmem:$0x8620]  }
0x20b: {  	v5 =	vld [tilespmem:$0x8630]  }
0x20c: {  	v6 =	vld [tilespmem:$0x8640]  }
0x20d: {  	v7 =	vld [tilespmem:$0x8650];
	v2 =	vsub.f32 v2, v1  }
0x20e: {  	v8 =	vld [tilespmem:$0x8660];
	v3 =	vsub.f32 v3, v1  }
0x20f: {  	v9 =	vld [tilespmem:$0x8670];
	v4 =	vsub.f32 v4, v1;
	v2 =	vmul.f32 $1.442695020e+00, v2  }
0x210: {  	v5 =	vsub.f32 v5, v1;
	v3 =	vmul.f32 $1.442695020e+00, v3  }
0x211: {  	(erf) = vpow2.f32 v2;
	v2 =	vmul.f32 $1.442695020e+00, v4;
	v4 =	vsub.f32 v6, v1  }
0x212: {  	(erf) = vpow2.f32 v3;
	v3 =	vmul.f32 $1.442695020e+00, v5;
	v5 =	vsub.f32 v7, v1  }
0x213: {  	(erf) = vpow2.f32 v2;
	v2 =	vmul.f32 $1.442695020e+00, v4;
	v4 =	vsub.f32 v8, v1  }
0x214: {  	v1 =	vsub.f32 v9, v1;
	(erf) = vpow2.f32 v3;
	v3 =	vmul.f32 $1.442695020e+00, v5  }
0x215: {  	(erf) = vpow2.f32 v2;
	v2 =	vmul.f32 $1.442695020e+00, v4  }
0x216: {  	v1 =	vmul.f32 $1.442695020e+00, v1;
	(erf) = vpow2.f32 v3  }
0x217: {  	(erf) = vpow2.f32 v2  }
0x218: {  	(erf) = vpow2.f32 v1;
	_ =	sdelay $0x1  }
0x219: {  	v1 =	vpop (erf)  }
0x21a: {  	v2 =	vpop (erf);
	[tilespmem:$0x4180] =	vst v1  }
0x21b: {  	v1 =	vpop (erf);
	[tilespmem:$0x4190] =	vst v2  }
0x21c: {  	v2 =	vpop (erf);
	[tilespmem:$0x41A0] =	vst v1  }
0x21d: {  	v1 =	vpop (erf);
	[tilespmem:$0x41B0] =	vst v2  }
0x21e: {  	v2 =	vpop (erf);
	[tilespmem:$0x41C0] =	vst v1  }
0x21f: {  	s31 =	simm.s32 $0x0;
	v1 =	vpop (erf);
	[tilespmem:$0x41D0] =	vst v2  }
0x220: {  	v2 =	vmov s31;
	[tilespmem:$0x41E0] =	vst v1;
	v1 =	vpop (erf)  }
0x221: {  	s29 =	simm.s32 $0x4640;
	[tilespmem:$0x41F0] =	vst v1  }
0x222: {  	v5 =	vld [tilespmem:s29+$0x30]  }
0x223: {  	v8 =	vld [tilespmem:s29+$0x10]  }
0x224: {  	v6 =	vld [tilespmem:s29+$0xFFFFFFC0]  }
0x225: {  	v2 =	vld.idx.msk [tilespmem:v2+s25+$0x0], $0xffff  }
0x226: {  	v10 =	vld [tilespmem:s29+$0xFFFFFFE0]  }
0x227: {  	v1 =	vld [tilespmem:s29+$0xFFFFFFF0]  }
0x228: {  	v3 =	vld [tilespmem:s29+$0x20]  }
0x229: {  	v4 =	vld [tilespmem:s29+$0xFFFFFFD0]  }
0x22a: {  	v9 =	vmul.f32 v5, v2;
	v5 =	vld [tilespmem:s29+$0x0]  }
0x22b: {  	v7 =	vmul.f32 v6, v2  }
0x22c: {  	s10 =	simm.s32 $0x4640;
	s30 =	simm.s32 $0x1;
	v6 =	vmul.f32 v10, v2;
	v8 =	vmul.f32 v8, v2  }
.LBB2_15:
0x22d: {  	p6 =	sne.s32 s30, $0x7F  }
0x22e: {  	v4 =	vmul.f32 v4, v2;
	v3 =	vmul.f32 v3, v2;
	[tilespmem:s29+$0x30] =	vst v9;
	s10 =	sadd.s32 $0x80, s10;
	s0 =	smov.u32 s30;
	s30 =	sadd.s32 $0x1, s30  }
0x22f: {  	[tilespmem:s29+$0xFFFFFFC0] =	vst v7;
	v7 =	vmul.f32 v1, v2;
	v2 =	vmul.f32 v5, v2  }
0x230: {  	[tilespmem:s29+$0x10] =	vst v8  }
0x231: {  	v5 =	vmov s0;
	[tilespmem:s29+$0xFFFFFFE0] =	vst v6  }
0x232: {  	v1 =	vld [tilespmem:s10+$0xFFFFFFF0];
	[tilespmem:s29+$0xFFFFFFF0] =	vst v7  }
0x233: {  	v6 =	vld [tilespmem:s10+$0x30];
	[tilespmem:s29+$0x0] =	vst v2  }
0x234: {  	v8 =	vld [tilespmem:s10+$0x10];
	[tilespmem:s29+$0x20] =	vst v3  }
0x235: {  	v7 =	vld [tilespmem:s10+$0xFFFFFFC0];
	[tilespmem:s29+$0xFFFFFFD0] =	vst v4;
	s29 =	smov.u32 s10  }
0x236: {  	v2 =	vld.idx.msk [tilespmem:v5+s25+$0x0], $0xffff  }
0x237: {  	v10 =	vld [tilespmem:s10+$0xFFFFFFE0]  }
0x238: {  	v3 =	vld [tilespmem:s10+$0x20]  }
.Ltmp6:
0x239: {  	v4 =	vld [tilespmem:s10+$0xFFFFFFD0];
	(pc) =	sbr.rel @p6 .LBB2_15-.Ltmp6, $3  }
0x23a: {  	v5 =	vld [tilespmem:s10+$0x0];
	_ =	sdelay $0x1  }
0x23b: {  	v7 =	vmul.f32 v7, v2;
	v9 =	vmul.f32 v6, v2  }
0x23c: {  	v8 =	vmul.f32 v8, v2;
	v6 =	vmul.f32 v10, v2  }
0x23d: {  	[tilespmem:s29+$0x30] =	vst v9  }
0x23e: {  	[tilespmem:s29+$0xFFFFFFC0] =	vst v7  }
0x23f: {  	v1 =	vmul.f32 v1, v2;
	[tilespmem:s29+$0x10] =	vst v8  }
0x240: {  	v3 =	vmul.f32 v3, v2;
	[tilespmem:s29+$0xFFFFFFE0] =	vst v6  }
0x241: {  	v5 =	vmul.f32 v5, v2;
	[tilespmem:s29+$0xFFFFFFF0] =	vst v1  }
0x242: {  	v1 =	vmul.f32 v4, v2;
	[tilespmem:s29+$0x20] =	vst v3  }
0x243: {  	[tilespmem:s29+$0x0] =	vst v5  }
0x244: {  	[tilespmem:s29+$0xFFFFFFD0] =	vst v1  }
0x245: {  	[spmem:s3] =	stream.indirect.scatter.add.f32 [tilespmem:s25], [sflag:$0x3], $0x1, s20, s14, $0xb8;
	[tilespmem:$0x1C180] =	vst v63  }
0x246: {  	s28 =	sadd.s32 $0x1, s28  }
0x247: {  	[spmem:s2] =	stream.indirect.scatter.add.f32 [tilespmem:s23], [sflag:$0x3], $0x80, s20, s14, $0xb8;
	[tilespmem:$0x1C180] =	vst v63  }
0x248: {  	p6 =	sne.s32 s28, $0x4F;
	_ =	swait.ge [sflag:s13], $0x80  }
.Ltmp7:
0x249: {  	[sflag:s13] =	ssyncset.done $0x0;
	(pc) =	sbr.rel @p6 .LBB2_12-.Ltmp7, $4  }
0x24a: {  	[sflag:s13] =	ssyncadd.s32 $0xFFFFFF80  }
0x24b: {  	_ =	swait.ge [sflag:s13], $0x4000  }
0x24c: {  	[sflag:s13] =	ssyncset.done $0x0  }
0x24d: {  	[sflag:s13] =	ssyncadd.s32 $0xFFFFC000  }
0x24e: {  	[bflag:$0x0] =	sbarrier.arrive $0xFFFF  }
0x24f: {  	s0 =	rddreg [dreg:$0xa]  }
0x250: {  	[hbm:s0], [sflag:s18] =	dma.local [spmem:s19], $0x2700  }
0x251: {  	_ =	swait.ge [sflag:s5], $0x2700  }
0x252: {  	[sflag:s5] =	ssyncset.done $0x0;
	s19 =	rddreg [dreg:$0x19]  }
0x253: {  	s10 =	rddreg [dreg:$0x12];
	[sflag:s5] =	ssyncadd.s32 $0xFFFFD900;
	s0 =	sshrl.u32 @!p1 s19, $0x3  }
0x254: {  	[hbm:s10], [sflag:s18] =	dma.local @!p1 [spmem:s0], $0x100  }
0x255: {  	s0 =	simm.s32 @!p1 $0x4  }
0x256: {  	_ =	swait.ge @!p1 [sflag:s0], $0x100  }
0x257: {  	[sflag:s0] =	ssyncset.done @!p1 $0x0  }
0x258: {  	s10 =	rddreg [dreg:$0xc];
	[sflag:s0] =	ssyncadd.s32 @!p1 $0xFFFFFF00;
	s0 =	sshrl.u32 @p5 s3, $0x3  }
0x259: {  	[hbm:s10], [sflag:s18] =	dma.local @p5 [spmem:s0], $0x500  }
0x25a: {  	s0 =	simm.s32 @p5 $0x4  }
0x25b: {  	_ =	swait.ge @p5 [sflag:s0], $0x500  }
0x25c: {  	s11 =	sadd.s32 $0x1, s11;
	[sflag:s0] =	ssyncset.done @p5 $0x0;
	s30 =	rddreg [dreg:$0x13]  }
0x25d: {  	[sflag:s0] =	ssyncadd.s32 @p5 $0xFFFFFB00;
	p5 =	sne.s32 s11, s30  }
.Ltmp8:
0x25e: {  	_ = 	snop;
	(pc) =	sbr.rel @p5 .LBB2_1-.Ltmp8, $3  }
0x25f: {  	_ =	sdelay $0x1  }
0x260: {  	[bflag:$0x0] =	sbarrier.arrive $0xFFFF  }
0x261: {  	s31 =	rddreg [dreg:$0x7]  }
0x262: {  	_ =	sfence.sel $0x180000  }
0x263: {  	[bflag:$0x0] =	sbarrier.arrive $0xFFFF  }
0x264: {  	_ =	strace $0x9000004A  }
0x265: {  	s0 =	stileid.u32;
	[bflag:$0x2] =	sbarrier.arrive $0xFFFF  }
0x266: {  	p0 =	sne.s32 s0, $0x0;
	s0 =	rddreg [dreg:$0x5]  }
0x267: {  	s0 =	sadd.s32 @!p0 $0x100000, s0  }
0x268: {  	[sflag:s0] =	ssyncadd.tile.s32 @!p0 $0x1;
	_ =	shalt  }
.Lfunc_end2:
_tile_overlayer_lowered:
.L_overlay_start_2:
0x269: {  	(tag) =	ssettag $0x2  }
0x26a: {  	s0 =	rddreg [dreg:$0x0];
	s2 =	stileid.u32  }
0x26b: {  	s1 =	rddreg [dreg:$0x1];
	p0 =	sne.s32 s2, $0x0  }
0x26c: {  	s3 =	rddreg [dreg:$0x2];
	[bflag:$0x3] =	sbarrier.arrive $0xFFFF;
	s2 =	simm.s32 @!p0 $0x1C04  }
0x26d: {  	[timem:s3], [sflag:s2] =	dma.local @!p0 [hbm:s0], s1  }
0x26e: {  	s0 =	simm.s32 @!p0 $0x4  }
0x26f: {  	_ =	swait.ge @!p0 [sflag:s0], s1  }
0x270: {  	s1 =	ssub.s32 @!p0 $0x0, s1;
	[sflag:s0] =	ssyncset.done @!p0 $0x0  }
0x271: {  	[sflag:s0] =	ssyncadd.s32 @!p0 s1  }
0x272: {  	[bflag:$0x3] =	sbarrier.arrive $0xFFFF  }
0x273: {  	_ =	shalt  }

// kernel: kernel.7.cloned.1.call-start
scs
__scs_entry_jumppad:
0x0: {  	(pc) =	sbr.rel $0x88, $3  }
0x1: {  	(tag) =	ssettag $0x0;
	lr =	simm.s32 $0x1  }
0x2: {  	[smem:$0x3F98] =	sst lr;
	_ =	strace $0xD0000000  }
0x3: {  	_ = 	snop  }
0x4: {  	_ = 	snop  }
0x5: {  	_ = 	snop  }
0x6: {  	_ = 	snop  }
0x7: {  	_ = 	snop  }
__scs_overlays_trampoline_lowered:
0x8: {  	[smem:$0x3FA7] =	sst s0  }
0x9: {  	[smem:$0x3FA8] =	sst s1  }
0xa: {  	[smem:$0x3FA9] =	sst s2  }
0xb: {  	[smem:$0x3FAA] =	sst s3  }
0xc: {  	[smem:$0x3FAB] =	sst s4  }
0xd: {  	[smem:$0x3FAC] =	sst s5  }
0xe: {  	[smem:$0x3FAD] =	sst s6  }
0xf: {  	[smem:$0x3FAE] =	sst s7  }
0x10: {  	[smem:$0x3FAF] =	sst s8  }
0x11: {  	[smem:$0x3FB0] =	sst s9;
	s0 =	simm.s32 @!p0 $0x0  }
0x12: {  	s1 =	sld [smem:$0x3F96];
	s0 =	simm.s32 @p0 $0x1  }
0x13: {  	[smem:$0x3FB1] =	sst s0;
	s0 =	simm.s32 @!p1 $0x0  }
0x14: {  	s2 =	sld [smem:$0x3F95];
	s0 =	simm.s32 @p1 $0x1  }
0x15: {  	[smem:$0x3FB2] =	sst s0;
	s0 =	simm.s32 @!p2 $0x0  }
0x16: {  	s3 =	sld [smem:$0x3FDB];
	s0 =	simm.s32 @p2 $0x1  }
0x17: {  	s4 =	simm.s32 $0x1BF5;
	[smem:$0x3FB4] =	sst s0  }
0x18: {  	s0 =	sld [smem:$0x3F97];
	_ =	swait.ge [sflag:s4], $0x0  }
0x19: {  	s7 =	sld [smem:$0x3F98]  }
0x1a: {  	s8 =	sadd.s32 $0xFFFFE003, lr  }
0x1b: {  	s9 =	sadd.s32 $0xFFFFFEF7, lr;
	s5 =	simm.s32 $0xFFFFFFFF;
	p2 =	slt.u32 s8, $0xFFFFF086  }
0x1c: {  	p1 =	slt.u32 s9, $0xF7A;
	s5 =	simm.s32 @!p2 $0x0  }
0x1d: {  	s5 =	simm.s32 @p1 $0x1;
	p0 =	seq.s32 s7, s2  }
0x1e: {  	s7 =	smul.u32 @!p0 $0xF7A, s2;
	p2 =	seq.s32 @!p0 s5, $0x0  }
0x1f: {  	s9 =	smul.u32 $0xF7A, s1;
	s8 =	simm.s32 @!p0 $0x1BF5;
	p2 =	por !p2, p0  }
0x20: {  	[sflag:s8] =	ssyncset.s32 @!p0 $0xFFFFF086;
	s6 =	sadd.s32 @!p0 s3, s7;
	s7 =	simm.s32 @!p0 $0x108  }
0x21: {  	s3 =	sadd.s32 s3, s9;
	s6 =	sadd.s32 @!p0 $0x88, s6;
	s7 =	simm.s32 @p2 $0x1082  }
0x22: {  	[simem:s7], [sflag:s8] =	dma.local @!p0 [hbm:s6], $0xF7A  }
0x23: {  	s9 =	sor.u32 $0xD0000000, s2;
	s6 =	simm.s32 $0x108;
	_ =	swait.ge @!p0 [sflag:s8], $0x0  }
0x24: {  	s3 =	sadd.s32 $0x88, s3;
	s6 =	simm.s32 @!p1 $0x1082;
	[sflag:s4] =	ssyncset.s32 $0xFFFFF086  }
0x25: {  	[simem:s6], [sflag:s4] =	dma.local [hbm:s3], $0xF7A  }
0x26: {  	[smem:$0x3F98] =	sst s1;
	(tag) =	ssettag s2;
	_ =	strace s9  }
0x27: {  	s1 =	sld [smem:$0x3FA8]  }
0x28: {  	s2 =	sld [smem:$0x3FA9]  }
0x29: {  	s4 =	sld [smem:$0x3FAB]  }
0x2a: {  	p0 =	seq.s32 s5, $0x0;
	s5 =	sld [smem:$0x3FAC]  }
0x2b: {  	s6 =	sld [smem:$0x3FAD]  }
0x2c: {  	s7 =	sld [smem:$0x3FAE]  }
0x2d: {  	s3 =	simm.s32 $0x108;
	s8 =	sld [smem:$0x3FAF]  }
0x2e: {  	s3 =	simm.s32 @!p0 $0x1082;
	s9 =	sld [smem:$0x3FB0]  }
0x2f: {  	lr =	sadd.s32 s0, s3;
	s0 =	sld [smem:$0x3FA7]  }
0x30: {  	s3 =	sld [smem:$0x3FAA]  }
0x31: {  	[smem:$0x3FB3] =	sst s10  }
0x32: {  	s10 =	sld [smem:$0x3FB1];
	_ =	sdelay $0x3  }
0x33: {  	p0 =	seq.s32 s10, $0x1;
	s10 =	sld [smem:$0x3FB3];
	_ =	sdelay $0x3  }
0x34: {  	[smem:$0x3FB3] =	sst s10  }
0x35: {  	s10 =	sld [smem:$0x3FB2];
	_ =	sdelay $0x3  }
0x36: {  	p1 =	seq.s32 s10, $0x1;
	s10 =	sld [smem:$0x3FB3];
	_ =	sdelay $0x3  }
0x37: {  	[smem:$0x3FB3] =	sst s10  }
0x38: {  	s10 =	sld [smem:$0x3FB4]  }
0x39: {  	_ = 	snop;
	(pc) =	sbr.ind lr, $3  }
0x3a: {  	_ = 	snop  }
0x3b: {  	_ = 	snop  }
0x3c: {  	p2 =	seq.s32 s10, $0x1;
	s10 =	sld [smem:$0x3FB3]  }
0x3d: {  	_ =	shalt  }
0x3e: {  	_ =	shalt  }
0x3f: {  	_ =	shalt  }
0x40: {  	_ =	shalt  }
0x41: {  	_ =	shalt  }
0x42: {  	_ =	shalt  }
0x43: {  	_ =	shalt  }
0x44: {  	_ =	shalt  }
0x45: {  	_ =	shalt  }
0x46: {  	_ =	shalt  }
0x47: {  	_ =	shalt  }
0x48: {  	_ =	shalt  }
0x49: {  	_ =	shalt  }
0x4a: {  	_ =	shalt  }
0x4b: {  	_ =	shalt  }
0x4c: {  	_ =	shalt  }
0x4d: {  	_ =	shalt  }
0x4e: {  	_ =	shalt  }
0x4f: {  	_ =	shalt  }
0x50: {  	_ =	shalt  }
0x51: {  	_ =	shalt  }
0x52: {  	_ =	shalt  }
0x53: {  	_ =	shalt  }
0x54: {  	_ =	shalt  }
0x55: {  	_ =	shalt  }
0x56: {  	_ =	shalt  }
0x57: {  	_ =	shalt  }
0x58: {  	_ =	shalt  }
0x59: {  	_ =	shalt  }
0x5a: {  	_ =	shalt  }
0x5b: {  	_ =	shalt  }
0x5c: {  	_ =	shalt  }
0x5d: {  	_ =	shalt  }
0x5e: {  	_ =	shalt  }
0x5f: {  	_ =	shalt  }
0x60: {  	_ =	shalt  }
0x61: {  	_ =	shalt  }
0x62: {  	_ =	shalt  }
0x63: {  	_ =	shalt  }
0x64: {  	_ =	shalt  }
0x65: {  	_ =	shalt  }
0x66: {  	_ =	shalt  }
0x67: {  	_ =	shalt  }
0x68: {  	_ =	shalt  }
0x69: {  	_ =	shalt  }
0x6a: {  	_ =	shalt  }
0x6b: {  	_ =	shalt  }
0x6c: {  	_ =	shalt  }
0x6d: {  	_ =	shalt  }
0x6e: {  	_ =	shalt  }
0x6f: {  	_ =	shalt  }
0x70: {  	_ =	shalt  }
0x71: {  	_ =	shalt  }
0x72: {  	_ =	shalt  }
0x73: {  	_ =	shalt  }
0x74: {  	_ =	shalt  }
0x75: {  	_ =	shalt  }
0x76: {  	_ =	shalt  }
0x77: {  	_ =	shalt  }
0x78: {  	_ =	shalt  }
0x79: {  	_ =	shalt  }
0x7a: {  	_ =	shalt  }
0x7b: {  	_ =	shalt  }
0x7c: {  	_ =	shalt  }
0x7d: {  	_ =	shalt  }
0x7e: {  	_ =	shalt  }
0x7f: {  	_ =	shalt  }
0x80: {  	_ =	shalt  }
0x81: {  	_ =	shalt  }
0x82: {  	_ =	shalt  }
0x83: {  	_ =	shalt  }
0x84: {  	_ =	shalt  }
0x85: {  	_ =	shalt  }
0x86: {  	_ =	shalt  }
0x87: {  	_ =	shalt  }
.Lfunc_end0:
.L_simem_size_0:
called_computation_lowered:
.L_overlay_start_0:
0x88: {  	s2 =	sld [smem:$0x3FD9]  }
0x89: {  	s3 =	sld [smem:$0x3FFE];
	_ =	sdelay $0x1  }
0x8a: {  	s1 =	srdreg.scid  }
0x8b: {  	s0 =	sand.u32 $0x1, s1  }
0x8c: {  	s14 =	sshll.u32 s0, $0xA;
	s2 =	sadd.s32 s3, s2  }
0x8d: {  	s2 =	sadd.s32 s2, s14  }
0x8e: {  	[smem:$0x3FBF] =	sst s2  }
0x8f: {  	_ = 	snop  }
0x90: {  	s2 =	sld [smem:$0x3FD0];
	_ =	sdelay $0x2  }
0x91: {  	s15 =	simm.s32 $0xA;
	s4 =	simm.s32 $0x10  }
0x92: {  	[smem:s4], [sflag:s15] =	dma.local [hbm:s2], $0x1  }
0x93: {  	_ =	swait.eq [sflag:s15], $0x1  }
0x94: {  	[sflag:s15] =	ssyncset.done $0x0  }
0x95: {  	[sflag:s15] =	ssyncadd.s32 $0xFFFFFFFF  }
0x96: {  	s16 =	sld [smem:$0x10];
	(tm) =	ssettm $0x1  }
0x97: {  	s17 =	sld [smem:$0x3FFB];
	_ =	sdelay $0x3  }
0x98: {  	_ =	strace s17  }
0x99: {  	s3 =	sld [smem:$0x3FFC];
	_ =	sdelay $0x3  }
0x9a: {  	_ =	strace s3  }
0x9b: {  	s3 =	sld [smem:$0x3FFD];
	_ =	sdelay $0x3  }
0x9c: {  	_ =	strace s3  }
0x9d: {  	_ =	strace $0x8FFFFFFF  }
0x9e: {  	s18 =	sld [smem:$0x3FDB];
	_ =	sdelay $0x1  }
0x9f: {  	s19 =	simm.s32 $_scs_section_size  }
0xa0: {  	s5 =	simm.s32 $_size__tile_overlayer_lowered;
	s6 =	simm.s32 $_tile_overlayer_lowered  }
0xa1: {  	s22 =	simm.s32 $0x1BFF;
	s21 =	sshll.u32 s6, $0x1;
	s3 =	sadd.s32 s19, s18  }
0xa2: {  	s7 =	simm.s32 $0x0;
	s20 =	sshll.u32 s5, $0x1;
	s5 =	sadd.s32 s21, s3  }
0xa3: {  	[timem:s7], [sflag:s22] =	dma.local [hbm:s5], s20  }
0xa4: {  	_ =	swait.ge [sflag:s22], s20  }
0xa5: {  	s4 =	ssub.s32 $0x0, s20;
	[sflag:s22] =	ssyncset.done $0x0  }
0xa6: {  	[sflag:s22] =	ssyncadd.s32 s4;
	_ =	sdelay $0x1  }
0xa7: {  	s23 =	simm.s32 $0x1B8B  }
0xa8: {  	_ =	swait.ge [sflag:s23], $0x1  }
0xa9: {  	[sflag:s23] =	ssyncset.done $0x0  }
0xaa: {  	s25 =	simm.s32 $0x1B8E;
	s24 =	sld [smem:$0x3FFE];
	[sflag:s23] =	ssyncadd.s32 $0xFFFFFFFF  }
0xab: {  	s26 =	simm.s32 $execute0_lowered;
	[smem:$0x3FD2] =	sst s25  }
0xac: {  	s5 =	sshll.u32 s26, $0x1;
	_ =	strace $0x80000046;
	[dreg:$0x1] =	wrdreg $0xFFFFFFFF  }
0xad: {  	s28 =	simm.s32 $_size_execute0_lowered;
	s3 =	sadd.s32 s3, s5;
	[dreg:$0x0] =	wrdreg $0x0  }
0xae: {  	s5 =	sshll.u32 s28, $0x1;
	[dreg:$0x2] =	wrdreg s3  }
0xaf: {  	[dreg:$0x3] =	wrdreg s5  }
0xb0: {  	[dreg:$0x4] =	wrdreg $0xC0  }
0xb1: {  	_ =	task [dreg:s7], $0x5FFFF  }
0xb2: {  	[dreg:$0x1] =	wrdreg $0xFFFFFFFF  }
0xb3: {  	[dreg:$0x0] =	wrdreg $0x60  }
0xb4: {  	[dreg:$0x2] =	wrdreg s16  }
0xb5: {  	[dreg:$0x3] =	wrdreg s24  }
0xb6: {  	[dreg:$0x4] =	wrdreg $0x9  }
0xb7: {  	_ =	task.clear_ibuf [dreg:s7], $0x5FFFF;
	_ =	strace $0x90000046  }
0xb8: {  	s29 =	simm.s32 $0x9;
	_ =	strace $0x80000048  }
0xb9: {  	_ =	swait.ge [sflag:s29], $0x1  }
0xba: {  	[sflag:s29] =	ssyncadd.s32 $0xFFFFFFFF  }
0xbb: {  	_ =	strace $0x90000048  }
0xbc: {  	_ =	sfence  }
0xbd: {  	s30 =	sld [smem:$0x0];
	_ =	sdelay $0x2  }
0xbe: {  	s31 =	sshll.u32 s1, $0xD;
	s1 =	sshrl.u32 s1, $0x2  }
0xbf: {  	s3 =	sand.u32 $0x4000, s31;
	s1 =	sadd.s32 s1, s30  }
0xc0: {  	s0 =	sor.u32 s3, s0;
	s1 =	sshll.u32 s1, $0x11  }
0xc1: {  	s0 =	sor.u32 s1, s0  }
0xc2: {  	s0 =	sadd.s32 $0x8F2B, s0  }
0xc3: {  	[sflag:s0] =	ssyncadd.remote.s32 $0x1  }
0xc4: {  	_ =	sfence.sel $0xFFFF  }
0xc5: {  	[dreg:$0x0] =	wrdreg $0xFFFFFFFF;
	(pc) =	sbr.abs _section_cstart, $3  }
0xc6: {  	[dreg:$0x1] =	wrdreg $0xFFFFFFFF  }
0xc7: {  	_ =	task.clear_ibuf [dreg:s7], $0x2FFFF;
	_ =	strace $0x9FFFFFFF  }
0xc8: {  	(tm) =	ssettm $0x7FFFFFFF  }
0xc9: {  	_ =	shalt  }
tec
execute0_lowered:
.L_overlay_start_1:
0x0: {  	(tag) =	ssettag $0x1  }
0x1: {  	s1 =	rddreg [dreg:$0x0]  }
0x2: {  	s6 =	rddreg [dreg:$0x1]  }
0x3: {  	s0 =	rddreg [dreg:$0x2];
	s2 =	simm.s32 $0x0;
	s3 =	srdreg.scid  }
0x4: {  	s11 =	simm.s32 $0x4080;
	s12 =	simm.s32 $0x0;
	[smem:$0x7FF] =	sst s2  }
0x5: {  	s7 =	sand.u32 $0x1, s3;
	s4 =	sadd.s32 $0xB600, s6;
	s3 =	stileid.u32  }
0x6: {  	s5 =	sadd.s32 $0x1800, s6;
	s6 =	sadd.s32 $0x15400, s6;
	s8 =	ssub.s32 $0x2, s7  }
0x7: {  	_ =	strace $0x80000047;
	s10 =	sshll.u32 s3, $0x1;
	s9 =	sshrl.u32 s8, $0x1  }
0x8: {  	s7 =	sor.u32 s7, s10;
	s10 =	simm.s32 $0x80;
	s8 =	ssub.s32 s8, s9  }
0x9: {  	s7 =	smul.u32 $0x2780, s7;
	s9 =	simm.s32 $0x1;
	s8 =	smax.u32 s8, $0x1  }
.LBB2_1:
0xa: {  	s13 =	simm.s32 $0x0  }
.LBB2_2:
0xb: {  	s14 =	sshll.u32 s13, $0x7  }
0xc: {  	s14 =	sadd.s32 s7, s14  }
0xd: {  	s15 =	sshrl.u32 s14, $0x3  }
0xe: {  	s17 =	simm.s32 $0x0;
	s16 =	sadd.s32 s4, s15  }
0xf: {  	[tilespmem:s17], [sflag:$0x1] =	stream.linear.gather [hbm4b:s16+s17], $0x80, $0x38;
	[tilespmem:$0x8080] =	vst v63  }
0x10: {  	_ =	swait.ge [sflag:s9], $0x80  }
0x11: {  	[sflag:s9] =	ssyncset.done $0x0  }
0x12: {  	[sflag:s9] =	ssyncadd.s32 $0xFFFFFF80  }
0x13: {  	[tilespmem:s10], [sflag:$0x1] =	stream.indirect.gather [hbm4b:s1+s10], $0x80, s17, s10, $0xb8;
	[tilespmem:$0x8080] =	vst v63  }
0x14: {  	_ =	swait.ge [sflag:s9], $0x4000  }
0x15: {  	[sflag:s9] =	ssyncset.done $0x0  }
0x16: {  	s15 =	sadd.s32 s5, s15;
	[sflag:s9] =	ssyncadd.s32 $0xFFFFC000  }
0x17: {  	[tilespmem:s17], [sflag:$0x1] =	stream.linear.gather [hbm4b:s15+s17], $0x80, $0x38;
	[tilespmem:$0x8080] =	vst v63  }
0x18: {  	_ =	swait.ge [sflag:s9], $0x80  }
0x19: {  	[sflag:s9] =	ssyncset.done $0x0  }
0x1a: {  	[sflag:s9] =	ssyncadd.s32 $0xFFFFFF80  }
0x1b: {  	[tilespmem:s11], [sflag:$0x1] =	stream.indirect.gather [hbm4b:s1+s10], $0x80, s17, s10, $0xb8;
	[tilespmem:$0x8080] =	vst v63  }
0x1c: {  	_ =	swait.ge [sflag:s9], $0x4000  }
0x1d: {  	[sflag:s9] =	ssyncset.done $0x0  }
0x1e: {  	s15 =	simm.s32 $0x0;
	[sflag:s9] =	ssyncadd.s32 $0xFFFFC000  }
0x1f: {  	v5 =	vld [tilespmem:s15+$0x40C0]  }
0x20: {  	v6 =	vld [tilespmem:s15+$0x40D0]  }
0x21: {  	v1 =	vld [tilespmem:s15+$0x40E0]  }
0x22: {  	v0 =	vld [tilespmem:s15+$0x40F0]  }
0x23: {  	v2 =	vld [tilespmem:s15+$0x80]  }
0x24: {  	v4 =	vld [tilespmem:s15+$0x90]  }
0x25: {  	s16 =	simm.s32 $0x200;
	v3 =	vld [tilespmem:s15+$0xA0]  }
.LBB2_3:
0x26: {  	s17 =	sshra.s32 s16, $0x2;
	p0 =	sne.s32 s16, $0xFE00;
	v7 =	vld [tilespmem:s15+$0xB0];
	v8 =	vmov v1  }
0x27: {  	v9 =	vld [tilespmem:s17+$0x40C0];
	v10 =	vmov v0  }
0x28: {  	v11 =	vld [tilespmem:s17+$0x40D0];
	v2 =	vadd.f32 v5, v2  }
.Ltmp0:
0x29: {  	v1 =	vld [tilespmem:s17+$0x40E0];
	v4 =	vadd.f32 v6, v4;
	(pc) =	sbr.rel @p0 .LBB2_3-.Ltmp0, $4  }
0x2a: {  	v0 =	vld [tilespmem:s17+$0x40F0];
	[tilespmem:s15+$0x80] =	vst v2;
	v3 =	vadd.f32 v8, v3  }
0x2b: {  	v2 =	vld [tilespmem:s17+$0x80];
	[tilespmem:s15+$0x90] =	vst v4;
	v7 =	vadd.f32 v10, v7  }
0x2c: {  	v4 =	vld [tilespmem:s17+$0x90];
	[tilespmem:s15+$0xA0] =	vst v3;
	v5 =	vmov v9  }
0x2d: {  	s16 =	sadd.s32 $0x200, s16;
	v3 =	vld [tilespmem:s17+$0xA0];
	[tilespmem:s15+$0xB0] =	vst v7;
	v6 =	vmov v11;
	s15 =	smov.u32 s17  }
0x2e: {  	v7 =	vld [tilespmem:s15+$0xB0];
	_ =	sdelay $0x1  }
0x2f: {  	v2 =	vadd.f32 v5, v2  }
0x30: {  	v4 =	vadd.f32 v6, v4  }
0x31: {  	[tilespmem:s15+$0x80] =	vst v2;
	v1 =	vadd.f32 v1, v3  }
0x32: {  	s13 =	sadd.s32 $0x1, s13;
	[tilespmem:s15+$0x90] =	vst v4;
	v0 =	vadd.f32 v0, v7  }
0x33: {  	s14 =	sshll.u32 s14, $0x4;
	p0 =	sne.s32 s13, $0x4F;
	[tilespmem:s15+$0xA0] =	vst v1  }
.Ltmp1:
0x34: {  	s14 =	sadd.s32 s6, s14;
	[tilespmem:s15+$0xB0] =	vst v0;
	(pc) =	sbr.rel @p0 .LBB2_2-.Ltmp1, $4  }
0x35: {  	[hbm4b:s14+s2] =	stream.linear.scatter [tilespmem:s10], [sflag:$0x1], $0x4000, $0x38;
	[tilespmem:$0x8080] =	vst v63  }
0x36: {  	_ =	swait.ge [sflag:s9], $0x4000  }
0x37: {  	[sflag:s9] =	ssyncset.done $0x0  }
0x38: {  	[sflag:s9] =	ssyncadd.s32 $0xFFFFC000  }
0x39: {  	s12 =	sadd.s32 $0x1, s12  }
0x3a: {  	p0 =	sne.s32 s12, s8  }
.Ltmp2:
0x3b: {  	_ = 	snop;
	(pc) =	sbr.rel @p0 .LBB2_1-.Ltmp2, $1  }
0x3c: {  	_ =	sdelay $0x3  }
0x3d: {  	_ =	sfence.sel $0x180000  }
0x3e: {  	[bflag:$0x0] =	sbarrier.arrive $0xFFFF  }
0x3f: {  	p0 =	sne.s32 s3, $0x0;
	_ =	strace $0x90000047  }
0x40: {  	s0 =	sadd.s32 @!p0 $0x100000, s0;
	[bflag:$0x2] =	sbarrier.arrive $0xFFFF  }
0x41: {  	[sflag:s0] =	ssyncadd.tile.s32 @!p0 $0x1;
	_ =	shalt  }
.Lfunc_end2:
_tile_overlayer_lowered:
.L_overlay_start_2:
0x42: {  	(tag) =	ssettag $0x2  }
0x43: {  	s0 =	rddreg [dreg:$0x0];
	s2 =	stileid.u32  }
0x44: {  	s1 =	rddreg [dreg:$0x1];
	p0 =	sne.s32 s2, $0x0  }
0x45: {  	s3 =	rddreg [dreg:$0x2];
	[bflag:$0x3] =	sbarrier.arrive $0xFFFF;
	s2 =	simm.s32 @!p0 $0x1C01  }
0x46: {  	[timem:s3], [sflag:s2] =	dma.local @!p0 [hbm:s0], s1  }
0x47: {  	s0 =	simm.s32 @!p0 $0x1  }
0x48: {  	_ =	swait.ge @!p0 [sflag:s0], s1  }
0x49: {  	s1 =	ssub.s32 @!p0 $0x0, s1;
	[sflag:s0] =	ssyncset.done @!p0 $0x0  }
0x4a: {  	[sflag:s0] =	ssyncadd.s32 @!p0 s1  }
0x4b: {  	[bflag:$0x3] =	sbarrier.arrive $0xFFFF  }
0x4c: {  	_ =	shalt  }

</sc_bundles>
